<compile_context>
chip_gen: v7x
topology: tpu7x:2x2x1
jax: 0.10.2.dev20260603
libtpu: 0.0.44.dev20260713+nightly
codegen_flags: <defaults>
</compile_context>

<pallas_src>
import jax
import jax.numpy as jnp
from jax import lax
from jax.experimental import pallas as pl
from jax.experimental.pallas import tpu as pltpu
from jax.experimental.pallas import tpu_sc as plsc

H = 512
W = 512
NW = 32
NSUB = 16
ROWS_PER_W = H // NW
BUF_W = 528
COL0 = 8
LANES = 16
VSTEPS = W // LANES


def _sc_body(cpm_hbm, jv_hbm, out_hbm,
             id_buf, t_buf, jv_v, stage_f, red_buf, shared, sem):
    wid = lax.axis_index("s") * 2 + lax.axis_index("c")
    r0 = wid * ROWS_PER_W

    handles = [pltpu.async_copy(jv_hbm, jv_v, sem)]
    row_handles = []
    for i in range(ROWS_PER_W + 1):
        rsrc = lax.rem(r0 + (i - 1) + H, H)
        row_handles.append((
            pltpu.async_copy(
                cpm_hbm.at[pl.ds(rsrc * W, W)],
                id_buf.at[pl.ds(i * BUF_W + COL0, W)], sem),
            pltpu.async_copy(
                cpm_hbm.at[pl.ds(H * W + rsrc * W, W)],
                t_buf.at[pl.ds(i * BUF_W + COL0, W)], sem)))
    for h in handles:
        h.wait()

    lane = lax.iota(jnp.int32, LANES)

    def ready_row(i):
        for h in row_handles[i]:
            h.wait()
        ib = i * BUF_W
        for buf in (id_buf, t_buf):
            b0 = buf[pl.ds(ib, LANES)]
            bl = buf[pl.ds(ib + BUF_W - LANES, LANES)]
            buf[pl.ds(ib, LANES)] = jnp.where(lane == COL0 - 1, bl, b0)
            buf[pl.ds(ib + BUF_W - LANES, LANES)] = jnp.where(
                lane == COL0, b0, bl)

    for i in range(3):
        ready_row(i)

    jv = jv_v[...]

    acc = jnp.zeros((LANES,), jnp.float32)
    c1 = jnp.zeros((LANES,), jnp.int32)
    c2 = jnp.zeros((LANES,), jnp.int32)

    for p in range(ROWS_PER_W // 2):
        def row_body(j, carry, p=p):
            acc, c1, c2 = carry
            off = (2 * p + 1) * BUF_W + COL0 + j * LANES
            up = off - BUF_W
            dn = off + BUF_W
            u_l = (id_buf[pl.ds(up - 1, LANES)], t_buf[pl.ds(up - 1, LANES)])
            u_c = (id_buf[pl.ds(up, LANES)], t_buf[pl.ds(up, LANES)])
            u_r = (id_buf[pl.ds(up + 1, LANES)], t_buf[pl.ds(up + 1, LANES)])
            a_l = (id_buf[pl.ds(off - 1, LANES)],
                   t_buf[pl.ds(off - 1, LANES)])
            a_c = (id_buf[pl.ds(off, LANES)], t_buf[pl.ds(off, LANES)])
            a_r = (id_buf[pl.ds(off + 1, LANES)],
                   t_buf[pl.ds(off + 1, LANES)])
            b_l = (id_buf[pl.ds(dn - 1, LANES)], t_buf[pl.ds(dn - 1, LANES)])
            b_c = (id_buf[pl.ds(dn, LANES)], t_buf[pl.ds(dn, LANES)])
            for (kid, kt), nbrs in (
                (a_c, (a_l, u_l, u_c, u_r)),
                (b_c, (b_l, a_l, a_c, a_r)),
            ):
                t3 = kt * 3
                c1 = c1 + (kid & 1)
                c2 = c2 + (kid >> 1)
                for nid, ntt in nbrs:
                    idx = jnp.where(kid != nid, t3 + ntt, 9)
                    acc = acc + jv.at[idx].get(mode="promise_in_bounds")
            return acc, c1, c2

        acc, c1, c2 = plsc.parallel_loop(
            0, VSTEPS, 1, unroll=2, carry=(acc, c1, c2))(row_body)
        for i in (2 * p + 3, 2 * p + 4):
            if i < ROWS_PER_W + 1:
                ready_row(i)

    sid = lax.axis_index("s")
    cidx = lax.axis_index("c")
    stage_f[pl.ds(0, LANES)] = acc
    stage_f[pl.ds(LANES, LANES)] = c1.astype(jnp.float32)
    stage_f[pl.ds(2 * LANES, LANES)] = c2.astype(jnp.float32)
    pltpu.sync_copy(stage_f, shared.at[pl.ds(sid * 3 * LANES, 3 * LANES)])
    plsc.subcore_barrier()

    @pl.when(sid == 0)
    def _():
        pltpu.sync_copy(shared, red_buf)

        def red_body(k, tots):
            base = k * 3 * LANES
            return (tots[0] + red_buf[pl.ds(base, LANES)],
                    tots[1] + red_buf[pl.ds(base + LANES, LANES)],
                    tots[2] + red_buf[pl.ds(base + 2 * LANES, LANES)])

        zero = jnp.zeros((LANES,), jnp.float32)
        t0, t1, t2 = lax.fori_loop(0, NSUB, red_body, (zero, zero, zero))
        stage_f[pl.ds(0, LANES)] = t0
        stage_f[pl.ds(LANES, LANES)] = t1
        stage_f[pl.ds(2 * LANES, LANES)] = t2
        pltpu.sync_copy(stage_f, out_hbm.at[cidx])


@jax.jit
def _sc_call(cpm, jv):
    mesh = plsc.VectorSubcoreMesh(core_axis_name="c", subcore_axis_name="s")
    return pl.kernel(
        _sc_body,
        out_type=jax.ShapeDtypeStruct((2, 3 * LANES), jnp.float32),
        mesh=mesh,
        scratch_types=[
            pltpu.VMEM(((ROWS_PER_W + 1) * BUF_W,), jnp.int32),
            pltpu.VMEM(((ROWS_PER_W + 1) * BUF_W,), jnp.int32),
            pltpu.VMEM((LANES,), jnp.float32),
            pltpu.VMEM((3 * LANES,), jnp.float32),
            pltpu.VMEM((NSUB * 3 * LANES,), jnp.float32),
            pltpu.VMEM_SHARED((NSUB * 3 * LANES,), jnp.float32),
            pltpu.SemaphoreType.DMA,
        ],
    )(cpm.reshape(-1), jv)


def kernel(cpm, J, v_pref, lamb, gamma_J, bias_J, offset, offset_scale):
    eps = 0.001
    cpm = jnp.asarray(cpm).astype(jnp.int32)
    J_sym = jax.nn.softplus(gamma_J) * J + bias_J
    jv = jnp.zeros((LANES,), jnp.float32).at[:9].set(
        J_sym.reshape(-1).astype(jnp.float32))

    out = _sc_call(cpm, jv)

    tot = out.reshape(2, 3, LANES).sum(axis=(0, 2))
    c1 = tot[1]
    c2 = tot[2]
    vol_strength = jax.nn.softplus(lamb)
    ham = ((c1 - v_pref) ** 2 + (c2 - v_pref) ** 2
           + 997.0 * v_pref ** 2) * (vol_strength + eps)
    ham = ham + tot[0] / 4.0
    ham = ham + offset * offset_scale
    return ham

# --- scband reference (transcript-rebuilt; emitter-appended) ---
"""Pipeline reference for scband-cellsort-hamiltonian-60215441490504 (READ-ONLY COPY).

The authoritative reference and input builder live on the scoring server;
editing this copy changes nothing except your own understanding.
"""

import jax, jax.numpy as jnp
import numpy as np

NUM_CELL_IDS = 1000
NUM_CELL_TYPES = 3
H = 512
W = 512

# Moore neighborhood (neighbor_order=2 in the original code -> 8 neighbors)
NEIGHBOR_OFFSETS = [(-1, -1), (-1, 0), (-1, 1), (0, -1), (0, 1), (1, -1), (1, 0), (1, 1)]


def setup_inputs(seed: int = 0) -> dict:
    key = jax.random.key(seed)
    ks = jax.random.split(key, 8)
    # cpm lattice: channel 0 = cell id, channel 1 = cell type; randint in [0, 3)
    cpm = jax.random.randint(ks[0], (2, H, W), 0, 3).astype(jnp.int32)
    # symmetric interaction matrix J with J[0,0] = 0 (medium-medium)
    A = jax.random.uniform(ks[1], (NUM_CELL_TYPES, NUM_CELL_TYPES), minval=-1.0, maxval=1.0)
    J = (A + A.T) / 2.0
    J = J.at[0, 0].set(0.0)
    v_pref = jax.random.uniform(ks[2], (1,), minval=100.0, maxval=300.0)
    lamb = jax.random.uniform(ks[3], (1,), minval=0.1, maxval=2.0)
    gamma_J = jnp.array([jnp.log(jnp.e - 1.0)], dtype=jnp.float32)
    bias_J = jnp.array([0.0], dtype=jnp.float32)
    offset = jnp.array([0.0], dtype=jnp.float32)
    offset_scale = jnp.array([1.0], dtype=jnp.float32)
    return {
        "cpm": cpm,
        "J": J,
        "v_pref": v_pref,
        "lamb": lamb,
        "gamma_J": gamma_J,
        "bias_J": bias_J,
        "offset": offset,
        "offset_scale": offset_scale,
    }


def reference(cpm, J, v_pref, lamb, gamma_J, bias_J, offset, offset_scale):
    eps = 0.001
    cpm = jnp.asarray(cpm).astype(jnp.int32)
    cell_ids = cpm[0]
    cell_types = cpm[1]

    # --- volume term: histogram of cell ids over the lattice (bincount) ---
    volumes = jnp.bincount(cell_ids.reshape(-1), length=NUM_CELL_IDS).astype(jnp.float32)
    vol_strength = jax.nn.softplus(lamb)  # positivity-enforcing reparam of lambda
    ham = jnp.sum((volumes[1:] - v_pref) ** 2) * (vol_strength + eps)

    # --- interaction term: symmetric J scaled by softplus(gamma_J) + bias_J ---
    J_sym = jax.nn.softplus(gamma_J) * J + bias_J
    e = 0.0
    for di, dj in NEIGHBOR_OFFSETS:
        nid = jnp.roll(cell_ids, (di, dj), axis=(0, 1))
        ntype = jnp.roll(cell_types, (di, dj), axis=(0, 1))
        diff = nid != cell_ids
        e = e + jnp.sum(jnp.where(diff, J_sym[cell_types, ntype], 0.0))
    ham = ham + e / len(NEIGHBOR_OFFSETS)

    # --- offset term ---
    ham = ham + offset * offset_scale
    return ham

if __name__ == "__main__":
    import jax
    _d = setup_inputs()
    print(jax.jit(kernel)(*tuple(_d.values())))

</pallas_src>

<mosaic_0001>
#map = affine_map<(d0, d1) -> (0)>
#map1 = affine_map<(d0, d1) -> (0, 0)>
module attributes {stable_mosaic.version = 14 : i64} {
  func.func @_sc_body(%arg0: i32, %arg1: i32, %arg2: memref<524288xi32, #tpu.memory_space<hbm>>, %arg3: memref<16xf32, #tpu.memory_space<hbm>>, %arg4: memref<2x48xf32, #tpu.memory_space<hbm>>, %arg5: memref<8976xi32, #tpu.memory_space<vmem>>, %arg6: memref<8976xi32, #tpu.memory_space<vmem>>, %arg7: memref<16xf32, #tpu.memory_space<vmem>>, %arg8: memref<48xf32, #tpu.memory_space<vmem>>, %arg9: memref<768xf32, #tpu.memory_space<vmem>>, %arg10: memref<768xf32, #tpu.memory_space<vmem_shared>>, %arg11: memref<!tpu.dma_semaphore, #tpu.memory_space<semaphore_mem>>) attributes {dimension_semantics = [#tpu.dimension_semantics<core_parallel>, #tpu.dimension_semantics<subcore_parallel>], iteration_bounds = array<i64: 2, 16>, scalar_prefetch = 0 : i64, scratch_operands = 7 : i64, tpu.core_type = #tpu.core_type<sc_vector_subcore>, window_params = [{transform_indices = #map}, {transform_indices = #map}, {transform_indices = #map1}]} {
    %mul3A = arith.constant 2 : i32
    %mul3A_0 = arith.muli %arg1, %mul3A : i32
    %add3A = arith.addi %mul3A_0, %arg0 : i32
    %mul3A_1 = arith.constant 16 : i32
    %mul3A_2 = arith.muli %add3A, %mul3A_1 : i32
    tpu.enqueue_dma source(%arg3 : memref<16xf32, #tpu.memory_space<hbm>>) target(%arg7 : memref<16xf32, #tpu.memory_space<vmem>>) target_semaphore(%arg11 : memref<!tpu.dma_semaphore, #tpu.memory_space<semaphore_mem>>)
    %add3A_3 = arith.constant -1 : i32
    %add3A_4 = arith.addi %mul3A_2, %add3A_3 : i32
    %add3A_5 = arith.constant 512 : i32
    %add3A_6 = arith.addi %add3A_4, %add3A_5 : i32
    %rem3A = arith.constant 512 : i32
    %rem3A_7 = arith.remsi %add3A_6, %rem3A : i32
    %mul3A_8 = arith.constant 512 : i32
    %mul3A_9 = arith.muli %rem3A_7, %mul3A_8 : i32
    %dma_start3A = arith.constant 8 : i32
    %dma_start3A_10 = tpu.memref_slice %arg5[%dma_start3A] : memref<8976xi32, #tpu.memory_space<vmem>> -> memref<512xi32, #tpu.memory_space<vmem>>
    %dma_start3A_11 = tpu.memref_slice %arg2[%mul3A_9] : memref<524288xi32, #tpu.memory_space<hbm>> -> memref<512xi32, #tpu.memory_space<hbm>>
    %dma_start3A_12 = arith.constant 8 : i32
    %dma_start3A_13 = tpu.memref_slice %arg5[%dma_start3A_12] : memref<8976xi32, #tpu.memory_space<vmem>> -> memref<512xi32, #tpu.memory_space<vmem>>
    %dma_start3A_14 = tpu.memref_slice %arg2[%mul3A_9] : memref<524288xi32, #tpu.memory_space<hbm>> -> memref<512xi32, #tpu.memory_space<hbm>>
    tpu.enqueue_dma source(%dma_start3A_14 : memref<512xi32, #tpu.memory_space<hbm>>) target(%dma_start3A_13 : memref<512xi32, #tpu.memory_space<vmem>>) target_semaphore(%arg11 : memref<!tpu.dma_semaphore, #tpu.memory_space<semaphore_mem>>)
    %mul3A_15 = arith.constant 512 : i32
    %mul3A_16 = arith.muli %rem3A_7, %mul3A_15 : i32
    %add3A_17 = arith.constant 262144 : i32
    %add3A_18 = arith.addi %add3A_17, %mul3A_16 : i32
    %dma_start3A_19 = arith.constant 8 : i32
    %dma_start3A_20 = tpu.memref_slice %arg6[%dma_start3A_19] : memref<8976xi32, #tpu.memory_space<vmem>> -> memref<512xi32, #tpu.memory_space<vmem>>
    %dma_start3A_21 = tpu.memref_slice %arg2[%add3A_18] : memref<524288xi32, #tpu.memory_space<hbm>> -> memref<512xi32, #tpu.memory_space<hbm>>
    %dma_start3A_22 = arith.constant 8 : i32
    %dma_start3A_23 = tpu.memref_slice %arg6[%dma_start3A_22] : memref<8976xi32, #tpu.memory_space<vmem>> -> memref<512xi32, #tpu.memory_space<vmem>>
    %dma_start3A_24 = tpu.memref_slice %arg2[%add3A_18] : memref<524288xi32, #tpu.memory_space<hbm>> -> memref<512xi32, #tpu.memory_space<hbm>>
    tpu.enqueue_dma source(%dma_start3A_24 : memref<512xi32, #tpu.memory_space<hbm>>) target(%dma_start3A_23 : memref<512xi32, #tpu.memory_space<vmem>>) target_semaphore(%arg11 : memref<!tpu.dma_semaphore, #tpu.memory_space<semaphore_mem>>)
    %add3A_25 = arith.constant 0 : i32
    %add3A_26 = arith.addi %mul3A_2, %add3A_25 : i32
    %add3A_27 = arith.constant 512 : i32
    %add3A_28 = arith.addi %add3A_26, %add3A_27 : i32
    %rem3A_29 = arith.constant 512 : i32
    %rem3A_30 = arith.remsi %add3A_28, %rem3A_29 : i32
    %mul3A_31 = arith.constant 512 : i32
    %mul3A_32 = arith.muli %rem3A_30, %mul3A_31 : i32
    %dma_start3A_33 = arith.constant 536 : i32
    %dma_start3A_34 = tpu.memref_slice %arg5[%dma_start3A_33] : memref<8976xi32, #tpu.memory_space<vmem>> -> memref<512xi32, #tpu.memory_space<vmem>>
    %dma_start3A_35 = tpu.memref_slice %arg2[%mul3A_32] : memref<524288xi32, #tpu.memory_space<hbm>> -> memref<512xi32, #tpu.memory_space<hbm>>
    %dma_start3A_36 = arith.constant 536 : i32
    %dma_start3A_37 = tpu.memref_slice %arg5[%dma_start3A_36] : memref<8976xi32, #tpu.memory_space<vmem>> -> memref<512xi32, #tpu.memory_space<vmem>>
    %dma_start3A_38 = tpu.memref_slice %arg2[%mul3A_32] : memref<524288xi32, #tpu.memory_space<hbm>> -> memref<512xi32, #tpu.memory_space<hbm>>
    tpu.enqueue_dma source(%dma_start3A_38 : memref<512xi32, #tpu.memory_space<hbm>>) target(%dma_start3A_37 : memref<512xi32, #tpu.memory_space<vmem>>) target_semaphore(%arg11 : memref<!tpu.dma_semaphore, #tpu.memory_space<semaphore_mem>>)
    %mul3A_39 = arith.constant 512 : i32
    %mul3A_40 = arith.muli %rem3A_30, %mul3A_39 : i32
    %add3A_41 = arith.constant 262144 : i32
    %add3A_42 = arith.addi %add3A_41, %mul3A_40 : i32
    %dma_start3A_43 = arith.constant 536 : i32
    %dma_start3A_44 = tpu.memref_slice %arg6[%dma_start3A_43] : memref<8976xi32, #tpu.memory_space<vmem>> -> memref<512xi32, #tpu.memory_space<vmem>>
    %dma_start3A_45 = tpu.memref_slice %arg2[%add3A_42] : memref<524288xi32, #tpu.memory_space<hbm>> -> memref<512xi32, #tpu.memory_space<hbm>>
    %dma_start3A_46 = arith.constant 536 : i32
    %dma_start3A_47 = tpu.memref_slice %arg6[%dma_start3A_46] : memref<8976xi32, #tpu.memory_space<vmem>> -> memref<512xi32, #tpu.memory_space<vmem>>
    %dma_start3A_48 = tpu.memref_slice %arg2[%add3A_42] : memref<524288xi32, #tpu.memory_space<hbm>> -> memref<512xi32, #tpu.memory_space<hbm>>
    tpu.enqueue_dma source(%dma_start3A_48 : memref<512xi32, #tpu.memory_space<hbm>>) target(%dma_start3A_47 : memref<512xi32, #tpu.memory_space<vmem>>) target_semaphore(%arg11 : memref<!tpu.dma_semaphore, #tpu.memory_space<semaphore_mem>>)
    %add3A_49 = arith.constant 1 : i32
    %add3A_50 = arith.addi %mul3A_2, %add3A_49 : i32
    %add3A_51 = arith.constant 512 : i32
    %add3A_52 = arith.addi %add3A_50, %add3A_51 : i32
    %rem3A_53 = arith.constant 512 : i32
    %rem3A_54 = arith.remsi %add3A_52, %rem3A_53 : i32
    %mul3A_55 = arith.constant 512 : i32
    %mul3A_56 = arith.muli %rem3A_54, %mul3A_55 : i32
    %dma_start3A_57 = arith.constant 1064 : i32
    %dma_start3A_58 = tpu.memref_slice %arg5[%dma_start3A_57] : memref<8976xi32, #tpu.memory_space<vmem>> -> memref<512xi32, #tpu.memory_space<vmem>>
    %dma_start3A_59 = tpu.memref_slice %arg2[%mul3A_56] : memref<524288xi32, #tpu.memory_space<hbm>> -> memref<512xi32, #tpu.memory_space<hbm>>
    %dma_start3A_60 = arith.constant 1064 : i32
    %dma_start3A_61 = tpu.memref_slice %arg5[%dma_start3A_60] : memref<8976xi32, #tpu.memory_space<vmem>> -> memref<512xi32, #tpu.memory_space<vmem>>
    %dma_start3A_62 = tpu.memref_slice %arg2[%mul3A_56] : memref<524288xi32, #tpu.memory_space<hbm>> -> memref<512xi32, #tpu.memory_space<hbm>>
    tpu.enqueue_dma source(%dma_start3A_62 : memref<512xi32, #tpu.memory_space<hbm>>) target(%dma_start3A_61 : memref<512xi32, #tpu.memory_space<vmem>>) target_semaphore(%arg11 : memref<!tpu.dma_semaphore, #tpu.memory_space<semaphore_mem>>)
    %mul3A_63 = arith.constant 512 : i32
    %mul3A_64 = arith.muli %rem3A_54, %mul3A_63 : i32
    %add3A_65 = arith.constant 262144 : i32
    %add3A_66 = arith.addi %add3A_65, %mul3A_64 : i32
    %dma_start3A_67 = arith.constant 1064 : i32
    %dma_start3A_68 = tpu.memref_slice %arg6[%dma_start3A_67] : memref<8976xi32, #tpu.memory_space<vmem>> -> memref<512xi32, #tpu.memory_space<vmem>>
    %dma_start3A_69 = tpu.memref_slice %arg2[%add3A_66] : memref<524288xi32, #tpu.memory_space<hbm>> -> memref<512xi32, #tpu.memory_space<hbm>>
    %dma_start3A_70 = arith.constant 1064 : i32
    %dma_start3A_71 = tpu.memref_slice %arg6[%dma_start3A_70] : memref<8976xi32, #tpu.memory_space<vmem>> -> memref<512xi32, #tpu.memory_space<vmem>>
    %dma_start3A_72 = tpu.memref_slice %arg2[%add3A_66] : memref<524288xi32, #tpu.memory_space<hbm>> -> memref<512xi32, #tpu.memory_space<hbm>>
    tpu.enqueue_dma source(%dma_start3A_72 : memref<512xi32, #tpu.memory_space<hbm>>) target(%dma_start3A_71 : memref<512xi32, #tpu.memory_space<vmem>>) target_semaphore(%arg11 : memref<!tpu.dma_semaphore, #tpu.memory_space<semaphore_mem>>)
    %add3A_73 = arith.constant 2 : i32
    %add3A_74 = arith.addi %mul3A_2, %add3A_73 : i32
    %add3A_75 = arith.constant 512 : i32
    %add3A_76 = arith.addi %add3A_74, %add3A_75 : i32
    %rem3A_77 = arith.constant 512 : i32
    %rem3A_78 = arith.remsi %add3A_76, %rem3A_77 : i32
    %mul3A_79 = arith.constant 512 : i32
    %mul3A_80 = arith.muli %rem3A_78, %mul3A_79 : i32
    %dma_start3A_81 = arith.constant 1592 : i32
    %dma_start3A_82 = tpu.memref_slice %arg5[%dma_start3A_81] : memref<8976xi32, #tpu.memory_space<vmem>> -> memref<512xi32, #tpu.memory_space<vmem>>
    %dma_start3A_83 = tpu.memref_slice %arg2[%mul3A_80] : memref<524288xi32, #tpu.memory_space<hbm>> -> memref<512xi32, #tpu.memory_space<hbm>>
    %dma_start3A_84 = arith.constant 1592 : i32
    %dma_start3A_85 = tpu.memref_slice %arg5[%dma_start3A_84] : memref<8976xi32, #tpu.memory_space<vmem>> -> memref<512xi32, #tpu.memory_space<vmem>>
    %dma_start3A_86 = tpu.memref_slice %arg2[%mul3A_80] : memref<524288xi32, #tpu.memory_space<hbm>> -> memref<512xi32, #tpu.memory_space<hbm>>
    tpu.enqueue_dma source(%dma_start3A_86 : memref<512xi32, #tpu.memory_space<hbm>>) target(%dma_start3A_85 : memref<512xi32, #tpu.memory_space<vmem>>) target_semaphore(%arg11 : memref<!tpu.dma_semaphore, #tpu.memory_space<semaphore_mem>>)
    %mul3A_87 = arith.constant 512 : i32
    %mul3A_88 = arith.muli %rem3A_78, %mul3A_87 : i32
    %add3A_89 = arith.constant 262144 : i32
    %add3A_90 = arith.addi %add3A_89, %mul3A_88 : i32
    %dma_start3A_91 = arith.constant 1592 : i32
    %dma_start3A_92 = tpu.memref_slice %arg6[%dma_start3A_91] : memref<8976xi32, #tpu.memory_space<vmem>> -> memref<512xi32, #tpu.memory_space<vmem>>
    %dma_start3A_93 = tpu.memref_slice %arg2[%add3A_90] : memref<524288xi32, #tpu.memory_space<hbm>> -> memref<512xi32, #tpu.memory_space<hbm>>
    %dma_start3A_94 = arith.constant 1592 : i32
    %dma_start3A_95 = tpu.memref_slice %arg6[%dma_start3A_94] : memref<8976xi32, #tpu.memory_space<vmem>> -> memref<512xi32, #tpu.memory_space<vmem>>
    %dma_start3A_96 = tpu.memref_slice %arg2[%add3A_90] : memref<524288xi32, #tpu.memory_space<hbm>> -> memref<512xi32, #tpu.memory_space<hbm>>
    tpu.enqueue_dma source(%dma_start3A_96 : memref<512xi32, #tpu.memory_space<hbm>>) target(%dma_start3A_95 : memref<512xi32, #tpu.memory_space<vmem>>) target_semaphore(%arg11 : memref<!tpu.dma_semaphore, #tpu.memory_space<semaphore_mem>>)
    %add3A_97 = arith.constant 3 : i32
    %add3A_98 = arith.addi %mul3A_2, %add3A_97 : i32
    %add3A_99 = arith.constant 512 : i32
    %add3A_100 = arith.addi %add3A_98, %add3A_99 : i32
    %rem3A_101 = arith.constant 512 : i32
    %rem3A_102 = arith.remsi %add3A_100, %rem3A_101 : i32
    %mul3A_103 = arith.constant 512 : i32
    %mul3A_104 = arith.muli %rem3A_102, %mul3A_103 : i32
    %dma_start3A_105 = arith.constant 2120 : i32
    %dma_start3A_106 = tpu.memref_slice %arg5[%dma_start3A_105] : memref<8976xi32, #tpu.memory_space<vmem>> -> memref<512xi32, #tpu.memory_space<vmem>>
    %dma_start3A_107 = tpu.memref_slice %arg2[%mul3A_104] : memref<524288xi32, #tpu.memory_space<hbm>> -> memref<512xi32, #tpu.memory_space<hbm>>
    %dma_start3A_108 = arith.constant 2120 : i32
    %dma_start3A_109 = tpu.memref_slice %arg5[%dma_start3A_108] : memref<8976xi32, #tpu.memory_space<vmem>> -> memref<512xi32, #tpu.memory_space<vmem>>
    %dma_start3A_110 = tpu.memref_slice %arg2[%mul3A_104] : memref<524288xi32, #tpu.memory_space<hbm>> -> memref<512xi32, #tpu.memory_space<hbm>>
    tpu.enqueue_dma source(%dma_start3A_110 : memref<512xi32, #tpu.memory_space<hbm>>) target(%dma_start3A_109 : memref<512xi32, #tpu.memory_space<vmem>>) target_semaphore(%arg11 : memref<!tpu.dma_semaphore, #tpu.memory_space<semaphore_mem>>)
    %mul3A_111 = arith.constant 512 : i32
    %mul3A_112 = arith.muli %rem3A_102, %mul3A_111 : i32
    %add3A_113 = arith.constant 262144 : i32
    %add3A_114 = arith.addi %add3A_113, %mul3A_112 : i32
    %dma_start3A_115 = arith.constant 2120 : i32
    %dma_start3A_116 = tpu.memref_slice %arg6[%dma_start3A_115] : memref<8976xi32, #tpu.memory_space<vmem>> -> memref<512xi32, #tpu.memory_space<vmem>>
    %dma_start3A_117 = tpu.memref_slice %arg2[%add3A_114] : memref<524288xi32, #tpu.memory_space<hbm>> -> memref<512xi32, #tpu.memory_space<hbm>>
    %dma_start3A_118 = arith.constant 2120 : i32
    %dma_start3A_119 = tpu.memref_slice %arg6[%dma_start3A_118] : memref<8976xi32, #tpu.memory_space<vmem>> -> memref<512xi32, #tpu.memory_space<vmem>>
    %dma_start3A_120 = tpu.memref_slice %arg2[%add3A_114] : memref<524288xi32, #tpu.memory_space<hbm>> -> memref<512xi32, #tpu.memory_space<hbm>>
    tpu.enqueue_dma source(%dma_start3A_120 : memref<512xi32, #tpu.memory_space<hbm>>) target(%dma_start3A_119 : memref<512xi32, #tpu.memory_space<vmem>>) target_semaphore(%arg11 : memref<!tpu.dma_semaphore, #tpu.memory_space<semaphore_mem>>)
    %add3A_121 = arith.constant 4 : i32
    %add3A_122 = arith.addi %mul3A_2, %add3A_121 : i32
    %add3A_123 = arith.constant 512 : i32
    %add3A_124 = arith.addi %add3A_122, %add3A_123 : i32
    %rem3A_125 = arith.constant 512 : i32
    %rem3A_126 = arith.remsi %add3A_124, %rem3A_125 : i32
    %mul3A_127 = arith.constant 512 : i32
    %mul3A_128 = arith.muli %rem3A_126, %mul3A_127 : i32
    %dma_start3A_129 = arith.constant 2648 : i32
    %dma_start3A_130 = tpu.memref_slice %arg5[%dma_start3A_129] : memref<8976xi32, #tpu.memory_space<vmem>> -> memref<512xi32, #tpu.memory_space<vmem>>
    %dma_start3A_131 = tpu.memref_slice %arg2[%mul3A_128] : memref<524288xi32, #tpu.memory_space<hbm>> -> memref<512xi32, #tpu.memory_space<hbm>>
    %dma_start3A_132 = arith.constant 2648 : i32
    %dma_start3A_133 = tpu.memref_slice %arg5[%dma_start3A_132] : memref<8976xi32, #tpu.memory_space<vmem>> -> memref<512xi32, #tpu.memory_space<vmem>>
    %dma_start3A_134 = tpu.memref_slice %arg2[%mul3A_128] : memref<524288xi32, #tpu.memory_space<hbm>> -> memref<512xi32, #tpu.memory_space<hbm>>
    tpu.enqueue_dma source(%dma_start3A_134 : memref<512xi32, #tpu.memory_space<hbm>>) target(%dma_start3A_133 : memref<512xi32, #tpu.memory_space<vmem>>) target_semaphore(%arg11 : memref<!tpu.dma_semaphore, #tpu.memory_space<semaphore_mem>>)
    %mul3A_135 = arith.constant 512 : i32
    %mul3A_136 = arith.muli %rem3A_126, %mul3A_135 : i32
    %add3A_137 = arith.constant 262144 : i32
    %add3A_138 = arith.addi %add3A_137, %mul3A_136 : i32
    %dma_start3A_139 = arith.constant 2648 : i32
    %dma_start3A_140 = tpu.memref_slice %arg6[%dma_start3A_139] : memref<8976xi32, #tpu.memory_space<vmem>> -> memref<512xi32, #tpu.memory_space<vmem>>
    %dma_start3A_141 = tpu.memref_slice %arg2[%add3A_138] : memref<524288xi32, #tpu.memory_space<hbm>> -> memref<512xi32, #tpu.memory_space<hbm>>
    %dma_start3A_142 = arith.constant 2648 : i32
    %dma_start3A_143 = tpu.memref_slice %arg6[%dma_start3A_142] : memref<8976xi32, #tpu.memory_space<vmem>> -> memref<512xi32, #tpu.memory_space<vmem>>
    %dma_start3A_144 = tpu.memref_slice %arg2[%add3A_138] : memref<524288xi32, #tpu.memory_space<hbm>> -> memref<512xi32, #tpu.memory_space<hbm>>
    tpu.enqueue_dma source(%dma_start3A_144 : memref<512xi32, #tpu.memory_space<hbm>>) target(%dma_start3A_143 : memref<512xi32, #tpu.memory_space<vmem>>) target_semaphore(%arg11 : memref<!tpu.dma_semaphore, #tpu.memory_space<semaphore_mem>>)
    %add3A_145 = arith.constant 5 : i32
    %add3A_146 = arith.addi %mul3A_2, %add3A_145 : i32
    %add3A_147 = arith.constant 512 : i32
    %add3A_148 = arith.addi %add3A_146, %add3A_147 : i32
    %rem3A_149 = arith.constant 512 : i32
    %rem3A_150 = arith.remsi %add3A_148, %rem3A_149 : i32
    %mul3A_151 = arith.constant 512 : i32
    %mul3A_152 = arith.muli %rem3A_150, %mul3A_151 : i32
    %dma_start3A_153 = arith.constant 3176 : i32
    %dma_start3A_154 = tpu.memref_slice %arg5[%dma_start3A_153] : memref<8976xi32, #tpu.memory_space<vmem>> -> memref<512xi32, #tpu.memory_space<vmem>>
    %dma_start3A_155 = tpu.memref_slice %arg2[%mul3A_152] : memref<524288xi32, #tpu.memory_space<hbm>> -> memref<512xi32, #tpu.memory_space<hbm>>
    %dma_start3A_156 = arith.constant 3176 : i32
    %dma_start3A_157 = tpu.memref_slice %arg5[%dma_start3A_156] : memref<8976xi32, #tpu.memory_space<vmem>> -> memref<512xi32, #tpu.memory_space<vmem>>
    %dma_start3A_158 = tpu.memref_slice %arg2[%mul3A_152] : memref<524288xi32, #tpu.memory_space<hbm>> -> memref<512xi32, #tpu.memory_space<hbm>>
    tpu.enqueue_dma source(%dma_start3A_158 : memref<512xi32, #tpu.memory_space<hbm>>) target(%dma_start3A_157 : memref<512xi32, #tpu.memory_space<vmem>>) target_semaphore(%arg11 : memref<!tpu.dma_semaphore, #tpu.memory_space<semaphore_mem>>)
    %mul3A_159 = arith.constant 512 : i32
    %mul3A_160 = arith.muli %rem3A_150, %mul3A_159 : i32
    %add3A_161 = arith.constant 262144 : i32
    %add3A_162 = arith.addi %add3A_161, %mul3A_160 : i32
    %dma_start3A_163 = arith.constant 3176 : i32
    %dma_start3A_164 = tpu.memref_slice %arg6[%dma_start3A_163] : memref<8976xi32, #tpu.memory_space<vmem>> -> memref<512xi32, #tpu.memory_space<vmem>>
    %dma_start3A_165 = tpu.memref_slice %arg2[%add3A_162] : memref<524288xi32, #tpu.memory_space<hbm>> -> memref<512xi32, #tpu.memory_space<hbm>>
    %dma_start3A_166 = arith.constant 3176 : i32
    %dma_start3A_167 = tpu.memref_slice %arg6[%dma_start3A_166] : memref<8976xi32, #tpu.memory_space<vmem>> -> memref<512xi32, #tpu.memory_space<vmem>>
    %dma_start3A_168 = tpu.memref_slice %arg2[%add3A_162] : memref<524288xi32, #tpu.memory_space<hbm>> -> memref<512xi32, #tpu.memory_space<hbm>>
    tpu.enqueue_dma source(%dma_start3A_168 : memref<512xi32, #tpu.memory_space<hbm>>) target(%dma_start3A_167 : memref<512xi32, #tpu.memory_space<vmem>>) target_semaphore(%arg11 : memref<!tpu.dma_semaphore, #tpu.memory_space<semaphore_mem>>)
    %add3A_169 = arith.constant 6 : i32
    %add3A_170 = arith.addi %mul3A_2, %add3A_169 : i32
    %add3A_171 = arith.constant 512 : i32
    %add3A_172 = arith.addi %add3A_170, %add3A_171 : i32
    %rem3A_173 = arith.constant 512 : i32
    %rem3A_174 = arith.remsi %add3A_172, %rem3A_173 : i32
    %mul3A_175 = arith.constant 512 : i32
    %mul3A_176 = arith.muli %rem3A_174, %mul3A_175 : i32
    %dma_start3A_177 = arith.constant 3704 : i32
    %dma_start3A_178 = tpu.memref_slice %arg5[%dma_start3A_177] : memref<8976xi32, #tpu.memory_space<vmem>> -> memref<512xi32, #tpu.memory_space<vmem>>
    %dma_start3A_179 = tpu.memref_slice %arg2[%mul3A_176] : memref<524288xi32, #tpu.memory_space<hbm>> -> memref<512xi32, #tpu.memory_space<hbm>>
    %dma_start3A_180 = arith.constant 3704 : i32
    %dma_start3A_181 = tpu.memref_slice %arg5[%dma_start3A_180] : memref<8976xi32, #tpu.memory_space<vmem>> -> memref<512xi32, #tpu.memory_space<vmem>>
    %dma_start3A_182 = tpu.memref_slice %arg2[%mul3A_176] : memref<524288xi32, #tpu.memory_space<hbm>> -> memref<512xi32, #tpu.memory_space<hbm>>
    tpu.enqueue_dma source(%dma_start3A_182 : memref<512xi32, #tpu.memory_space<hbm>>) target(%dma_start3A_181 : memref<512xi32, #tpu.memory_space<vmem>>) target_semaphore(%arg11 : memref<!tpu.dma_semaphore, #tpu.memory_space<semaphore_mem>>)
    %mul3A_183 = arith.constant 512 : i32
    %mul3A_184 = arith.muli %rem3A_174, %mul3A_183 : i32
    %add3A_185 = arith.constant 262144 : i32
    %add3A_186 = arith.addi %add3A_185, %mul3A_184 : i32
    %dma_start3A_187 = arith.constant 3704 : i32
    %dma_start3A_188 = tpu.memref_slice %arg6[%dma_start3A_187] : memref<8976xi32, #tpu.memory_space<vmem>> -> memref<512xi32, #tpu.memory_space<vmem>>
    %dma_start3A_189 = tpu.memref_slice %arg2[%add3A_186] : memref<524288xi32, #tpu.memory_space<hbm>> -> memref<512xi32, #tpu.memory_space<hbm>>
    %dma_start3A_190 = arith.constant 3704 : i32
    %dma_start3A_191 = tpu.memref_slice %arg6[%dma_start3A_190] : memref<8976xi32, #tpu.memory_space<vmem>> -> memref<512xi32, #tpu.memory_space<vmem>>
    %dma_start3A_192 = tpu.memref_slice %arg2[%add3A_186] : memref<524288xi32, #tpu.memory_space<hbm>> -> memref<512xi32, #tpu.memory_space<hbm>>
    tpu.enqueue_dma source(%dma_start3A_192 : memref<512xi32, #tpu.memory_space<hbm>>) target(%dma_start3A_191 : memref<512xi32, #tpu.memory_space<vmem>>) target_semaphore(%arg11 : memref<!tpu.dma_semaphore, #tpu.memory_space<semaphore_mem>>)
    %add3A_193 = arith.constant 7 : i32
    %add3A_194 = arith.addi %mul3A_2, %add3A_193 : i32
    %add3A_195 = arith.constant 512 : i32
    %add3A_196 = arith.addi %add3A_194, %add3A_195 : i32
    %rem3A_197 = arith.constant 512 : i32
    %rem3A_198 = arith.remsi %add3A_196, %rem3A_197 : i32
    %mul3A_199 = arith.constant 512 : i32
    %mul3A_200 = arith.muli %rem3A_198, %mul3A_199 : i32
    %dma_start3A_201 = arith.constant 4232 : i32
    %dma_start3A_202 = tpu.memref_slice %arg5[%dma_start3A_201] : memref<8976xi32, #tpu.memory_space<vmem>> -> memref<512xi32, #tpu.memory_space<vmem>>
    %dma_start3A_203 = tpu.memref_slice %arg2[%mul3A_200] : memref<524288xi32, #tpu.memory_space<hbm>> -> memref<512xi32, #tpu.memory_space<hbm>>
    %dma_start3A_204 = arith.constant 4232 : i32
    %dma_start3A_205 = tpu.memref_slice %arg5[%dma_start3A_204] : memref<8976xi32, #tpu.memory_space<vmem>> -> memref<512xi32, #tpu.memory_space<vmem>>
    %dma_start3A_206 = tpu.memref_slice %arg2[%mul3A_200] : memref<524288xi32, #tpu.memory_space<hbm>> -> memref<512xi32, #tpu.memory_space<hbm>>
    tpu.enqueue_dma source(%dma_start3A_206 : memref<512xi32, #tpu.memory_space<hbm>>) target(%dma_start3A_205 : memref<512xi32, #tpu.memory_space<vmem>>) target_semaphore(%arg11 : memref<!tpu.dma_semaphore, #tpu.memory_space<semaphore_mem>>)
    %mul3A_207 = arith.constant 512 : i32
    %mul3A_208 = arith.muli %rem3A_198, %mul3A_207 : i32
    %add3A_209 = arith.constant 262144 : i32
    %add3A_210 = arith.addi %add3A_209, %mul3A_208 : i32
    %dma_start3A_211 = arith.constant 4232 : i32
    %dma_start3A_212 = tpu.memref_slice %arg6[%dma_start3A_211] : memref<8976xi32, #tpu.memory_space<vmem>> -> memref<512xi32, #tpu.memory_space<vmem>>
    %dma_start3A_213 = tpu.memref_slice %arg2[%add3A_210] : memref<524288xi32, #tpu.memory_space<hbm>> -> memref<512xi32, #tpu.memory_space<hbm>>
    %dma_start3A_214 = arith.constant 4232 : i32
    %dma_start3A_215 = tpu.memref_slice %arg6[%dma_start3A_214] : memref<8976xi32, #tpu.memory_space<vmem>> -> memref<512xi32, #tpu.memory_space<vmem>>
    %dma_start3A_216 = tpu.memref_slice %arg2[%add3A_210] : memref<524288xi32, #tpu.memory_space<hbm>> -> memref<512xi32, #tpu.memory_space<hbm>>
    tpu.enqueue_dma source(%dma_start3A_216 : memref<512xi32, #tpu.memory_space<hbm>>) target(%dma_start3A_215 : memref<512xi32, #tpu.memory_space<vmem>>) target_semaphore(%arg11 : memref<!tpu.dma_semaphore, #tpu.memory_space<semaphore_mem>>)
    %add3A_217 = arith.constant 8 : i32
    %add3A_218 = arith.addi %mul3A_2, %add3A_217 : i32
    %add3A_219 = arith.constant 512 : i32
    %add3A_220 = arith.addi %add3A_218, %add3A_219 : i32
    %rem3A_221 = arith.constant 512 : i32
    %rem3A_222 = arith.remsi %add3A_220, %rem3A_221 : i32
    %mul3A_223 = arith.constant 512 : i32
    %mul3A_224 = arith.muli %rem3A_222, %mul3A_223 : i32
    %dma_start3A_225 = arith.constant 4760 : i32
    %dma_start3A_226 = tpu.memref_slice %arg5[%dma_start3A_225] : memref<8976xi32, #tpu.memory_space<vmem>> -> memref<512xi32, #tpu.memory_space<vmem>>
    %dma_start3A_227 = tpu.memref_slice %arg2[%mul3A_224] : memref<524288xi32, #tpu.memory_space<hbm>> -> memref<512xi32, #tpu.memory_space<hbm>>
    %dma_start3A_228 = arith.constant 4760 : i32
    %dma_start3A_229 = tpu.memref_slice %arg5[%dma_start3A_228] : memref<8976xi32, #tpu.memory_space<vmem>> -> memref<512xi32, #tpu.memory_space<vmem>>
    %dma_start3A_230 = tpu.memref_slice %arg2[%mul3A_224] : memref<524288xi32, #tpu.memory_space<hbm>> -> memref<512xi32, #tpu.memory_space<hbm>>
    tpu.enqueue_dma source(%dma_start3A_230 : memref<512xi32, #tpu.memory_space<hbm>>) target(%dma_start3A_229 : memref<512xi32, #tpu.memory_space<vmem>>) target_semaphore(%arg11 : memref<!tpu.dma_semaphore, #tpu.memory_space<semaphore_mem>>)
    %mul3A_231 = arith.constant 512 : i32
    %mul3A_232 = arith.muli %rem3A_222, %mul3A_231 : i32
    %add3A_233 = arith.constant 262144 : i32
    %add3A_234 = arith.addi %add3A_233, %mul3A_232 : i32
    %dma_start3A_235 = arith.constant 4760 : i32
    %dma_start3A_236 = tpu.memref_slice %arg6[%dma_start3A_235] : memref<8976xi32, #tpu.memory_space<vmem>> -> memref<512xi32, #tpu.memory_space<vmem>>
    %dma_start3A_237 = tpu.memref_slice %arg2[%add3A_234] : memref<524288xi32, #tpu.memory_space<hbm>> -> memref<512xi32, #tpu.memory_space<hbm>>
    %dma_start3A_238 = arith.constant 4760 : i32
    %dma_start3A_239 = tpu.memref_slice %arg6[%dma_start3A_238] : memref<8976xi32, #tpu.memory_space<vmem>> -> memref<512xi32, #tpu.memory_space<vmem>>
    %dma_start3A_240 = tpu.memref_slice %arg2[%add3A_234] : memref<524288xi32, #tpu.memory_space<hbm>> -> memref<512xi32, #tpu.memory_space<hbm>>
    tpu.enqueue_dma source(%dma_start3A_240 : memref<512xi32, #tpu.memory_space<hbm>>) target(%dma_start3A_239 : memref<512xi32, #tpu.memory_space<vmem>>) target_semaphore(%arg11 : memref<!tpu.dma_semaphore, #tpu.memory_space<semaphore_mem>>)
    %add3A_241 = arith.constant 9 : i32
    %add3A_242 = arith.addi %mul3A_2, %add3A_241 : i32
    %add3A_243 = arith.constant 512 : i32
    %add3A_244 = arith.addi %add3A_242, %add3A_243 : i32
    %rem3A_245 = arith.constant 512 : i32
    %rem3A_246 = arith.remsi %add3A_244, %rem3A_245 : i32
    %mul3A_247 = arith.constant 512 : i32
    %mul3A_248 = arith.muli %rem3A_246, %mul3A_247 : i32
    %dma_start3A_249 = arith.constant 5288 : i32
    %dma_start3A_250 = tpu.memref_slice %arg5[%dma_start3A_249] : memref<8976xi32, #tpu.memory_space<vmem>> -> memref<512xi32, #tpu.memory_space<vmem>>
    %dma_start3A_251 = tpu.memref_slice %arg2[%mul3A_248] : memref<524288xi32, #tpu.memory_space<hbm>> -> memref<512xi32, #tpu.memory_space<hbm>>
    %dma_start3A_252 = arith.constant 5288 : i32
    %dma_start3A_253 = tpu.memref_slice %arg5[%dma_start3A_252] : memref<8976xi32, #tpu.memory_space<vmem>> -> memref<512xi32, #tpu.memory_space<vmem>>
    %dma_start3A_254 = tpu.memref_slice %arg2[%mul3A_248] : memref<524288xi32, #tpu.memory_space<hbm>> -> memref<512xi32, #tpu.memory_space<hbm>>
    tpu.enqueue_dma source(%dma_start3A_254 : memref<512xi32, #tpu.memory_space<hbm>>) target(%dma_start3A_253 : memref<512xi32, #tpu.memory_space<vmem>>) target_semaphore(%arg11 : memref<!tpu.dma_semaphore, #tpu.memory_space<semaphore_mem>>)
    %mul3A_255 = arith.constant 512 : i32
    %mul3A_256 = arith.muli %rem3A_246, %mul3A_255 : i32
    %add3A_257 = arith.constant 262144 : i32
    %add3A_258 = arith.addi %add3A_257, %mul3A_256 : i32
    %dma_start3A_259 = arith.constant 5288 : i32
    %dma_start3A_260 = tpu.memref_slice %arg6[%dma_start3A_259] : memref<8976xi32, #tpu.memory_space<vmem>> -> memref<512xi32, #tpu.memory_space<vmem>>
    %dma_start3A_261 = tpu.memref_slice %arg2[%add3A_258] : memref<524288xi32, #tpu.memory_space<hbm>> -> memref<512xi32, #tpu.memory_space<hbm>>
    %dma_start3A_262 = arith.constant 5288 : i32
    %dma_start3A_263 = tpu.memref_slice %arg6[%dma_start3A_262] : memref<8976xi32, #tpu.memory_space<vmem>> -> memref<512xi32, #tpu.memory_space<vmem>>
    %dma_start3A_264 = tpu.memref_slice %arg2[%add3A_258] : memref<524288xi32, #tpu.memory_space<hbm>> -> memref<512xi32, #tpu.memory_space<hbm>>
    tpu.enqueue_dma source(%dma_start3A_264 : memref<512xi32, #tpu.memory_space<hbm>>) target(%dma_start3A_263 : memref<512xi32, #tpu.memory_space<vmem>>) target_semaphore(%arg11 : memref<!tpu.dma_semaphore, #tpu.memory_space<semaphore_mem>>)
    %add3A_265 = arith.constant 10 : i32
    %add3A_266 = arith.addi %mul3A_2, %add3A_265 : i32
    %add3A_267 = arith.constant 512 : i32
    %add3A_268 = arith.addi %add3A_266, %add3A_267 : i32
    %rem3A_269 = arith.constant 512 : i32
    %rem3A_270 = arith.remsi %add3A_268, %rem3A_269 : i32
    %mul3A_271 = arith.constant 512 : i32
    %mul3A_272 = arith.muli %rem3A_270, %mul3A_271 : i32
    %dma_start3A_273 = arith.constant 5816 : i32
    %dma_start3A_274 = tpu.memref_slice %arg5[%dma_start3A_273] : memref<8976xi32, #tpu.memory_space<vmem>> -> memref<512xi32, #tpu.memory_space<vmem>>
    %dma_start3A_275 = tpu.memref_slice %arg2[%mul3A_272] : memref<524288xi32, #tpu.memory_space<hbm>> -> memref<512xi32, #tpu.memory_space<hbm>>
    %dma_start3A_276 = arith.constant 5816 : i32
    %dma_start3A_277 = tpu.memref_slice %arg5[%dma_start3A_276] : memref<8976xi32, #tpu.memory_space<vmem>> -> memref<512xi32, #tpu.memory_space<vmem>>
    %dma_start3A_278 = tpu.memref_slice %arg2[%mul3A_272] : memref<524288xi32, #tpu.memory_space<hbm>> -> memref<512xi32, #tpu.memory_space<hbm>>
    tpu.enqueue_dma source(%dma_start3A_278 : memref<512xi32, #tpu.memory_space<hbm>>) target(%dma_start3A_277 : memref<512xi32, #tpu.memory_space<vmem>>) target_semaphore(%arg11 : memref<!tpu.dma_semaphore, #tpu.memory_space<semaphore_mem>>)
    %mul3A_279 = arith.constant 512 : i32
    %mul3A_280 = arith.muli %rem3A_270, %mul3A_279 : i32
    %add3A_281 = arith.constant 262144 : i32
    %add3A_282 = arith.addi %add3A_281, %mul3A_280 : i32
    %dma_start3A_283 = arith.constant 5816 : i32
    %dma_start3A_284 = tpu.memref_slice %arg6[%dma_start3A_283] : memref<8976xi32, #tpu.memory_space<vmem>> -> memref<512xi32, #tpu.memory_space<vmem>>
    %dma_start3A_285 = tpu.memref_slice %arg2[%add3A_282] : memref<524288xi32, #tpu.memory_space<hbm>> -> memref<512xi32, #tpu.memory_space<hbm>>
    %dma_start3A_286 = arith.constant 5816 : i32
    %dma_start3A_287 = tpu.memref_slice %arg6[%dma_start3A_286] : memref<8976xi32, #tpu.memory_space<vmem>> -> memref<512xi32, #tpu.memory_space<vmem>>
    %dma_start3A_288 = tpu.memref_slice %arg2[%add3A_282] : memref<524288xi32, #tpu.memory_space<hbm>> -> memref<512xi32, #tpu.memory_space<hbm>>
    tpu.enqueue_dma source(%dma_start3A_288 : memref<512xi32, #tpu.memory_space<hbm>>) target(%dma_start3A_287 : memref<512xi32, #tpu.memory_space<vmem>>) target_semaphore(%arg11 : memref<!tpu.dma_semaphore, #tpu.memory_space<semaphore_mem>>)
    %add3A_289 = arith.constant 11 : i32
    %add3A_290 = arith.addi %mul3A_2, %add3A_289 : i32
    %add3A_291 = arith.constant 512 : i32
    %add3A_292 = arith.addi %add3A_290, %add3A_291 : i32
    %rem3A_293 = arith.constant 512 : i32
    %rem3A_294 = arith.remsi %add3A_292, %rem3A_293 : i32
    %mul3A_295 = arith.constant 512 : i32
    %mul3A_296 = arith.muli %rem3A_294, %mul3A_295 : i32
    %dma_start3A_297 = arith.constant 6344 : i32
    %dma_start3A_298 = tpu.memref_slice %arg5[%dma_start3A_297] : memref<8976xi32, #tpu.memory_space<vmem>> -> memref<512xi32, #tpu.memory_space<vmem>>
    %dma_start3A_299 = tpu.memref_slice %arg2[%mul3A_296] : memref<524288xi32, #tpu.memory_space<hbm>> -> memref<512xi32, #tpu.memory_space<hbm>>
    %dma_start3A_300 = arith.constant 6344 : i32
    %dma_start3A_301 = tpu.memref_slice %arg5[%dma_start3A_300] : memref<8976xi32, #tpu.memory_space<vmem>> -> memref<512xi32, #tpu.memory_space<vmem>>
    %dma_start3A_302 = tpu.memref_slice %arg2[%mul3A_296] : memref<524288xi32, #tpu.memory_space<hbm>> -> memref<512xi32, #tpu.memory_space<hbm>>
    tpu.enqueue_dma source(%dma_start3A_302 : memref<512xi32, #tpu.memory_space<hbm>>) target(%dma_start3A_301 : memref<512xi32, #tpu.memory_space<vmem>>) target_semaphore(%arg11 : memref<!tpu.dma_semaphore, #tpu.memory_space<semaphore_mem>>)
    %mul3A_303 = arith.constant 512 : i32
    %mul3A_304 = arith.muli %rem3A_294, %mul3A_303 : i32
    %add3A_305 = arith.constant 262144 : i32
    %add3A_306 = arith.addi %add3A_305, %mul3A_304 : i32
    %dma_start3A_307 = arith.constant 6344 : i32
    %dma_start3A_308 = tpu.memref_slice %arg6[%dma_start3A_307] : memref<8976xi32, #tpu.memory_space<vmem>> -> memref<512xi32, #tpu.memory_space<vmem>>
    %dma_start3A_309 = tpu.memref_slice %arg2[%add3A_306] : memref<524288xi32, #tpu.memory_space<hbm>> -> memref<512xi32, #tpu.memory_space<hbm>>
    %dma_start3A_310 = arith.constant 6344 : i32
    %dma_start3A_311 = tpu.memref_slice %arg6[%dma_start3A_310] : memref<8976xi32, #tpu.memory_space<vmem>> -> memref<512xi32, #tpu.memory_space<vmem>>
    %dma_start3A_312 = tpu.memref_slice %arg2[%add3A_306] : memref<524288xi32, #tpu.memory_space<hbm>> -> memref<512xi32, #tpu.memory_space<hbm>>
    tpu.enqueue_dma source(%dma_start3A_312 : memref<512xi32, #tpu.memory_space<hbm>>) target(%dma_start3A_311 : memref<512xi32, #tpu.memory_space<vmem>>) target_semaphore(%arg11 : memref<!tpu.dma_semaphore, #tpu.memory_space<semaphore_mem>>)
    %add3A_313 = arith.constant 12 : i32
    %add3A_314 = arith.addi %mul3A_2, %add3A_313 : i32
    %add3A_315 = arith.constant 512 : i32
    %add3A_316 = arith.addi %add3A_314, %add3A_315 : i32
    %rem3A_317 = arith.constant 512 : i32
    %rem3A_318 = arith.remsi %add3A_316, %rem3A_317 : i32
    %mul3A_319 = arith.constant 512 : i32
    %mul3A_320 = arith.muli %rem3A_318, %mul3A_319 : i32
    %dma_start3A_321 = arith.constant 6872 : i32
    %dma_start3A_322 = tpu.memref_slice %arg5[%dma_start3A_321] : memref<8976xi32, #tpu.memory_space<vmem>> -> memref<512xi32, #tpu.memory_space<vmem>>
    %dma_start3A_323 = tpu.memref_slice %arg2[%mul3A_320] : memref<524288xi32, #tpu.memory_space<hbm>> -> memref<512xi32, #tpu.memory_space<hbm>>
    %dma_start3A_324 = arith.constant 6872 : i32
    %dma_start3A_325 = tpu.memref_slice %arg5[%dma_start3A_324] : memref<8976xi32, #tpu.memory_space<vmem>> -> memref<512xi32, #tpu.memory_space<vmem>>
    %dma_start3A_326 = tpu.memref_slice %arg2[%mul3A_320] : memref<524288xi32, #tpu.memory_space<hbm>> -> memref<512xi32, #tpu.memory_space<hbm>>
    tpu.enqueue_dma source(%dma_start3A_326 : memref<512xi32, #tpu.memory_space<hbm>>) target(%dma_start3A_325 : memref<512xi32, #tpu.memory_space<vmem>>) target_semaphore(%arg11 : memref<!tpu.dma_semaphore, #tpu.memory_space<semaphore_mem>>)
    %mul3A_327 = arith.constant 512 : i32
    %mul3A_328 = arith.muli %rem3A_318, %mul3A_327 : i32
    %add3A_329 = arith.constant 262144 : i32
    %add3A_330 = arith.addi %add3A_329, %mul3A_328 : i32
    %dma_start3A_331 = arith.constant 6872 : i32
    %dma_start3A_332 = tpu.memref_slice %arg6[%dma_start3A_331] : memref<8976xi32, #tpu.memory_space<vmem>> -> memref<512xi32, #tpu.memory_space<vmem>>
    %dma_start3A_333 = tpu.memref_slice %arg2[%add3A_330] : memref<524288xi32, #tpu.memory_space<hbm>> -> memref<512xi32, #tpu.memory_space<hbm>>
    %dma_start3A_334 = arith.constant 6872 : i32
    %dma_start3A_335 = tpu.memref_slice %arg6[%dma_start3A_334] : memref<8976xi32, #tpu.memory_space<vmem>> -> memref<512xi32, #tpu.memory_space<vmem>>
    %dma_start3A_336 = tpu.memref_slice %arg2[%add3A_330] : memref<524288xi32, #tpu.memory_space<hbm>> -> memref<512xi32, #tpu.memory_space<hbm>>
    tpu.enqueue_dma source(%dma_start3A_336 : memref<512xi32, #tpu.memory_space<hbm>>) target(%dma_start3A_335 : memref<512xi32, #tpu.memory_space<vmem>>) target_semaphore(%arg11 : memref<!tpu.dma_semaphore, #tpu.memory_space<semaphore_mem>>)
    %add3A_337 = arith.constant 13 : i32
    %add3A_338 = arith.addi %mul3A_2, %add3A_337 : i32
    %add3A_339 = arith.constant 512 : i32
    %add3A_340 = arith.addi %add3A_338, %add3A_339 : i32
    %rem3A_341 = arith.constant 512 : i32
    %rem3A_342 = arith.remsi %add3A_340, %rem3A_341 : i32
    %mul3A_343 = arith.constant 512 : i32
    %mul3A_344 = arith.muli %rem3A_342, %mul3A_343 : i32
    %dma_start3A_345 = arith.constant 7400 : i32
    %dma_start3A_346 = tpu.memref_slice %arg5[%dma_start3A_345] : memref<8976xi32, #tpu.memory_space<vmem>> -> memref<512xi32, #tpu.memory_space<vmem>>
    %dma_start3A_347 = tpu.memref_slice %arg2[%mul3A_344] : memref<524288xi32, #tpu.memory_space<hbm>> -> memref<512xi32, #tpu.memory_space<hbm>>
    %dma_start3A_348 = arith.constant 7400 : i32
    %dma_start3A_349 = tpu.memref_slice %arg5[%dma_start3A_348] : memref<8976xi32, #tpu.memory_space<vmem>> -> memref<512xi32, #tpu.memory_space<vmem>>
    %dma_start3A_350 = tpu.memref_slice %arg2[%mul3A_344] : memref<524288xi32, #tpu.memory_space<hbm>> -> memref<512xi32, #tpu.memory_space<hbm>>
    tpu.enqueue_dma source(%dma_start3A_350 : memref<512xi32, #tpu.memory_space<hbm>>) target(%dma_start3A_349 : memref<512xi32, #tpu.memory_space<vmem>>) target_semaphore(%arg11 : memref<!tpu.dma_semaphore, #tpu.memory_space<semaphore_mem>>)
    %mul3A_351 = arith.constant 512 : i32
    %mul3A_352 = arith.muli %rem3A_342, %mul3A_351 : i32
    %add3A_353 = arith.constant 262144 : i32
    %add3A_354 = arith.addi %add3A_353, %mul3A_352 : i32
    %dma_start3A_355 = arith.constant 7400 : i32
    %dma_start3A_356 = tpu.memref_slice %arg6[%dma_start3A_355] : memref<8976xi32, #tpu.memory_space<vmem>> -> memref<512xi32, #tpu.memory_space<vmem>>
    %dma_start3A_357 = tpu.memref_slice %arg2[%add3A_354] : memref<524288xi32, #tpu.memory_space<hbm>> -> memref<512xi32, #tpu.memory_space<hbm>>
    %dma_start3A_358 = arith.constant 7400 : i32
    %dma_start3A_359 = tpu.memref_slice %arg6[%dma_start3A_358] : memref<8976xi32, #tpu.memory_space<vmem>> -> memref<512xi32, #tpu.memory_space<vmem>>
    %dma_start3A_360 = tpu.memref_slice %arg2[%add3A_354] : memref<524288xi32, #tpu.memory_space<hbm>> -> memref<512xi32, #tpu.memory_space<hbm>>
    tpu.enqueue_dma source(%dma_start3A_360 : memref<512xi32, #tpu.memory_space<hbm>>) target(%dma_start3A_359 : memref<512xi32, #tpu.memory_space<vmem>>) target_semaphore(%arg11 : memref<!tpu.dma_semaphore, #tpu.memory_space<semaphore_mem>>)
    %add3A_361 = arith.constant 14 : i32
    %add3A_362 = arith.addi %mul3A_2, %add3A_361 : i32
    %add3A_363 = arith.constant 512 : i32
    %add3A_364 = arith.addi %add3A_362, %add3A_363 : i32
    %rem3A_365 = arith.constant 512 : i32
    %rem3A_366 = arith.remsi %add3A_364, %rem3A_365 : i32
    %mul3A_367 = arith.constant 512 : i32
    %mul3A_368 = arith.muli %rem3A_366, %mul3A_367 : i32
    %dma_start3A_369 = arith.constant 7928 : i32
    %dma_start3A_370 = tpu.memref_slice %arg5[%dma_start3A_369] : memref<8976xi32, #tpu.memory_space<vmem>> -> memref<512xi32, #tpu.memory_space<vmem>>
    %dma_start3A_371 = tpu.memref_slice %arg2[%mul3A_368] : memref<524288xi32, #tpu.memory_space<hbm>> -> memref<512xi32, #tpu.memory_space<hbm>>
    %dma_start3A_372 = arith.constant 7928 : i32
    %dma_start3A_373 = tpu.memref_slice %arg5[%dma_start3A_372] : memref<8976xi32, #tpu.memory_space<vmem>> -> memref<512xi32, #tpu.memory_space<vmem>>
    %dma_start3A_374 = tpu.memref_slice %arg2[%mul3A_368] : memref<524288xi32, #tpu.memory_space<hbm>> -> memref<512xi32, #tpu.memory_space<hbm>>
    tpu.enqueue_dma source(%dma_start3A_374 : memref<512xi32, #tpu.memory_space<hbm>>) target(%dma_start3A_373 : memref<512xi32, #tpu.memory_space<vmem>>) target_semaphore(%arg11 : memref<!tpu.dma_semaphore, #tpu.memory_space<semaphore_mem>>)
    %mul3A_375 = arith.constant 512 : i32
    %mul3A_376 = arith.muli %rem3A_366, %mul3A_375 : i32
    %add3A_377 = arith.constant 262144 : i32
    %add3A_378 = arith.addi %add3A_377, %mul3A_376 : i32
    %dma_start3A_379 = arith.constant 7928 : i32
    %dma_start3A_380 = tpu.memref_slice %arg6[%dma_start3A_379] : memref<8976xi32, #tpu.memory_space<vmem>> -> memref<512xi32, #tpu.memory_space<vmem>>
    %dma_start3A_381 = tpu.memref_slice %arg2[%add3A_378] : memref<524288xi32, #tpu.memory_space<hbm>> -> memref<512xi32, #tpu.memory_space<hbm>>
    %dma_start3A_382 = arith.constant 7928 : i32
    %dma_start3A_383 = tpu.memref_slice %arg6[%dma_start3A_382] : memref<8976xi32, #tpu.memory_space<vmem>> -> memref<512xi32, #tpu.memory_space<vmem>>
    %dma_start3A_384 = tpu.memref_slice %arg2[%add3A_378] : memref<524288xi32, #tpu.memory_space<hbm>> -> memref<512xi32, #tpu.memory_space<hbm>>
    tpu.enqueue_dma source(%dma_start3A_384 : memref<512xi32, #tpu.memory_space<hbm>>) target(%dma_start3A_383 : memref<512xi32, #tpu.memory_space<vmem>>) target_semaphore(%arg11 : memref<!tpu.dma_semaphore, #tpu.memory_space<semaphore_mem>>)
    %add3A_385 = arith.constant 15 : i32
    %add3A_386 = arith.addi %mul3A_2, %add3A_385 : i32
    %add3A_387 = arith.constant 512 : i32
    %add3A_388 = arith.addi %add3A_386, %add3A_387 : i32
    %rem3A_389 = arith.constant 512 : i32
    %rem3A_390 = arith.remsi %add3A_388, %rem3A_389 : i32
    %mul3A_391 = arith.constant 512 : i32
    %mul3A_392 = arith.muli %rem3A_390, %mul3A_391 : i32
    %dma_start3A_393 = arith.constant 8456 : i32
    %dma_start3A_394 = tpu.memref_slice %arg5[%dma_start3A_393] : memref<8976xi32, #tpu.memory_space<vmem>> -> memref<512xi32, #tpu.memory_space<vmem>>
    %dma_start3A_395 = tpu.memref_slice %arg2[%mul3A_392] : memref<524288xi32, #tpu.memory_space<hbm>> -> memref<512xi32, #tpu.memory_space<hbm>>
    %dma_start3A_396 = arith.constant 8456 : i32
    %dma_start3A_397 = tpu.memref_slice %arg5[%dma_start3A_396] : memref<8976xi32, #tpu.memory_space<vmem>> -> memref<512xi32, #tpu.memory_space<vmem>>
    %dma_start3A_398 = tpu.memref_slice %arg2[%mul3A_392] : memref<524288xi32, #tpu.memory_space<hbm>> -> memref<512xi32, #tpu.memory_space<hbm>>
    tpu.enqueue_dma source(%dma_start3A_398 : memref<512xi32, #tpu.memory_space<hbm>>) target(%dma_start3A_397 : memref<512xi32, #tpu.memory_space<vmem>>) target_semaphore(%arg11 : memref<!tpu.dma_semaphore, #tpu.memory_space<semaphore_mem>>)
    %mul3A_399 = arith.constant 512 : i32
    %mul3A_400 = arith.muli %rem3A_390, %mul3A_399 : i32
    %add3A_401 = arith.constant 262144 : i32
    %add3A_402 = arith.addi %add3A_401, %mul3A_400 : i32
    %dma_start3A_403 = arith.constant 8456 : i32
    %dma_start3A_404 = tpu.memref_slice %arg6[%dma_start3A_403] : memref<8976xi32, #tpu.memory_space<vmem>> -> memref<512xi32, #tpu.memory_space<vmem>>
    %dma_start3A_405 = tpu.memref_slice %arg2[%add3A_402] : memref<524288xi32, #tpu.memory_space<hbm>> -> memref<512xi32, #tpu.memory_space<hbm>>
    %dma_start3A_406 = arith.constant 8456 : i32
    %dma_start3A_407 = tpu.memref_slice %arg6[%dma_start3A_406] : memref<8976xi32, #tpu.memory_space<vmem>> -> memref<512xi32, #tpu.memory_space<vmem>>
    %dma_start3A_408 = tpu.memref_slice %arg2[%add3A_402] : memref<524288xi32, #tpu.memory_space<hbm>> -> memref<512xi32, #tpu.memory_space<hbm>>
    tpu.enqueue_dma source(%dma_start3A_408 : memref<512xi32, #tpu.memory_space<hbm>>) target(%dma_start3A_407 : memref<512xi32, #tpu.memory_space<vmem>>) target_semaphore(%arg11 : memref<!tpu.dma_semaphore, #tpu.memory_space<semaphore_mem>>)
    tpu.wait_dma2 semaphore(%arg11 : memref<!tpu.dma_semaphore, #tpu.memory_space<semaphore_mem>>) src(%arg3 : memref<16xf32, #tpu.memory_space<hbm>>) dst(%arg7 : memref<16xf32, #tpu.memory_space<vmem>>)
    %iota3A = tpu.iota {dimensions = array<i32: 0>} : vector<16xi32>
    %dma_wait3A = arith.constant 8 : i32
    %dma_wait3A_409 = tpu.memref_slice %arg5[%dma_wait3A] : memref<8976xi32, #tpu.memory_space<vmem>> -> memref<512xi32, #tpu.memory_space<vmem>>
    %dma_wait3A_410 = tpu.memref_slice %arg2[%mul3A_9] : memref<524288xi32, #tpu.memory_space<hbm>> -> memref<512xi32, #tpu.memory_space<hbm>>
    %dma_wait3A_411 = arith.constant 8 : i32
    %dma_wait3A_412 = tpu.memref_slice %arg5[%dma_wait3A_411] : memref<8976xi32, #tpu.memory_space<vmem>> -> memref<512xi32, #tpu.memory_space<vmem>>
    %dma_wait3A_413 = tpu.memref_slice %arg2[%mul3A_9] : memref<524288xi32, #tpu.memory_space<hbm>> -> memref<512xi32, #tpu.memory_space<hbm>>
    tpu.wait_dma2 semaphore(%arg11 : memref<!tpu.dma_semaphore, #tpu.memory_space<semaphore_mem>>) src(%dma_wait3A_413 : memref<512xi32, #tpu.memory_space<hbm>>) dst(%dma_wait3A_412 : memref<512xi32, #tpu.memory_space<vmem>>)
    %dma_wait3A_414 = arith.constant 8 : i32
    %dma_wait3A_415 = tpu.memref_slice %arg6[%dma_wait3A_414] : memref<8976xi32, #tpu.memory_space<vmem>> -> memref<512xi32, #tpu.memory_space<vmem>>
    %dma_wait3A_416 = tpu.memref_slice %arg2[%add3A_18] : memref<524288xi32, #tpu.memory_space<hbm>> -> memref<512xi32, #tpu.memory_space<hbm>>
    %dma_wait3A_417 = arith.constant 8 : i32
    %dma_wait3A_418 = tpu.memref_slice %arg6[%dma_wait3A_417] : memref<8976xi32, #tpu.memory_space<vmem>> -> memref<512xi32, #tpu.memory_space<vmem>>
    %dma_wait3A_419 = tpu.memref_slice %arg2[%add3A_18] : memref<524288xi32, #tpu.memory_space<hbm>> -> memref<512xi32, #tpu.memory_space<hbm>>
    tpu.wait_dma2 semaphore(%arg11 : memref<!tpu.dma_semaphore, #tpu.memory_space<semaphore_mem>>) src(%dma_wait3A_419 : memref<512xi32, #tpu.memory_space<hbm>>) dst(%dma_wait3A_418 : memref<512xi32, #tpu.memory_space<vmem>>)
    %get3A = arith.constant 0 : index
    %get3A_420 = tpu.vector_load %arg5[%get3A] {strides = array<i32>} : memref<8976xi32, #tpu.memory_space<vmem>>, vector<16xi32>,
    %get3A_421 = vector.shape_cast %get3A_420 : vector<16xi32> to vector<16xi32>
    %get3A_422 = arith.constant 512 : index
    %get3A_423 = tpu.vector_load %arg5[%get3A_422] {strides = array<i32>} : memref<8976xi32, #tpu.memory_space<vmem>>, vector<16xi32>,
    %get3A_424 = vector.shape_cast %get3A_423 : vector<16xi32> to vector<16xi32>
    %eq3A = arith.constant 7 : i32
    %eq3A_425 = vector.broadcast %eq3A : i32 to vector<16xi32>
    %eq3A_426 = arith.cmpi eq, %iota3A, %eq3A_425 : vector<16xi32>
    %select_n3A = arith.select %eq3A_426, %get3A_424, %get3A_421 : vector<16xi1>, vector<16xi32>
    %swap3A = arith.constant 0 : index
    %swap3A_427 = tpu.vector_load %arg5[%swap3A] {strides = array<i32>} : memref<8976xi32, #tpu.memory_space<vmem>>, vector<16xi32>,
    %swap3A_428 = vector.shape_cast %swap3A_427 : vector<16xi32> to vector<16xi32>
    %swap3A_429 = vector.shape_cast %select_n3A : vector<16xi32> to vector<16xi32>
    tpu.vector_store %arg5[%swap3A], %swap3A_429 {strides = array<i32>} : memref<8976xi32, #tpu.memory_space<vmem>>, vector<16xi32>,
    %eq3A_430 = arith.constant 8 : i32
    %eq3A_431 = vector.broadcast %eq3A_430 : i32 to vector<16xi32>
    %eq3A_432 = arith.cmpi eq, %iota3A, %eq3A_431 : vector<16xi32>
    %select_n3A_433 = arith.select %eq3A_432, %get3A_421, %get3A_424 : vector<16xi1>, vector<16xi32>
    %swap3A_434 = arith.constant 512 : index
    %swap3A_435 = tpu.vector_load %arg5[%swap3A_434] {strides = array<i32>} : memref<8976xi32, #tpu.memory_space<vmem>>, vector<16xi32>,
    %swap3A_436 = vector.shape_cast %swap3A_435 : vector<16xi32> to vector<16xi32>
    %swap3A_437 = vector.shape_cast %select_n3A_433 : vector<16xi32> to vector<16xi32>
    tpu.vector_store %arg5[%swap3A_434], %swap3A_437 {strides = array<i32>} : memref<8976xi32, #tpu.memory_space<vmem>>, vector<16xi32>,
    %get3A_438 = arith.constant 0 : index
    %get3A_439 = tpu.vector_load %arg6[%get3A_438] {strides = array<i32>} : memref<8976xi32, #tpu.memory_space<vmem>>, vector<16xi32>,
    %get3A_440 = vector.shape_cast %get3A_439 : vector<16xi32> to vector<16xi32>
    %get3A_441 = arith.constant 512 : index
    %get3A_442 = tpu.vector_load %arg6[%get3A_441] {strides = array<i32>} : memref<8976xi32, #tpu.memory_space<vmem>>, vector<16xi32>,
    %get3A_443 = vector.shape_cast %get3A_442 : vector<16xi32> to vector<16xi32>
    %eq3A_444 = arith.constant 7 : i32
    %eq3A_445 = vector.broadcast %eq3A_444 : i32 to vector<16xi32>
    %eq3A_446 = arith.cmpi eq, %iota3A, %eq3A_445 : vector<16xi32>
    %select_n3A_447 = arith.select %eq3A_446, %get3A_443, %get3A_440 : vector<16xi1>, vector<16xi32>
    %swap3A_448 = arith.constant 0 : index
    %swap3A_449 = tpu.vector_load %arg6[%swap3A_448] {strides = array<i32>} : memref<8976xi32, #tpu.memory_space<vmem>>, vector<16xi32>,
    %swap3A_450 = vector.shape_cast %swap3A_449 : vector<16xi32> to vector<16xi32>
    %swap3A_451 = vector.shape_cast %select_n3A_447 : vector<16xi32> to vector<16xi32>
    tpu.vector_store %arg6[%swap3A_448], %swap3A_451 {strides = array<i32>} : memref<8976xi32, #tpu.memory_space<vmem>>, vector<16xi32>,
    %eq3A_452 = arith.constant 8 : i32
    %eq3A_453 = vector.broadcast %eq3A_452 : i32 to vector<16xi32>
    %eq3A_454 = arith.cmpi eq, %iota3A, %eq3A_453 : vector<16xi32>
    %select_n3A_455 = arith.select %eq3A_454, %get3A_440, %get3A_443 : vector<16xi1>, vector<16xi32>
    %swap3A_456 = arith.constant 512 : index
    %swap3A_457 = tpu.vector_load %arg6[%swap3A_456] {strides = array<i32>} : memref<8976xi32, #tpu.memory_space<vmem>>, vector<16xi32>,
    %swap3A_458 = vector.shape_cast %swap3A_457 : vector<16xi32> to vector<16xi32>
    %swap3A_459 = vector.shape_cast %select_n3A_455 : vector<16xi32> to vector<16xi32>
    tpu.vector_store %arg6[%swap3A_456], %swap3A_459 {strides = array<i32>} : memref<8976xi32, #tpu.memory_space<vmem>>, vector<16xi32>,
    %dma_wait3A_460 = arith.constant 536 : i32
    %dma_wait3A_461 = tpu.memref_slice %arg5[%dma_wait3A_460] : memref<8976xi32, #tpu.memory_space<vmem>> -> memref<512xi32, #tpu.memory_space<vmem>>
    %dma_wait3A_462 = tpu.memref_slice %arg2[%mul3A_32] : memref<524288xi32, #tpu.memory_space<hbm>> -> memref<512xi32, #tpu.memory_space<hbm>>
    %dma_wait3A_463 = arith.constant 536 : i32
    %dma_wait3A_464 = tpu.memref_slice %arg5[%dma_wait3A_463] : memref<8976xi32, #tpu.memory_space<vmem>> -> memref<512xi32, #tpu.memory_space<vmem>>
    %dma_wait3A_465 = tpu.memref_slice %arg2[%mul3A_32] : memref<524288xi32, #tpu.memory_space<hbm>> -> memref<512xi32, #tpu.memory_space<hbm>>
    tpu.wait_dma2 semaphore(%arg11 : memref<!tpu.dma_semaphore, #tpu.memory_space<semaphore_mem>>) src(%dma_wait3A_465 : memref<512xi32, #tpu.memory_space<hbm>>) dst(%dma_wait3A_464 : memref<512xi32, #tpu.memory_space<vmem>>)
    %dma_wait3A_466 = arith.constant 536 : i32
    %dma_wait3A_467 = tpu.memref_slice %arg6[%dma_wait3A_466] : memref<8976xi32, #tpu.memory_space<vmem>> -> memref<512xi32, #tpu.memory_space<vmem>>
    %dma_wait3A_468 = tpu.memref_slice %arg2[%add3A_42] : memref<524288xi32, #tpu.memory_space<hbm>> -> memref<512xi32, #tpu.memory_space<hbm>>
    %dma_wait3A_469 = arith.constant 536 : i32
    %dma_wait3A_470 = tpu.memref_slice %arg6[%dma_wait3A_469] : memref<8976xi32, #tpu.memory_space<vmem>> -> memref<512xi32, #tpu.memory_space<vmem>>
    %dma_wait3A_471 = tpu.memref_slice %arg2[%add3A_42] : memref<524288xi32, #tpu.memory_space<hbm>> -> memref<512xi32, #tpu.memory_space<hbm>>
    tpu.wait_dma2 semaphore(%arg11 : memref<!tpu.dma_semaphore, #tpu.memory_space<semaphore_mem>>) src(%dma_wait3A_471 : memref<512xi32, #tpu.memory_space<hbm>>) dst(%dma_wait3A_470 : memref<512xi32, #tpu.memory_space<vmem>>)
    %get3A_472 = arith.constant 528 : index
    %get3A_473 = tpu.vector_load %arg5[%get3A_472] {strides = array<i32>} : memref<8976xi32, #tpu.memory_space<vmem>>, vector<16xi32>,
    %get3A_474 = vector.shape_cast %get3A_473 : vector<16xi32> to vector<16xi32>
    %get3A_475 = arith.constant 1040 : index
    %get3A_476 = tpu.vector_load %arg5[%get3A_475] {strides = array<i32>} : memref<8976xi32, #tpu.memory_space<vmem>>, vector<16xi32>,
    %get3A_477 = vector.shape_cast %get3A_476 : vector<16xi32> to vector<16xi32>
    %eq3A_478 = arith.constant 7 : i32
    %eq3A_479 = vector.broadcast %eq3A_478 : i32 to vector<16xi32>
    %eq3A_480 = arith.cmpi eq, %iota3A, %eq3A_479 : vector<16xi32>
    %select_n3A_481 = arith.select %eq3A_480, %get3A_477, %get3A_474 : vector<16xi1>, vector<16xi32>
    %swap3A_482 = arith.constant 528 : index
    %swap3A_483 = tpu.vector_load %arg5[%swap3A_482] {strides = array<i32>} : memref<8976xi32, #tpu.memory_space<vmem>>, vector<16xi32>,
    %swap3A_484 = vector.shape_cast %swap3A_483 : vector<16xi32> to vector<16xi32>
    %swap3A_485 = vector.shape_cast %select_n3A_481 : vector<16xi32> to vector<16xi32>
    tpu.vector_store %arg5[%swap3A_482], %swap3A_485 {strides = array<i32>} : memref<8976xi32, #tpu.memory_space<vmem>>, vector<16xi32>,
    %eq3A_486 = arith.constant 8 : i32
    %eq3A_487 = vector.broadcast %eq3A_486 : i32 to vector<16xi32>
    %eq3A_488 = arith.cmpi eq, %iota3A, %eq3A_487 : vector<16xi32>
    %select_n3A_489 = arith.select %eq3A_488, %get3A_474, %get3A_477 : vector<16xi1>, vector<16xi32>
    %swap3A_490 = arith.constant 1040 : index
    %swap3A_491 = tpu.vector_load %arg5[%swap3A_490] {strides = array<i32>} : memref<8976xi32, #tpu.memory_space<vmem>>, vector<16xi32>,
    %swap3A_492 = vector.shape_cast %swap3A_491 : vector<16xi32> to vector<16xi32>
    %swap3A_493 = vector.shape_cast %select_n3A_489 : vector<16xi32> to vector<16xi32>
    tpu.vector_store %arg5[%swap3A_490], %swap3A_493 {strides = array<i32>} : memref<8976xi32, #tpu.memory_space<vmem>>, vector<16xi32>,
    %get3A_494 = arith.constant 528 : index
    %get3A_495 = tpu.vector_load %arg6[%get3A_494] {strides = array<i32>} : memref<8976xi32, #tpu.memory_space<vmem>>, vector<16xi32>,
    %get3A_496 = vector.shape_cast %get3A_495 : vector<16xi32> to vector<16xi32>
    %get3A_497 = arith.constant 1040 : index
    %get3A_498 = tpu.vector_load %arg6[%get3A_497] {strides = array<i32>} : memref<8976xi32, #tpu.memory_space<vmem>>, vector<16xi32>,
    %get3A_499 = vector.shape_cast %get3A_498 : vector<16xi32> to vector<16xi32>
    %eq3A_500 = arith.constant 7 : i32
    %eq3A_501 = vector.broadcast %eq3A_500 : i32 to vector<16xi32>
    %eq3A_502 = arith.cmpi eq, %iota3A, %eq3A_501 : vector<16xi32>
    %select_n3A_503 = arith.select %eq3A_502, %get3A_499, %get3A_496 : vector<16xi1>, vector<16xi32>
    %swap3A_504 = arith.constant 528 : index
    %swap3A_505 = tpu.vector_load %arg6[%swap3A_504] {strides = array<i32>} : memref<8976xi32, #tpu.memory_space<vmem>>, vector<16xi32>,
    %swap3A_506 = vector.shape_cast %swap3A_505 : vector<16xi32> to vector<16xi32>
    %swap3A_507 = vector.shape_cast %select_n3A_503 : vector<16xi32> to vector<16xi32>
    tpu.vector_store %arg6[%swap3A_504], %swap3A_507 {strides = array<i32>} : memref<8976xi32, #tpu.memory_space<vmem>>, vector<16xi32>,
    %eq3A_508 = arith.constant 8 : i32
    %eq3A_509 = vector.broadcast %eq3A_508 : i32 to vector<16xi32>
    %eq3A_510 = arith.cmpi eq, %iota3A, %eq3A_509 : vector<16xi32>
    %select_n3A_511 = arith.select %eq3A_510, %get3A_496, %get3A_499 : vector<16xi1>, vector<16xi32>
    %swap3A_512 = arith.constant 1040 : index
    %swap3A_513 = tpu.vector_load %arg6[%swap3A_512] {strides = array<i32>} : memref<8976xi32, #tpu.memory_space<vmem>>, vector<16xi32>,
    %swap3A_514 = vector.shape_cast %swap3A_513 : vector<16xi32> to vector<16xi32>
    %swap3A_515 = vector.shape_cast %select_n3A_511 : vector<16xi32> to vector<16xi32>
    tpu.vector_store %arg6[%swap3A_512], %swap3A_515 {strides = array<i32>} : memref<8976xi32, #tpu.memory_space<vmem>>, vector<16xi32>,
    %dma_wait3A_516 = arith.constant 1064 : i32
    %dma_wait3A_517 = tpu.memref_slice %arg5[%dma_wait3A_516] : memref<8976xi32, #tpu.memory_space<vmem>> -> memref<512xi32, #tpu.memory_space<vmem>>
    %dma_wait3A_518 = tpu.memref_slice %arg2[%mul3A_56] : memref<524288xi32, #tpu.memory_space<hbm>> -> memref<512xi32, #tpu.memory_space<hbm>>
    %dma_wait3A_519 = arith.constant 1064 : i32
    %dma_wait3A_520 = tpu.memref_slice %arg5[%dma_wait3A_519] : memref<8976xi32, #tpu.memory_space<vmem>> -> memref<512xi32, #tpu.memory_space<vmem>>
    %dma_wait3A_521 = tpu.memref_slice %arg2[%mul3A_56] : memref<524288xi32, #tpu.memory_space<hbm>> -> memref<512xi32, #tpu.memory_space<hbm>>
    tpu.wait_dma2 semaphore(%arg11 : memref<!tpu.dma_semaphore, #tpu.memory_space<semaphore_mem>>) src(%dma_wait3A_521 : memref<512xi32, #tpu.memory_space<hbm>>) dst(%dma_wait3A_520 : memref<512xi32, #tpu.memory_space<vmem>>)
    %dma_wait3A_522 = arith.constant 1064 : i32
    %dma_wait3A_523 = tpu.memref_slice %arg6[%dma_wait3A_522] : memref<8976xi32, #tpu.memory_space<vmem>> -> memref<512xi32, #tpu.memory_space<vmem>>
    %dma_wait3A_524 = tpu.memref_slice %arg2[%add3A_66] : memref<524288xi32, #tpu.memory_space<hbm>> -> memref<512xi32, #tpu.memory_space<hbm>>
    %dma_wait3A_525 = arith.constant 1064 : i32
    %dma_wait3A_526 = tpu.memref_slice %arg6[%dma_wait3A_525] : memref<8976xi32, #tpu.memory_space<vmem>> -> memref<512xi32, #tpu.memory_space<vmem>>
    %dma_wait3A_527 = tpu.memref_slice %arg2[%add3A_66] : memref<524288xi32, #tpu.memory_space<hbm>> -> memref<512xi32, #tpu.memory_space<hbm>>
    tpu.wait_dma2 semaphore(%arg11 : memref<!tpu.dma_semaphore, #tpu.memory_space<semaphore_mem>>) src(%dma_wait3A_527 : memref<512xi32, #tpu.memory_space<hbm>>) dst(%dma_wait3A_526 : memref<512xi32, #tpu.memory_space<vmem>>)
    %get3A_528 = arith.constant 1056 : index
    %get3A_529 = tpu.vector_load %arg5[%get3A_528] {strides = array<i32>} : memref<8976xi32, #tpu.memory_space<vmem>>, vector<16xi32>,
    %get3A_530 = vector.shape_cast %get3A_529 : vector<16xi32> to vector<16xi32>
    %get3A_531 = arith.constant 1568 : index
    %get3A_532 = tpu.vector_load %arg5[%get3A_531] {strides = array<i32>} : memref<8976xi32, #tpu.memory_space<vmem>>, vector<16xi32>,
    %get3A_533 = vector.shape_cast %get3A_532 : vector<16xi32> to vector<16xi32>
    %eq3A_534 = arith.constant 7 : i32
    %eq3A_535 = vector.broadcast %eq3A_534 : i32 to vector<16xi32>
    %eq3A_536 = arith.cmpi eq, %iota3A, %eq3A_535 : vector<16xi32>
    %select_n3A_537 = arith.select %eq3A_536, %get3A_533, %get3A_530 : vector<16xi1>, vector<16xi32>
    %swap3A_538 = arith.constant 1056 : index
    %swap3A_539 = tpu.vector_load %arg5[%swap3A_538] {strides = array<i32>} : memref<8976xi32, #tpu.memory_space<vmem>>, vector<16xi32>,
    %swap3A_540 = vector.shape_cast %swap3A_539 : vector<16xi32> to vector<16xi32>
    %swap3A_541 = vector.shape_cast %select_n3A_537 : vector<16xi32> to vector<16xi32>
    tpu.vector_store %arg5[%swap3A_538], %swap3A_541 {strides = array<i32>} : memref<8976xi32, #tpu.memory_space<vmem>>, vector<16xi32>,
    %eq3A_542 = arith.constant 8 : i32
    %eq3A_543 = vector.broadcast %eq3A_542 : i32 to vector<16xi32>
    %eq3A_544 = arith.cmpi eq, %iota3A, %eq3A_543 : vector<16xi32>
    %select_n3A_545 = arith.select %eq3A_544, %get3A_530, %get3A_533 : vector<16xi1>, vector<16xi32>
    %swap3A_546 = arith.constant 1568 : index
    %swap3A_547 = tpu.vector_load %arg5[%swap3A_546] {strides = array<i32>} : memref<8976xi32, #tpu.memory_space<vmem>>, vector<16xi32>,
    %swap3A_548 = vector.shape_cast %swap3A_547 : vector<16xi32> to vector<16xi32>
    %swap3A_549 = vector.shape_cast %select_n3A_545 : vector<16xi32> to vector<16xi32>
    tpu.vector_store %arg5[%swap3A_546], %swap3A_549 {strides = array<i32>} : memref<8976xi32, #tpu.memory_space<vmem>>, vector<16xi32>,
    %get3A_550 = arith.constant 1056 : index
    %get3A_551 = tpu.vector_load %arg6[%get3A_550] {strides = array<i32>} : memref<8976xi32, #tpu.memory_space<vmem>>, vector<16xi32>,
    %get3A_552 = vector.shape_cast %get3A_551 : vector<16xi32> to vector<16xi32>
    %get3A_553 = arith.constant 1568 : index
    %get3A_554 = tpu.vector_load %arg6[%get3A_553] {strides = array<i32>} : memref<8976xi32, #tpu.memory_space<vmem>>, vector<16xi32>,
    %get3A_555 = vector.shape_cast %get3A_554 : vector<16xi32> to vector<16xi32>
    %eq3A_556 = arith.constant 7 : i32
    %eq3A_557 = vector.broadcast %eq3A_556 : i32 to vector<16xi32>
    %eq3A_558 = arith.cmpi eq, %iota3A, %eq3A_557 : vector<16xi32>
    %select_n3A_559 = arith.select %eq3A_558, %get3A_555, %get3A_552 : vector<16xi1>, vector<16xi32>
    %swap3A_560 = arith.constant 1056 : index
    %swap3A_561 = tpu.vector_load %arg6[%swap3A_560] {strides = array<i32>} : memref<8976xi32, #tpu.memory_space<vmem>>, vector<16xi32>,
    %swap3A_562 = vector.shape_cast %swap3A_561 : vector<16xi32> to vector<16xi32>
    %swap3A_563 = vector.shape_cast %select_n3A_559 : vector<16xi32> to vector<16xi32>
    tpu.vector_store %arg6[%swap3A_560], %swap3A_563 {strides = array<i32>} : memref<8976xi32, #tpu.memory_space<vmem>>, vector<16xi32>,
    %eq3A_564 = arith.constant 8 : i32
    %eq3A_565 = vector.broadcast %eq3A_564 : i32 to vector<16xi32>
    %eq3A_566 = arith.cmpi eq, %iota3A, %eq3A_565 : vector<16xi32>
    %select_n3A_567 = arith.select %eq3A_566, %get3A_552, %get3A_555 : vector<16xi1>, vector<16xi32>
    %swap3A_568 = arith.constant 1568 : index
    %swap3A_569 = tpu.vector_load %arg6[%swap3A_568] {strides = array<i32>} : memref<8976xi32, #tpu.memory_space<vmem>>, vector<16xi32>,
    %swap3A_570 = vector.shape_cast %swap3A_569 : vector<16xi32> to vector<16xi32>
    %swap3A_571 = vector.shape_cast %select_n3A_567 : vector<16xi32> to vector<16xi32>
    tpu.vector_store %arg6[%swap3A_568], %swap3A_571 {strides = array<i32>} : memref<8976xi32, #tpu.memory_space<vmem>>, vector<16xi32>,
    %get3A_572 = arith.constant 0 : index
    %get3A_573 = tpu.vector_load %arg7[%get3A_572] {strides = array<i32>} : memref<16xf32, #tpu.memory_space<vmem>>, vector<16xf32>,
    %get3A_574 = vector.shape_cast %get3A_573 : vector<16xf32> to vector<16xf32>
    %broadcast_in_dim3A = arith.constant 0.000000e+00 : f32
    %broadcast_in_dim3A_575 = vector.broadcast %broadcast_in_dim3A : f32 to vector<16xf32>
    %broadcast_in_dim3A_576 = arith.constant 0 : i32
    %broadcast_in_dim3A_577 = vector.broadcast %broadcast_in_dim3A_576 : i32 to vector<16xi32>
    %broadcast_in_dim3A_578 = arith.constant 0 : i32
    %broadcast_in_dim3A_579 = vector.broadcast %broadcast_in_dim3A_578 : i32 to vector<16xi32>
    %parallel_loop3A = arith.constant 0 : i32
    %parallel_loop3A_580 = arith.constant 32 : i32
    %parallel_loop3A_581 = arith.constant 1 : i32
    %parallel_loop3A_582:3 = scf.for %parallel_loop3A_1416 = %parallel_loop3A to %parallel_loop3A_580 step %parallel_loop3A_581 iter_args(%parallel_loop3A_1417 = %broadcast_in_dim3A_575, %parallel_loop3A_1418 = %broadcast_in_dim3A_577, %parallel_loop3A_1419 = %broadcast_in_dim3A_579) -> (vector<16xf32>, vector<16xi32>, vector<16xi32>)  : i32 {
      %parallel_loop3A_1420 = arith.constant 16 : i32
      %parallel_loop3A_1421 = arith.muli %parallel_loop3A_1416, %parallel_loop3A_1420 : i32
      %parallel_loop3A_1422 = arith.constant 536 : i32
      %parallel_loop3A_1423 = arith.addi %parallel_loop3A_1422, %parallel_loop3A_1421 : i32
      %parallel_loop3A_1424 = arith.constant 528 : i32
      %parallel_loop3A_1425 = arith.subi %parallel_loop3A_1423, %parallel_loop3A_1424 : i32
      %parallel_loop3A_1426 = arith.constant 528 : i32
      %parallel_loop3A_1427 = arith.addi %parallel_loop3A_1423, %parallel_loop3A_1426 : i32
      %parallel_loop3A_1428 = arith.constant 1 : i32
      %parallel_loop3A_1429 = arith.subi %parallel_loop3A_1425, %parallel_loop3A_1428 : i32
      %parallel_loop3A_1430 = arith.index_cast %parallel_loop3A_1429 : i32 to index
      %parallel_loop3A_1431 = tpu.vector_load %arg5[%parallel_loop3A_1430] {strides = array<i32>} : memref<8976xi32, #tpu.memory_space<vmem>>, vector<16xi32>,
      %parallel_loop3A_1432 = vector.shape_cast %parallel_loop3A_1431 : vector<16xi32> to vector<16xi32>
      %parallel_loop3A_1433 = arith.constant 1 : i32
      %parallel_loop3A_1434 = arith.subi %parallel_loop3A_1425, %parallel_loop3A_1433 : i32
      %parallel_loop3A_1435 = arith.index_cast %parallel_loop3A_1434 : i32 to index
      %parallel_loop3A_1436 = tpu.vector_load %arg6[%parallel_loop3A_1435] {strides = array<i32>} : memref<8976xi32, #tpu.memory_space<vmem>>, vector<16xi32>,
      %parallel_loop3A_1437 = vector.shape_cast %parallel_loop3A_1436 : vector<16xi32> to vector<16xi32>
      %parallel_loop3A_1438 = arith.index_cast %parallel_loop3A_1425 : i32 to index
      %parallel_loop3A_1439 = tpu.vector_load %arg5[%parallel_loop3A_1438] {strides = array<i32>} : memref<8976xi32, #tpu.memory_space<vmem>>, vector<16xi32>,
      %parallel_loop3A_1440 = vector.shape_cast %parallel_loop3A_1439 : vector<16xi32> to vector<16xi32>
      %parallel_loop3A_1441 = arith.index_cast %parallel_loop3A_1425 : i32 to index
      %parallel_loop3A_1442 = tpu.vector_load %arg6[%parallel_loop3A_1441] {strides = array<i32>} : memref<8976xi32, #tpu.memory_space<vmem>>, vector<16xi32>,
      %parallel_loop3A_1443 = vector.shape_cast %parallel_loop3A_1442 : vector<16xi32> to vector<16xi32>
      %parallel_loop3A_1444 = arith.constant 1 : i32
      %parallel_loop3A_1445 = arith.addi %parallel_loop3A_1425, %parallel_loop3A_1444 : i32
      %parallel_loop3A_1446 = arith.index_cast %parallel_loop3A_1445 : i32 to index
      %parallel_loop3A_1447 = tpu.vector_load %arg5[%parallel_loop3A_1446] {strides = array<i32>} : memref<8976xi32, #tpu.memory_space<vmem>>, vector<16xi32>,
      %parallel_loop3A_1448 = vector.shape_cast %parallel_loop3A_1447 : vector<16xi32> to vector<16xi32>
      %parallel_loop3A_1449 = arith.constant 1 : i32
      %parallel_loop3A_1450 = arith.addi %parallel_loop3A_1425, %parallel_loop3A_1449 : i32
      %parallel_loop3A_1451 = arith.index_cast %parallel_loop3A_1450 : i32 to index
      %parallel_loop3A_1452 = tpu.vector_load %arg6[%parallel_loop3A_1451] {strides = array<i32>} : memref<8976xi32, #tpu.memory_space<vmem>>, vector<16xi32>,
      %parallel_loop3A_1453 = vector.shape_cast %parallel_loop3A_1452 : vector<16xi32> to vector<16xi32>
      %parallel_loop3A_1454 = arith.constant 1 : i32
      %parallel_loop3A_1455 = arith.subi %parallel_loop3A_1423, %parallel_loop3A_1454 : i32
      %parallel_loop3A_1456 = arith.index_cast %parallel_loop3A_1455 : i32 to index
      %parallel_loop3A_1457 = tpu.vector_load %arg5[%parallel_loop3A_1456] {strides = array<i32>} : memref<8976xi32, #tpu.memory_space<vmem>>, vector<16xi32>,
      %parallel_loop3A_1458 = vector.shape_cast %parallel_loop3A_1457 : vector<16xi32> to vector<16xi32>
      %parallel_loop3A_1459 = arith.constant 1 : i32
      %parallel_loop3A_1460 = arith.subi %parallel_loop3A_1423, %parallel_loop3A_1459 : i32
      %parallel_loop3A_1461 = arith.index_cast %parallel_loop3A_1460 : i32 to index
      %parallel_loop3A_1462 = tpu.vector_load %arg6[%parallel_loop3A_1461] {strides = array<i32>} : memref<8976xi32, #tpu.memory_space<vmem>>, vector<16xi32>,
      %parallel_loop3A_1463 = vector.shape_cast %parallel_loop3A_1462 : vector<16xi32> to vector<16xi32>
      %parallel_loop3A_1464 = arith.index_cast %parallel_loop3A_1423 : i32 to index
      %parallel_loop3A_1465 = tpu.vector_load %arg5[%parallel_loop3A_1464] {strides = array<i32>} : memref<8976xi32, #tpu.memory_space<vmem>>, vector<16xi32>,
      %parallel_loop3A_1466 = vector.shape_cast %parallel_loop3A_1465 : vector<16xi32> to vector<16xi32>
      %parallel_loop3A_1467 = arith.index_cast %parallel_loop3A_1423 : i32 to index
      %parallel_loop3A_1468 = tpu.vector_load %arg6[%parallel_loop3A_1467] {strides = array<i32>} : memref<8976xi32, #tpu.memory_space<vmem>>, vector<16xi32>,
      %parallel_loop3A_1469 = vector.shape_cast %parallel_loop3A_1468 : vector<16xi32> to vector<16xi32>
      %parallel_loop3A_1470 = arith.constant 1 : i32
      %parallel_loop3A_1471 = arith.addi %parallel_loop3A_1423, %parallel_loop3A_1470 : i32
      %parallel_loop3A_1472 = arith.index_cast %parallel_loop3A_1471 : i32 to index
      %parallel_loop3A_1473 = tpu.vector_load %arg5[%parallel_loop3A_1472] {strides = array<i32>} : memref<8976xi32, #tpu.memory_space<vmem>>, vector<16xi32>,
      %parallel_loop3A_1474 = vector.shape_cast %parallel_loop3A_1473 : vector<16xi32> to vector<16xi32>
      %parallel_loop3A_1475 = arith.constant 1 : i32
      %parallel_loop3A_1476 = arith.addi %parallel_loop3A_1423, %parallel_loop3A_1475 : i32
      %parallel_loop3A_1477 = arith.index_cast %parallel_loop3A_1476 : i32 to index
      %parallel_loop3A_1478 = tpu.vector_load %arg6[%parallel_loop3A_1477] {strides = array<i32>} : memref<8976xi32, #tpu.memory_space<vmem>>, vector<16xi32>,
      %parallel_loop3A_1479 = vector.shape_cast %parallel_loop3A_1478 : vector<16xi32> to vector<16xi32>
      %parallel_loop3A_1480 = arith.constant 1 : i32
      %parallel_loop3A_1481 = arith.subi %parallel_loop3A_1427, %parallel_loop3A_1480 : i32
      %parallel_loop3A_1482 = arith.index_cast %parallel_loop3A_1481 : i32 to index
      %parallel_loop3A_1483 = tpu.vector_load %arg5[%parallel_loop3A_1482] {strides = array<i32>} : memref<8976xi32, #tpu.memory_space<vmem>>, vector<16xi32>,
      %parallel_loop3A_1484 = vector.shape_cast %parallel_loop3A_1483 : vector<16xi32> to vector<16xi32>
      %parallel_loop3A_1485 = arith.constant 1 : i32
      %parallel_loop3A_1486 = arith.subi %parallel_loop3A_1427, %parallel_loop3A_1485 : i32
      %parallel_loop3A_1487 = arith.index_cast %parallel_loop3A_1486 : i32 to index
      %parallel_loop3A_1488 = tpu.vector_load %arg6[%parallel_loop3A_1487] {strides = array<i32>} : memref<8976xi32, #tpu.memory_space<vmem>>, vector<16xi32>,
      %parallel_loop3A_1489 = vector.shape_cast %parallel_loop3A_1488 : vector<16xi32> to vector<16xi32>
      %parallel_loop3A_1490 = arith.index_cast %parallel_loop3A_1427 : i32 to index
      %parallel_loop3A_1491 = tpu.vector_load %arg5[%parallel_loop3A_1490] {strides = array<i32>} : memref<8976xi32, #tpu.memory_space<vmem>>, vector<16xi32>,
      %parallel_loop3A_1492 = vector.shape_cast %parallel_loop3A_1491 : vector<16xi32> to vector<16xi32>
      %parallel_loop3A_1493 = arith.index_cast %parallel_loop3A_1427 : i32 to index
      %parallel_loop3A_1494 = tpu.vector_load %arg6[%parallel_loop3A_1493] {strides = array<i32>} : memref<8976xi32, #tpu.memory_space<vmem>>, vector<16xi32>,
      %parallel_loop3A_1495 = vector.shape_cast %parallel_loop3A_1494 : vector<16xi32> to vector<16xi32>
      %parallel_loop3A_1496 = arith.constant 3 : i32
      %parallel_loop3A_1497 = vector.broadcast %parallel_loop3A_1496 : i32 to vector<16xi32>
      %parallel_loop3A_1498 = arith.muli %parallel_loop3A_1469, %parallel_loop3A_1497 : vector<16xi32>
      %parallel_loop3A_1499 = arith.constant 1 : i32
      %parallel_loop3A_1500 = vector.broadcast %parallel_loop3A_1499 : i32 to vector<16xi32>
      %parallel_loop3A_1501 = arith.andi %parallel_loop3A_1466, %parallel_loop3A_1500 : vector<16xi32>
      %parallel_loop3A_1502 = arith.addi %parallel_loop3A_1418, %parallel_loop3A_1501 : vector<16xi32>
      %parallel_loop3A_1503 = arith.constant 1 : i32
      %parallel_loop3A_1504 = vector.broadcast %parallel_loop3A_1503 : i32 to vector<16xi32>
      %parallel_loop3A_1505 = arith.shrsi %parallel_loop3A_1466, %parallel_loop3A_1504 : vector<16xi32>
      %parallel_loop3A_1506 = arith.addi %parallel_loop3A_1419, %parallel_loop3A_1505 : vector<16xi32>
      %parallel_loop3A_1507 = arith.cmpi ne, %parallel_loop3A_1466, %parallel_loop3A_1458 : vector<16xi32>
      %parallel_loop3A_1508 = arith.addi %parallel_loop3A_1498, %parallel_loop3A_1463 : vector<16xi32>
      %parallel_loop3A_1509 = arith.constant 9 : i32
      %parallel_loop3A_1510 = vector.broadcast %parallel_loop3A_1509 : i32 to vector<16xi32>
      %parallel_loop3A_1511 = arith.select %parallel_loop3A_1507, %parallel_loop3A_1508, %parallel_loop3A_1510 : vector<16xi1>, vector<16xi32>
      %parallel_loop3A_1512 = arith.constant 0 : i32
      %parallel_loop3A_1513 = vector.broadcast %parallel_loop3A_1512 : i32 to vector<16xi32>
      %parallel_loop3A_1514 = arith.cmpi slt, %parallel_loop3A_1511, %parallel_loop3A_1513 : vector<16xi32>
      %parallel_loop3A_1515 = arith.constant 16 : i32
      %parallel_loop3A_1516 = vector.broadcast %parallel_loop3A_1515 : i32 to vector<16xi32>
      %parallel_loop3A_1517 = arith.addi %parallel_loop3A_1511, %parallel_loop3A_1516 : vector<16xi32>
      %parallel_loop3A_1518 = arith.select %parallel_loop3A_1514, %parallel_loop3A_1517, %parallel_loop3A_1511 : vector<16xi1>, vector<16xi32>
      %parallel_loop3A_1519 = vector.shape_cast %parallel_loop3A_1518 : vector<16xi32> to vector<16x1xi32>
      %parallel_loop3A_1520 = vector.shape_cast %parallel_loop3A_1519 : vector<16x1xi32> to vector<16xi32>
      %parallel_loop3A_1521 = tpu.dynamic_gather %get3A_574[%parallel_loop3A_1520] in [0] : vector<16xf32>, vector<16xi32> -> vector<16xf32>
      %parallel_loop3A_1522 = arith.addf %parallel_loop3A_1417, %parallel_loop3A_1521 : vector<16xf32>
      %parallel_loop3A_1523 = arith.cmpi ne, %parallel_loop3A_1466, %parallel_loop3A_1432 : vector<16xi32>
      %parallel_loop3A_1524 = arith.addi %parallel_loop3A_1498, %parallel_loop3A_1437 : vector<16xi32>
      %parallel_loop3A_1525 = arith.constant 9 : i32
      %parallel_loop3A_1526 = vector.broadcast %parallel_loop3A_1525 : i32 to vector<16xi32>
      %parallel_loop3A_1527 = arith.select %parallel_loop3A_1523, %parallel_loop3A_1524, %parallel_loop3A_1526 : vector<16xi1>, vector<16xi32>
      %parallel_loop3A_1528 = arith.constant 0 : i32
      %parallel_loop3A_1529 = vector.broadcast %parallel_loop3A_1528 : i32 to vector<16xi32>
      %parallel_loop3A_1530 = arith.cmpi slt, %parallel_loop3A_1527, %parallel_loop3A_1529 : vector<16xi32>
      %parallel_loop3A_1531 = arith.constant 16 : i32
      %parallel_loop3A_1532 = vector.broadcast %parallel_loop3A_1531 : i32 to vector<16xi32>
      %parallel_loop3A_1533 = arith.addi %parallel_loop3A_1527, %parallel_loop3A_1532 : vector<16xi32>
      %parallel_loop3A_1534 = arith.select %parallel_loop3A_1530, %parallel_loop3A_1533, %parallel_loop3A_1527 : vector<16xi1>, vector<16xi32>
      %parallel_loop3A_1535 = vector.shape_cast %parallel_loop3A_1534 : vector<16xi32> to vector<16x1xi32>
      %parallel_loop3A_1536 = vector.shape_cast %parallel_loop3A_1535 : vector<16x1xi32> to vector<16xi32>
      %parallel_loop3A_1537 = tpu.dynamic_gather %get3A_574[%parallel_loop3A_1536] in [0] : vector<16xf32>, vector<16xi32> -> vector<16xf32>
      %parallel_loop3A_1538 = arith.addf %parallel_loop3A_1522, %parallel_loop3A_1537 : vector<16xf32>
      %parallel_loop3A_1539 = arith.cmpi ne, %parallel_loop3A_1466, %parallel_loop3A_1440 : vector<16xi32>
      %parallel_loop3A_1540 = arith.addi %parallel_loop3A_1498, %parallel_loop3A_1443 : vector<16xi32>
      %parallel_loop3A_1541 = arith.constant 9 : i32
      %parallel_loop3A_1542 = vector.broadcast %parallel_loop3A_1541 : i32 to vector<16xi32>
      %parallel_loop3A_1543 = arith.select %parallel_loop3A_1539, %parallel_loop3A_1540, %parallel_loop3A_1542 : vector<16xi1>, vector<16xi32>
      %parallel_loop3A_1544 = arith.constant 0 : i32
      %parallel_loop3A_1545 = vector.broadcast %parallel_loop3A_1544 : i32 to vector<16xi32>
      %parallel_loop3A_1546 = arith.cmpi slt, %parallel_loop3A_1543, %parallel_loop3A_1545 : vector<16xi32>
      %parallel_loop3A_1547 = arith.constant 16 : i32
      %parallel_loop3A_1548 = vector.broadcast %parallel_loop3A_1547 : i32 to vector<16xi32>
      %parallel_loop3A_1549 = arith.addi %parallel_loop3A_1543, %parallel_loop3A_1548 : vector<16xi32>
      %parallel_loop3A_1550 = arith.select %parallel_loop3A_1546, %parallel_loop3A_1549, %parallel_loop3A_1543 : vector<16xi1>, vector<16xi32>
      %parallel_loop3A_1551 = vector.shape_cast %parallel_loop3A_1550 : vector<16xi32> to vector<16x1xi32>
      %parallel_loop3A_1552 = vector.shape_cast %parallel_loop3A_1551 : vector<16x1xi32> to vector<16xi32>
      %parallel_loop3A_1553 = tpu.dynamic_gather %get3A_574[%parallel_loop3A_1552] in [0] : vector<16xf32>, vector<16xi32> -> vector<16xf32>
      %parallel_loop3A_1554 = arith.addf %parallel_loop3A_1538, %parallel_loop3A_1553 : vector<16xf32>
      %parallel_loop3A_1555 = arith.cmpi ne, %parallel_loop3A_1466, %parallel_loop3A_1448 : vector<16xi32>
      %parallel_loop3A_1556 = arith.addi %parallel_loop3A_1498, %parallel_loop3A_1453 : vector<16xi32>
      %parallel_loop3A_1557 = arith.constant 9 : i32
      %parallel_loop3A_1558 = vector.broadcast %parallel_loop3A_1557 : i32 to vector<16xi32>
      %parallel_loop3A_1559 = arith.select %parallel_loop3A_1555, %parallel_loop3A_1556, %parallel_loop3A_1558 : vector<16xi1>, vector<16xi32>
      %parallel_loop3A_1560 = arith.constant 0 : i32
      %parallel_loop3A_1561 = vector.broadcast %parallel_loop3A_1560 : i32 to vector<16xi32>
      %parallel_loop3A_1562 = arith.cmpi slt, %parallel_loop3A_1559, %parallel_loop3A_1561 : vector<16xi32>
      %parallel_loop3A_1563 = arith.constant 16 : i32
      %parallel_loop3A_1564 = vector.broadcast %parallel_loop3A_1563 : i32 to vector<16xi32>
      %parallel_loop3A_1565 = arith.addi %parallel_loop3A_1559, %parallel_loop3A_1564 : vector<16xi32>
      %parallel_loop3A_1566 = arith.select %parallel_loop3A_1562, %parallel_loop3A_1565, %parallel_loop3A_1559 : vector<16xi1>, vector<16xi32>
      %parallel_loop3A_1567 = vector.shape_cast %parallel_loop3A_1566 : vector<16xi32> to vector<16x1xi32>
      %parallel_loop3A_1568 = vector.shape_cast %parallel_loop3A_1567 : vector<16x1xi32> to vector<16xi32>
      %parallel_loop3A_1569 = tpu.dynamic_gather %get3A_574[%parallel_loop3A_1568] in [0] : vector<16xf32>, vector<16xi32> -> vector<16xf32>
      %parallel_loop3A_1570 = arith.addf %parallel_loop3A_1554, %parallel_loop3A_1569 : vector<16xf32>
      %parallel_loop3A_1571 = arith.constant 3 : i32
      %parallel_loop3A_1572 = vector.broadcast %parallel_loop3A_1571 : i32 to vector<16xi32>
      %parallel_loop3A_1573 = arith.muli %parallel_loop3A_1495, %parallel_loop3A_1572 : vector<16xi32>
      %parallel_loop3A_1574 = arith.constant 1 : i32
      %parallel_loop3A_1575 = vector.broadcast %parallel_loop3A_1574 : i32 to vector<16xi32>
      %parallel_loop3A_1576 = arith.andi %parallel_loop3A_1492, %parallel_loop3A_1575 : vector<16xi32>
      %parallel_loop3A_1577 = arith.addi %parallel_loop3A_1502, %parallel_loop3A_1576 : vector<16xi32>
      %parallel_loop3A_1578 = arith.constant 1 : i32
      %parallel_loop3A_1579 = vector.broadcast %parallel_loop3A_1578 : i32 to vector<16xi32>
      %parallel_loop3A_1580 = arith.shrsi %parallel_loop3A_1492, %parallel_loop3A_1579 : vector<16xi32>
      %parallel_loop3A_1581 = arith.addi %parallel_loop3A_1506, %parallel_loop3A_1580 : vector<16xi32>
      %parallel_loop3A_1582 = arith.cmpi ne, %parallel_loop3A_1492, %parallel_loop3A_1484 : vector<16xi32>
      %parallel_loop3A_1583 = arith.addi %parallel_loop3A_1573, %parallel_loop3A_1489 : vector<16xi32>
      %parallel_loop3A_1584 = arith.constant 9 : i32
      %parallel_loop3A_1585 = vector.broadcast %parallel_loop3A_1584 : i32 to vector<16xi32>
      %parallel_loop3A_1586 = arith.select %parallel_loop3A_1582, %parallel_loop3A_1583, %parallel_loop3A_1585 : vector<16xi1>, vector<16xi32>
      %parallel_loop3A_1587 = arith.constant 0 : i32
      %parallel_loop3A_1588 = vector.broadcast %parallel_loop3A_1587 : i32 to vector<16xi32>
      %parallel_loop3A_1589 = arith.cmpi slt, %parallel_loop3A_1586, %parallel_loop3A_1588 : vector<16xi32>
      %parallel_loop3A_1590 = arith.constant 16 : i32
      %parallel_loop3A_1591 = vector.broadcast %parallel_loop3A_1590 : i32 to vector<16xi32>
      %parallel_loop3A_1592 = arith.addi %parallel_loop3A_1586, %parallel_loop3A_1591 : vector<16xi32>
      %parallel_loop3A_1593 = arith.select %parallel_loop3A_1589, %parallel_loop3A_1592, %parallel_loop3A_1586 : vector<16xi1>, vector<16xi32>
      %parallel_loop3A_1594 = vector.shape_cast %parallel_loop3A_1593 : vector<16xi32> to vector<16x1xi32>
      %parallel_loop3A_1595 = vector.shape_cast %parallel_loop3A_1594 : vector<16x1xi32> to vector<16xi32>
      %parallel_loop3A_1596 = tpu.dynamic_gather %get3A_574[%parallel_loop3A_1595] in [0] : vector<16xf32>, vector<16xi32> -> vector<16xf32>
      %parallel_loop3A_1597 = arith.addf %parallel_loop3A_1570, %parallel_loop3A_1596 : vector<16xf32>
      %parallel_loop3A_1598 = arith.cmpi ne, %parallel_loop3A_1492, %parallel_loop3A_1458 : vector<16xi32>
      %parallel_loop3A_1599 = arith.addi %parallel_loop3A_1573, %parallel_loop3A_1463 : vector<16xi32>
      %parallel_loop3A_1600 = arith.constant 9 : i32
      %parallel_loop3A_1601 = vector.broadcast %parallel_loop3A_1600 : i32 to vector<16xi32>
      %parallel_loop3A_1602 = arith.select %parallel_loop3A_1598, %parallel_loop3A_1599, %parallel_loop3A_1601 : vector<16xi1>, vector<16xi32>
      %parallel_loop3A_1603 = arith.constant 0 : i32
      %parallel_loop3A_1604 = vector.broadcast %parallel_loop3A_1603 : i32 to vector<16xi32>
      %parallel_loop3A_1605 = arith.cmpi slt, %parallel_loop3A_1602, %parallel_loop3A_1604 : vector<16xi32>
      %parallel_loop3A_1606 = arith.constant 16 : i32
      %parallel_loop3A_1607 = vector.broadcast %parallel_loop3A_1606 : i32 to vector<16xi32>
      %parallel_loop3A_1608 = arith.addi %parallel_loop3A_1602, %parallel_loop3A_1607 : vector<16xi32>
      %parallel_loop3A_1609 = arith.select %parallel_loop3A_1605, %parallel_loop3A_1608, %parallel_loop3A_1602 : vector<16xi1>, vector<16xi32>
      %parallel_loop3A_1610 = vector.shape_cast %parallel_loop3A_1609 : vector<16xi32> to vector<16x1xi32>
      %parallel_loop3A_1611 = vector.shape_cast %parallel_loop3A_1610 : vector<16x1xi32> to vector<16xi32>
      %parallel_loop3A_1612 = tpu.dynamic_gather %get3A_574[%parallel_loop3A_1611] in [0] : vector<16xf32>, vector<16xi32> -> vector<16xf32>
      %parallel_loop3A_1613 = arith.addf %parallel_loop3A_1597, %parallel_loop3A_1612 : vector<16xf32>
      %parallel_loop3A_1614 = arith.cmpi ne, %parallel_loop3A_1492, %parallel_loop3A_1466 : vector<16xi32>
      %parallel_loop3A_1615 = arith.addi %parallel_loop3A_1573, %parallel_loop3A_1469 : vector<16xi32>
      %parallel_loop3A_1616 = arith.constant 9 : i32
      %parallel_loop3A_1617 = vector.broadcast %parallel_loop3A_1616 : i32 to vector<16xi32>
      %parallel_loop3A_1618 = arith.select %parallel_loop3A_1614, %parallel_loop3A_1615, %parallel_loop3A_1617 : vector<16xi1>, vector<16xi32>
      %parallel_loop3A_1619 = arith.constant 0 : i32
      %parallel_loop3A_1620 = vector.broadcast %parallel_loop3A_1619 : i32 to vector<16xi32>
      %parallel_loop3A_1621 = arith.cmpi slt, %parallel_loop3A_1618, %parallel_loop3A_1620 : vector<16xi32>
      %parallel_loop3A_1622 = arith.constant 16 : i32
      %parallel_loop3A_1623 = vector.broadcast %parallel_loop3A_1622 : i32 to vector<16xi32>
      %parallel_loop3A_1624 = arith.addi %parallel_loop3A_1618, %parallel_loop3A_1623 : vector<16xi32>
      %parallel_loop3A_1625 = arith.select %parallel_loop3A_1621, %parallel_loop3A_1624, %parallel_loop3A_1618 : vector<16xi1>, vector<16xi32>
      %parallel_loop3A_1626 = vector.shape_cast %parallel_loop3A_1625 : vector<16xi32> to vector<16x1xi32>
      %parallel_loop3A_1627 = vector.shape_cast %parallel_loop3A_1626 : vector<16x1xi32> to vector<16xi32>
      %parallel_loop3A_1628 = tpu.dynamic_gather %get3A_574[%parallel_loop3A_1627] in [0] : vector<16xf32>, vector<16xi32> -> vector<16xf32>
      %parallel_loop3A_1629 = arith.addf %parallel_loop3A_1613, %parallel_loop3A_1628 : vector<16xf32>
      %parallel_loop3A_1630 = arith.cmpi ne, %parallel_loop3A_1492, %parallel_loop3A_1474 : vector<16xi32>
      %parallel_loop3A_1631 = arith.addi %parallel_loop3A_1573, %parallel_loop3A_1479 : vector<16xi32>
      %parallel_loop3A_1632 = arith.constant 9 : i32
      %parallel_loop3A_1633 = vector.broadcast %parallel_loop3A_1632 : i32 to vector<16xi32>
      %parallel_loop3A_1634 = arith.select %parallel_loop3A_1630, %parallel_loop3A_1631, %parallel_loop3A_1633 : vector<16xi1>, vector<16xi32>
      %parallel_loop3A_1635 = arith.constant 0 : i32
      %parallel_loop3A_1636 = vector.broadcast %parallel_loop3A_1635 : i32 to vector<16xi32>
      %parallel_loop3A_1637 = arith.cmpi slt, %parallel_loop3A_1634, %parallel_loop3A_1636 : vector<16xi32>
      %parallel_loop3A_1638 = arith.constant 16 : i32
      %parallel_loop3A_1639 = vector.broadcast %parallel_loop3A_1638 : i32 to vector<16xi32>
      %parallel_loop3A_1640 = arith.addi %parallel_loop3A_1634, %parallel_loop3A_1639 : vector<16xi32>
      %parallel_loop3A_1641 = arith.select %parallel_loop3A_1637, %parallel_loop3A_1640, %parallel_loop3A_1634 : vector<16xi1>, vector<16xi32>
      %parallel_loop3A_1642 = vector.shape_cast %parallel_loop3A_1641 : vector<16xi32> to vector<16x1xi32>
      %parallel_loop3A_1643 = vector.shape_cast %parallel_loop3A_1642 : vector<16x1xi32> to vector<16xi32>
      %parallel_loop3A_1644 = tpu.dynamic_gather %get3A_574[%parallel_loop3A_1643] in [0] : vector<16xf32>, vector<16xi32> -> vector<16xf32>
      %parallel_loop3A_1645 = arith.addf %parallel_loop3A_1629, %parallel_loop3A_1644 : vector<16xf32>
      scf.yield %parallel_loop3A_1645, %parallel_loop3A_1577, %parallel_loop3A_1581 : vector<16xf32>, vector<16xi32>, vector<16xi32>
    } {sc.loop_unroll_factor = 2 : i64, sc.parallel_access}
    %dma_wait3A_583 = arith.constant 1592 : i32
    %dma_wait3A_584 = tpu.memref_slice %arg5[%dma_wait3A_583] : memref<8976xi32, #tpu.memory_space<vmem>> -> memref<512xi32, #tpu.memory_space<vmem>>
    %dma_wait3A_585 = tpu.memref_slice %arg2[%mul3A_80] : memref<524288xi32, #tpu.memory_space<hbm>> -> memref<512xi32, #tpu.memory_space<hbm>>
    %dma_wait3A_586 = arith.constant 1592 : i32
    %dma_wait3A_587 = tpu.memref_slice %arg5[%dma_wait3A_586] : memref<8976xi32, #tpu.memory_space<vmem>> -> memref<512xi32, #tpu.memory_space<vmem>>
    %dma_wait3A_588 = tpu.memref_slice %arg2[%mul3A_80] : memref<524288xi32, #tpu.memory_space<hbm>> -> memref<512xi32, #tpu.memory_space<hbm>>
    tpu.wait_dma2 semaphore(%arg11 : memref<!tpu.dma_semaphore, #tpu.memory_space<semaphore_mem>>) src(%dma_wait3A_588 : memref<512xi32, #tpu.memory_space<hbm>>) dst(%dma_wait3A_587 : memref<512xi32, #tpu.memory_space<vmem>>)
    %dma_wait3A_589 = arith.constant 1592 : i32
    %dma_wait3A_590 = tpu.memref_slice %arg6[%dma_wait3A_589] : memref<8976xi32, #tpu.memory_space<vmem>> -> memref<512xi32, #tpu.memory_space<vmem>>
    %dma_wait3A_591 = tpu.memref_slice %arg2[%add3A_90] : memref<524288xi32, #tpu.memory_space<hbm>> -> memref<512xi32, #tpu.memory_space<hbm>>
    %dma_wait3A_592 = arith.constant 1592 : i32
    %dma_wait3A_593 = tpu.memref_slice %arg6[%dma_wait3A_592] : memref<8976xi32, #tpu.memory_space<vmem>> -> memref<512xi32, #tpu.memory_space<vmem>>
    %dma_wait3A_594 = tpu.memref_slice %arg2[%add3A_90] : memref<524288xi32, #tpu.memory_space<hbm>> -> memref<512xi32, #tpu.memory_space<hbm>>
    tpu.wait_dma2 semaphore(%arg11 : memref<!tpu.dma_semaphore, #tpu.memory_space<semaphore_mem>>) src(%dma_wait3A_594 : memref<512xi32, #tpu.memory_space<hbm>>) dst(%dma_wait3A_593 : memref<512xi32, #tpu.memory_space<vmem>>)
    %get3A_595 = arith.constant 1584 : index
    %get3A_596 = tpu.vector_load %arg5[%get3A_595] {strides = array<i32>} : memref<8976xi32, #tpu.memory_space<vmem>>, vector<16xi32>,
    %get3A_597 = vector.shape_cast %get3A_596 : vector<16xi32> to vector<16xi32>
    %get3A_598 = arith.constant 2096 : index
    %get3A_599 = tpu.vector_load %arg5[%get3A_598] {strides = array<i32>} : memref<8976xi32, #tpu.memory_space<vmem>>, vector<16xi32>,
    %get3A_600 = vector.shape_cast %get3A_599 : vector<16xi32> to vector<16xi32>
    %eq3A_601 = arith.constant 7 : i32
    %eq3A_602 = vector.broadcast %eq3A_601 : i32 to vector<16xi32>
    %eq3A_603 = arith.cmpi eq, %iota3A, %eq3A_602 : vector<16xi32>
    %select_n3A_604 = arith.select %eq3A_603, %get3A_600, %get3A_597 : vector<16xi1>, vector<16xi32>
    %swap3A_605 = arith.constant 1584 : index
    %swap3A_606 = tpu.vector_load %arg5[%swap3A_605] {strides = array<i32>} : memref<8976xi32, #tpu.memory_space<vmem>>, vector<16xi32>,
    %swap3A_607 = vector.shape_cast %swap3A_606 : vector<16xi32> to vector<16xi32>
    %swap3A_608 = vector.shape_cast %select_n3A_604 : vector<16xi32> to vector<16xi32>
    tpu.vector_store %arg5[%swap3A_605], %swap3A_608 {strides = array<i32>} : memref<8976xi32, #tpu.memory_space<vmem>>, vector<16xi32>,
    %eq3A_609 = arith.constant 8 : i32
    %eq3A_610 = vector.broadcast %eq3A_609 : i32 to vector<16xi32>
    %eq3A_611 = arith.cmpi eq, %iota3A, %eq3A_610 : vector<16xi32>
    %select_n3A_612 = arith.select %eq3A_611, %get3A_597, %get3A_600 : vector<16xi1>, vector<16xi32>
    %swap3A_613 = arith.constant 2096 : index
    %swap3A_614 = tpu.vector_load %arg5[%swap3A_613] {strides = array<i32>} : memref<8976xi32, #tpu.memory_space<vmem>>, vector<16xi32>,
    %swap3A_615 = vector.shape_cast %swap3A_614 : vector<16xi32> to vector<16xi32>
    %swap3A_616 = vector.shape_cast %select_n3A_612 : vector<16xi32> to vector<16xi32>
    tpu.vector_store %arg5[%swap3A_613], %swap3A_616 {strides = array<i32>} : memref<8976xi32, #tpu.memory_space<vmem>>, vector<16xi32>,
    %get3A_617 = arith.constant 1584 : index
    %get3A_618 = tpu.vector_load %arg6[%get3A_617] {strides = array<i32>} : memref<8976xi32, #tpu.memory_space<vmem>>, vector<16xi32>,
    %get3A_619 = vector.shape_cast %get3A_618 : vector<16xi32> to vector<16xi32>
    %get3A_620 = arith.constant 2096 : index
    %get3A_621 = tpu.vector_load %arg6[%get3A_620] {strides = array<i32>} : memref<8976xi32, #tpu.memory_space<vmem>>, vector<16xi32>,
    %get3A_622 = vector.shape_cast %get3A_621 : vector<16xi32> to vector<16xi32>
    %eq3A_623 = arith.constant 7 : i32
    %eq3A_624 = vector.broadcast %eq3A_623 : i32 to vector<16xi32>
    %eq3A_625 = arith.cmpi eq, %iota3A, %eq3A_624 : vector<16xi32>
    %select_n3A_626 = arith.select %eq3A_625, %get3A_622, %get3A_619 : vector<16xi1>, vector<16xi32>
    %swap3A_627 = arith.constant 1584 : index
    %swap3A_628 = tpu.vector_load %arg6[%swap3A_627] {strides = array<i32>} : memref<8976xi32, #tpu.memory_space<vmem>>, vector<16xi32>,
    %swap3A_629 = vector.shape_cast %swap3A_628 : vector<16xi32> to vector<16xi32>
    %swap3A_630 = vector.shape_cast %select_n3A_626 : vector<16xi32> to vector<16xi32>
    tpu.vector_store %arg6[%swap3A_627], %swap3A_630 {strides = array<i32>} : memref<8976xi32, #tpu.memory_space<vmem>>, vector<16xi32>,
    %eq3A_631 = arith.constant 8 : i32
    %eq3A_632 = vector.broadcast %eq3A_631 : i32 to vector<16xi32>
    %eq3A_633 = arith.cmpi eq, %iota3A, %eq3A_632 : vector<16xi32>
    %select_n3A_634 = arith.select %eq3A_633, %get3A_619, %get3A_622 : vector<16xi1>, vector<16xi32>
    %swap3A_635 = arith.constant 2096 : index
    %swap3A_636 = tpu.vector_load %arg6[%swap3A_635] {strides = array<i32>} : memref<8976xi32, #tpu.memory_space<vmem>>, vector<16xi32>,
    %swap3A_637 = vector.shape_cast %swap3A_636 : vector<16xi32> to vector<16xi32>
    %swap3A_638 = vector.shape_cast %select_n3A_634 : vector<16xi32> to vector<16xi32>
    tpu.vector_store %arg6[%swap3A_635], %swap3A_638 {strides = array<i32>} : memref<8976xi32, #tpu.memory_space<vmem>>, vector<16xi32>,
    %dma_wait3A_639 = arith.constant 2120 : i32
    %dma_wait3A_640 = tpu.memref_slice %arg5[%dma_wait3A_639] : memref<8976xi32, #tpu.memory_space<vmem>> -> memref<512xi32, #tpu.memory_space<vmem>>
    %dma_wait3A_641 = tpu.memref_slice %arg2[%mul3A_104] : memref<524288xi32, #tpu.memory_space<hbm>> -> memref<512xi32, #tpu.memory_space<hbm>>
    %dma_wait3A_642 = arith.constant 2120 : i32
    %dma_wait3A_643 = tpu.memref_slice %arg5[%dma_wait3A_642] : memref<8976xi32, #tpu.memory_space<vmem>> -> memref<512xi32, #tpu.memory_space<vmem>>
    %dma_wait3A_644 = tpu.memref_slice %arg2[%mul3A_104] : memref<524288xi32, #tpu.memory_space<hbm>> -> memref<512xi32, #tpu.memory_space<hbm>>
    tpu.wait_dma2 semaphore(%arg11 : memref<!tpu.dma_semaphore, #tpu.memory_space<semaphore_mem>>) src(%dma_wait3A_644 : memref<512xi32, #tpu.memory_space<hbm>>) dst(%dma_wait3A_643 : memref<512xi32, #tpu.memory_space<vmem>>)
    %dma_wait3A_645 = arith.constant 2120 : i32
    %dma_wait3A_646 = tpu.memref_slice %arg6[%dma_wait3A_645] : memref<8976xi32, #tpu.memory_space<vmem>> -> memref<512xi32, #tpu.memory_space<vmem>>
    %dma_wait3A_647 = tpu.memref_slice %arg2[%add3A_114] : memref<524288xi32, #tpu.memory_space<hbm>> -> memref<512xi32, #tpu.memory_space<hbm>>
    %dma_wait3A_648 = arith.constant 2120 : i32
    %dma_wait3A_649 = tpu.memref_slice %arg6[%dma_wait3A_648] : memref<8976xi32, #tpu.memory_space<vmem>> -> memref<512xi32, #tpu.memory_space<vmem>>
    %dma_wait3A_650 = tpu.memref_slice %arg2[%add3A_114] : memref<524288xi32, #tpu.memory_space<hbm>> -> memref<512xi32, #tpu.memory_space<hbm>>
    tpu.wait_dma2 semaphore(%arg11 : memref<!tpu.dma_semaphore, #tpu.memory_space<semaphore_mem>>) src(%dma_wait3A_650 : memref<512xi32, #tpu.memory_space<hbm>>) dst(%dma_wait3A_649 : memref<512xi32, #tpu.memory_space<vmem>>)
    %get3A_651 = arith.constant 2112 : index
    %get3A_652 = tpu.vector_load %arg5[%get3A_651] {strides = array<i32>} : memref<8976xi32, #tpu.memory_space<vmem>>, vector<16xi32>,
    %get3A_653 = vector.shape_cast %get3A_652 : vector<16xi32> to vector<16xi32>
    %get3A_654 = arith.constant 2624 : index
    %get3A_655 = tpu.vector_load %arg5[%get3A_654] {strides = array<i32>} : memref<8976xi32, #tpu.memory_space<vmem>>, vector<16xi32>,
    %get3A_656 = vector.shape_cast %get3A_655 : vector<16xi32> to vector<16xi32>
    %eq3A_657 = arith.constant 7 : i32
    %eq3A_658 = vector.broadcast %eq3A_657 : i32 to vector<16xi32>
    %eq3A_659 = arith.cmpi eq, %iota3A, %eq3A_658 : vector<16xi32>
    %select_n3A_660 = arith.select %eq3A_659, %get3A_656, %get3A_653 : vector<16xi1>, vector<16xi32>
    %swap3A_661 = arith.constant 2112 : index
    %swap3A_662 = tpu.vector_load %arg5[%swap3A_661] {strides = array<i32>} : memref<8976xi32, #tpu.memory_space<vmem>>, vector<16xi32>,
    %swap3A_663 = vector.shape_cast %swap3A_662 : vector<16xi32> to vector<16xi32>
    %swap3A_664 = vector.shape_cast %select_n3A_660 : vector<16xi32> to vector<16xi32>
    tpu.vector_store %arg5[%swap3A_661], %swap3A_664 {strides = array<i32>} : memref<8976xi32, #tpu.memory_space<vmem>>, vector<16xi32>,
    %eq3A_665 = arith.constant 8 : i32
    %eq3A_666 = vector.broadcast %eq3A_665 : i32 to vector<16xi32>
    %eq3A_667 = arith.cmpi eq, %iota3A, %eq3A_666 : vector<16xi32>
    %select_n3A_668 = arith.select %eq3A_667, %get3A_653, %get3A_656 : vector<16xi1>, vector<16xi32>
    %swap3A_669 = arith.constant 2624 : index
    %swap3A_670 = tpu.vector_load %arg5[%swap3A_669] {strides = array<i32>} : memref<8976xi32, #tpu.memory_space<vmem>>, vector<16xi32>,
    %swap3A_671 = vector.shape_cast %swap3A_670 : vector<16xi32> to vector<16xi32>
    %swap3A_672 = vector.shape_cast %select_n3A_668 : vector<16xi32> to vector<16xi32>
    tpu.vector_store %arg5[%swap3A_669], %swap3A_672 {strides = array<i32>} : memref<8976xi32, #tpu.memory_space<vmem>>, vector<16xi32>,
    %get3A_673 = arith.constant 2112 : index
    %get3A_674 = tpu.vector_load %arg6[%get3A_673] {strides = array<i32>} : memref<8976xi32, #tpu.memory_space<vmem>>, vector<16xi32>,
    %get3A_675 = vector.shape_cast %get3A_674 : vector<16xi32> to vector<16xi32>
    %get3A_676 = arith.constant 2624 : index
    %get3A_677 = tpu.vector_load %arg6[%get3A_676] {strides = array<i32>} : memref<8976xi32, #tpu.memory_space<vmem>>, vector<16xi32>,
    %get3A_678 = vector.shape_cast %get3A_677 : vector<16xi32> to vector<16xi32>
    %eq3A_679 = arith.constant 7 : i32
    %eq3A_680 = vector.broadcast %eq3A_679 : i32 to vector<16xi32>
    %eq3A_681 = arith.cmpi eq, %iota3A, %eq3A_680 : vector<16xi32>
    %select_n3A_682 = arith.select %eq3A_681, %get3A_678, %get3A_675 : vector<16xi1>, vector<16xi32>
    %swap3A_683 = arith.constant 2112 : index
    %swap3A_684 = tpu.vector_load %arg6[%swap3A_683] {strides = array<i32>} : memref<8976xi32, #tpu.memory_space<vmem>>, vector<16xi32>,
    %swap3A_685 = vector.shape_cast %swap3A_684 : vector<16xi32> to vector<16xi32>
    %swap3A_686 = vector.shape_cast %select_n3A_682 : vector<16xi32> to vector<16xi32>
    tpu.vector_store %arg6[%swap3A_683], %swap3A_686 {strides = array<i32>} : memref<8976xi32, #tpu.memory_space<vmem>>, vector<16xi32>,
    %eq3A_687 = arith.constant 8 : i32
    %eq3A_688 = vector.broadcast %eq3A_687 : i32 to vector<16xi32>
    %eq3A_689 = arith.cmpi eq, %iota3A, %eq3A_688 : vector<16xi32>
    %select_n3A_690 = arith.select %eq3A_689, %get3A_675, %get3A_678 : vector<16xi1>, vector<16xi32>
    %swap3A_691 = arith.constant 2624 : index
    %swap3A_692 = tpu.vector_load %arg6[%swap3A_691] {strides = array<i32>} : memref<8976xi32, #tpu.memory_space<vmem>>, vector<16xi32>,
    %swap3A_693 = vector.shape_cast %swap3A_692 : vector<16xi32> to vector<16xi32>
    %swap3A_694 = vector.shape_cast %select_n3A_690 : vector<16xi32> to vector<16xi32>
    tpu.vector_store %arg6[%swap3A_691], %swap3A_694 {strides = array<i32>} : memref<8976xi32, #tpu.memory_space<vmem>>, vector<16xi32>,
    %parallel_loop3A_695 = arith.constant 0 : i32
    %parallel_loop3A_696 = arith.constant 32 : i32
    %parallel_loop3A_697 = arith.constant 1 : i32
    %parallel_loop3A_698:3 = scf.for %parallel_loop3A_1416 = %parallel_loop3A_695 to %parallel_loop3A_696 step %parallel_loop3A_697 iter_args(%parallel_loop3A_1417 = %parallel_loop3A_582#0, %parallel_loop3A_1418 = %parallel_loop3A_582#1, %parallel_loop3A_1419 = %parallel_loop3A_582#2) -> (vector<16xf32>, vector<16xi32>, vector<16xi32>)  : i32 {
      %parallel_loop3A_1420 = arith.constant 16 : i32
      %parallel_loop3A_1421 = arith.muli %parallel_loop3A_1416, %parallel_loop3A_1420 : i32
      %parallel_loop3A_1422 = arith.constant 1592 : i32
      %parallel_loop3A_1423 = arith.addi %parallel_loop3A_1422, %parallel_loop3A_1421 : i32
      %parallel_loop3A_1424 = arith.constant 528 : i32
      %parallel_loop3A_1425 = arith.subi %parallel_loop3A_1423, %parallel_loop3A_1424 : i32
      %parallel_loop3A_1426 = arith.constant 528 : i32
      %parallel_loop3A_1427 = arith.addi %parallel_loop3A_1423, %parallel_loop3A_1426 : i32
      %parallel_loop3A_1428 = arith.constant 1 : i32
      %parallel_loop3A_1429 = arith.subi %parallel_loop3A_1425, %parallel_loop3A_1428 : i32
      %parallel_loop3A_1430 = arith.index_cast %parallel_loop3A_1429 : i32 to index
      %parallel_loop3A_1431 = tpu.vector_load %arg5[%parallel_loop3A_1430] {strides = array<i32>} : memref<8976xi32, #tpu.memory_space<vmem>>, vector<16xi32>,
      %parallel_loop3A_1432 = vector.shape_cast %parallel_loop3A_1431 : vector<16xi32> to vector<16xi32>
      %parallel_loop3A_1433 = arith.constant 1 : i32
      %parallel_loop3A_1434 = arith.subi %parallel_loop3A_1425, %parallel_loop3A_1433 : i32
      %parallel_loop3A_1435 = arith.index_cast %parallel_loop3A_1434 : i32 to index
      %parallel_loop3A_1436 = tpu.vector_load %arg6[%parallel_loop3A_1435] {strides = array<i32>} : memref<8976xi32, #tpu.memory_space<vmem>>, vector<16xi32>,
      %parallel_loop3A_1437 = vector.shape_cast %parallel_loop3A_1436 : vector<16xi32> to vector<16xi32>
      %parallel_loop3A_1438 = arith.index_cast %parallel_loop3A_1425 : i32 to index
      %parallel_loop3A_1439 = tpu.vector_load %arg5[%parallel_loop3A_1438] {strides = array<i32>} : memref<8976xi32, #tpu.memory_space<vmem>>, vector<16xi32>,
      %parallel_loop3A_1440 = vector.shape_cast %parallel_loop3A_1439 : vector<16xi32> to vector<16xi32>
      %parallel_loop3A_1441 = arith.index_cast %parallel_loop3A_1425 : i32 to index
      %parallel_loop3A_1442 = tpu.vector_load %arg6[%parallel_loop3A_1441] {strides = array<i32>} : memref<8976xi32, #tpu.memory_space<vmem>>, vector<16xi32>,
      %parallel_loop3A_1443 = vector.shape_cast %parallel_loop3A_1442 : vector<16xi32> to vector<16xi32>
      %parallel_loop3A_1444 = arith.constant 1 : i32
      %parallel_loop3A_1445 = arith.addi %parallel_loop3A_1425, %parallel_loop3A_1444 : i32
      %parallel_loop3A_1446 = arith.index_cast %parallel_loop3A_1445 : i32 to index
      %parallel_loop3A_1447 = tpu.vector_load %arg5[%parallel_loop3A_1446] {strides = array<i32>} : memref<8976xi32, #tpu.memory_space<vmem>>, vector<16xi32>,
      %parallel_loop3A_1448 = vector.shape_cast %parallel_loop3A_1447 : vector<16xi32> to vector<16xi32>
      %parallel_loop3A_1449 = arith.constant 1 : i32
      %parallel_loop3A_1450 = arith.addi %parallel_loop3A_1425, %parallel_loop3A_1449 : i32
      %parallel_loop3A_1451 = arith.index_cast %parallel_loop3A_1450 : i32 to index
      %parallel_loop3A_1452 = tpu.vector_load %arg6[%parallel_loop3A_1451] {strides = array<i32>} : memref<8976xi32, #tpu.memory_space<vmem>>, vector<16xi32>,
      %parallel_loop3A_1453 = vector.shape_cast %parallel_loop3A_1452 : vector<16xi32> to vector<16xi32>
      %parallel_loop3A_1454 = arith.constant 1 : i32
      %parallel_loop3A_1455 = arith.subi %parallel_loop3A_1423, %parallel_loop3A_1454 : i32
      %parallel_loop3A_1456 = arith.index_cast %parallel_loop3A_1455 : i32 to index
      %parallel_loop3A_1457 = tpu.vector_load %arg5[%parallel_loop3A_1456] {strides = array<i32>} : memref<8976xi32, #tpu.memory_space<vmem>>, vector<16xi32>,
      %parallel_loop3A_1458 = vector.shape_cast %parallel_loop3A_1457 : vector<16xi32> to vector<16xi32>
      %parallel_loop3A_1459 = arith.constant 1 : i32
      %parallel_loop3A_1460 = arith.subi %parallel_loop3A_1423, %parallel_loop3A_1459 : i32
      %parallel_loop3A_1461 = arith.index_cast %parallel_loop3A_1460 : i32 to index
      %parallel_loop3A_1462 = tpu.vector_load %arg6[%parallel_loop3A_1461] {strides = array<i32>} : memref<8976xi32, #tpu.memory_space<vmem>>, vector<16xi32>,
      %parallel_loop3A_1463 = vector.shape_cast %parallel_loop3A_1462 : vector<16xi32> to vector<16xi32>
      %parallel_loop3A_1464 = arith.index_cast %parallel_loop3A_1423 : i32 to index
      %parallel_loop3A_1465 = tpu.vector_load %arg5[%parallel_loop3A_1464] {strides = array<i32>} : memref<8976xi32, #tpu.memory_space<vmem>>, vector<16xi32>,
      %parallel_loop3A_1466 = vector.shape_cast %parallel_loop3A_1465 : vector<16xi32> to vector<16xi32>
      %parallel_loop3A_1467 = arith.index_cast %parallel_loop3A_1423 : i32 to index
      %parallel_loop3A_1468 = tpu.vector_load %arg6[%parallel_loop3A_1467] {strides = array<i32>} : memref<8976xi32, #tpu.memory_space<vmem>>, vector<16xi32>,
      %parallel_loop3A_1469 = vector.shape_cast %parallel_loop3A_1468 : vector<16xi32> to vector<16xi32>
      %parallel_loop3A_1470 = arith.constant 1 : i32
      %parallel_loop3A_1471 = arith.addi %parallel_loop3A_1423, %parallel_loop3A_1470 : i32
      %parallel_loop3A_1472 = arith.index_cast %parallel_loop3A_1471 : i32 to index
      %parallel_loop3A_1473 = tpu.vector_load %arg5[%parallel_loop3A_1472] {strides = array<i32>} : memref<8976xi32, #tpu.memory_space<vmem>>, vector<16xi32>,
      %parallel_loop3A_1474 = vector.shape_cast %parallel_loop3A_1473 : vector<16xi32> to vector<16xi32>
      %parallel_loop3A_1475 = arith.constant 1 : i32
      %parallel_loop3A_1476 = arith.addi %parallel_loop3A_1423, %parallel_loop3A_1475 : i32
      %parallel_loop3A_1477 = arith.index_cast %parallel_loop3A_1476 : i32 to index
      %parallel_loop3A_1478 = tpu.vector_load %arg6[%parallel_loop3A_1477] {strides = array<i32>} : memref<8976xi32, #tpu.memory_space<vmem>>, vector<16xi32>,
      %parallel_loop3A_1479 = vector.shape_cast %parallel_loop3A_1478 : vector<16xi32> to vector<16xi32>
      %parallel_loop3A_1480 = arith.constant 1 : i32
      %parallel_loop3A_1481 = arith.subi %parallel_loop3A_1427, %parallel_loop3A_1480 : i32
      %parallel_loop3A_1482 = arith.index_cast %parallel_loop3A_1481 : i32 to index
      %parallel_loop3A_1483 = tpu.vector_load %arg5[%parallel_loop3A_1482] {strides = array<i32>} : memref<8976xi32, #tpu.memory_space<vmem>>, vector<16xi32>,
      %parallel_loop3A_1484 = vector.shape_cast %parallel_loop3A_1483 : vector<16xi32> to vector<16xi32>
      %parallel_loop3A_1485 = arith.constant 1 : i32
      %parallel_loop3A_1486 = arith.subi %parallel_loop3A_1427, %parallel_loop3A_1485 : i32
      %parallel_loop3A_1487 = arith.index_cast %parallel_loop3A_1486 : i32 to index
      %parallel_loop3A_1488 = tpu.vector_load %arg6[%parallel_loop3A_1487] {strides = array<i32>} : memref<8976xi32, #tpu.memory_space<vmem>>, vector<16xi32>,
      %parallel_loop3A_1489 = vector.shape_cast %parallel_loop3A_1488 : vector<16xi32> to vector<16xi32>
      %parallel_loop3A_1490 = arith.index_cast %parallel_loop3A_1427 : i32 to index
      %parallel_loop3A_1491 = tpu.vector_load %arg5[%parallel_loop3A_1490] {strides = array<i32>} : memref<8976xi32, #tpu.memory_space<vmem>>, vector<16xi32>,
      %parallel_loop3A_1492 = vector.shape_cast %parallel_loop3A_1491 : vector<16xi32> to vector<16xi32>
      %parallel_loop3A_1493 = arith.index_cast %parallel_loop3A_1427 : i32 to index
      %parallel_loop3A_1494 = tpu.vector_load %arg6[%parallel_loop3A_1493] {strides = array<i32>} : memref<8976xi32, #tpu.memory_space<vmem>>, vector<16xi32>,
      %parallel_loop3A_1495 = vector.shape_cast %parallel_loop3A_1494 : vector<16xi32> to vector<16xi32>
      %parallel_loop3A_1496 = arith.constant 3 : i32
      %parallel_loop3A_1497 = vector.broadcast %parallel_loop3A_1496 : i32 to vector<16xi32>
      %parallel_loop3A_1498 = arith.muli %parallel_loop3A_1469, %parallel_loop3A_1497 : vector<16xi32>
      %parallel_loop3A_1499 = arith.constant 1 : i32
      %parallel_loop3A_1500 = vector.broadcast %parallel_loop3A_1499 : i32 to vector<16xi32>
      %parallel_loop3A_1501 = arith.andi %parallel_loop3A_1466, %parallel_loop3A_1500 : vector<16xi32>
      %parallel_loop3A_1502 = arith.addi %parallel_loop3A_1418, %parallel_loop3A_1501 : vector<16xi32>
      %parallel_loop3A_1503 = arith.constant 1 : i32
      %parallel_loop3A_1504 = vector.broadcast %parallel_loop3A_1503 : i32 to vector<16xi32>
      %parallel_loop3A_1505 = arith.shrsi %parallel_loop3A_1466, %parallel_loop3A_1504 : vector<16xi32>
      %parallel_loop3A_1506 = arith.addi %parallel_loop3A_1419, %parallel_loop3A_1505 : vector<16xi32>
      %parallel_loop3A_1507 = arith.cmpi ne, %parallel_loop3A_1466, %parallel_loop3A_1458 : vector<16xi32>
      %parallel_loop3A_1508 = arith.addi %parallel_loop3A_1498, %parallel_loop3A_1463 : vector<16xi32>
      %parallel_loop3A_1509 = arith.constant 9 : i32
      %parallel_loop3A_1510 = vector.broadcast %parallel_loop3A_1509 : i32 to vector<16xi32>
      %parallel_loop3A_1511 = arith.select %parallel_loop3A_1507, %parallel_loop3A_1508, %parallel_loop3A_1510 : vector<16xi1>, vector<16xi32>
      %parallel_loop3A_1512 = arith.constant 0 : i32
      %parallel_loop3A_1513 = vector.broadcast %parallel_loop3A_1512 : i32 to vector<16xi32>
      %parallel_loop3A_1514 = arith.cmpi slt, %parallel_loop3A_1511, %parallel_loop3A_1513 : vector<16xi32>
      %parallel_loop3A_1515 = arith.constant 16 : i32
      %parallel_loop3A_1516 = vector.broadcast %parallel_loop3A_1515 : i32 to vector<16xi32>
      %parallel_loop3A_1517 = arith.addi %parallel_loop3A_1511, %parallel_loop3A_1516 : vector<16xi32>
      %parallel_loop3A_1518 = arith.select %parallel_loop3A_1514, %parallel_loop3A_1517, %parallel_loop3A_1511 : vector<16xi1>, vector<16xi32>
      %parallel_loop3A_1519 = vector.shape_cast %parallel_loop3A_1518 : vector<16xi32> to vector<16x1xi32>
      %parallel_loop3A_1520 = vector.shape_cast %parallel_loop3A_1519 : vector<16x1xi32> to vector<16xi32>
      %parallel_loop3A_1521 = tpu.dynamic_gather %get3A_574[%parallel_loop3A_1520] in [0] : vector<16xf32>, vector<16xi32> -> vector<16xf32>
      %parallel_loop3A_1522 = arith.addf %parallel_loop3A_1417, %parallel_loop3A_1521 : vector<16xf32>
      %parallel_loop3A_1523 = arith.cmpi ne, %parallel_loop3A_1466, %parallel_loop3A_1432 : vector<16xi32>
      %parallel_loop3A_1524 = arith.addi %parallel_loop3A_1498, %parallel_loop3A_1437 : vector<16xi32>
      %parallel_loop3A_1525 = arith.constant 9 : i32
      %parallel_loop3A_1526 = vector.broadcast %parallel_loop3A_1525 : i32 to vector<16xi32>
      %parallel_loop3A_1527 = arith.select %parallel_loop3A_1523, %parallel_loop3A_1524, %parallel_loop3A_1526 : vector<16xi1>, vector<16xi32>
      %parallel_loop3A_1528 = arith.constant 0 : i32
      %parallel_loop3A_1529 = vector.broadcast %parallel_loop3A_1528 : i32 to vector<16xi32>
      %parallel_loop3A_1530 = arith.cmpi slt, %parallel_loop3A_1527, %parallel_loop3A_1529 : vector<16xi32>
      %parallel_loop3A_1531 = arith.constant 16 : i32
      %parallel_loop3A_1532 = vector.broadcast %parallel_loop3A_1531 : i32 to vector<16xi32>
      %parallel_loop3A_1533 = arith.addi %parallel_loop3A_1527, %parallel_loop3A_1532 : vector<16xi32>
      %parallel_loop3A_1534 = arith.select %parallel_loop3A_1530, %parallel_loop3A_1533, %parallel_loop3A_1527 : vector<16xi1>, vector<16xi32>
      %parallel_loop3A_1535 = vector.shape_cast %parallel_loop3A_1534 : vector<16xi32> to vector<16x1xi32>
      %parallel_loop3A_1536 = vector.shape_cast %parallel_loop3A_1535 : vector<16x1xi32> to vector<16xi32>
      %parallel_loop3A_1537 = tpu.dynamic_gather %get3A_574[%parallel_loop3A_1536] in [0] : vector<16xf32>, vector<16xi32> -> vector<16xf32>
      %parallel_loop3A_1538 = arith.addf %parallel_loop3A_1522, %parallel_loop3A_1537 : vector<16xf32>
      %parallel_loop3A_1539 = arith.cmpi ne, %parallel_loop3A_1466, %parallel_loop3A_1440 : vector<16xi32>
      %parallel_loop3A_1540 = arith.addi %parallel_loop3A_1498, %parallel_loop3A_1443 : vector<16xi32>
      %parallel_loop3A_1541 = arith.constant 9 : i32
      %parallel_loop3A_1542 = vector.broadcast %parallel_loop3A_1541 : i32 to vector<16xi32>
      %parallel_loop3A_1543 = arith.select %parallel_loop3A_1539, %parallel_loop3A_1540, %parallel_loop3A_1542 : vector<16xi1>, vector<16xi32>
      %parallel_loop3A_1544 = arith.constant 0 : i32
      %parallel_loop3A_1545 = vector.broadcast %parallel_loop3A_1544 : i32 to vector<16xi32>
      %parallel_loop3A_1546 = arith.cmpi slt, %parallel_loop3A_1543, %parallel_loop3A_1545 : vector<16xi32>
      %parallel_loop3A_1547 = arith.constant 16 : i32
      %parallel_loop3A_1548 = vector.broadcast %parallel_loop3A_1547 : i32 to vector<16xi32>
      %parallel_loop3A_1549 = arith.addi %parallel_loop3A_1543, %parallel_loop3A_1548 : vector<16xi32>
      %parallel_loop3A_1550 = arith.select %parallel_loop3A_1546, %parallel_loop3A_1549, %parallel_loop3A_1543 : vector<16xi1>, vector<16xi32>
      %parallel_loop3A_1551 = vector.shape_cast %parallel_loop3A_1550 : vector<16xi32> to vector<16x1xi32>
      %parallel_loop3A_1552 = vector.shape_cast %parallel_loop3A_1551 : vector<16x1xi32> to vector<16xi32>
      %parallel_loop3A_1553 = tpu.dynamic_gather %get3A_574[%parallel_loop3A_1552] in [0] : vector<16xf32>, vector<16xi32> -> vector<16xf32>
      %parallel_loop3A_1554 = arith.addf %parallel_loop3A_1538, %parallel_loop3A_1553 : vector<16xf32>
      %parallel_loop3A_1555 = arith.cmpi ne, %parallel_loop3A_1466, %parallel_loop3A_1448 : vector<16xi32>
      %parallel_loop3A_1556 = arith.addi %parallel_loop3A_1498, %parallel_loop3A_1453 : vector<16xi32>
      %parallel_loop3A_1557 = arith.constant 9 : i32
      %parallel_loop3A_1558 = vector.broadcast %parallel_loop3A_1557 : i32 to vector<16xi32>
      %parallel_loop3A_1559 = arith.select %parallel_loop3A_1555, %parallel_loop3A_1556, %parallel_loop3A_1558 : vector<16xi1>, vector<16xi32>
      %parallel_loop3A_1560 = arith.constant 0 : i32
      %parallel_loop3A_1561 = vector.broadcast %parallel_loop3A_1560 : i32 to vector<16xi32>
      %parallel_loop3A_1562 = arith.cmpi slt, %parallel_loop3A_1559, %parallel_loop3A_1561 : vector<16xi32>
      %parallel_loop3A_1563 = arith.constant 16 : i32
      %parallel_loop3A_1564 = vector.broadcast %parallel_loop3A_1563 : i32 to vector<16xi32>
      %parallel_loop3A_1565 = arith.addi %parallel_loop3A_1559, %parallel_loop3A_1564 : vector<16xi32>
      %parallel_loop3A_1566 = arith.select %parallel_loop3A_1562, %parallel_loop3A_1565, %parallel_loop3A_1559 : vector<16xi1>, vector<16xi32>
      %parallel_loop3A_1567 = vector.shape_cast %parallel_loop3A_1566 : vector<16xi32> to vector<16x1xi32>
      %parallel_loop3A_1568 = vector.shape_cast %parallel_loop3A_1567 : vector<16x1xi32> to vector<16xi32>
      %parallel_loop3A_1569 = tpu.dynamic_gather %get3A_574[%parallel_loop3A_1568] in [0] : vector<16xf32>, vector<16xi32> -> vector<16xf32>
      %parallel_loop3A_1570 = arith.addf %parallel_loop3A_1554, %parallel_loop3A_1569 : vector<16xf32>
      %parallel_loop3A_1571 = arith.constant 3 : i32
      %parallel_loop3A_1572 = vector.broadcast %parallel_loop3A_1571 : i32 to vector<16xi32>
      %parallel_loop3A_1573 = arith.muli %parallel_loop3A_1495, %parallel_loop3A_1572 : vector<16xi32>
      %parallel_loop3A_1574 = arith.constant 1 : i32
      %parallel_loop3A_1575 = vector.broadcast %parallel_loop3A_1574 : i32 to vector<16xi32>
      %parallel_loop3A_1576 = arith.andi %parallel_loop3A_1492, %parallel_loop3A_1575 : vector<16xi32>
      %parallel_loop3A_1577 = arith.addi %parallel_loop3A_1502, %parallel_loop3A_1576 : vector<16xi32>
      %parallel_loop3A_1578 = arith.constant 1 : i32
      %parallel_loop3A_1579 = vector.broadcast %parallel_loop3A_1578 : i32 to vector<16xi32>
      %parallel_loop3A_1580 = arith.shrsi %parallel_loop3A_1492, %parallel_loop3A_1579 : vector<16xi32>
      %parallel_loop3A_1581 = arith.addi %parallel_loop3A_1506, %parallel_loop3A_1580 : vector<16xi32>
      %parallel_loop3A_1582 = arith.cmpi ne, %parallel_loop3A_1492, %parallel_loop3A_1484 : vector<16xi32>
      %parallel_loop3A_1583 = arith.addi %parallel_loop3A_1573, %parallel_loop3A_1489 : vector<16xi32>
      %parallel_loop3A_1584 = arith.constant 9 : i32
      %parallel_loop3A_1585 = vector.broadcast %parallel_loop3A_1584 : i32 to vector<16xi32>
      %parallel_loop3A_1586 = arith.select %parallel_loop3A_1582, %parallel_loop3A_1583, %parallel_loop3A_1585 : vector<16xi1>, vector<16xi32>
      %parallel_loop3A_1587 = arith.constant 0 : i32
      %parallel_loop3A_1588 = vector.broadcast %parallel_loop3A_1587 : i32 to vector<16xi32>
      %parallel_loop3A_1589 = arith.cmpi slt, %parallel_loop3A_1586, %parallel_loop3A_1588 : vector<16xi32>
      %parallel_loop3A_1590 = arith.constant 16 : i32
      %parallel_loop3A_1591 = vector.broadcast %parallel_loop3A_1590 : i32 to vector<16xi32>
      %parallel_loop3A_1592 = arith.addi %parallel_loop3A_1586, %parallel_loop3A_1591 : vector<16xi32>
      %parallel_loop3A_1593 = arith.select %parallel_loop3A_1589, %parallel_loop3A_1592, %parallel_loop3A_1586 : vector<16xi1>, vector<16xi32>
      %parallel_loop3A_1594 = vector.shape_cast %parallel_loop3A_1593 : vector<16xi32> to vector<16x1xi32>
      %parallel_loop3A_1595 = vector.shape_cast %parallel_loop3A_1594 : vector<16x1xi32> to vector<16xi32>
      %parallel_loop3A_1596 = tpu.dynamic_gather %get3A_574[%parallel_loop3A_1595] in [0] : vector<16xf32>, vector<16xi32> -> vector<16xf32>
      %parallel_loop3A_1597 = arith.addf %parallel_loop3A_1570, %parallel_loop3A_1596 : vector<16xf32>
      %parallel_loop3A_1598 = arith.cmpi ne, %parallel_loop3A_1492, %parallel_loop3A_1458 : vector<16xi32>
      %parallel_loop3A_1599 = arith.addi %parallel_loop3A_1573, %parallel_loop3A_1463 : vector<16xi32>
      %parallel_loop3A_1600 = arith.constant 9 : i32
      %parallel_loop3A_1601 = vector.broadcast %parallel_loop3A_1600 : i32 to vector<16xi32>
      %parallel_loop3A_1602 = arith.select %parallel_loop3A_1598, %parallel_loop3A_1599, %parallel_loop3A_1601 : vector<16xi1>, vector<16xi32>
      %parallel_loop3A_1603 = arith.constant 0 : i32
      %parallel_loop3A_1604 = vector.broadcast %parallel_loop3A_1603 : i32 to vector<16xi32>
      %parallel_loop3A_1605 = arith.cmpi slt, %parallel_loop3A_1602, %parallel_loop3A_1604 : vector<16xi32>
      %parallel_loop3A_1606 = arith.constant 16 : i32
      %parallel_loop3A_1607 = vector.broadcast %parallel_loop3A_1606 : i32 to vector<16xi32>
      %parallel_loop3A_1608 = arith.addi %parallel_loop3A_1602, %parallel_loop3A_1607 : vector<16xi32>
      %parallel_loop3A_1609 = arith.select %parallel_loop3A_1605, %parallel_loop3A_1608, %parallel_loop3A_1602 : vector<16xi1>, vector<16xi32>
      %parallel_loop3A_1610 = vector.shape_cast %parallel_loop3A_1609 : vector<16xi32> to vector<16x1xi32>
      %parallel_loop3A_1611 = vector.shape_cast %parallel_loop3A_1610 : vector<16x1xi32> to vector<16xi32>
      %parallel_loop3A_1612 = tpu.dynamic_gather %get3A_574[%parallel_loop3A_1611] in [0] : vector<16xf32>, vector<16xi32> -> vector<16xf32>
      %parallel_loop3A_1613 = arith.addf %parallel_loop3A_1597, %parallel_loop3A_1612 : vector<16xf32>
      %parallel_loop3A_1614 = arith.cmpi ne, %parallel_loop3A_1492, %parallel_loop3A_1466 : vector<16xi32>
      %parallel_loop3A_1615 = arith.addi %parallel_loop3A_1573, %parallel_loop3A_1469 : vector<16xi32>
      %parallel_loop3A_1616 = arith.constant 9 : i32
      %parallel_loop3A_1617 = vector.broadcast %parallel_loop3A_1616 : i32 to vector<16xi32>
      %parallel_loop3A_1618 = arith.select %parallel_loop3A_1614, %parallel_loop3A_1615, %parallel_loop3A_1617 : vector<16xi1>, vector<16xi32>
      %parallel_loop3A_1619 = arith.constant 0 : i32
      %parallel_loop3A_1620 = vector.broadcast %parallel_loop3A_1619 : i32 to vector<16xi32>
      %parallel_loop3A_1621 = arith.cmpi slt, %parallel_loop3A_1618, %parallel_loop3A_1620 : vector<16xi32>
      %parallel_loop3A_1622 = arith.constant 16 : i32
      %parallel_loop3A_1623 = vector.broadcast %parallel_loop3A_1622 : i32 to vector<16xi32>
      %parallel_loop3A_1624 = arith.addi %parallel_loop3A_1618, %parallel_loop3A_1623 : vector<16xi32>
      %parallel_loop3A_1625 = arith.select %parallel_loop3A_1621, %parallel_loop3A_1624, %parallel_loop3A_1618 : vector<16xi1>, vector<16xi32>
      %parallel_loop3A_1626 = vector.shape_cast %parallel_loop3A_1625 : vector<16xi32> to vector<16x1xi32>
      %parallel_loop3A_1627 = vector.shape_cast %parallel_loop3A_1626 : vector<16x1xi32> to vector<16xi32>
      %parallel_loop3A_1628 = tpu.dynamic_gather %get3A_574[%parallel_loop3A_1627] in [0] : vector<16xf32>, vector<16xi32> -> vector<16xf32>
      %parallel_loop3A_1629 = arith.addf %parallel_loop3A_1613, %parallel_loop3A_1628 : vector<16xf32>
      %parallel_loop3A_1630 = arith.cmpi ne, %parallel_loop3A_1492, %parallel_loop3A_1474 : vector<16xi32>
      %parallel_loop3A_1631 = arith.addi %parallel_loop3A_1573, %parallel_loop3A_1479 : vector<16xi32>
      %parallel_loop3A_1632 = arith.constant 9 : i32
      %parallel_loop3A_1633 = vector.broadcast %parallel_loop3A_1632 : i32 to vector<16xi32>
      %parallel_loop3A_1634 = arith.select %parallel_loop3A_1630, %parallel_loop3A_1631, %parallel_loop3A_1633 : vector<16xi1>, vector<16xi32>
      %parallel_loop3A_1635 = arith.constant 0 : i32
      %parallel_loop3A_1636 = vector.broadcast %parallel_loop3A_1635 : i32 to vector<16xi32>
      %parallel_loop3A_1637 = arith.cmpi slt, %parallel_loop3A_1634, %parallel_loop3A_1636 : vector<16xi32>
      %parallel_loop3A_1638 = arith.constant 16 : i32
      %parallel_loop3A_1639 = vector.broadcast %parallel_loop3A_1638 : i32 to vector<16xi32>
      %parallel_loop3A_1640 = arith.addi %parallel_loop3A_1634, %parallel_loop3A_1639 : vector<16xi32>
      %parallel_loop3A_1641 = arith.select %parallel_loop3A_1637, %parallel_loop3A_1640, %parallel_loop3A_1634 : vector<16xi1>, vector<16xi32>
      %parallel_loop3A_1642 = vector.shape_cast %parallel_loop3A_1641 : vector<16xi32> to vector<16x1xi32>
      %parallel_loop3A_1643 = vector.shape_cast %parallel_loop3A_1642 : vector<16x1xi32> to vector<16xi32>
      %parallel_loop3A_1644 = tpu.dynamic_gather %get3A_574[%parallel_loop3A_1643] in [0] : vector<16xf32>, vector<16xi32> -> vector<16xf32>
      %parallel_loop3A_1645 = arith.addf %parallel_loop3A_1629, %parallel_loop3A_1644 : vector<16xf32>
      scf.yield %parallel_loop3A_1645, %parallel_loop3A_1577, %parallel_loop3A_1581 : vector<16xf32>, vector<16xi32>, vector<16xi32>
    } {sc.loop_unroll_factor = 2 : i64, sc.parallel_access}
    %dma_wait3A_699 = arith.constant 2648 : i32
    %dma_wait3A_700 = tpu.memref_slice %arg5[%dma_wait3A_699] : memref<8976xi32, #tpu.memory_space<vmem>> -> memref<512xi32, #tpu.memory_space<vmem>>
    %dma_wait3A_701 = tpu.memref_slice %arg2[%mul3A_128] : memref<524288xi32, #tpu.memory_space<hbm>> -> memref<512xi32, #tpu.memory_space<hbm>>
    %dma_wait3A_702 = arith.constant 2648 : i32
    %dma_wait3A_703 = tpu.memref_slice %arg5[%dma_wait3A_702] : memref<8976xi32, #tpu.memory_space<vmem>> -> memref<512xi32, #tpu.memory_space<vmem>>
    %dma_wait3A_704 = tpu.memref_slice %arg2[%mul3A_128] : memref<524288xi32, #tpu.memory_space<hbm>> -> memref<512xi32, #tpu.memory_space<hbm>>
    tpu.wait_dma2 semaphore(%arg11 : memref<!tpu.dma_semaphore, #tpu.memory_space<semaphore_mem>>) src(%dma_wait3A_704 : memref<512xi32, #tpu.memory_space<hbm>>) dst(%dma_wait3A_703 : memref<512xi32, #tpu.memory_space<vmem>>)
    %dma_wait3A_705 = arith.constant 2648 : i32
    %dma_wait3A_706 = tpu.memref_slice %arg6[%dma_wait3A_705] : memref<8976xi32, #tpu.memory_space<vmem>> -> memref<512xi32, #tpu.memory_space<vmem>>
    %dma_wait3A_707 = tpu.memref_slice %arg2[%add3A_138] : memref<524288xi32, #tpu.memory_space<hbm>> -> memref<512xi32, #tpu.memory_space<hbm>>
    %dma_wait3A_708 = arith.constant 2648 : i32
    %dma_wait3A_709 = tpu.memref_slice %arg6[%dma_wait3A_708] : memref<8976xi32, #tpu.memory_space<vmem>> -> memref<512xi32, #tpu.memory_space<vmem>>
    %dma_wait3A_710 = tpu.memref_slice %arg2[%add3A_138] : memref<524288xi32, #tpu.memory_space<hbm>> -> memref<512xi32, #tpu.memory_space<hbm>>
    tpu.wait_dma2 semaphore(%arg11 : memref<!tpu.dma_semaphore, #tpu.memory_space<semaphore_mem>>) src(%dma_wait3A_710 : memref<512xi32, #tpu.memory_space<hbm>>) dst(%dma_wait3A_709 : memref<512xi32, #tpu.memory_space<vmem>>)
    %get3A_711 = arith.constant 2640 : index
    %get3A_712 = tpu.vector_load %arg5[%get3A_711] {strides = array<i32>} : memref<8976xi32, #tpu.memory_space<vmem>>, vector<16xi32>,
    %get3A_713 = vector.shape_cast %get3A_712 : vector<16xi32> to vector<16xi32>
    %get3A_714 = arith.constant 3152 : index
    %get3A_715 = tpu.vector_load %arg5[%get3A_714] {strides = array<i32>} : memref<8976xi32, #tpu.memory_space<vmem>>, vector<16xi32>,
    %get3A_716 = vector.shape_cast %get3A_715 : vector<16xi32> to vector<16xi32>
    %eq3A_717 = arith.constant 7 : i32
    %eq3A_718 = vector.broadcast %eq3A_717 : i32 to vector<16xi32>
    %eq3A_719 = arith.cmpi eq, %iota3A, %eq3A_718 : vector<16xi32>
    %select_n3A_720 = arith.select %eq3A_719, %get3A_716, %get3A_713 : vector<16xi1>, vector<16xi32>
    %swap3A_721 = arith.constant 2640 : index
    %swap3A_722 = tpu.vector_load %arg5[%swap3A_721] {strides = array<i32>} : memref<8976xi32, #tpu.memory_space<vmem>>, vector<16xi32>,
    %swap3A_723 = vector.shape_cast %swap3A_722 : vector<16xi32> to vector<16xi32>
    %swap3A_724 = vector.shape_cast %select_n3A_720 : vector<16xi32> to vector<16xi32>
    tpu.vector_store %arg5[%swap3A_721], %swap3A_724 {strides = array<i32>} : memref<8976xi32, #tpu.memory_space<vmem>>, vector<16xi32>,
    %eq3A_725 = arith.constant 8 : i32
    %eq3A_726 = vector.broadcast %eq3A_725 : i32 to vector<16xi32>
    %eq3A_727 = arith.cmpi eq, %iota3A, %eq3A_726 : vector<16xi32>
    %select_n3A_728 = arith.select %eq3A_727, %get3A_713, %get3A_716 : vector<16xi1>, vector<16xi32>
    %swap3A_729 = arith.constant 3152 : index
    %swap3A_730 = tpu.vector_load %arg5[%swap3A_729] {strides = array<i32>} : memref<8976xi32, #tpu.memory_space<vmem>>, vector<16xi32>,
    %swap3A_731 = vector.shape_cast %swap3A_730 : vector<16xi32> to vector<16xi32>
    %swap3A_732 = vector.shape_cast %select_n3A_728 : vector<16xi32> to vector<16xi32>
    tpu.vector_store %arg5[%swap3A_729], %swap3A_732 {strides = array<i32>} : memref<8976xi32, #tpu.memory_space<vmem>>, vector<16xi32>,
    %get3A_733 = arith.constant 2640 : index
    %get3A_734 = tpu.vector_load %arg6[%get3A_733] {strides = array<i32>} : memref<8976xi32, #tpu.memory_space<vmem>>, vector<16xi32>,
    %get3A_735 = vector.shape_cast %get3A_734 : vector<16xi32> to vector<16xi32>
    %get3A_736 = arith.constant 3152 : index
    %get3A_737 = tpu.vector_load %arg6[%get3A_736] {strides = array<i32>} : memref<8976xi32, #tpu.memory_space<vmem>>, vector<16xi32>,
    %get3A_738 = vector.shape_cast %get3A_737 : vector<16xi32> to vector<16xi32>
    %eq3A_739 = arith.constant 7 : i32
    %eq3A_740 = vector.broadcast %eq3A_739 : i32 to vector<16xi32>
    %eq3A_741 = arith.cmpi eq, %iota3A, %eq3A_740 : vector<16xi32>
    %select_n3A_742 = arith.select %eq3A_741, %get3A_738, %get3A_735 : vector<16xi1>, vector<16xi32>
    %swap3A_743 = arith.constant 2640 : index
    %swap3A_744 = tpu.vector_load %arg6[%swap3A_743] {strides = array<i32>} : memref<8976xi32, #tpu.memory_space<vmem>>, vector<16xi32>,
    %swap3A_745 = vector.shape_cast %swap3A_744 : vector<16xi32> to vector<16xi32>
    %swap3A_746 = vector.shape_cast %select_n3A_742 : vector<16xi32> to vector<16xi32>
    tpu.vector_store %arg6[%swap3A_743], %swap3A_746 {strides = array<i32>} : memref<8976xi32, #tpu.memory_space<vmem>>, vector<16xi32>,
    %eq3A_747 = arith.constant 8 : i32
    %eq3A_748 = vector.broadcast %eq3A_747 : i32 to vector<16xi32>
    %eq3A_749 = arith.cmpi eq, %iota3A, %eq3A_748 : vector<16xi32>
    %select_n3A_750 = arith.select %eq3A_749, %get3A_735, %get3A_738 : vector<16xi1>, vector<16xi32>
    %swap3A_751 = arith.constant 3152 : index
    %swap3A_752 = tpu.vector_load %arg6[%swap3A_751] {strides = array<i32>} : memref<8976xi32, #tpu.memory_space<vmem>>, vector<16xi32>,
    %swap3A_753 = vector.shape_cast %swap3A_752 : vector<16xi32> to vector<16xi32>
    %swap3A_754 = vector.shape_cast %select_n3A_750 : vector<16xi32> to vector<16xi32>
    tpu.vector_store %arg6[%swap3A_751], %swap3A_754 {strides = array<i32>} : memref<8976xi32, #tpu.memory_space<vmem>>, vector<16xi32>,
    %dma_wait3A_755 = arith.constant 3176 : i32
    %dma_wait3A_756 = tpu.memref_slice %arg5[%dma_wait3A_755] : memref<8976xi32, #tpu.memory_space<vmem>> -> memref<512xi32, #tpu.memory_space<vmem>>
    %dma_wait3A_757 = tpu.memref_slice %arg2[%mul3A_152] : memref<524288xi32, #tpu.memory_space<hbm>> -> memref<512xi32, #tpu.memory_space<hbm>>
    %dma_wait3A_758 = arith.constant 3176 : i32
    %dma_wait3A_759 = tpu.memref_slice %arg5[%dma_wait3A_758] : memref<8976xi32, #tpu.memory_space<vmem>> -> memref<512xi32, #tpu.memory_space<vmem>>
    %dma_wait3A_760 = tpu.memref_slice %arg2[%mul3A_152] : memref<524288xi32, #tpu.memory_space<hbm>> -> memref<512xi32, #tpu.memory_space<hbm>>
    tpu.wait_dma2 semaphore(%arg11 : memref<!tpu.dma_semaphore, #tpu.memory_space<semaphore_mem>>) src(%dma_wait3A_760 : memref<512xi32, #tpu.memory_space<hbm>>) dst(%dma_wait3A_759 : memref<512xi32, #tpu.memory_space<vmem>>)
    %dma_wait3A_761 = arith.constant 3176 : i32
    %dma_wait3A_762 = tpu.memref_slice %arg6[%dma_wait3A_761] : memref<8976xi32, #tpu.memory_space<vmem>> -> memref<512xi32, #tpu.memory_space<vmem>>
    %dma_wait3A_763 = tpu.memref_slice %arg2[%add3A_162] : memref<524288xi32, #tpu.memory_space<hbm>> -> memref<512xi32, #tpu.memory_space<hbm>>
    %dma_wait3A_764 = arith.constant 3176 : i32
    %dma_wait3A_765 = tpu.memref_slice %arg6[%dma_wait3A_764] : memref<8976xi32, #tpu.memory_space<vmem>> -> memref<512xi32, #tpu.memory_space<vmem>>
    %dma_wait3A_766 = tpu.memref_slice %arg2[%add3A_162] : memref<524288xi32, #tpu.memory_space<hbm>> -> memref<512xi32, #tpu.memory_space<hbm>>
    tpu.wait_dma2 semaphore(%arg11 : memref<!tpu.dma_semaphore, #tpu.memory_space<semaphore_mem>>) src(%dma_wait3A_766 : memref<512xi32, #tpu.memory_space<hbm>>) dst(%dma_wait3A_765 : memref<512xi32, #tpu.memory_space<vmem>>)
    %get3A_767 = arith.constant 3168 : index
    %get3A_768 = tpu.vector_load %arg5[%get3A_767] {strides = array<i32>} : memref<8976xi32, #tpu.memory_space<vmem>>, vector<16xi32>,
    %get3A_769 = vector.shape_cast %get3A_768 : vector<16xi32> to vector<16xi32>
    %get3A_770 = arith.constant 3680 : index
    %get3A_771 = tpu.vector_load %arg5[%get3A_770] {strides = array<i32>} : memref<8976xi32, #tpu.memory_space<vmem>>, vector<16xi32>,
    %get3A_772 = vector.shape_cast %get3A_771 : vector<16xi32> to vector<16xi32>
    %eq3A_773 = arith.constant 7 : i32
    %eq3A_774 = vector.broadcast %eq3A_773 : i32 to vector<16xi32>
    %eq3A_775 = arith.cmpi eq, %iota3A, %eq3A_774 : vector<16xi32>
    %select_n3A_776 = arith.select %eq3A_775, %get3A_772, %get3A_769 : vector<16xi1>, vector<16xi32>
    %swap3A_777 = arith.constant 3168 : index
    %swap3A_778 = tpu.vector_load %arg5[%swap3A_777] {strides = array<i32>} : memref<8976xi32, #tpu.memory_space<vmem>>, vector<16xi32>,
    %swap3A_779 = vector.shape_cast %swap3A_778 : vector<16xi32> to vector<16xi32>
    %swap3A_780 = vector.shape_cast %select_n3A_776 : vector<16xi32> to vector<16xi32>
    tpu.vector_store %arg5[%swap3A_777], %swap3A_780 {strides = array<i32>} : memref<8976xi32, #tpu.memory_space<vmem>>, vector<16xi32>,
    %eq3A_781 = arith.constant 8 : i32
    %eq3A_782 = vector.broadcast %eq3A_781 : i32 to vector<16xi32>
    %eq3A_783 = arith.cmpi eq, %iota3A, %eq3A_782 : vector<16xi32>
    %select_n3A_784 = arith.select %eq3A_783, %get3A_769, %get3A_772 : vector<16xi1>, vector<16xi32>
    %swap3A_785 = arith.constant 3680 : index
    %swap3A_786 = tpu.vector_load %arg5[%swap3A_785] {strides = array<i32>} : memref<8976xi32, #tpu.memory_space<vmem>>, vector<16xi32>,
    %swap3A_787 = vector.shape_cast %swap3A_786 : vector<16xi32> to vector<16xi32>
    %swap3A_788 = vector.shape_cast %select_n3A_784 : vector<16xi32> to vector<16xi32>
    tpu.vector_store %arg5[%swap3A_785], %swap3A_788 {strides = array<i32>} : memref<8976xi32, #tpu.memory_space<vmem>>, vector<16xi32>,
    %get3A_789 = arith.constant 3168 : index
    %get3A_790 = tpu.vector_load %arg6[%get3A_789] {strides = array<i32>} : memref<8976xi32, #tpu.memory_space<vmem>>, vector<16xi32>,
    %get3A_791 = vector.shape_cast %get3A_790 : vector<16xi32> to vector<16xi32>
    %get3A_792 = arith.constant 3680 : index
    %get3A_793 = tpu.vector_load %arg6[%get3A_792] {strides = array<i32>} : memref<8976xi32, #tpu.memory_space<vmem>>, vector<16xi32>,
    %get3A_794 = vector.shape_cast %get3A_793 : vector<16xi32> to vector<16xi32>
    %eq3A_795 = arith.constant 7 : i32
    %eq3A_796 = vector.broadcast %eq3A_795 : i32 to vector<16xi32>
    %eq3A_797 = arith.cmpi eq, %iota3A, %eq3A_796 : vector<16xi32>
    %select_n3A_798 = arith.select %eq3A_797, %get3A_794, %get3A_791 : vector<16xi1>, vector<16xi32>
    %swap3A_799 = arith.constant 3168 : index
    %swap3A_800 = tpu.vector_load %arg6[%swap3A_799] {strides = array<i32>} : memref<8976xi32, #tpu.memory_space<vmem>>, vector<16xi32>,
    %swap3A_801 = vector.shape_cast %swap3A_800 : vector<16xi32> to vector<16xi32>
    %swap3A_802 = vector.shape_cast %select_n3A_798 : vector<16xi32> to vector<16xi32>
    tpu.vector_store %arg6[%swap3A_799], %swap3A_802 {strides = array<i32>} : memref<8976xi32, #tpu.memory_space<vmem>>, vector<16xi32>,
    %eq3A_803 = arith.constant 8 : i32
    %eq3A_804 = vector.broadcast %eq3A_803 : i32 to vector<16xi32>
    %eq3A_805 = arith.cmpi eq, %iota3A, %eq3A_804 : vector<16xi32>
    %select_n3A_806 = arith.select %eq3A_805, %get3A_791, %get3A_794 : vector<16xi1>, vector<16xi32>
    %swap3A_807 = arith.constant 3680 : index
    %swap3A_808 = tpu.vector_load %arg6[%swap3A_807] {strides = array<i32>} : memref<8976xi32, #tpu.memory_space<vmem>>, vector<16xi32>,
    %swap3A_809 = vector.shape_cast %swap3A_808 : vector<16xi32> to vector<16xi32>
    %swap3A_810 = vector.shape_cast %select_n3A_806 : vector<16xi32> to vector<16xi32>
    tpu.vector_store %arg6[%swap3A_807], %swap3A_810 {strides = array<i32>} : memref<8976xi32, #tpu.memory_space<vmem>>, vector<16xi32>,
    %parallel_loop3A_811 = arith.constant 0 : i32
    %parallel_loop3A_812 = arith.constant 32 : i32
    %parallel_loop3A_813 = arith.constant 1 : i32
    %parallel_loop3A_814:3 = scf.for %parallel_loop3A_1416 = %parallel_loop3A_811 to %parallel_loop3A_812 step %parallel_loop3A_813 iter_args(%parallel_loop3A_1417 = %parallel_loop3A_698#0, %parallel_loop3A_1418 = %parallel_loop3A_698#1, %parallel_loop3A_1419 = %parallel_loop3A_698#2) -> (vector<16xf32>, vector<16xi32>, vector<16xi32>)  : i32 {
      %parallel_loop3A_1420 = arith.constant 16 : i32
      %parallel_loop3A_1421 = arith.muli %parallel_loop3A_1416, %parallel_loop3A_1420 : i32
      %parallel_loop3A_1422 = arith.constant 2648 : i32
      %parallel_loop3A_1423 = arith.addi %parallel_loop3A_1422, %parallel_loop3A_1421 : i32
      %parallel_loop3A_1424 = arith.constant 528 : i32
      %parallel_loop3A_1425 = arith.subi %parallel_loop3A_1423, %parallel_loop3A_1424 : i32
      %parallel_loop3A_1426 = arith.constant 528 : i32
      %parallel_loop3A_1427 = arith.addi %parallel_loop3A_1423, %parallel_loop3A_1426 : i32
      %parallel_loop3A_1428 = arith.constant 1 : i32
      %parallel_loop3A_1429 = arith.subi %parallel_loop3A_1425, %parallel_loop3A_1428 : i32
      %parallel_loop3A_1430 = arith.index_cast %parallel_loop3A_1429 : i32 to index
      %parallel_loop3A_1431 = tpu.vector_load %arg5[%parallel_loop3A_1430] {strides = array<i32>} : memref<8976xi32, #tpu.memory_space<vmem>>, vector<16xi32>,
      %parallel_loop3A_1432 = vector.shape_cast %parallel_loop3A_1431 : vector<16xi32> to vector<16xi32>
      %parallel_loop3A_1433 = arith.constant 1 : i32
      %parallel_loop3A_1434 = arith.subi %parallel_loop3A_1425, %parallel_loop3A_1433 : i32
      %parallel_loop3A_1435 = arith.index_cast %parallel_loop3A_1434 : i32 to index
      %parallel_loop3A_1436 = tpu.vector_load %arg6[%parallel_loop3A_1435] {strides = array<i32>} : memref<8976xi32, #tpu.memory_space<vmem>>, vector<16xi32>,
      %parallel_loop3A_1437 = vector.shape_cast %parallel_loop3A_1436 : vector<16xi32> to vector<16xi32>
      %parallel_loop3A_1438 = arith.index_cast %parallel_loop3A_1425 : i32 to index
      %parallel_loop3A_1439 = tpu.vector_load %arg5[%parallel_loop3A_1438] {strides = array<i32>} : memref<8976xi32, #tpu.memory_space<vmem>>, vector<16xi32>,
      %parallel_loop3A_1440 = vector.shape_cast %parallel_loop3A_1439 : vector<16xi32> to vector<16xi32>
      %parallel_loop3A_1441 = arith.index_cast %parallel_loop3A_1425 : i32 to index
      %parallel_loop3A_1442 = tpu.vector_load %arg6[%parallel_loop3A_1441] {strides = array<i32>} : memref<8976xi32, #tpu.memory_space<vmem>>, vector<16xi32>,
      %parallel_loop3A_1443 = vector.shape_cast %parallel_loop3A_1442 : vector<16xi32> to vector<16xi32>
      %parallel_loop3A_1444 = arith.constant 1 : i32
      %parallel_loop3A_1445 = arith.addi %parallel_loop3A_1425, %parallel_loop3A_1444 : i32
      %parallel_loop3A_1446 = arith.index_cast %parallel_loop3A_1445 : i32 to index
      %parallel_loop3A_1447 = tpu.vector_load %arg5[%parallel_loop3A_1446] {strides = array<i32>} : memref<8976xi32, #tpu.memory_space<vmem>>, vector<16xi32>,
      %parallel_loop3A_1448 = vector.shape_cast %parallel_loop3A_1447 : vector<16xi32> to vector<16xi32>
      %parallel_loop3A_1449 = arith.constant 1 : i32
      %parallel_loop3A_1450 = arith.addi %parallel_loop3A_1425, %parallel_loop3A_1449 : i32
      %parallel_loop3A_1451 = arith.index_cast %parallel_loop3A_1450 : i32 to index
      %parallel_loop3A_1452 = tpu.vector_load %arg6[%parallel_loop3A_1451] {strides = array<i32>} : memref<8976xi32, #tpu.memory_space<vmem>>, vector<16xi32>,
      %parallel_loop3A_1453 = vector.shape_cast %parallel_loop3A_1452 : vector<16xi32> to vector<16xi32>
      %parallel_loop3A_1454 = arith.constant 1 : i32
      %parallel_loop3A_1455 = arith.subi %parallel_loop3A_1423, %parallel_loop3A_1454 : i32
      %parallel_loop3A_1456 = arith.index_cast %parallel_loop3A_1455 : i32 to index
      %parallel_loop3A_1457 = tpu.vector_load %arg5[%parallel_loop3A_1456] {strides = array<i32>} : memref<8976xi32, #tpu.memory_space<vmem>>, vector<16xi32>,
      %parallel_loop3A_1458 = vector.shape_cast %parallel_loop3A_1457 : vector<16xi32> to vector<16xi32>
      %parallel_loop3A_1459 = arith.constant 1 : i32
      %parallel_loop3A_1460 = arith.subi %parallel_loop3A_1423, %parallel_loop3A_1459 : i32
      %parallel_loop3A_1461 = arith.index_cast %parallel_loop3A_1460 : i32 to index
      %parallel_loop3A_1462 = tpu.vector_load %arg6[%parallel_loop3A_1461] {strides = array<i32>} : memref<8976xi32, #tpu.memory_space<vmem>>, vector<16xi32>,
      %parallel_loop3A_1463 = vector.shape_cast %parallel_loop3A_1462 : vector<16xi32> to vector<16xi32>
      %parallel_loop3A_1464 = arith.index_cast %parallel_loop3A_1423 : i32 to index
      %parallel_loop3A_1465 = tpu.vector_load %arg5[%parallel_loop3A_1464] {strides = array<i32>} : memref<8976xi32, #tpu.memory_space<vmem>>, vector<16xi32>,
      %parallel_loop3A_1466 = vector.shape_cast %parallel_loop3A_1465 : vector<16xi32> to vector<16xi32>
      %parallel_loop3A_1467 = arith.index_cast %parallel_loop3A_1423 : i32 to index
      %parallel_loop3A_1468 = tpu.vector_load %arg6[%parallel_loop3A_1467] {strides = array<i32>} : memref<8976xi32, #tpu.memory_space<vmem>>, vector<16xi32>,
      %parallel_loop3A_1469 = vector.shape_cast %parallel_loop3A_1468 : vector<16xi32> to vector<16xi32>
      %parallel_loop3A_1470 = arith.constant 1 : i32
      %parallel_loop3A_1471 = arith.addi %parallel_loop3A_1423, %parallel_loop3A_1470 : i32
      %parallel_loop3A_1472 = arith.index_cast %parallel_loop3A_1471 : i32 to index
      %parallel_loop3A_1473 = tpu.vector_load %arg5[%parallel_loop3A_1472] {strides = array<i32>} : memref<8976xi32, #tpu.memory_space<vmem>>, vector<16xi32>,
      %parallel_loop3A_1474 = vector.shape_cast %parallel_loop3A_1473 : vector<16xi32> to vector<16xi32>
      %parallel_loop3A_1475 = arith.constant 1 : i32
      %parallel_loop3A_1476 = arith.addi %parallel_loop3A_1423, %parallel_loop3A_1475 : i32
      %parallel_loop3A_1477 = arith.index_cast %parallel_loop3A_1476 : i32 to index
      %parallel_loop3A_1478 = tpu.vector_load %arg6[%parallel_loop3A_1477] {strides = array<i32>} : memref<8976xi32, #tpu.memory_space<vmem>>, vector<16xi32>,
      %parallel_loop3A_1479 = vector.shape_cast %parallel_loop3A_1478 : vector<16xi32> to vector<16xi32>
      %parallel_loop3A_1480 = arith.constant 1 : i32
      %parallel_loop3A_1481 = arith.subi %parallel_loop3A_1427, %parallel_loop3A_1480 : i32
      %parallel_loop3A_1482 = arith.index_cast %parallel_loop3A_1481 : i32 to index
      %parallel_loop3A_1483 = tpu.vector_load %arg5[%parallel_loop3A_1482] {strides = array<i32>} : memref<8976xi32, #tpu.memory_space<vmem>>, vector<16xi32>,
      %parallel_loop3A_1484 = vector.shape_cast %parallel_loop3A_1483 : vector<16xi32> to vector<16xi32>
      %parallel_loop3A_1485 = arith.constant 1 : i32
      %parallel_loop3A_1486 = arith.subi %parallel_loop3A_1427, %parallel_loop3A_1485 : i32
      %parallel_loop3A_1487 = arith.index_cast %parallel_loop3A_1486 : i32 to index
      %parallel_loop3A_1488 = tpu.vector_load %arg6[%parallel_loop3A_1487] {strides = array<i32>} : memref<8976xi32, #tpu.memory_space<vmem>>, vector<16xi32>,
      %parallel_loop3A_1489 = vector.shape_cast %parallel_loop3A_1488 : vector<16xi32> to vector<16xi32>
      %parallel_loop3A_1490 = arith.index_cast %parallel_loop3A_1427 : i32 to index
      %parallel_loop3A_1491 = tpu.vector_load %arg5[%parallel_loop3A_1490] {strides = array<i32>} : memref<8976xi32, #tpu.memory_space<vmem>>, vector<16xi32>,
      %parallel_loop3A_1492 = vector.shape_cast %parallel_loop3A_1491 : vector<16xi32> to vector<16xi32>
      %parallel_loop3A_1493 = arith.index_cast %parallel_loop3A_1427 : i32 to index
      %parallel_loop3A_1494 = tpu.vector_load %arg6[%parallel_loop3A_1493] {strides = array<i32>} : memref<8976xi32, #tpu.memory_space<vmem>>, vector<16xi32>,
      %parallel_loop3A_1495 = vector.shape_cast %parallel_loop3A_1494 : vector<16xi32> to vector<16xi32>
      %parallel_loop3A_1496 = arith.constant 3 : i32
      %parallel_loop3A_1497 = vector.broadcast %parallel_loop3A_1496 : i32 to vector<16xi32>
      %parallel_loop3A_1498 = arith.muli %parallel_loop3A_1469, %parallel_loop3A_1497 : vector<16xi32>
      %parallel_loop3A_1499 = arith.constant 1 : i32
      %parallel_loop3A_1500 = vector.broadcast %parallel_loop3A_1499 : i32 to vector<16xi32>
      %parallel_loop3A_1501 = arith.andi %parallel_loop3A_1466, %parallel_loop3A_1500 : vector<16xi32>
      %parallel_loop3A_1502 = arith.addi %parallel_loop3A_1418, %parallel_loop3A_1501 : vector<16xi32>
      %parallel_loop3A_1503 = arith.constant 1 : i32
      %parallel_loop3A_1504 = vector.broadcast %parallel_loop3A_1503 : i32 to vector<16xi32>
      %parallel_loop3A_1505 = arith.shrsi %parallel_loop3A_1466, %parallel_loop3A_1504 : vector<16xi32>
      %parallel_loop3A_1506 = arith.addi %parallel_loop3A_1419, %parallel_loop3A_1505 : vector<16xi32>
      %parallel_loop3A_1507 = arith.cmpi ne, %parallel_loop3A_1466, %parallel_loop3A_1458 : vector<16xi32>
      %parallel_loop3A_1508 = arith.addi %parallel_loop3A_1498, %parallel_loop3A_1463 : vector<16xi32>
      %parallel_loop3A_1509 = arith.constant 9 : i32
      %parallel_loop3A_1510 = vector.broadcast %parallel_loop3A_1509 : i32 to vector<16xi32>
      %parallel_loop3A_1511 = arith.select %parallel_loop3A_1507, %parallel_loop3A_1508, %parallel_loop3A_1510 : vector<16xi1>, vector<16xi32>
      %parallel_loop3A_1512 = arith.constant 0 : i32
      %parallel_loop3A_1513 = vector.broadcast %parallel_loop3A_1512 : i32 to vector<16xi32>
      %parallel_loop3A_1514 = arith.cmpi slt, %parallel_loop3A_1511, %parallel_loop3A_1513 : vector<16xi32>
      %parallel_loop3A_1515 = arith.constant 16 : i32
      %parallel_loop3A_1516 = vector.broadcast %parallel_loop3A_1515 : i32 to vector<16xi32>
      %parallel_loop3A_1517 = arith.addi %parallel_loop3A_1511, %parallel_loop3A_1516 : vector<16xi32>
      %parallel_loop3A_1518 = arith.select %parallel_loop3A_1514, %parallel_loop3A_1517, %parallel_loop3A_1511 : vector<16xi1>, vector<16xi32>
      %parallel_loop3A_1519 = vector.shape_cast %parallel_loop3A_1518 : vector<16xi32> to vector<16x1xi32>
      %parallel_loop3A_1520 = vector.shape_cast %parallel_loop3A_1519 : vector<16x1xi32> to vector<16xi32>
      %parallel_loop3A_1521 = tpu.dynamic_gather %get3A_574[%parallel_loop3A_1520] in [0] : vector<16xf32>, vector<16xi32> -> vector<16xf32>
      %parallel_loop3A_1522 = arith.addf %parallel_loop3A_1417, %parallel_loop3A_1521 : vector<16xf32>
      %parallel_loop3A_1523 = arith.cmpi ne, %parallel_loop3A_1466, %parallel_loop3A_1432 : vector<16xi32>
      %parallel_loop3A_1524 = arith.addi %parallel_loop3A_1498, %parallel_loop3A_1437 : vector<16xi32>
      %parallel_loop3A_1525 = arith.constant 9 : i32
      %parallel_loop3A_1526 = vector.broadcast %parallel_loop3A_1525 : i32 to vector<16xi32>
      %parallel_loop3A_1527 = arith.select %parallel_loop3A_1523, %parallel_loop3A_1524, %parallel_loop3A_1526 : vector<16xi1>, vector<16xi32>
      %parallel_loop3A_1528 = arith.constant 0 : i32
      %parallel_loop3A_1529 = vector.broadcast %parallel_loop3A_1528 : i32 to vector<16xi32>
      %parallel_loop3A_1530 = arith.cmpi slt, %parallel_loop3A_1527, %parallel_loop3A_1529 : vector<16xi32>
      %parallel_loop3A_1531 = arith.constant 16 : i32
      %parallel_loop3A_1532 = vector.broadcast %parallel_loop3A_1531 : i32 to vector<16xi32>
      %parallel_loop3A_1533 = arith.addi %parallel_loop3A_1527, %parallel_loop3A_1532 : vector<16xi32>
      %parallel_loop3A_1534 = arith.select %parallel_loop3A_1530, %parallel_loop3A_1533, %parallel_loop3A_1527 : vector<16xi1>, vector<16xi32>
      %parallel_loop3A_1535 = vector.shape_cast %parallel_loop3A_1534 : vector<16xi32> to vector<16x1xi32>
      %parallel_loop3A_1536 = vector.shape_cast %parallel_loop3A_1535 : vector<16x1xi32> to vector<16xi32>
      %parallel_loop3A_1537 = tpu.dynamic_gather %get3A_574[%parallel_loop3A_1536] in [0] : vector<16xf32>, vector<16xi32> -> vector<16xf32>
      %parallel_loop3A_1538 = arith.addf %parallel_loop3A_1522, %parallel_loop3A_1537 : vector<16xf32>
      %parallel_loop3A_1539 = arith.cmpi ne, %parallel_loop3A_1466, %parallel_loop3A_1440 : vector<16xi32>
      %parallel_loop3A_1540 = arith.addi %parallel_loop3A_1498, %parallel_loop3A_1443 : vector<16xi32>
      %parallel_loop3A_1541 = arith.constant 9 : i32
      %parallel_loop3A_1542 = vector.broadcast %parallel_loop3A_1541 : i32 to vector<16xi32>
      %parallel_loop3A_1543 = arith.select %parallel_loop3A_1539, %parallel_loop3A_1540, %parallel_loop3A_1542 : vector<16xi1>, vector<16xi32>
      %parallel_loop3A_1544 = arith.constant 0 : i32
      %parallel_loop3A_1545 = vector.broadcast %parallel_loop3A_1544 : i32 to vector<16xi32>
      %parallel_loop3A_1546 = arith.cmpi slt, %parallel_loop3A_1543, %parallel_loop3A_1545 : vector<16xi32>
      %parallel_loop3A_1547 = arith.constant 16 : i32
      %parallel_loop3A_1548 = vector.broadcast %parallel_loop3A_1547 : i32 to vector<16xi32>
      %parallel_loop3A_1549 = arith.addi %parallel_loop3A_1543, %parallel_loop3A_1548 : vector<16xi32>
      %parallel_loop3A_1550 = arith.select %parallel_loop3A_1546, %parallel_loop3A_1549, %parallel_loop3A_1543 : vector<16xi1>, vector<16xi32>
      %parallel_loop3A_1551 = vector.shape_cast %parallel_loop3A_1550 : vector<16xi32> to vector<16x1xi32>
      %parallel_loop3A_1552 = vector.shape_cast %parallel_loop3A_1551 : vector<16x1xi32> to vector<16xi32>
      %parallel_loop3A_1553 = tpu.dynamic_gather %get3A_574[%parallel_loop3A_1552] in [0] : vector<16xf32>, vector<16xi32> -> vector<16xf32>
      %parallel_loop3A_1554 = arith.addf %parallel_loop3A_1538, %parallel_loop3A_1553 : vector<16xf32>
      %parallel_loop3A_1555 = arith.cmpi ne, %parallel_loop3A_1466, %parallel_loop3A_1448 : vector<16xi32>
      %parallel_loop3A_1556 = arith.addi %parallel_loop3A_1498, %parallel_loop3A_1453 : vector<16xi32>
      %parallel_loop3A_1557 = arith.constant 9 : i32
      %parallel_loop3A_1558 = vector.broadcast %parallel_loop3A_1557 : i32 to vector<16xi32>
      %parallel_loop3A_1559 = arith.select %parallel_loop3A_1555, %parallel_loop3A_1556, %parallel_loop3A_1558 : vector<16xi1>, vector<16xi32>
      %parallel_loop3A_1560 = arith.constant 0 : i32
      %parallel_loop3A_1561 = vector.broadcast %parallel_loop3A_1560 : i32 to vector<16xi32>
      %parallel_loop3A_1562 = arith.cmpi slt, %parallel_loop3A_1559, %parallel_loop3A_1561 : vector<16xi32>
      %parallel_loop3A_1563 = arith.constant 16 : i32
      %parallel_loop3A_1564 = vector.broadcast %parallel_loop3A_1563 : i32 to vector<16xi32>
      %parallel_loop3A_1565 = arith.addi %parallel_loop3A_1559, %parallel_loop3A_1564 : vector<16xi32>
      %parallel_loop3A_1566 = arith.select %parallel_loop3A_1562, %parallel_loop3A_1565, %parallel_loop3A_1559 : vector<16xi1>, vector<16xi32>
      %parallel_loop3A_1567 = vector.shape_cast %parallel_loop3A_1566 : vector<16xi32> to vector<16x1xi32>
      %parallel_loop3A_1568 = vector.shape_cast %parallel_loop3A_1567 : vector<16x1xi32> to vector<16xi32>
      %parallel_loop3A_1569 = tpu.dynamic_gather %get3A_574[%parallel_loop3A_1568] in [0] : vector<16xf32>, vector<16xi32> -> vector<16xf32>
      %parallel_loop3A_1570 = arith.addf %parallel_loop3A_1554, %parallel_loop3A_1569 : vector<16xf32>
      %parallel_loop3A_1571 = arith.constant 3 : i32
      %parallel_loop3A_1572 = vector.broadcast %parallel_loop3A_1571 : i32 to vector<16xi32>
      %parallel_loop3A_1573 = arith.muli %parallel_loop3A_1495, %parallel_loop3A_1572 : vector<16xi32>
      %parallel_loop3A_1574 = arith.constant 1 : i32
      %parallel_loop3A_1575 = vector.broadcast %parallel_loop3A_1574 : i32 to vector<16xi32>
      %parallel_loop3A_1576 = arith.andi %parallel_loop3A_1492, %parallel_loop3A_1575 : vector<16xi32>
      %parallel_loop3A_1577 = arith.addi %parallel_loop3A_1502, %parallel_loop3A_1576 : vector<16xi32>
      %parallel_loop3A_1578 = arith.constant 1 : i32
      %parallel_loop3A_1579 = vector.broadcast %parallel_loop3A_1578 : i32 to vector<16xi32>
      %parallel_loop3A_1580 = arith.shrsi %parallel_loop3A_1492, %parallel_loop3A_1579 : vector<16xi32>
      %parallel_loop3A_1581 = arith.addi %parallel_loop3A_1506, %parallel_loop3A_1580 : vector<16xi32>
      %parallel_loop3A_1582 = arith.cmpi ne, %parallel_loop3A_1492, %parallel_loop3A_1484 : vector<16xi32>
      %parallel_loop3A_1583 = arith.addi %parallel_loop3A_1573, %parallel_loop3A_1489 : vector<16xi32>
      %parallel_loop3A_1584 = arith.constant 9 : i32
      %parallel_loop3A_1585 = vector.broadcast %parallel_loop3A_1584 : i32 to vector<16xi32>
      %parallel_loop3A_1586 = arith.select %parallel_loop3A_1582, %parallel_loop3A_1583, %parallel_loop3A_1585 : vector<16xi1>, vector<16xi32>
      %parallel_loop3A_1587 = arith.constant 0 : i32
      %parallel_loop3A_1588 = vector.broadcast %parallel_loop3A_1587 : i32 to vector<16xi32>
      %parallel_loop3A_1589 = arith.cmpi slt, %parallel_loop3A_1586, %parallel_loop3A_1588 : vector<16xi32>
      %parallel_loop3A_1590 = arith.constant 16 : i32
      %parallel_loop3A_1591 = vector.broadcast %parallel_loop3A_1590 : i32 to vector<16xi32>
      %parallel_loop3A_1592 = arith.addi %parallel_loop3A_1586, %parallel_loop3A_1591 : vector<16xi32>
      %parallel_loop3A_1593 = arith.select %parallel_loop3A_1589, %parallel_loop3A_1592, %parallel_loop3A_1586 : vector<16xi1>, vector<16xi32>
      %parallel_loop3A_1594 = vector.shape_cast %parallel_loop3A_1593 : vector<16xi32> to vector<16x1xi32>
      %parallel_loop3A_1595 = vector.shape_cast %parallel_loop3A_1594 : vector<16x1xi32> to vector<16xi32>
      %parallel_loop3A_1596 = tpu.dynamic_gather %get3A_574[%parallel_loop3A_1595] in [0] : vector<16xf32>, vector<16xi32> -> vector<16xf32>
      %parallel_loop3A_1597 = arith.addf %parallel_loop3A_1570, %parallel_loop3A_1596 : vector<16xf32>
      %parallel_loop3A_1598 = arith.cmpi ne, %parallel_loop3A_1492, %parallel_loop3A_1458 : vector<16xi32>
      %parallel_loop3A_1599 = arith.addi %parallel_loop3A_1573, %parallel_loop3A_1463 : vector<16xi32>
      %parallel_loop3A_1600 = arith.constant 9 : i32
      %parallel_loop3A_1601 = vector.broadcast %parallel_loop3A_1600 : i32 to vector<16xi32>
      %parallel_loop3A_1602 = arith.select %parallel_loop3A_1598, %parallel_loop3A_1599, %parallel_loop3A_1601 : vector<16xi1>, vector<16xi32>
      %parallel_loop3A_1603 = arith.constant 0 : i32
      %parallel_loop3A_1604 = vector.broadcast %parallel_loop3A_1603 : i32 to vector<16xi32>
      %parallel_loop3A_1605 = arith.cmpi slt, %parallel_loop3A_1602, %parallel_loop3A_1604 : vector<16xi32>
      %parallel_loop3A_1606 = arith.constant 16 : i32
      %parallel_loop3A_1607 = vector.broadcast %parallel_loop3A_1606 : i32 to vector<16xi32>
      %parallel_loop3A_1608 = arith.addi %parallel_loop3A_1602, %parallel_loop3A_1607 : vector<16xi32>
      %parallel_loop3A_1609 = arith.select %parallel_loop3A_1605, %parallel_loop3A_1608, %parallel_loop3A_1602 : vector<16xi1>, vector<16xi32>
      %parallel_loop3A_1610 = vector.shape_cast %parallel_loop3A_1609 : vector<16xi32> to vector<16x1xi32>
      %parallel_loop3A_1611 = vector.shape_cast %parallel_loop3A_1610 : vector<16x1xi32> to vector<16xi32>
      %parallel_loop3A_1612 = tpu.dynamic_gather %get3A_574[%parallel_loop3A_1611] in [0] : vector<16xf32>, vector<16xi32> -> vector<16xf32>
      %parallel_loop3A_1613 = arith.addf %parallel_loop3A_1597, %parallel_loop3A_1612 : vector<16xf32>
      %parallel_loop3A_1614 = arith.cmpi ne, %parallel_loop3A_1492, %parallel_loop3A_1466 : vector<16xi32>
      %parallel_loop3A_1615 = arith.addi %parallel_loop3A_1573, %parallel_loop3A_1469 : vector<16xi32>
      %parallel_loop3A_1616 = arith.constant 9 : i32
      %parallel_loop3A_1617 = vector.broadcast %parallel_loop3A_1616 : i32 to vector<16xi32>
      %parallel_loop3A_1618 = arith.select %parallel_loop3A_1614, %parallel_loop3A_1615, %parallel_loop3A_1617 : vector<16xi1>, vector<16xi32>
      %parallel_loop3A_1619 = arith.constant 0 : i32
      %parallel_loop3A_1620 = vector.broadcast %parallel_loop3A_1619 : i32 to vector<16xi32>
      %parallel_loop3A_1621 = arith.cmpi slt, %parallel_loop3A_1618, %parallel_loop3A_1620 : vector<16xi32>
      %parallel_loop3A_1622 = arith.constant 16 : i32
      %parallel_loop3A_1623 = vector.broadcast %parallel_loop3A_1622 : i32 to vector<16xi32>
      %parallel_loop3A_1624 = arith.addi %parallel_loop3A_1618, %parallel_loop3A_1623 : vector<16xi32>
      %parallel_loop3A_1625 = arith.select %parallel_loop3A_1621, %parallel_loop3A_1624, %parallel_loop3A_1618 : vector<16xi1>, vector<16xi32>
      %parallel_loop3A_1626 = vector.shape_cast %parallel_loop3A_1625 : vector<16xi32> to vector<16x1xi32>
      %parallel_loop3A_1627 = vector.shape_cast %parallel_loop3A_1626 : vector<16x1xi32> to vector<16xi32>
      %parallel_loop3A_1628 = tpu.dynamic_gather %get3A_574[%parallel_loop3A_1627] in [0] : vector<16xf32>, vector<16xi32> -> vector<16xf32>
      %parallel_loop3A_1629 = arith.addf %parallel_loop3A_1613, %parallel_loop3A_1628 : vector<16xf32>
      %parallel_loop3A_1630 = arith.cmpi ne, %parallel_loop3A_1492, %parallel_loop3A_1474 : vector<16xi32>
      %parallel_loop3A_1631 = arith.addi %parallel_loop3A_1573, %parallel_loop3A_1479 : vector<16xi32>
      %parallel_loop3A_1632 = arith.constant 9 : i32
      %parallel_loop3A_1633 = vector.broadcast %parallel_loop3A_1632 : i32 to vector<16xi32>
      %parallel_loop3A_1634 = arith.select %parallel_loop3A_1630, %parallel_loop3A_1631, %parallel_loop3A_1633 : vector<16xi1>, vector<16xi32>
      %parallel_loop3A_1635 = arith.constant 0 : i32
      %parallel_loop3A_1636 = vector.broadcast %parallel_loop3A_1635 : i32 to vector<16xi32>
      %parallel_loop3A_1637 = arith.cmpi slt, %parallel_loop3A_1634, %parallel_loop3A_1636 : vector<16xi32>
      %parallel_loop3A_1638 = arith.constant 16 : i32
      %parallel_loop3A_1639 = vector.broadcast %parallel_loop3A_1638 : i32 to vector<16xi32>
      %parallel_loop3A_1640 = arith.addi %parallel_loop3A_1634, %parallel_loop3A_1639 : vector<16xi32>
      %parallel_loop3A_1641 = arith.select %parallel_loop3A_1637, %parallel_loop3A_1640, %parallel_loop3A_1634 : vector<16xi1>, vector<16xi32>
      %parallel_loop3A_1642 = vector.shape_cast %parallel_loop3A_1641 : vector<16xi32> to vector<16x1xi32>
      %parallel_loop3A_1643 = vector.shape_cast %parallel_loop3A_1642 : vector<16x1xi32> to vector<16xi32>
      %parallel_loop3A_1644 = tpu.dynamic_gather %get3A_574[%parallel_loop3A_1643] in [0] : vector<16xf32>, vector<16xi32> -> vector<16xf32>
      %parallel_loop3A_1645 = arith.addf %parallel_loop3A_1629, %parallel_loop3A_1644 : vector<16xf32>
      scf.yield %parallel_loop3A_1645, %parallel_loop3A_1577, %parallel_loop3A_1581 : vector<16xf32>, vector<16xi32>, vector<16xi32>
    } {sc.loop_unroll_factor = 2 : i64, sc.parallel_access}
    %dma_wait3A_815 = arith.constant 3704 : i32
    %dma_wait3A_816 = tpu.memref_slice %arg5[%dma_wait3A_815] : memref<8976xi32, #tpu.memory_space<vmem>> -> memref<512xi32, #tpu.memory_space<vmem>>
    %dma_wait3A_817 = tpu.memref_slice %arg2[%mul3A_176] : memref<524288xi32, #tpu.memory_space<hbm>> -> memref<512xi32, #tpu.memory_space<hbm>>
    %dma_wait3A_818 = arith.constant 3704 : i32
    %dma_wait3A_819 = tpu.memref_slice %arg5[%dma_wait3A_818] : memref<8976xi32, #tpu.memory_space<vmem>> -> memref<512xi32, #tpu.memory_space<vmem>>
    %dma_wait3A_820 = tpu.memref_slice %arg2[%mul3A_176] : memref<524288xi32, #tpu.memory_space<hbm>> -> memref<512xi32, #tpu.memory_space<hbm>>
    tpu.wait_dma2 semaphore(%arg11 : memref<!tpu.dma_semaphore, #tpu.memory_space<semaphore_mem>>) src(%dma_wait3A_820 : memref<512xi32, #tpu.memory_space<hbm>>) dst(%dma_wait3A_819 : memref<512xi32, #tpu.memory_space<vmem>>)
    %dma_wait3A_821 = arith.constant 3704 : i32
    %dma_wait3A_822 = tpu.memref_slice %arg6[%dma_wait3A_821] : memref<8976xi32, #tpu.memory_space<vmem>> -> memref<512xi32, #tpu.memory_space<vmem>>
    %dma_wait3A_823 = tpu.memref_slice %arg2[%add3A_186] : memref<524288xi32, #tpu.memory_space<hbm>> -> memref<512xi32, #tpu.memory_space<hbm>>
    %dma_wait3A_824 = arith.constant 3704 : i32
    %dma_wait3A_825 = tpu.memref_slice %arg6[%dma_wait3A_824] : memref<8976xi32, #tpu.memory_space<vmem>> -> memref<512xi32, #tpu.memory_space<vmem>>
    %dma_wait3A_826 = tpu.memref_slice %arg2[%add3A_186] : memref<524288xi32, #tpu.memory_space<hbm>> -> memref<512xi32, #tpu.memory_space<hbm>>
    tpu.wait_dma2 semaphore(%arg11 : memref<!tpu.dma_semaphore, #tpu.memory_space<semaphore_mem>>) src(%dma_wait3A_826 : memref<512xi32, #tpu.memory_space<hbm>>) dst(%dma_wait3A_825 : memref<512xi32, #tpu.memory_space<vmem>>)
    %get3A_827 = arith.constant 3696 : index
    %get3A_828 = tpu.vector_load %arg5[%get3A_827] {strides = array<i32>} : memref<8976xi32, #tpu.memory_space<vmem>>, vector<16xi32>,
    %get3A_829 = vector.shape_cast %get3A_828 : vector<16xi32> to vector<16xi32>
    %get3A_830 = arith.constant 4208 : index
    %get3A_831 = tpu.vector_load %arg5[%get3A_830] {strides = array<i32>} : memref<8976xi32, #tpu.memory_space<vmem>>, vector<16xi32>,
    %get3A_832 = vector.shape_cast %get3A_831 : vector<16xi32> to vector<16xi32>
    %eq3A_833 = arith.constant 7 : i32
    %eq3A_834 = vector.broadcast %eq3A_833 : i32 to vector<16xi32>
    %eq3A_835 = arith.cmpi eq, %iota3A, %eq3A_834 : vector<16xi32>
    %select_n3A_836 = arith.select %eq3A_835, %get3A_832, %get3A_829 : vector<16xi1>, vector<16xi32>
    %swap3A_837 = arith.constant 3696 : index
    %swap3A_838 = tpu.vector_load %arg5[%swap3A_837] {strides = array<i32>} : memref<8976xi32, #tpu.memory_space<vmem>>, vector<16xi32>,
    %swap3A_839 = vector.shape_cast %swap3A_838 : vector<16xi32> to vector<16xi32>
    %swap3A_840 = vector.shape_cast %select_n3A_836 : vector<16xi32> to vector<16xi32>
    tpu.vector_store %arg5[%swap3A_837], %swap3A_840 {strides = array<i32>} : memref<8976xi32, #tpu.memory_space<vmem>>, vector<16xi32>,
    %eq3A_841 = arith.constant 8 : i32
    %eq3A_842 = vector.broadcast %eq3A_841 : i32 to vector<16xi32>
    %eq3A_843 = arith.cmpi eq, %iota3A, %eq3A_842 : vector<16xi32>
    %select_n3A_844 = arith.select %eq3A_843, %get3A_829, %get3A_832 : vector<16xi1>, vector<16xi32>
    %swap3A_845 = arith.constant 4208 : index
    %swap3A_846 = tpu.vector_load %arg5[%swap3A_845] {strides = array<i32>} : memref<8976xi32, #tpu.memory_space<vmem>>, vector<16xi32>,
    %swap3A_847 = vector.shape_cast %swap3A_846 : vector<16xi32> to vector<16xi32>
    %swap3A_848 = vector.shape_cast %select_n3A_844 : vector<16xi32> to vector<16xi32>
    tpu.vector_store %arg5[%swap3A_845], %swap3A_848 {strides = array<i32>} : memref<8976xi32, #tpu.memory_space<vmem>>, vector<16xi32>,
    %get3A_849 = arith.constant 3696 : index
    %get3A_850 = tpu.vector_load %arg6[%get3A_849] {strides = array<i32>} : memref<8976xi32, #tpu.memory_space<vmem>>, vector<16xi32>,
    %get3A_851 = vector.shape_cast %get3A_850 : vector<16xi32> to vector<16xi32>
    %get3A_852 = arith.constant 4208 : index
    %get3A_853 = tpu.vector_load %arg6[%get3A_852] {strides = array<i32>} : memref<8976xi32, #tpu.memory_space<vmem>>, vector<16xi32>,
    %get3A_854 = vector.shape_cast %get3A_853 : vector<16xi32> to vector<16xi32>
    %eq3A_855 = arith.constant 7 : i32
    %eq3A_856 = vector.broadcast %eq3A_855 : i32 to vector<16xi32>
    %eq3A_857 = arith.cmpi eq, %iota3A, %eq3A_856 : vector<16xi32>
    %select_n3A_858 = arith.select %eq3A_857, %get3A_854, %get3A_851 : vector<16xi1>, vector<16xi32>
    %swap3A_859 = arith.constant 3696 : index
    %swap3A_860 = tpu.vector_load %arg6[%swap3A_859] {strides = array<i32>} : memref<8976xi32, #tpu.memory_space<vmem>>, vector<16xi32>,
    %swap3A_861 = vector.shape_cast %swap3A_860 : vector<16xi32> to vector<16xi32>
    %swap3A_862 = vector.shape_cast %select_n3A_858 : vector<16xi32> to vector<16xi32>
    tpu.vector_store %arg6[%swap3A_859], %swap3A_862 {strides = array<i32>} : memref<8976xi32, #tpu.memory_space<vmem>>, vector<16xi32>,
    %eq3A_863 = arith.constant 8 : i32
    %eq3A_864 = vector.broadcast %eq3A_863 : i32 to vector<16xi32>
    %eq3A_865 = arith.cmpi eq, %iota3A, %eq3A_864 : vector<16xi32>
    %select_n3A_866 = arith.select %eq3A_865, %get3A_851, %get3A_854 : vector<16xi1>, vector<16xi32>
    %swap3A_867 = arith.constant 4208 : index
    %swap3A_868 = tpu.vector_load %arg6[%swap3A_867] {strides = array<i32>} : memref<8976xi32, #tpu.memory_space<vmem>>, vector<16xi32>,
    %swap3A_869 = vector.shape_cast %swap3A_868 : vector<16xi32> to vector<16xi32>
    %swap3A_870 = vector.shape_cast %select_n3A_866 : vector<16xi32> to vector<16xi32>
    tpu.vector_store %arg6[%swap3A_867], %swap3A_870 {strides = array<i32>} : memref<8976xi32, #tpu.memory_space<vmem>>, vector<16xi32>,
    %dma_wait3A_871 = arith.constant 4232 : i32
    %dma_wait3A_872 = tpu.memref_slice %arg5[%dma_wait3A_871] : memref<8976xi32, #tpu.memory_space<vmem>> -> memref<512xi32, #tpu.memory_space<vmem>>
    %dma_wait3A_873 = tpu.memref_slice %arg2[%mul3A_200] : memref<524288xi32, #tpu.memory_space<hbm>> -> memref<512xi32, #tpu.memory_space<hbm>>
    %dma_wait3A_874 = arith.constant 4232 : i32
    %dma_wait3A_875 = tpu.memref_slice %arg5[%dma_wait3A_874] : memref<8976xi32, #tpu.memory_space<vmem>> -> memref<512xi32, #tpu.memory_space<vmem>>
    %dma_wait3A_876 = tpu.memref_slice %arg2[%mul3A_200] : memref<524288xi32, #tpu.memory_space<hbm>> -> memref<512xi32, #tpu.memory_space<hbm>>
    tpu.wait_dma2 semaphore(%arg11 : memref<!tpu.dma_semaphore, #tpu.memory_space<semaphore_mem>>) src(%dma_wait3A_876 : memref<512xi32, #tpu.memory_space<hbm>>) dst(%dma_wait3A_875 : memref<512xi32, #tpu.memory_space<vmem>>)
    %dma_wait3A_877 = arith.constant 4232 : i32
    %dma_wait3A_878 = tpu.memref_slice %arg6[%dma_wait3A_877] : memref<8976xi32, #tpu.memory_space<vmem>> -> memref<512xi32, #tpu.memory_space<vmem>>
    %dma_wait3A_879 = tpu.memref_slice %arg2[%add3A_210] : memref<524288xi32, #tpu.memory_space<hbm>> -> memref<512xi32, #tpu.memory_space<hbm>>
    %dma_wait3A_880 = arith.constant 4232 : i32
    %dma_wait3A_881 = tpu.memref_slice %arg6[%dma_wait3A_880] : memref<8976xi32, #tpu.memory_space<vmem>> -> memref<512xi32, #tpu.memory_space<vmem>>
    %dma_wait3A_882 = tpu.memref_slice %arg2[%add3A_210] : memref<524288xi32, #tpu.memory_space<hbm>> -> memref<512xi32, #tpu.memory_space<hbm>>
    tpu.wait_dma2 semaphore(%arg11 : memref<!tpu.dma_semaphore, #tpu.memory_space<semaphore_mem>>) src(%dma_wait3A_882 : memref<512xi32, #tpu.memory_space<hbm>>) dst(%dma_wait3A_881 : memref<512xi32, #tpu.memory_space<vmem>>)
    %get3A_883 = arith.constant 4224 : index
    %get3A_884 = tpu.vector_load %arg5[%get3A_883] {strides = array<i32>} : memref<8976xi32, #tpu.memory_space<vmem>>, vector<16xi32>,
    %get3A_885 = vector.shape_cast %get3A_884 : vector<16xi32> to vector<16xi32>
    %get3A_886 = arith.constant 4736 : index
    %get3A_887 = tpu.vector_load %arg5[%get3A_886] {strides = array<i32>} : memref<8976xi32, #tpu.memory_space<vmem>>, vector<16xi32>,
    %get3A_888 = vector.shape_cast %get3A_887 : vector<16xi32> to vector<16xi32>
    %eq3A_889 = arith.constant 7 : i32
    %eq3A_890 = vector.broadcast %eq3A_889 : i32 to vector<16xi32>
    %eq3A_891 = arith.cmpi eq, %iota3A, %eq3A_890 : vector<16xi32>
    %select_n3A_892 = arith.select %eq3A_891, %get3A_888, %get3A_885 : vector<16xi1>, vector<16xi32>
    %swap3A_893 = arith.constant 4224 : index
    %swap3A_894 = tpu.vector_load %arg5[%swap3A_893] {strides = array<i32>} : memref<8976xi32, #tpu.memory_space<vmem>>, vector<16xi32>,
    %swap3A_895 = vector.shape_cast %swap3A_894 : vector<16xi32> to vector<16xi32>
    %swap3A_896 = vector.shape_cast %select_n3A_892 : vector<16xi32> to vector<16xi32>
    tpu.vector_store %arg5[%swap3A_893], %swap3A_896 {strides = array<i32>} : memref<8976xi32, #tpu.memory_space<vmem>>, vector<16xi32>,
    %eq3A_897 = arith.constant 8 : i32
    %eq3A_898 = vector.broadcast %eq3A_897 : i32 to vector<16xi32>
    %eq3A_899 = arith.cmpi eq, %iota3A, %eq3A_898 : vector<16xi32>
    %select_n3A_900 = arith.select %eq3A_899, %get3A_885, %get3A_888 : vector<16xi1>, vector<16xi32>
    %swap3A_901 = arith.constant 4736 : index
    %swap3A_902 = tpu.vector_load %arg5[%swap3A_901] {strides = array<i32>} : memref<8976xi32, #tpu.memory_space<vmem>>, vector<16xi32>,
    %swap3A_903 = vector.shape_cast %swap3A_902 : vector<16xi32> to vector<16xi32>
    %swap3A_904 = vector.shape_cast %select_n3A_900 : vector<16xi32> to vector<16xi32>
    tpu.vector_store %arg5[%swap3A_901], %swap3A_904 {strides = array<i32>} : memref<8976xi32, #tpu.memory_space<vmem>>, vector<16xi32>,
    %get3A_905 = arith.constant 4224 : index
    %get3A_906 = tpu.vector_load %arg6[%get3A_905] {strides = array<i32>} : memref<8976xi32, #tpu.memory_space<vmem>>, vector<16xi32>,
    %get3A_907 = vector.shape_cast %get3A_906 : vector<16xi32> to vector<16xi32>
    %get3A_908 = arith.constant 4736 : index
    %get3A_909 = tpu.vector_load %arg6[%get3A_908] {strides = array<i32>} : memref<8976xi32, #tpu.memory_space<vmem>>, vector<16xi32>,
    %get3A_910 = vector.shape_cast %get3A_909 : vector<16xi32> to vector<16xi32>
    %eq3A_911 = arith.constant 7 : i32
    %eq3A_912 = vector.broadcast %eq3A_911 : i32 to vector<16xi32>
    %eq3A_913 = arith.cmpi eq, %iota3A, %eq3A_912 : vector<16xi32>
    %select_n3A_914 = arith.select %eq3A_913, %get3A_910, %get3A_907 : vector<16xi1>, vector<16xi32>
    %swap3A_915 = arith.constant 4224 : index
    %swap3A_916 = tpu.vector_load %arg6[%swap3A_915] {strides = array<i32>} : memref<8976xi32, #tpu.memory_space<vmem>>, vector<16xi32>,
    %swap3A_917 = vector.shape_cast %swap3A_916 : vector<16xi32> to vector<16xi32>
    %swap3A_918 = vector.shape_cast %select_n3A_914 : vector<16xi32> to vector<16xi32>
    tpu.vector_store %arg6[%swap3A_915], %swap3A_918 {strides = array<i32>} : memref<8976xi32, #tpu.memory_space<vmem>>, vector<16xi32>,
    %eq3A_919 = arith.constant 8 : i32
    %eq3A_920 = vector.broadcast %eq3A_919 : i32 to vector<16xi32>
    %eq3A_921 = arith.cmpi eq, %iota3A, %eq3A_920 : vector<16xi32>
    %select_n3A_922 = arith.select %eq3A_921, %get3A_907, %get3A_910 : vector<16xi1>, vector<16xi32>
    %swap3A_923 = arith.constant 4736 : index
    %swap3A_924 = tpu.vector_load %arg6[%swap3A_923] {strides = array<i32>} : memref<8976xi32, #tpu.memory_space<vmem>>, vector<16xi32>,
    %swap3A_925 = vector.shape_cast %swap3A_924 : vector<16xi32> to vector<16xi32>
    %swap3A_926 = vector.shape_cast %select_n3A_922 : vector<16xi32> to vector<16xi32>
    tpu.vector_store %arg6[%swap3A_923], %swap3A_926 {strides = array<i32>} : memref<8976xi32, #tpu.memory_space<vmem>>, vector<16xi32>,
    %parallel_loop3A_927 = arith.constant 0 : i32
    %parallel_loop3A_928 = arith.constant 32 : i32
    %parallel_loop3A_929 = arith.constant 1 : i32
    %parallel_loop3A_930:3 = scf.for %parallel_loop3A_1416 = %parallel_loop3A_927 to %parallel_loop3A_928 step %parallel_loop3A_929 iter_args(%parallel_loop3A_1417 = %parallel_loop3A_814#0, %parallel_loop3A_1418 = %parallel_loop3A_814#1, %parallel_loop3A_1419 = %parallel_loop3A_814#2) -> (vector<16xf32>, vector<16xi32>, vector<16xi32>)  : i32 {
      %parallel_loop3A_1420 = arith.constant 16 : i32
      %parallel_loop3A_1421 = arith.muli %parallel_loop3A_1416, %parallel_loop3A_1420 : i32
      %parallel_loop3A_1422 = arith.constant 3704 : i32
      %parallel_loop3A_1423 = arith.addi %parallel_loop3A_1422, %parallel_loop3A_1421 : i32
      %parallel_loop3A_1424 = arith.constant 528 : i32
      %parallel_loop3A_1425 = arith.subi %parallel_loop3A_1423, %parallel_loop3A_1424 : i32
      %parallel_loop3A_1426 = arith.constant 528 : i32
      %parallel_loop3A_1427 = arith.addi %parallel_loop3A_1423, %parallel_loop3A_1426 : i32
      %parallel_loop3A_1428 = arith.constant 1 : i32
      %parallel_loop3A_1429 = arith.subi %parallel_loop3A_1425, %parallel_loop3A_1428 : i32
      %parallel_loop3A_1430 = arith.index_cast %parallel_loop3A_1429 : i32 to index
      %parallel_loop3A_1431 = tpu.vector_load %arg5[%parallel_loop3A_1430] {strides = array<i32>} : memref<8976xi32, #tpu.memory_space<vmem>>, vector<16xi32>,
      %parallel_loop3A_1432 = vector.shape_cast %parallel_loop3A_1431 : vector<16xi32> to vector<16xi32>
      %parallel_loop3A_1433 = arith.constant 1 : i32
      %parallel_loop3A_1434 = arith.subi %parallel_loop3A_1425, %parallel_loop3A_1433 : i32
      %parallel_loop3A_1435 = arith.index_cast %parallel_loop3A_1434 : i32 to index
      %parallel_loop3A_1436 = tpu.vector_load %arg6[%parallel_loop3A_1435] {strides = array<i32>} : memref<8976xi32, #tpu.memory_space<vmem>>, vector<16xi32>,
      %parallel_loop3A_1437 = vector.shape_cast %parallel_loop3A_1436 : vector<16xi32> to vector<16xi32>
      %parallel_loop3A_1438 = arith.index_cast %parallel_loop3A_1425 : i32 to index
      %parallel_loop3A_1439 = tpu.vector_load %arg5[%parallel_loop3A_1438] {strides = array<i32>} : memref<8976xi32, #tpu.memory_space<vmem>>, vector<16xi32>,
      %parallel_loop3A_1440 = vector.shape_cast %parallel_loop3A_1439 : vector<16xi32> to vector<16xi32>
      %parallel_loop3A_1441 = arith.index_cast %parallel_loop3A_1425 : i32 to index
      %parallel_loop3A_1442 = tpu.vector_load %arg6[%parallel_loop3A_1441] {strides = array<i32>} : memref<8976xi32, #tpu.memory_space<vmem>>, vector<16xi32>,
      %parallel_loop3A_1443 = vector.shape_cast %parallel_loop3A_1442 : vector<16xi32> to vector<16xi32>
      %parallel_loop3A_1444 = arith.constant 1 : i32
      %parallel_loop3A_1445 = arith.addi %parallel_loop3A_1425, %parallel_loop3A_1444 : i32
      %parallel_loop3A_1446 = arith.index_cast %parallel_loop3A_1445 : i32 to index
      %parallel_loop3A_1447 = tpu.vector_load %arg5[%parallel_loop3A_1446] {strides = array<i32>} : memref<8976xi32, #tpu.memory_space<vmem>>, vector<16xi32>,
      %parallel_loop3A_1448 = vector.shape_cast %parallel_loop3A_1447 : vector<16xi32> to vector<16xi32>
      %parallel_loop3A_1449 = arith.constant 1 : i32
      %parallel_loop3A_1450 = arith.addi %parallel_loop3A_1425, %parallel_loop3A_1449 : i32
      %parallel_loop3A_1451 = arith.index_cast %parallel_loop3A_1450 : i32 to index
      %parallel_loop3A_1452 = tpu.vector_load %arg6[%parallel_loop3A_1451] {strides = array<i32>} : memref<8976xi32, #tpu.memory_space<vmem>>, vector<16xi32>,
      %parallel_loop3A_1453 = vector.shape_cast %parallel_loop3A_1452 : vector<16xi32> to vector<16xi32>
      %parallel_loop3A_1454 = arith.constant 1 : i32
      %parallel_loop3A_1455 = arith.subi %parallel_loop3A_1423, %parallel_loop3A_1454 : i32
      %parallel_loop3A_1456 = arith.index_cast %parallel_loop3A_1455 : i32 to index
      %parallel_loop3A_1457 = tpu.vector_load %arg5[%parallel_loop3A_1456] {strides = array<i32>} : memref<8976xi32, #tpu.memory_space<vmem>>, vector<16xi32>,
      %parallel_loop3A_1458 = vector.shape_cast %parallel_loop3A_1457 : vector<16xi32> to vector<16xi32>
      %parallel_loop3A_1459 = arith.constant 1 : i32
      %parallel_loop3A_1460 = arith.subi %parallel_loop3A_1423, %parallel_loop3A_1459 : i32
      %parallel_loop3A_1461 = arith.index_cast %parallel_loop3A_1460 : i32 to index
      %parallel_loop3A_1462 = tpu.vector_load %arg6[%parallel_loop3A_1461] {strides = array<i32>} : memref<8976xi32, #tpu.memory_space<vmem>>, vector<16xi32>,
      %parallel_loop3A_1463 = vector.shape_cast %parallel_loop3A_1462 : vector<16xi32> to vector<16xi32>
      %parallel_loop3A_1464 = arith.index_cast %parallel_loop3A_1423 : i32 to index
      %parallel_loop3A_1465 = tpu.vector_load %arg5[%parallel_loop3A_1464] {strides = array<i32>} : memref<8976xi32, #tpu.memory_space<vmem>>, vector<16xi32>,
      %parallel_loop3A_1466 = vector.shape_cast %parallel_loop3A_1465 : vector<16xi32> to vector<16xi32>
      %parallel_loop3A_1467 = arith.index_cast %parallel_loop3A_1423 : i32 to index
      %parallel_loop3A_1468 = tpu.vector_load %arg6[%parallel_loop3A_1467] {strides = array<i32>} : memref<8976xi32, #tpu.memory_space<vmem>>, vector<16xi32>,
      %parallel_loop3A_1469 = vector.shape_cast %parallel_loop3A_1468 : vector<16xi32> to vector<16xi32>
      %parallel_loop3A_1470 = arith.constant 1 : i32
      %parallel_loop3A_1471 = arith.addi %parallel_loop3A_1423, %parallel_loop3A_1470 : i32
      %parallel_loop3A_1472 = arith.index_cast %parallel_loop3A_1471 : i32 to index
      %parallel_loop3A_1473 = tpu.vector_load %arg5[%parallel_loop3A_1472] {strides = array<i32>} : memref<8976xi32, #tpu.memory_space<vmem>>, vector<16xi32>,
      %parallel_loop3A_1474 = vector.shape_cast %parallel_loop3A_1473 : vector<16xi32> to vector<16xi32>
      %parallel_loop3A_1475 = arith.constant 1 : i32
      %parallel_loop3A_1476 = arith.addi %parallel_loop3A_1423, %parallel_loop3A_1475 : i32
      %parallel_loop3A_1477 = arith.index_cast %parallel_loop3A_1476 : i32 to index
      %parallel_loop3A_1478 = tpu.vector_load %arg6[%parallel_loop3A_1477] {strides = array<i32>} : memref<8976xi32, #tpu.memory_space<vmem>>, vector<16xi32>,
      %parallel_loop3A_1479 = vector.shape_cast %parallel_loop3A_1478 : vector<16xi32> to vector<16xi32>
      %parallel_loop3A_1480 = arith.constant 1 : i32
      %parallel_loop3A_1481 = arith.subi %parallel_loop3A_1427, %parallel_loop3A_1480 : i32
      %parallel_loop3A_1482 = arith.index_cast %parallel_loop3A_1481 : i32 to index
      %parallel_loop3A_1483 = tpu.vector_load %arg5[%parallel_loop3A_1482] {strides = array<i32>} : memref<8976xi32, #tpu.memory_space<vmem>>, vector<16xi32>,
      %parallel_loop3A_1484 = vector.shape_cast %parallel_loop3A_1483 : vector<16xi32> to vector<16xi32>
      %parallel_loop3A_1485 = arith.constant 1 : i32
      %parallel_loop3A_1486 = arith.subi %parallel_loop3A_1427, %parallel_loop3A_1485 : i32
      %parallel_loop3A_1487 = arith.index_cast %parallel_loop3A_1486 : i32 to index
      %parallel_loop3A_1488 = tpu.vector_load %arg6[%parallel_loop3A_1487] {strides = array<i32>} : memref<8976xi32, #tpu.memory_space<vmem>>, vector<16xi32>,
      %parallel_loop3A_1489 = vector.shape_cast %parallel_loop3A_1488 : vector<16xi32> to vector<16xi32>
      %parallel_loop3A_1490 = arith.index_cast %parallel_loop3A_1427 : i32 to index
      %parallel_loop3A_1491 = tpu.vector_load %arg5[%parallel_loop3A_1490] {strides = array<i32>} : memref<8976xi32, #tpu.memory_space<vmem>>, vector<16xi32>,
      %parallel_loop3A_1492 = vector.shape_cast %parallel_loop3A_1491 : vector<16xi32> to vector<16xi32>
      %parallel_loop3A_1493 = arith.index_cast %parallel_loop3A_1427 : i32 to index
      %parallel_loop3A_1494 = tpu.vector_load %arg6[%parallel_loop3A_1493] {strides = array<i32>} : memref<8976xi32, #tpu.memory_space<vmem>>, vector<16xi32>,
      %parallel_loop3A_1495 = vector.shape_cast %parallel_loop3A_1494 : vector<16xi32> to vector<16xi32>
      %parallel_loop3A_1496 = arith.constant 3 : i32
      %parallel_loop3A_1497 = vector.broadcast %parallel_loop3A_1496 : i32 to vector<16xi32>
      %parallel_loop3A_1498 = arith.muli %parallel_loop3A_1469, %parallel_loop3A_1497 : vector<16xi32>
      %parallel_loop3A_1499 = arith.constant 1 : i32
      %parallel_loop3A_1500 = vector.broadcast %parallel_loop3A_1499 : i32 to vector<16xi32>
      %parallel_loop3A_1501 = arith.andi %parallel_loop3A_1466, %parallel_loop3A_1500 : vector<16xi32>
      %parallel_loop3A_1502 = arith.addi %parallel_loop3A_1418, %parallel_loop3A_1501 : vector<16xi32>
      %parallel_loop3A_1503 = arith.constant 1 : i32
      %parallel_loop3A_1504 = vector.broadcast %parallel_loop3A_1503 : i32 to vector<16xi32>
      %parallel_loop3A_1505 = arith.shrsi %parallel_loop3A_1466, %parallel_loop3A_1504 : vector<16xi32>
      %parallel_loop3A_1506 = arith.addi %parallel_loop3A_1419, %parallel_loop3A_1505 : vector<16xi32>
      %parallel_loop3A_1507 = arith.cmpi ne, %parallel_loop3A_1466, %parallel_loop3A_1458 : vector<16xi32>
      %parallel_loop3A_1508 = arith.addi %parallel_loop3A_1498, %parallel_loop3A_1463 : vector<16xi32>
      %parallel_loop3A_1509 = arith.constant 9 : i32
      %parallel_loop3A_1510 = vector.broadcast %parallel_loop3A_1509 : i32 to vector<16xi32>
      %parallel_loop3A_1511 = arith.select %parallel_loop3A_1507, %parallel_loop3A_1508, %parallel_loop3A_1510 : vector<16xi1>, vector<16xi32>
      %parallel_loop3A_1512 = arith.constant 0 : i32
      %parallel_loop3A_1513 = vector.broadcast %parallel_loop3A_1512 : i32 to vector<16xi32>
      %parallel_loop3A_1514 = arith.cmpi slt, %parallel_loop3A_1511, %parallel_loop3A_1513 : vector<16xi32>
      %parallel_loop3A_1515 = arith.constant 16 : i32
      %parallel_loop3A_1516 = vector.broadcast %parallel_loop3A_1515 : i32 to vector<16xi32>
      %parallel_loop3A_1517 = arith.addi %parallel_loop3A_1511, %parallel_loop3A_1516 : vector<16xi32>
      %parallel_loop3A_1518 = arith.select %parallel_loop3A_1514, %parallel_loop3A_1517, %parallel_loop3A_1511 : vector<16xi1>, vector<16xi32>
      %parallel_loop3A_1519 = vector.shape_cast %parallel_loop3A_1518 : vector<16xi32> to vector<16x1xi32>
      %parallel_loop3A_1520 = vector.shape_cast %parallel_loop3A_1519 : vector<16x1xi32> to vector<16xi32>
      %parallel_loop3A_1521 = tpu.dynamic_gather %get3A_574[%parallel_loop3A_1520] in [0] : vector<16xf32>, vector<16xi32> -> vector<16xf32>
      %parallel_loop3A_1522 = arith.addf %parallel_loop3A_1417, %parallel_loop3A_1521 : vector<16xf32>
      %parallel_loop3A_1523 = arith.cmpi ne, %parallel_loop3A_1466, %parallel_loop3A_1432 : vector<16xi32>
      %parallel_loop3A_1524 = arith.addi %parallel_loop3A_1498, %parallel_loop3A_1437 : vector<16xi32>
      %parallel_loop3A_1525 = arith.constant 9 : i32
      %parallel_loop3A_1526 = vector.broadcast %parallel_loop3A_1525 : i32 to vector<16xi32>
      %parallel_loop3A_1527 = arith.select %parallel_loop3A_1523, %parallel_loop3A_1524, %parallel_loop3A_1526 : vector<16xi1>, vector<16xi32>
      %parallel_loop3A_1528 = arith.constant 0 : i32
      %parallel_loop3A_1529 = vector.broadcast %parallel_loop3A_1528 : i32 to vector<16xi32>
      %parallel_loop3A_1530 = arith.cmpi slt, %parallel_loop3A_1527, %parallel_loop3A_1529 : vector<16xi32>
      %parallel_loop3A_1531 = arith.constant 16 : i32
      %parallel_loop3A_1532 = vector.broadcast %parallel_loop3A_1531 : i32 to vector<16xi32>
      %parallel_loop3A_1533 = arith.addi %parallel_loop3A_1527, %parallel_loop3A_1532 : vector<16xi32>
      %parallel_loop3A_1534 = arith.select %parallel_loop3A_1530, %parallel_loop3A_1533, %parallel_loop3A_1527 : vector<16xi1>, vector<16xi32>
      %parallel_loop3A_1535 = vector.shape_cast %parallel_loop3A_1534 : vector<16xi32> to vector<16x1xi32>
      %parallel_loop3A_1536 = vector.shape_cast %parallel_loop3A_1535 : vector<16x1xi32> to vector<16xi32>
      %parallel_loop3A_1537 = tpu.dynamic_gather %get3A_574[%parallel_loop3A_1536] in [0] : vector<16xf32>, vector<16xi32> -> vector<16xf32>
      %parallel_loop3A_1538 = arith.addf %parallel_loop3A_1522, %parallel_loop3A_1537 : vector<16xf32>
      %parallel_loop3A_1539 = arith.cmpi ne, %parallel_loop3A_1466, %parallel_loop3A_1440 : vector<16xi32>
      %parallel_loop3A_1540 = arith.addi %parallel_loop3A_1498, %parallel_loop3A_1443 : vector<16xi32>
      %parallel_loop3A_1541 = arith.constant 9 : i32
      %parallel_loop3A_1542 = vector.broadcast %parallel_loop3A_1541 : i32 to vector<16xi32>
      %parallel_loop3A_1543 = arith.select %parallel_loop3A_1539, %parallel_loop3A_1540, %parallel_loop3A_1542 : vector<16xi1>, vector<16xi32>
      %parallel_loop3A_1544 = arith.constant 0 : i32
      %parallel_loop3A_1545 = vector.broadcast %parallel_loop3A_1544 : i32 to vector<16xi32>
      %parallel_loop3A_1546 = arith.cmpi slt, %parallel_loop3A_1543, %parallel_loop3A_1545 : vector<16xi32>
      %parallel_loop3A_1547 = arith.constant 16 : i32
      %parallel_loop3A_1548 = vector.broadcast %parallel_loop3A_1547 : i32 to vector<16xi32>
      %parallel_loop3A_1549 = arith.addi %parallel_loop3A_1543, %parallel_loop3A_1548 : vector<16xi32>
      %parallel_loop3A_1550 = arith.select %parallel_loop3A_1546, %parallel_loop3A_1549, %parallel_loop3A_1543 : vector<16xi1>, vector<16xi32>
      %parallel_loop3A_1551 = vector.shape_cast %parallel_loop3A_1550 : vector<16xi32> to vector<16x1xi32>
      %parallel_loop3A_1552 = vector.shape_cast %parallel_loop3A_1551 : vector<16x1xi32> to vector<16xi32>
      %parallel_loop3A_1553 = tpu.dynamic_gather %get3A_574[%parallel_loop3A_1552] in [0] : vector<16xf32>, vector<16xi32> -> vector<16xf32>
      %parallel_loop3A_1554 = arith.addf %parallel_loop3A_1538, %parallel_loop3A_1553 : vector<16xf32>
      %parallel_loop3A_1555 = arith.cmpi ne, %parallel_loop3A_1466, %parallel_loop3A_1448 : vector<16xi32>
      %parallel_loop3A_1556 = arith.addi %parallel_loop3A_1498, %parallel_loop3A_1453 : vector<16xi32>
      %parallel_loop3A_1557 = arith.constant 9 : i32
      %parallel_loop3A_1558 = vector.broadcast %parallel_loop3A_1557 : i32 to vector<16xi32>
      %parallel_loop3A_1559 = arith.select %parallel_loop3A_1555, %parallel_loop3A_1556, %parallel_loop3A_1558 : vector<16xi1>, vector<16xi32>
      %parallel_loop3A_1560 = arith.constant 0 : i32
      %parallel_loop3A_1561 = vector.broadcast %parallel_loop3A_1560 : i32 to vector<16xi32>
      %parallel_loop3A_1562 = arith.cmpi slt, %parallel_loop3A_1559, %parallel_loop3A_1561 : vector<16xi32>
      %parallel_loop3A_1563 = arith.constant 16 : i32
      %parallel_loop3A_1564 = vector.broadcast %parallel_loop3A_1563 : i32 to vector<16xi32>
      %parallel_loop3A_1565 = arith.addi %parallel_loop3A_1559, %parallel_loop3A_1564 : vector<16xi32>
      %parallel_loop3A_1566 = arith.select %parallel_loop3A_1562, %parallel_loop3A_1565, %parallel_loop3A_1559 : vector<16xi1>, vector<16xi32>
      %parallel_loop3A_1567 = vector.shape_cast %parallel_loop3A_1566 : vector<16xi32> to vector<16x1xi32>
      %parallel_loop3A_1568 = vector.shape_cast %parallel_loop3A_1567 : vector<16x1xi32> to vector<16xi32>
      %parallel_loop3A_1569 = tpu.dynamic_gather %get3A_574[%parallel_loop3A_1568] in [0] : vector<16xf32>, vector<16xi32> -> vector<16xf32>
      %parallel_loop3A_1570 = arith.addf %parallel_loop3A_1554, %parallel_loop3A_1569 : vector<16xf32>
      %parallel_loop3A_1571 = arith.constant 3 : i32
      %parallel_loop3A_1572 = vector.broadcast %parallel_loop3A_1571 : i32 to vector<16xi32>
      %parallel_loop3A_1573 = arith.muli %parallel_loop3A_1495, %parallel_loop3A_1572 : vector<16xi32>
      %parallel_loop3A_1574 = arith.constant 1 : i32
      %parallel_loop3A_1575 = vector.broadcast %parallel_loop3A_1574 : i32 to vector<16xi32>
      %parallel_loop3A_1576 = arith.andi %parallel_loop3A_1492, %parallel_loop3A_1575 : vector<16xi32>
      %parallel_loop3A_1577 = arith.addi %parallel_loop3A_1502, %parallel_loop3A_1576 : vector<16xi32>
      %parallel_loop3A_1578 = arith.constant 1 : i32
      %parallel_loop3A_1579 = vector.broadcast %parallel_loop3A_1578 : i32 to vector<16xi32>
      %parallel_loop3A_1580 = arith.shrsi %parallel_loop3A_1492, %parallel_loop3A_1579 : vector<16xi32>
      %parallel_loop3A_1581 = arith.addi %parallel_loop3A_1506, %parallel_loop3A_1580 : vector<16xi32>
      %parallel_loop3A_1582 = arith.cmpi ne, %parallel_loop3A_1492, %parallel_loop3A_1484 : vector<16xi32>
      %parallel_loop3A_1583 = arith.addi %parallel_loop3A_1573, %parallel_loop3A_1489 : vector<16xi32>
      %parallel_loop3A_1584 = arith.constant 9 : i32
      %parallel_loop3A_1585 = vector.broadcast %parallel_loop3A_1584 : i32 to vector<16xi32>
      %parallel_loop3A_1586 = arith.select %parallel_loop3A_1582, %parallel_loop3A_1583, %parallel_loop3A_1585 : vector<16xi1>, vector<16xi32>
      %parallel_loop3A_1587 = arith.constant 0 : i32
      %parallel_loop3A_1588 = vector.broadcast %parallel_loop3A_1587 : i32 to vector<16xi32>
      %parallel_loop3A_1589 = arith.cmpi slt, %parallel_loop3A_1586, %parallel_loop3A_1588 : vector<16xi32>
      %parallel_loop3A_1590 = arith.constant 16 : i32
      %parallel_loop3A_1591 = vector.broadcast %parallel_loop3A_1590 : i32 to vector<16xi32>
      %parallel_loop3A_1592 = arith.addi %parallel_loop3A_1586, %parallel_loop3A_1591 : vector<16xi32>
      %parallel_loop3A_1593 = arith.select %parallel_loop3A_1589, %parallel_loop3A_1592, %parallel_loop3A_1586 : vector<16xi1>, vector<16xi32>
      %parallel_loop3A_1594 = vector.shape_cast %parallel_loop3A_1593 : vector<16xi32> to vector<16x1xi32>
      %parallel_loop3A_1595 = vector.shape_cast %parallel_loop3A_1594 : vector<16x1xi32> to vector<16xi32>
      %parallel_loop3A_1596 = tpu.dynamic_gather %get3A_574[%parallel_loop3A_1595] in [0] : vector<16xf32>, vector<16xi32> -> vector<16xf32>
      %parallel_loop3A_1597 = arith.addf %parallel_loop3A_1570, %parallel_loop3A_1596 : vector<16xf32>
      %parallel_loop3A_1598 = arith.cmpi ne, %parallel_loop3A_1492, %parallel_loop3A_1458 : vector<16xi32>
      %parallel_loop3A_1599 = arith.addi %parallel_loop3A_1573, %parallel_loop3A_1463 : vector<16xi32>
      %parallel_loop3A_1600 = arith.constant 9 : i32
      %parallel_loop3A_1601 = vector.broadcast %parallel_loop3A_1600 : i32 to vector<16xi32>
      %parallel_loop3A_1602 = arith.select %parallel_loop3A_1598, %parallel_loop3A_1599, %parallel_loop3A_1601 : vector<16xi1>, vector<16xi32>
      %parallel_loop3A_1603 = arith.constant 0 : i32
      %parallel_loop3A_1604 = vector.broadcast %parallel_loop3A_1603 : i32 to vector<16xi32>
      %parallel_loop3A_1605 = arith.cmpi slt, %parallel_loop3A_1602, %parallel_loop3A_1604 : vector<16xi32>
      %parallel_loop3A_1606 = arith.constant 16 : i32
      %parallel_loop3A_1607 = vector.broadcast %parallel_loop3A_1606 : i32 to vector<16xi32>
      %parallel_loop3A_1608 = arith.addi %parallel_loop3A_1602, %parallel_loop3A_1607 : vector<16xi32>
      %parallel_loop3A_1609 = arith.select %parallel_loop3A_1605, %parallel_loop3A_1608, %parallel_loop3A_1602 : vector<16xi1>, vector<16xi32>
      %parallel_loop3A_1610 = vector.shape_cast %parallel_loop3A_1609 : vector<16xi32> to vector<16x1xi32>
      %parallel_loop3A_1611 = vector.shape_cast %parallel_loop3A_1610 : vector<16x1xi32> to vector<16xi32>
      %parallel_loop3A_1612 = tpu.dynamic_gather %get3A_574[%parallel_loop3A_1611] in [0] : vector<16xf32>, vector<16xi32> -> vector<16xf32>
      %parallel_loop3A_1613 = arith.addf %parallel_loop3A_1597, %parallel_loop3A_1612 : vector<16xf32>
      %parallel_loop3A_1614 = arith.cmpi ne, %parallel_loop3A_1492, %parallel_loop3A_1466 : vector<16xi32>
      %parallel_loop3A_1615 = arith.addi %parallel_loop3A_1573, %parallel_loop3A_1469 : vector<16xi32>
      %parallel_loop3A_1616 = arith.constant 9 : i32
      %parallel_loop3A_1617 = vector.broadcast %parallel_loop3A_1616 : i32 to vector<16xi32>
      %parallel_loop3A_1618 = arith.select %parallel_loop3A_1614, %parallel_loop3A_1615, %parallel_loop3A_1617 : vector<16xi1>, vector<16xi32>
      %parallel_loop3A_1619 = arith.constant 0 : i32
      %parallel_loop3A_1620 = vector.broadcast %parallel_loop3A_1619 : i32 to vector<16xi32>
      %parallel_loop3A_1621 = arith.cmpi slt, %parallel_loop3A_1618, %parallel_loop3A_1620 : vector<16xi32>
      %parallel_loop3A_1622 = arith.constant 16 : i32
      %parallel_loop3A_1623 = vector.broadcast %parallel_loop3A_1622 : i32 to vector<16xi32>
      %parallel_loop3A_1624 = arith.addi %parallel_loop3A_1618, %parallel_loop3A_1623 : vector<16xi32>
      %parallel_loop3A_1625 = arith.select %parallel_loop3A_1621, %parallel_loop3A_1624, %parallel_loop3A_1618 : vector<16xi1>, vector<16xi32>
      %parallel_loop3A_1626 = vector.shape_cast %parallel_loop3A_1625 : vector<16xi32> to vector<16x1xi32>
      %parallel_loop3A_1627 = vector.shape_cast %parallel_loop3A_1626 : vector<16x1xi32> to vector<16xi32>
      %parallel_loop3A_1628 = tpu.dynamic_gather %get3A_574[%parallel_loop3A_1627] in [0] : vector<16xf32>, vector<16xi32> -> vector<16xf32>
      %parallel_loop3A_1629 = arith.addf %parallel_loop3A_1613, %parallel_loop3A_1628 : vector<16xf32>
      %parallel_loop3A_1630 = arith.cmpi ne, %parallel_loop3A_1492, %parallel_loop3A_1474 : vector<16xi32>
      %parallel_loop3A_1631 = arith.addi %parallel_loop3A_1573, %parallel_loop3A_1479 : vector<16xi32>
      %parallel_loop3A_1632 = arith.constant 9 : i32
      %parallel_loop3A_1633 = vector.broadcast %parallel_loop3A_1632 : i32 to vector<16xi32>
      %parallel_loop3A_1634 = arith.select %parallel_loop3A_1630, %parallel_loop3A_1631, %parallel_loop3A_1633 : vector<16xi1>, vector<16xi32>
      %parallel_loop3A_1635 = arith.constant 0 : i32
      %parallel_loop3A_1636 = vector.broadcast %parallel_loop3A_1635 : i32 to vector<16xi32>
      %parallel_loop3A_1637 = arith.cmpi slt, %parallel_loop3A_1634, %parallel_loop3A_1636 : vector<16xi32>
      %parallel_loop3A_1638 = arith.constant 16 : i32
      %parallel_loop3A_1639 = vector.broadcast %parallel_loop3A_1638 : i32 to vector<16xi32>
      %parallel_loop3A_1640 = arith.addi %parallel_loop3A_1634, %parallel_loop3A_1639 : vector<16xi32>
      %parallel_loop3A_1641 = arith.select %parallel_loop3A_1637, %parallel_loop3A_1640, %parallel_loop3A_1634 : vector<16xi1>, vector<16xi32>
      %parallel_loop3A_1642 = vector.shape_cast %parallel_loop3A_1641 : vector<16xi32> to vector<16x1xi32>
      %parallel_loop3A_1643 = vector.shape_cast %parallel_loop3A_1642 : vector<16x1xi32> to vector<16xi32>
      %parallel_loop3A_1644 = tpu.dynamic_gather %get3A_574[%parallel_loop3A_1643] in [0] : vector<16xf32>, vector<16xi32> -> vector<16xf32>
      %parallel_loop3A_1645 = arith.addf %parallel_loop3A_1629, %parallel_loop3A_1644 : vector<16xf32>
      scf.yield %parallel_loop3A_1645, %parallel_loop3A_1577, %parallel_loop3A_1581 : vector<16xf32>, vector<16xi32>, vector<16xi32>
    } {sc.loop_unroll_factor = 2 : i64, sc.parallel_access}
    %dma_wait3A_931 = arith.constant 4760 : i32
    %dma_wait3A_932 = tpu.memref_slice %arg5[%dma_wait3A_931] : memref<8976xi32, #tpu.memory_space<vmem>> -> memref<512xi32, #tpu.memory_space<vmem>>
    %dma_wait3A_933 = tpu.memref_slice %arg2[%mul3A_224] : memref<524288xi32, #tpu.memory_space<hbm>> -> memref<512xi32, #tpu.memory_space<hbm>>
    %dma_wait3A_934 = arith.constant 4760 : i32
    %dma_wait3A_935 = tpu.memref_slice %arg5[%dma_wait3A_934] : memref<8976xi32, #tpu.memory_space<vmem>> -> memref<512xi32, #tpu.memory_space<vmem>>
    %dma_wait3A_936 = tpu.memref_slice %arg2[%mul3A_224] : memref<524288xi32, #tpu.memory_space<hbm>> -> memref<512xi32, #tpu.memory_space<hbm>>
    tpu.wait_dma2 semaphore(%arg11 : memref<!tpu.dma_semaphore, #tpu.memory_space<semaphore_mem>>) src(%dma_wait3A_936 : memref<512xi32, #tpu.memory_space<hbm>>) dst(%dma_wait3A_935 : memref<512xi32, #tpu.memory_space<vmem>>)
    %dma_wait3A_937 = arith.constant 4760 : i32
    %dma_wait3A_938 = tpu.memref_slice %arg6[%dma_wait3A_937] : memref<8976xi32, #tpu.memory_space<vmem>> -> memref<512xi32, #tpu.memory_space<vmem>>
    %dma_wait3A_939 = tpu.memref_slice %arg2[%add3A_234] : memref<524288xi32, #tpu.memory_space<hbm>> -> memref<512xi32, #tpu.memory_space<hbm>>
    %dma_wait3A_940 = arith.constant 4760 : i32
    %dma_wait3A_941 = tpu.memref_slice %arg6[%dma_wait3A_940] : memref<8976xi32, #tpu.memory_space<vmem>> -> memref<512xi32, #tpu.memory_space<vmem>>
    %dma_wait3A_942 = tpu.memref_slice %arg2[%add3A_234] : memref<524288xi32, #tpu.memory_space<hbm>> -> memref<512xi32, #tpu.memory_space<hbm>>
    tpu.wait_dma2 semaphore(%arg11 : memref<!tpu.dma_semaphore, #tpu.memory_space<semaphore_mem>>) src(%dma_wait3A_942 : memref<512xi32, #tpu.memory_space<hbm>>) dst(%dma_wait3A_941 : memref<512xi32, #tpu.memory_space<vmem>>)
    %get3A_943 = arith.constant 4752 : index
    %get3A_944 = tpu.vector_load %arg5[%get3A_943] {strides = array<i32>} : memref<8976xi32, #tpu.memory_space<vmem>>, vector<16xi32>,
    %get3A_945 = vector.shape_cast %get3A_944 : vector<16xi32> to vector<16xi32>
    %get3A_946 = arith.constant 5264 : index
    %get3A_947 = tpu.vector_load %arg5[%get3A_946] {strides = array<i32>} : memref<8976xi32, #tpu.memory_space<vmem>>, vector<16xi32>,
    %get3A_948 = vector.shape_cast %get3A_947 : vector<16xi32> to vector<16xi32>
    %eq3A_949 = arith.constant 7 : i32
    %eq3A_950 = vector.broadcast %eq3A_949 : i32 to vector<16xi32>
    %eq3A_951 = arith.cmpi eq, %iota3A, %eq3A_950 : vector<16xi32>
    %select_n3A_952 = arith.select %eq3A_951, %get3A_948, %get3A_945 : vector<16xi1>, vector<16xi32>
    %swap3A_953 = arith.constant 4752 : index
    %swap3A_954 = tpu.vector_load %arg5[%swap3A_953] {strides = array<i32>} : memref<8976xi32, #tpu.memory_space<vmem>>, vector<16xi32>,
    %swap3A_955 = vector.shape_cast %swap3A_954 : vector<16xi32> to vector<16xi32>
    %swap3A_956 = vector.shape_cast %select_n3A_952 : vector<16xi32> to vector<16xi32>
    tpu.vector_store %arg5[%swap3A_953], %swap3A_956 {strides = array<i32>} : memref<8976xi32, #tpu.memory_space<vmem>>, vector<16xi32>,
    %eq3A_957 = arith.constant 8 : i32
    %eq3A_958 = vector.broadcast %eq3A_957 : i32 to vector<16xi32>
    %eq3A_959 = arith.cmpi eq, %iota3A, %eq3A_958 : vector<16xi32>
    %select_n3A_960 = arith.select %eq3A_959, %get3A_945, %get3A_948 : vector<16xi1>, vector<16xi32>
    %swap3A_961 = arith.constant 5264 : index
    %swap3A_962 = tpu.vector_load %arg5[%swap3A_961] {strides = array<i32>} : memref<8976xi32, #tpu.memory_space<vmem>>, vector<16xi32>,
    %swap3A_963 = vector.shape_cast %swap3A_962 : vector<16xi32> to vector<16xi32>
    %swap3A_964 = vector.shape_cast %select_n3A_960 : vector<16xi32> to vector<16xi32>
    tpu.vector_store %arg5[%swap3A_961], %swap3A_964 {strides = array<i32>} : memref<8976xi32, #tpu.memory_space<vmem>>, vector<16xi32>,
    %get3A_965 = arith.constant 4752 : index
    %get3A_966 = tpu.vector_load %arg6[%get3A_965] {strides = array<i32>} : memref<8976xi32, #tpu.memory_space<vmem>>, vector<16xi32>,
    %get3A_967 = vector.shape_cast %get3A_966 : vector<16xi32> to vector<16xi32>
    %get3A_968 = arith.constant 5264 : index
    %get3A_969 = tpu.vector_load %arg6[%get3A_968] {strides = array<i32>} : memref<8976xi32, #tpu.memory_space<vmem>>, vector<16xi32>,
    %get3A_970 = vector.shape_cast %get3A_969 : vector<16xi32> to vector<16xi32>
    %eq3A_971 = arith.constant 7 : i32
    %eq3A_972 = vector.broadcast %eq3A_971 : i32 to vector<16xi32>
    %eq3A_973 = arith.cmpi eq, %iota3A, %eq3A_972 : vector<16xi32>
    %select_n3A_974 = arith.select %eq3A_973, %get3A_970, %get3A_967 : vector<16xi1>, vector<16xi32>
    %swap3A_975 = arith.constant 4752 : index
    %swap3A_976 = tpu.vector_load %arg6[%swap3A_975] {strides = array<i32>} : memref<8976xi32, #tpu.memory_space<vmem>>, vector<16xi32>,
    %swap3A_977 = vector.shape_cast %swap3A_976 : vector<16xi32> to vector<16xi32>
    %swap3A_978 = vector.shape_cast %select_n3A_974 : vector<16xi32> to vector<16xi32>
    tpu.vector_store %arg6[%swap3A_975], %swap3A_978 {strides = array<i32>} : memref<8976xi32, #tpu.memory_space<vmem>>, vector<16xi32>,
    %eq3A_979 = arith.constant 8 : i32
    %eq3A_980 = vector.broadcast %eq3A_979 : i32 to vector<16xi32>
    %eq3A_981 = arith.cmpi eq, %iota3A, %eq3A_980 : vector<16xi32>
    %select_n3A_982 = arith.select %eq3A_981, %get3A_967, %get3A_970 : vector<16xi1>, vector<16xi32>
    %swap3A_983 = arith.constant 5264 : index
    %swap3A_984 = tpu.vector_load %arg6[%swap3A_983] {strides = array<i32>} : memref<8976xi32, #tpu.memory_space<vmem>>, vector<16xi32>,
    %swap3A_985 = vector.shape_cast %swap3A_984 : vector<16xi32> to vector<16xi32>
    %swap3A_986 = vector.shape_cast %select_n3A_982 : vector<16xi32> to vector<16xi32>
    tpu.vector_store %arg6[%swap3A_983], %swap3A_986 {strides = array<i32>} : memref<8976xi32, #tpu.memory_space<vmem>>, vector<16xi32>,
    %dma_wait3A_987 = arith.constant 5288 : i32
    %dma_wait3A_988 = tpu.memref_slice %arg5[%dma_wait3A_987] : memref<8976xi32, #tpu.memory_space<vmem>> -> memref<512xi32, #tpu.memory_space<vmem>>
    %dma_wait3A_989 = tpu.memref_slice %arg2[%mul3A_248] : memref<524288xi32, #tpu.memory_space<hbm>> -> memref<512xi32, #tpu.memory_space<hbm>>
    %dma_wait3A_990 = arith.constant 5288 : i32
    %dma_wait3A_991 = tpu.memref_slice %arg5[%dma_wait3A_990] : memref<8976xi32, #tpu.memory_space<vmem>> -> memref<512xi32, #tpu.memory_space<vmem>>
    %dma_wait3A_992 = tpu.memref_slice %arg2[%mul3A_248] : memref<524288xi32, #tpu.memory_space<hbm>> -> memref<512xi32, #tpu.memory_space<hbm>>
    tpu.wait_dma2 semaphore(%arg11 : memref<!tpu.dma_semaphore, #tpu.memory_space<semaphore_mem>>) src(%dma_wait3A_992 : memref<512xi32, #tpu.memory_space<hbm>>) dst(%dma_wait3A_991 : memref<512xi32, #tpu.memory_space<vmem>>)
    %dma_wait3A_993 = arith.constant 5288 : i32
    %dma_wait3A_994 = tpu.memref_slice %arg6[%dma_wait3A_993] : memref<8976xi32, #tpu.memory_space<vmem>> -> memref<512xi32, #tpu.memory_space<vmem>>
    %dma_wait3A_995 = tpu.memref_slice %arg2[%add3A_258] : memref<524288xi32, #tpu.memory_space<hbm>> -> memref<512xi32, #tpu.memory_space<hbm>>
    %dma_wait3A_996 = arith.constant 5288 : i32
    %dma_wait3A_997 = tpu.memref_slice %arg6[%dma_wait3A_996] : memref<8976xi32, #tpu.memory_space<vmem>> -> memref<512xi32, #tpu.memory_space<vmem>>
    %dma_wait3A_998 = tpu.memref_slice %arg2[%add3A_258] : memref<524288xi32, #tpu.memory_space<hbm>> -> memref<512xi32, #tpu.memory_space<hbm>>
    tpu.wait_dma2 semaphore(%arg11 : memref<!tpu.dma_semaphore, #tpu.memory_space<semaphore_mem>>) src(%dma_wait3A_998 : memref<512xi32, #tpu.memory_space<hbm>>) dst(%dma_wait3A_997 : memref<512xi32, #tpu.memory_space<vmem>>)
    %get3A_999 = arith.constant 5280 : index
    %get3A_1000 = tpu.vector_load %arg5[%get3A_999] {strides = array<i32>} : memref<8976xi32, #tpu.memory_space<vmem>>, vector<16xi32>,
    %get3A_1001 = vector.shape_cast %get3A_1000 : vector<16xi32> to vector<16xi32>
    %get3A_1002 = arith.constant 5792 : index
    %get3A_1003 = tpu.vector_load %arg5[%get3A_1002] {strides = array<i32>} : memref<8976xi32, #tpu.memory_space<vmem>>, vector<16xi32>,
    %get3A_1004 = vector.shape_cast %get3A_1003 : vector<16xi32> to vector<16xi32>
    %eq3A_1005 = arith.constant 7 : i32
    %eq3A_1006 = vector.broadcast %eq3A_1005 : i32 to vector<16xi32>
    %eq3A_1007 = arith.cmpi eq, %iota3A, %eq3A_1006 : vector<16xi32>
    %select_n3A_1008 = arith.select %eq3A_1007, %get3A_1004, %get3A_1001 : vector<16xi1>, vector<16xi32>
    %swap3A_1009 = arith.constant 5280 : index
    %swap3A_1010 = tpu.vector_load %arg5[%swap3A_1009] {strides = array<i32>} : memref<8976xi32, #tpu.memory_space<vmem>>, vector<16xi32>,
    %swap3A_1011 = vector.shape_cast %swap3A_1010 : vector<16xi32> to vector<16xi32>
    %swap3A_1012 = vector.shape_cast %select_n3A_1008 : vector<16xi32> to vector<16xi32>
    tpu.vector_store %arg5[%swap3A_1009], %swap3A_1012 {strides = array<i32>} : memref<8976xi32, #tpu.memory_space<vmem>>, vector<16xi32>,
    %eq3A_1013 = arith.constant 8 : i32
    %eq3A_1014 = vector.broadcast %eq3A_1013 : i32 to vector<16xi32>
    %eq3A_1015 = arith.cmpi eq, %iota3A, %eq3A_1014 : vector<16xi32>
    %select_n3A_1016 = arith.select %eq3A_1015, %get3A_1001, %get3A_1004 : vector<16xi1>, vector<16xi32>
    %swap3A_1017 = arith.constant 5792 : index
    %swap3A_1018 = tpu.vector_load %arg5[%swap3A_1017] {strides = array<i32>} : memref<8976xi32, #tpu.memory_space<vmem>>, vector<16xi32>,
    %swap3A_1019 = vector.shape_cast %swap3A_1018 : vector<16xi32> to vector<16xi32>
    %swap3A_1020 = vector.shape_cast %select_n3A_1016 : vector<16xi32> to vector<16xi32>
    tpu.vector_store %arg5[%swap3A_1017], %swap3A_1020 {strides = array<i32>} : memref<8976xi32, #tpu.memory_space<vmem>>, vector<16xi32>,
    %get3A_1021 = arith.constant 5280 : index
    %get3A_1022 = tpu.vector_load %arg6[%get3A_1021] {strides = array<i32>} : memref<8976xi32, #tpu.memory_space<vmem>>, vector<16xi32>,
    %get3A_1023 = vector.shape_cast %get3A_1022 : vector<16xi32> to vector<16xi32>
    %get3A_1024 = arith.constant 5792 : index
    %get3A_1025 = tpu.vector_load %arg6[%get3A_1024] {strides = array<i32>} : memref<8976xi32, #tpu.memory_space<vmem>>, vector<16xi32>,
    %get3A_1026 = vector.shape_cast %get3A_1025 : vector<16xi32> to vector<16xi32>
    %eq3A_1027 = arith.constant 7 : i32
    %eq3A_1028 = vector.broadcast %eq3A_1027 : i32 to vector<16xi32>
    %eq3A_1029 = arith.cmpi eq, %iota3A, %eq3A_1028 : vector<16xi32>
    %select_n3A_1030 = arith.select %eq3A_1029, %get3A_1026, %get3A_1023 : vector<16xi1>, vector<16xi32>
    %swap3A_1031 = arith.constant 5280 : index
    %swap3A_1032 = tpu.vector_load %arg6[%swap3A_1031] {strides = array<i32>} : memref<8976xi32, #tpu.memory_space<vmem>>, vector<16xi32>,
    %swap3A_1033 = vector.shape_cast %swap3A_1032 : vector<16xi32> to vector<16xi32>
    %swap3A_1034 = vector.shape_cast %select_n3A_1030 : vector<16xi32> to vector<16xi32>
    tpu.vector_store %arg6[%swap3A_1031], %swap3A_1034 {strides = array<i32>} : memref<8976xi32, #tpu.memory_space<vmem>>, vector<16xi32>,
    %eq3A_1035 = arith.constant 8 : i32
    %eq3A_1036 = vector.broadcast %eq3A_1035 : i32 to vector<16xi32>
    %eq3A_1037 = arith.cmpi eq, %iota3A, %eq3A_1036 : vector<16xi32>
    %select_n3A_1038 = arith.select %eq3A_1037, %get3A_1023, %get3A_1026 : vector<16xi1>, vector<16xi32>
    %swap3A_1039 = arith.constant 5792 : index
    %swap3A_1040 = tpu.vector_load %arg6[%swap3A_1039] {strides = array<i32>} : memref<8976xi32, #tpu.memory_space<vmem>>, vector<16xi32>,
    %swap3A_1041 = vector.shape_cast %swap3A_1040 : vector<16xi32> to vector<16xi32>
    %swap3A_1042 = vector.shape_cast %select_n3A_1038 : vector<16xi32> to vector<16xi32>
    tpu.vector_store %arg6[%swap3A_1039], %swap3A_1042 {strides = array<i32>} : memref<8976xi32, #tpu.memory_space<vmem>>, vector<16xi32>,
    %parallel_loop3A_1043 = arith.constant 0 : i32
    %parallel_loop3A_1044 = arith.constant 32 : i32
    %parallel_loop3A_1045 = arith.constant 1 : i32
    %parallel_loop3A_1046:3 = scf.for %parallel_loop3A_1416 = %parallel_loop3A_1043 to %parallel_loop3A_1044 step %parallel_loop3A_1045 iter_args(%parallel_loop3A_1417 = %parallel_loop3A_930#0, %parallel_loop3A_1418 = %parallel_loop3A_930#1, %parallel_loop3A_1419 = %parallel_loop3A_930#2) -> (vector<16xf32>, vector<16xi32>, vector<16xi32>)  : i32 {
      %parallel_loop3A_1420 = arith.constant 16 : i32
      %parallel_loop3A_1421 = arith.muli %parallel_loop3A_1416, %parallel_loop3A_1420 : i32
      %parallel_loop3A_1422 = arith.constant 4760 : i32
      %parallel_loop3A_1423 = arith.addi %parallel_loop3A_1422, %parallel_loop3A_1421 : i32
      %parallel_loop3A_1424 = arith.constant 528 : i32
      %parallel_loop3A_1425 = arith.subi %parallel_loop3A_1423, %parallel_loop3A_1424 : i32
      %parallel_loop3A_1426 = arith.constant 528 : i32
      %parallel_loop3A_1427 = arith.addi %parallel_loop3A_1423, %parallel_loop3A_1426 : i32
      %parallel_loop3A_1428 = arith.constant 1 : i32
      %parallel_loop3A_1429 = arith.subi %parallel_loop3A_1425, %parallel_loop3A_1428 : i32
      %parallel_loop3A_1430 = arith.index_cast %parallel_loop3A_1429 : i32 to index
      %parallel_loop3A_1431 = tpu.vector_load %arg5[%parallel_loop3A_1430] {strides = array<i32>} : memref<8976xi32, #tpu.memory_space<vmem>>, vector<16xi32>,
      %parallel_loop3A_1432 = vector.shape_cast %parallel_loop3A_1431 : vector<16xi32> to vector<16xi32>
      %parallel_loop3A_1433 = arith.constant 1 : i32
      %parallel_loop3A_1434 = arith.subi %parallel_loop3A_1425, %parallel_loop3A_1433 : i32
      %parallel_loop3A_1435 = arith.index_cast %parallel_loop3A_1434 : i32 to index
      %parallel_loop3A_1436 = tpu.vector_load %arg6[%parallel_loop3A_1435] {strides = array<i32>} : memref<8976xi32, #tpu.memory_space<vmem>>, vector<16xi32>,
      %parallel_loop3A_1437 = vector.shape_cast %parallel_loop3A_1436 : vector<16xi32> to vector<16xi32>
      %parallel_loop3A_1438 = arith.index_cast %parallel_loop3A_1425 : i32 to index
      %parallel_loop3A_1439 = tpu.vector_load %arg5[%parallel_loop3A_1438] {strides = array<i32>} : memref<8976xi32, #tpu.memory_space<vmem>>, vector<16xi32>,
      %parallel_loop3A_1440 = vector.shape_cast %parallel_loop3A_1439 : vector<16xi32> to vector<16xi32>
      %parallel_loop3A_1441 = arith.index_cast %parallel_loop3A_1425 : i32 to index
      %parallel_loop3A_1442 = tpu.vector_load %arg6[%parallel_loop3A_1441] {strides = array<i32>} : memref<8976xi32, #tpu.memory_space<vmem>>, vector<16xi32>,
      %parallel_loop3A_1443 = vector.shape_cast %parallel_loop3A_1442 : vector<16xi32> to vector<16xi32>
      %parallel_loop3A_1444 = arith.constant 1 : i32
      %parallel_loop3A_1445 = arith.addi %parallel_loop3A_1425, %parallel_loop3A_1444 : i32
      %parallel_loop3A_1446 = arith.index_cast %parallel_loop3A_1445 : i32 to index
      %parallel_loop3A_1447 = tpu.vector_load %arg5[%parallel_loop3A_1446] {strides = array<i32>} : memref<8976xi32, #tpu.memory_space<vmem>>, vector<16xi32>,
      %parallel_loop3A_1448 = vector.shape_cast %parallel_loop3A_1447 : vector<16xi32> to vector<16xi32>
      %parallel_loop3A_1449 = arith.constant 1 : i32
      %parallel_loop3A_1450 = arith.addi %parallel_loop3A_1425, %parallel_loop3A_1449 : i32
      %parallel_loop3A_1451 = arith.index_cast %parallel_loop3A_1450 : i32 to index
      %parallel_loop3A_1452 = tpu.vector_load %arg6[%parallel_loop3A_1451] {strides = array<i32>} : memref<8976xi32, #tpu.memory_space<vmem>>, vector<16xi32>,
      %parallel_loop3A_1453 = vector.shape_cast %parallel_loop3A_1452 : vector<16xi32> to vector<16xi32>
      %parallel_loop3A_1454 = arith.constant 1 : i32
      %parallel_loop3A_1455 = arith.subi %parallel_loop3A_1423, %parallel_loop3A_1454 : i32
      %parallel_loop3A_1456 = arith.index_cast %parallel_loop3A_1455 : i32 to index
      %parallel_loop3A_1457 = tpu.vector_load %arg5[%parallel_loop3A_1456] {strides = array<i32>} : memref<8976xi32, #tpu.memory_space<vmem>>, vector<16xi32>,
      %parallel_loop3A_1458 = vector.shape_cast %parallel_loop3A_1457 : vector<16xi32> to vector<16xi32>
      %parallel_loop3A_1459 = arith.constant 1 : i32
      %parallel_loop3A_1460 = arith.subi %parallel_loop3A_1423, %parallel_loop3A_1459 : i32
      %parallel_loop3A_1461 = arith.index_cast %parallel_loop3A_1460 : i32 to index
      %parallel_loop3A_1462 = tpu.vector_load %arg6[%parallel_loop3A_1461] {strides = array<i32>} : memref<8976xi32, #tpu.memory_space<vmem>>, vector<16xi32>,
      %parallel_loop3A_1463 = vector.shape_cast %parallel_loop3A_1462 : vector<16xi32> to vector<16xi32>
      %parallel_loop3A_1464 = arith.index_cast %parallel_loop3A_1423 : i32 to index
      %parallel_loop3A_1465 = tpu.vector_load %arg5[%parallel_loop3A_1464] {strides = array<i32>} : memref<8976xi32, #tpu.memory_space<vmem>>, vector<16xi32>,
      %parallel_loop3A_1466 = vector.shape_cast %parallel_loop3A_1465 : vector<16xi32> to vector<16xi32>
      %parallel_loop3A_1467 = arith.index_cast %parallel_loop3A_1423 : i32 to index
      %parallel_loop3A_1468 = tpu.vector_load %arg6[%parallel_loop3A_1467] {strides = array<i32>} : memref<8976xi32, #tpu.memory_space<vmem>>, vector<16xi32>,
      %parallel_loop3A_1469 = vector.shape_cast %parallel_loop3A_1468 : vector<16xi32> to vector<16xi32>
      %parallel_loop3A_1470 = arith.constant 1 : i32
      %parallel_loop3A_1471 = arith.addi %parallel_loop3A_1423, %parallel_loop3A_1470 : i32
      %parallel_loop3A_1472 = arith.index_cast %parallel_loop3A_1471 : i32 to index
      %parallel_loop3A_1473 = tpu.vector_load %arg5[%parallel_loop3A_1472] {strides = array<i32>} : memref<8976xi32, #tpu.memory_space<vmem>>, vector<16xi32>,
      %parallel_loop3A_1474 = vector.shape_cast %parallel_loop3A_1473 : vector<16xi32> to vector<16xi32>
      %parallel_loop3A_1475 = arith.constant 1 : i32
      %parallel_loop3A_1476 = arith.addi %parallel_loop3A_1423, %parallel_loop3A_1475 : i32
      %parallel_loop3A_1477 = arith.index_cast %parallel_loop3A_1476 : i32 to index
      %parallel_loop3A_1478 = tpu.vector_load %arg6[%parallel_loop3A_1477] {strides = array<i32>} : memref<8976xi32, #tpu.memory_space<vmem>>, vector<16xi32>,
      %parallel_loop3A_1479 = vector.shape_cast %parallel_loop3A_1478 : vector<16xi32> to vector<16xi32>
      %parallel_loop3A_1480 = arith.constant 1 : i32
      %parallel_loop3A_1481 = arith.subi %parallel_loop3A_1427, %parallel_loop3A_1480 : i32
      %parallel_loop3A_1482 = arith.index_cast %parallel_loop3A_1481 : i32 to index
      %parallel_loop3A_1483 = tpu.vector_load %arg5[%parallel_loop3A_1482] {strides = array<i32>} : memref<8976xi32, #tpu.memory_space<vmem>>, vector<16xi32>,
      %parallel_loop3A_1484 = vector.shape_cast %parallel_loop3A_1483 : vector<16xi32> to vector<16xi32>
      %parallel_loop3A_1485 = arith.constant 1 : i32
      %parallel_loop3A_1486 = arith.subi %parallel_loop3A_1427, %parallel_loop3A_1485 : i32
      %parallel_loop3A_1487 = arith.index_cast %parallel_loop3A_1486 : i32 to index
      %parallel_loop3A_1488 = tpu.vector_load %arg6[%parallel_loop3A_1487] {strides = array<i32>} : memref<8976xi32, #tpu.memory_space<vmem>>, vector<16xi32>,
      %parallel_loop3A_1489 = vector.shape_cast %parallel_loop3A_1488 : vector<16xi32> to vector<16xi32>
      %parallel_loop3A_1490 = arith.index_cast %parallel_loop3A_1427 : i32 to index
      %parallel_loop3A_1491 = tpu.vector_load %arg5[%parallel_loop3A_1490] {strides = array<i32>} : memref<8976xi32, #tpu.memory_space<vmem>>, vector<16xi32>,
      %parallel_loop3A_1492 = vector.shape_cast %parallel_loop3A_1491 : vector<16xi32> to vector<16xi32>
      %parallel_loop3A_1493 = arith.index_cast %parallel_loop3A_1427 : i32 to index
      %parallel_loop3A_1494 = tpu.vector_load %arg6[%parallel_loop3A_1493] {strides = array<i32>} : memref<8976xi32, #tpu.memory_space<vmem>>, vector<16xi32>,
      %parallel_loop3A_1495 = vector.shape_cast %parallel_loop3A_1494 : vector<16xi32> to vector<16xi32>
      %parallel_loop3A_1496 = arith.constant 3 : i32
      %parallel_loop3A_1497 = vector.broadcast %parallel_loop3A_1496 : i32 to vector<16xi32>
      %parallel_loop3A_1498 = arith.muli %parallel_loop3A_1469, %parallel_loop3A_1497 : vector<16xi32>
      %parallel_loop3A_1499 = arith.constant 1 : i32
      %parallel_loop3A_1500 = vector.broadcast %parallel_loop3A_1499 : i32 to vector<16xi32>
      %parallel_loop3A_1501 = arith.andi %parallel_loop3A_1466, %parallel_loop3A_1500 : vector<16xi32>
      %parallel_loop3A_1502 = arith.addi %parallel_loop3A_1418, %parallel_loop3A_1501 : vector<16xi32>
      %parallel_loop3A_1503 = arith.constant 1 : i32
      %parallel_loop3A_1504 = vector.broadcast %parallel_loop3A_1503 : i32 to vector<16xi32>
      %parallel_loop3A_1505 = arith.shrsi %parallel_loop3A_1466, %parallel_loop3A_1504 : vector<16xi32>
      %parallel_loop3A_1506 = arith.addi %parallel_loop3A_1419, %parallel_loop3A_1505 : vector<16xi32>
      %parallel_loop3A_1507 = arith.cmpi ne, %parallel_loop3A_1466, %parallel_loop3A_1458 : vector<16xi32>
      %parallel_loop3A_1508 = arith.addi %parallel_loop3A_1498, %parallel_loop3A_1463 : vector<16xi32>
      %parallel_loop3A_1509 = arith.constant 9 : i32
      %parallel_loop3A_1510 = vector.broadcast %parallel_loop3A_1509 : i32 to vector<16xi32>
      %parallel_loop3A_1511 = arith.select %parallel_loop3A_1507, %parallel_loop3A_1508, %parallel_loop3A_1510 : vector<16xi1>, vector<16xi32>
      %parallel_loop3A_1512 = arith.constant 0 : i32
      %parallel_loop3A_1513 = vector.broadcast %parallel_loop3A_1512 : i32 to vector<16xi32>
      %parallel_loop3A_1514 = arith.cmpi slt, %parallel_loop3A_1511, %parallel_loop3A_1513 : vector<16xi32>
      %parallel_loop3A_1515 = arith.constant 16 : i32
      %parallel_loop3A_1516 = vector.broadcast %parallel_loop3A_1515 : i32 to vector<16xi32>
      %parallel_loop3A_1517 = arith.addi %parallel_loop3A_1511, %parallel_loop3A_1516 : vector<16xi32>
      %parallel_loop3A_1518 = arith.select %parallel_loop3A_1514, %parallel_loop3A_1517, %parallel_loop3A_1511 : vector<16xi1>, vector<16xi32>
      %parallel_loop3A_1519 = vector.shape_cast %parallel_loop3A_1518 : vector<16xi32> to vector<16x1xi32>
      %parallel_loop3A_1520 = vector.shape_cast %parallel_loop3A_1519 : vector<16x1xi32> to vector<16xi32>
      %parallel_loop3A_1521 = tpu.dynamic_gather %get3A_574[%parallel_loop3A_1520] in [0] : vector<16xf32>, vector<16xi32> -> vector<16xf32>
      %parallel_loop3A_1522 = arith.addf %parallel_loop3A_1417, %parallel_loop3A_1521 : vector<16xf32>
      %parallel_loop3A_1523 = arith.cmpi ne, %parallel_loop3A_1466, %parallel_loop3A_1432 : vector<16xi32>
      %parallel_loop3A_1524 = arith.addi %parallel_loop3A_1498, %parallel_loop3A_1437 : vector<16xi32>
      %parallel_loop3A_1525 = arith.constant 9 : i32
      %parallel_loop3A_1526 = vector.broadcast %parallel_loop3A_1525 : i32 to vector<16xi32>
      %parallel_loop3A_1527 = arith.select %parallel_loop3A_1523, %parallel_loop3A_1524, %parallel_loop3A_1526 : vector<16xi1>, vector<16xi32>
      %parallel_loop3A_1528 = arith.constant 0 : i32
      %parallel_loop3A_1529 = vector.broadcast %parallel_loop3A_1528 : i32 to vector<16xi32>
      %parallel_loop3A_1530 = arith.cmpi slt, %parallel_loop3A_1527, %parallel_loop3A_1529 : vector<16xi32>
      %parallel_loop3A_1531 = arith.constant 16 : i32
      %parallel_loop3A_1532 = vector.broadcast %parallel_loop3A_1531 : i32 to vector<16xi32>
      %parallel_loop3A_1533 = arith.addi %parallel_loop3A_1527, %parallel_loop3A_1532 : vector<16xi32>
      %parallel_loop3A_1534 = arith.select %parallel_loop3A_1530, %parallel_loop3A_1533, %parallel_loop3A_1527 : vector<16xi1>, vector<16xi32>
      %parallel_loop3A_1535 = vector.shape_cast %parallel_loop3A_1534 : vector<16xi32> to vector<16x1xi32>
      %parallel_loop3A_1536 = vector.shape_cast %parallel_loop3A_1535 : vector<16x1xi32> to vector<16xi32>
      %parallel_loop3A_1537 = tpu.dynamic_gather %get3A_574[%parallel_loop3A_1536] in [0] : vector<16xf32>, vector<16xi32> -> vector<16xf32>
      %parallel_loop3A_1538 = arith.addf %parallel_loop3A_1522, %parallel_loop3A_1537 : vector<16xf32>
      %parallel_loop3A_1539 = arith.cmpi ne, %parallel_loop3A_1466, %parallel_loop3A_1440 : vector<16xi32>
      %parallel_loop3A_1540 = arith.addi %parallel_loop3A_1498, %parallel_loop3A_1443 : vector<16xi32>
      %parallel_loop3A_1541 = arith.constant 9 : i32
      %parallel_loop3A_1542 = vector.broadcast %parallel_loop3A_1541 : i32 to vector<16xi32>
      %parallel_loop3A_1543 = arith.select %parallel_loop3A_1539, %parallel_loop3A_1540, %parallel_loop3A_1542 : vector<16xi1>, vector<16xi32>
      %parallel_loop3A_1544 = arith.constant 0 : i32
      %parallel_loop3A_1545 = vector.broadcast %parallel_loop3A_1544 : i32 to vector<16xi32>
      %parallel_loop3A_1546 = arith.cmpi slt, %parallel_loop3A_1543, %parallel_loop3A_1545 : vector<16xi32>
      %parallel_loop3A_1547 = arith.constant 16 : i32
      %parallel_loop3A_1548 = vector.broadcast %parallel_loop3A_1547 : i32 to vector<16xi32>
      %parallel_loop3A_1549 = arith.addi %parallel_loop3A_1543, %parallel_loop3A_1548 : vector<16xi32>
      %parallel_loop3A_1550 = arith.select %parallel_loop3A_1546, %parallel_loop3A_1549, %parallel_loop3A_1543 : vector<16xi1>, vector<16xi32>
      %parallel_loop3A_1551 = vector.shape_cast %parallel_loop3A_1550 : vector<16xi32> to vector<16x1xi32>
      %parallel_loop3A_1552 = vector.shape_cast %parallel_loop3A_1551 : vector<16x1xi32> to vector<16xi32>
      %parallel_loop3A_1553 = tpu.dynamic_gather %get3A_574[%parallel_loop3A_1552] in [0] : vector<16xf32>, vector<16xi32> -> vector<16xf32>
      %parallel_loop3A_1554 = arith.addf %parallel_loop3A_1538, %parallel_loop3A_1553 : vector<16xf32>
      %parallel_loop3A_1555 = arith.cmpi ne, %parallel_loop3A_1466, %parallel_loop3A_1448 : vector<16xi32>
      %parallel_loop3A_1556 = arith.addi %parallel_loop3A_1498, %parallel_loop3A_1453 : vector<16xi32>
      %parallel_loop3A_1557 = arith.constant 9 : i32
      %parallel_loop3A_1558 = vector.broadcast %parallel_loop3A_1557 : i32 to vector<16xi32>
      %parallel_loop3A_1559 = arith.select %parallel_loop3A_1555, %parallel_loop3A_1556, %parallel_loop3A_1558 : vector<16xi1>, vector<16xi32>
      %parallel_loop3A_1560 = arith.constant 0 : i32
      %parallel_loop3A_1561 = vector.broadcast %parallel_loop3A_1560 : i32 to vector<16xi32>
      %parallel_loop3A_1562 = arith.cmpi slt, %parallel_loop3A_1559, %parallel_loop3A_1561 : vector<16xi32>
      %parallel_loop3A_1563 = arith.constant 16 : i32
      %parallel_loop3A_1564 = vector.broadcast %parallel_loop3A_1563 : i32 to vector<16xi32>
      %parallel_loop3A_1565 = arith.addi %parallel_loop3A_1559, %parallel_loop3A_1564 : vector<16xi32>
      %parallel_loop3A_1566 = arith.select %parallel_loop3A_1562, %parallel_loop3A_1565, %parallel_loop3A_1559 : vector<16xi1>, vector<16xi32>
      %parallel_loop3A_1567 = vector.shape_cast %parallel_loop3A_1566 : vector<16xi32> to vector<16x1xi32>
      %parallel_loop3A_1568 = vector.shape_cast %parallel_loop3A_1567 : vector<16x1xi32> to vector<16xi32>
      %parallel_loop3A_1569 = tpu.dynamic_gather %get3A_574[%parallel_loop3A_1568] in [0] : vector<16xf32>, vector<16xi32> -> vector<16xf32>
      %parallel_loop3A_1570 = arith.addf %parallel_loop3A_1554, %parallel_loop3A_1569 : vector<16xf32>
      %parallel_loop3A_1571 = arith.constant 3 : i32
      %parallel_loop3A_1572 = vector.broadcast %parallel_loop3A_1571 : i32 to vector<16xi32>
      %parallel_loop3A_1573 = arith.muli %parallel_loop3A_1495, %parallel_loop3A_1572 : vector<16xi32>
      %parallel_loop3A_1574 = arith.constant 1 : i32
      %parallel_loop3A_1575 = vector.broadcast %parallel_loop3A_1574 : i32 to vector<16xi32>
      %parallel_loop3A_1576 = arith.andi %parallel_loop3A_1492, %parallel_loop3A_1575 : vector<16xi32>
      %parallel_loop3A_1577 = arith.addi %parallel_loop3A_1502, %parallel_loop3A_1576 : vector<16xi32>
      %parallel_loop3A_1578 = arith.constant 1 : i32
      %parallel_loop3A_1579 = vector.broadcast %parallel_loop3A_1578 : i32 to vector<16xi32>
      %parallel_loop3A_1580 = arith.shrsi %parallel_loop3A_1492, %parallel_loop3A_1579 : vector<16xi32>
      %parallel_loop3A_1581 = arith.addi %parallel_loop3A_1506, %parallel_loop3A_1580 : vector<16xi32>
      %parallel_loop3A_1582 = arith.cmpi ne, %parallel_loop3A_1492, %parallel_loop3A_1484 : vector<16xi32>
      %parallel_loop3A_1583 = arith.addi %parallel_loop3A_1573, %parallel_loop3A_1489 : vector<16xi32>
      %parallel_loop3A_1584 = arith.constant 9 : i32
      %parallel_loop3A_1585 = vector.broadcast %parallel_loop3A_1584 : i32 to vector<16xi32>
      %parallel_loop3A_1586 = arith.select %parallel_loop3A_1582, %parallel_loop3A_1583, %parallel_loop3A_1585 : vector<16xi1>, vector<16xi32>
      %parallel_loop3A_1587 = arith.constant 0 : i32
      %parallel_loop3A_1588 = vector.broadcast %parallel_loop3A_1587 : i32 to vector<16xi32>
      %parallel_loop3A_1589 = arith.cmpi slt, %parallel_loop3A_1586, %parallel_loop3A_1588 : vector<16xi32>
      %parallel_loop3A_1590 = arith.constant 16 : i32
      %parallel_loop3A_1591 = vector.broadcast %parallel_loop3A_1590 : i32 to vector<16xi32>
      %parallel_loop3A_1592 = arith.addi %parallel_loop3A_1586, %parallel_loop3A_1591 : vector<16xi32>
      %parallel_loop3A_1593 = arith.select %parallel_loop3A_1589, %parallel_loop3A_1592, %parallel_loop3A_1586 : vector<16xi1>, vector<16xi32>
      %parallel_loop3A_1594 = vector.shape_cast %parallel_loop3A_1593 : vector<16xi32> to vector<16x1xi32>
      %parallel_loop3A_1595 = vector.shape_cast %parallel_loop3A_1594 : vector<16x1xi32> to vector<16xi32>
      %parallel_loop3A_1596 = tpu.dynamic_gather %get3A_574[%parallel_loop3A_1595] in [0] : vector<16xf32>, vector<16xi32> -> vector<16xf32>
      %parallel_loop3A_1597 = arith.addf %parallel_loop3A_1570, %parallel_loop3A_1596 : vector<16xf32>
      %parallel_loop3A_1598 = arith.cmpi ne, %parallel_loop3A_1492, %parallel_loop3A_1458 : vector<16xi32>
      %parallel_loop3A_1599 = arith.addi %parallel_loop3A_1573, %parallel_loop3A_1463 : vector<16xi32>
      %parallel_loop3A_1600 = arith.constant 9 : i32
      %parallel_loop3A_1601 = vector.broadcast %parallel_loop3A_1600 : i32 to vector<16xi32>
      %parallel_loop3A_1602 = arith.select %parallel_loop3A_1598, %parallel_loop3A_1599, %parallel_loop3A_1601 : vector<16xi1>, vector<16xi32>
      %parallel_loop3A_1603 = arith.constant 0 : i32
      %parallel_loop3A_1604 = vector.broadcast %parallel_loop3A_1603 : i32 to vector<16xi32>
      %parallel_loop3A_1605 = arith.cmpi slt, %parallel_loop3A_1602, %parallel_loop3A_1604 : vector<16xi32>
      %parallel_loop3A_1606 = arith.constant 16 : i32
      %parallel_loop3A_1607 = vector.broadcast %parallel_loop3A_1606 : i32 to vector<16xi32>
      %parallel_loop3A_1608 = arith.addi %parallel_loop3A_1602, %parallel_loop3A_1607 : vector<16xi32>
      %parallel_loop3A_1609 = arith.select %parallel_loop3A_1605, %parallel_loop3A_1608, %parallel_loop3A_1602 : vector<16xi1>, vector<16xi32>
      %parallel_loop3A_1610 = vector.shape_cast %parallel_loop3A_1609 : vector<16xi32> to vector<16x1xi32>
      %parallel_loop3A_1611 = vector.shape_cast %parallel_loop3A_1610 : vector<16x1xi32> to vector<16xi32>
      %parallel_loop3A_1612 = tpu.dynamic_gather %get3A_574[%parallel_loop3A_1611] in [0] : vector<16xf32>, vector<16xi32> -> vector<16xf32>
      %parallel_loop3A_1613 = arith.addf %parallel_loop3A_1597, %parallel_loop3A_1612 : vector<16xf32>
      %parallel_loop3A_1614 = arith.cmpi ne, %parallel_loop3A_1492, %parallel_loop3A_1466 : vector<16xi32>
      %parallel_loop3A_1615 = arith.addi %parallel_loop3A_1573, %parallel_loop3A_1469 : vector<16xi32>
      %parallel_loop3A_1616 = arith.constant 9 : i32
      %parallel_loop3A_1617 = vector.broadcast %parallel_loop3A_1616 : i32 to vector<16xi32>
      %parallel_loop3A_1618 = arith.select %parallel_loop3A_1614, %parallel_loop3A_1615, %parallel_loop3A_1617 : vector<16xi1>, vector<16xi32>
      %parallel_loop3A_1619 = arith.constant 0 : i32
      %parallel_loop3A_1620 = vector.broadcast %parallel_loop3A_1619 : i32 to vector<16xi32>
      %parallel_loop3A_1621 = arith.cmpi slt, %parallel_loop3A_1618, %parallel_loop3A_1620 : vector<16xi32>
      %parallel_loop3A_1622 = arith.constant 16 : i32
      %parallel_loop3A_1623 = vector.broadcast %parallel_loop3A_1622 : i32 to vector<16xi32>
      %parallel_loop3A_1624 = arith.addi %parallel_loop3A_1618, %parallel_loop3A_1623 : vector<16xi32>
      %parallel_loop3A_1625 = arith.select %parallel_loop3A_1621, %parallel_loop3A_1624, %parallel_loop3A_1618 : vector<16xi1>, vector<16xi32>
      %parallel_loop3A_1626 = vector.shape_cast %parallel_loop3A_1625 : vector<16xi32> to vector<16x1xi32>
      %parallel_loop3A_1627 = vector.shape_cast %parallel_loop3A_1626 : vector<16x1xi32> to vector<16xi32>
      %parallel_loop3A_1628 = tpu.dynamic_gather %get3A_574[%parallel_loop3A_1627] in [0] : vector<16xf32>, vector<16xi32> -> vector<16xf32>
      %parallel_loop3A_1629 = arith.addf %parallel_loop3A_1613, %parallel_loop3A_1628 : vector<16xf32>
      %parallel_loop3A_1630 = arith.cmpi ne, %parallel_loop3A_1492, %parallel_loop3A_1474 : vector<16xi32>
      %parallel_loop3A_1631 = arith.addi %parallel_loop3A_1573, %parallel_loop3A_1479 : vector<16xi32>
      %parallel_loop3A_1632 = arith.constant 9 : i32
      %parallel_loop3A_1633 = vector.broadcast %parallel_loop3A_1632 : i32 to vector<16xi32>
      %parallel_loop3A_1634 = arith.select %parallel_loop3A_1630, %parallel_loop3A_1631, %parallel_loop3A_1633 : vector<16xi1>, vector<16xi32>
      %parallel_loop3A_1635 = arith.constant 0 : i32
      %parallel_loop3A_1636 = vector.broadcast %parallel_loop3A_1635 : i32 to vector<16xi32>
      %parallel_loop3A_1637 = arith.cmpi slt, %parallel_loop3A_1634, %parallel_loop3A_1636 : vector<16xi32>
      %parallel_loop3A_1638 = arith.constant 16 : i32
      %parallel_loop3A_1639 = vector.broadcast %parallel_loop3A_1638 : i32 to vector<16xi32>
      %parallel_loop3A_1640 = arith.addi %parallel_loop3A_1634, %parallel_loop3A_1639 : vector<16xi32>
      %parallel_loop3A_1641 = arith.select %parallel_loop3A_1637, %parallel_loop3A_1640, %parallel_loop3A_1634 : vector<16xi1>, vector<16xi32>
      %parallel_loop3A_1642 = vector.shape_cast %parallel_loop3A_1641 : vector<16xi32> to vector<16x1xi32>
      %parallel_loop3A_1643 = vector.shape_cast %parallel_loop3A_1642 : vector<16x1xi32> to vector<16xi32>
      %parallel_loop3A_1644 = tpu.dynamic_gather %get3A_574[%parallel_loop3A_1643] in [0] : vector<16xf32>, vector<16xi32> -> vector<16xf32>
      %parallel_loop3A_1645 = arith.addf %parallel_loop3A_1629, %parallel_loop3A_1644 : vector<16xf32>
      scf.yield %parallel_loop3A_1645, %parallel_loop3A_1577, %parallel_loop3A_1581 : vector<16xf32>, vector<16xi32>, vector<16xi32>
    } {sc.loop_unroll_factor = 2 : i64, sc.parallel_access}
    %dma_wait3A_1047 = arith.constant 5816 : i32
    %dma_wait3A_1048 = tpu.memref_slice %arg5[%dma_wait3A_1047] : memref<8976xi32, #tpu.memory_space<vmem>> -> memref<512xi32, #tpu.memory_space<vmem>>
    %dma_wait3A_1049 = tpu.memref_slice %arg2[%mul3A_272] : memref<524288xi32, #tpu.memory_space<hbm>> -> memref<512xi32, #tpu.memory_space<hbm>>
    %dma_wait3A_1050 = arith.constant 5816 : i32
    %dma_wait3A_1051 = tpu.memref_slice %arg5[%dma_wait3A_1050] : memref<8976xi32, #tpu.memory_space<vmem>> -> memref<512xi32, #tpu.memory_space<vmem>>
    %dma_wait3A_1052 = tpu.memref_slice %arg2[%mul3A_272] : memref<524288xi32, #tpu.memory_space<hbm>> -> memref<512xi32, #tpu.memory_space<hbm>>
    tpu.wait_dma2 semaphore(%arg11 : memref<!tpu.dma_semaphore, #tpu.memory_space<semaphore_mem>>) src(%dma_wait3A_1052 : memref<512xi32, #tpu.memory_space<hbm>>) dst(%dma_wait3A_1051 : memref<512xi32, #tpu.memory_space<vmem>>)
    %dma_wait3A_1053 = arith.constant 5816 : i32
    %dma_wait3A_1054 = tpu.memref_slice %arg6[%dma_wait3A_1053] : memref<8976xi32, #tpu.memory_space<vmem>> -> memref<512xi32, #tpu.memory_space<vmem>>
    %dma_wait3A_1055 = tpu.memref_slice %arg2[%add3A_282] : memref<524288xi32, #tpu.memory_space<hbm>> -> memref<512xi32, #tpu.memory_space<hbm>>
    %dma_wait3A_1056 = arith.constant 5816 : i32
    %dma_wait3A_1057 = tpu.memref_slice %arg6[%dma_wait3A_1056] : memref<8976xi32, #tpu.memory_space<vmem>> -> memref<512xi32, #tpu.memory_space<vmem>>
    %dma_wait3A_1058 = tpu.memref_slice %arg2[%add3A_282] : memref<524288xi32, #tpu.memory_space<hbm>> -> memref<512xi32, #tpu.memory_space<hbm>>
    tpu.wait_dma2 semaphore(%arg11 : memref<!tpu.dma_semaphore, #tpu.memory_space<semaphore_mem>>) src(%dma_wait3A_1058 : memref<512xi32, #tpu.memory_space<hbm>>) dst(%dma_wait3A_1057 : memref<512xi32, #tpu.memory_space<vmem>>)
    %get3A_1059 = arith.constant 5808 : index
    %get3A_1060 = tpu.vector_load %arg5[%get3A_1059] {strides = array<i32>} : memref<8976xi32, #tpu.memory_space<vmem>>, vector<16xi32>,
    %get3A_1061 = vector.shape_cast %get3A_1060 : vector<16xi32> to vector<16xi32>
    %get3A_1062 = arith.constant 6320 : index
    %get3A_1063 = tpu.vector_load %arg5[%get3A_1062] {strides = array<i32>} : memref<8976xi32, #tpu.memory_space<vmem>>, vector<16xi32>,
    %get3A_1064 = vector.shape_cast %get3A_1063 : vector<16xi32> to vector<16xi32>
    %eq3A_1065 = arith.constant 7 : i32
    %eq3A_1066 = vector.broadcast %eq3A_1065 : i32 to vector<16xi32>
    %eq3A_1067 = arith.cmpi eq, %iota3A, %eq3A_1066 : vector<16xi32>
    %select_n3A_1068 = arith.select %eq3A_1067, %get3A_1064, %get3A_1061 : vector<16xi1>, vector<16xi32>
    %swap3A_1069 = arith.constant 5808 : index
    %swap3A_1070 = tpu.vector_load %arg5[%swap3A_1069] {strides = array<i32>} : memref<8976xi32, #tpu.memory_space<vmem>>, vector<16xi32>,
    %swap3A_1071 = vector.shape_cast %swap3A_1070 : vector<16xi32> to vector<16xi32>
    %swap3A_1072 = vector.shape_cast %select_n3A_1068 : vector<16xi32> to vector<16xi32>
    tpu.vector_store %arg5[%swap3A_1069], %swap3A_1072 {strides = array<i32>} : memref<8976xi32, #tpu.memory_space<vmem>>, vector<16xi32>,
    %eq3A_1073 = arith.constant 8 : i32
    %eq3A_1074 = vector.broadcast %eq3A_1073 : i32 to vector<16xi32>
    %eq3A_1075 = arith.cmpi eq, %iota3A, %eq3A_1074 : vector<16xi32>
    %select_n3A_1076 = arith.select %eq3A_1075, %get3A_1061, %get3A_1064 : vector<16xi1>, vector<16xi32>
    %swap3A_1077 = arith.constant 6320 : index
    %swap3A_1078 = tpu.vector_load %arg5[%swap3A_1077] {strides = array<i32>} : memref<8976xi32, #tpu.memory_space<vmem>>, vector<16xi32>,
    %swap3A_1079 = vector.shape_cast %swap3A_1078 : vector<16xi32> to vector<16xi32>
    %swap3A_1080 = vector.shape_cast %select_n3A_1076 : vector<16xi32> to vector<16xi32>
    tpu.vector_store %arg5[%swap3A_1077], %swap3A_1080 {strides = array<i32>} : memref<8976xi32, #tpu.memory_space<vmem>>, vector<16xi32>,
    %get3A_1081 = arith.constant 5808 : index
    %get3A_1082 = tpu.vector_load %arg6[%get3A_1081] {strides = array<i32>} : memref<8976xi32, #tpu.memory_space<vmem>>, vector<16xi32>,
    %get3A_1083 = vector.shape_cast %get3A_1082 : vector<16xi32> to vector<16xi32>
    %get3A_1084 = arith.constant 6320 : index
    %get3A_1085 = tpu.vector_load %arg6[%get3A_1084] {strides = array<i32>} : memref<8976xi32, #tpu.memory_space<vmem>>, vector<16xi32>,
    %get3A_1086 = vector.shape_cast %get3A_1085 : vector<16xi32> to vector<16xi32>
    %eq3A_1087 = arith.constant 7 : i32
    %eq3A_1088 = vector.broadcast %eq3A_1087 : i32 to vector<16xi32>
    %eq3A_1089 = arith.cmpi eq, %iota3A, %eq3A_1088 : vector<16xi32>
    %select_n3A_1090 = arith.select %eq3A_1089, %get3A_1086, %get3A_1083 : vector<16xi1>, vector<16xi32>
    %swap3A_1091 = arith.constant 5808 : index
    %swap3A_1092 = tpu.vector_load %arg6[%swap3A_1091] {strides = array<i32>} : memref<8976xi32, #tpu.memory_space<vmem>>, vector<16xi32>,
    %swap3A_1093 = vector.shape_cast %swap3A_1092 : vector<16xi32> to vector<16xi32>
    %swap3A_1094 = vector.shape_cast %select_n3A_1090 : vector<16xi32> to vector<16xi32>
    tpu.vector_store %arg6[%swap3A_1091], %swap3A_1094 {strides = array<i32>} : memref<8976xi32, #tpu.memory_space<vmem>>, vector<16xi32>,
    %eq3A_1095 = arith.constant 8 : i32
    %eq3A_1096 = vector.broadcast %eq3A_1095 : i32 to vector<16xi32>
    %eq3A_1097 = arith.cmpi eq, %iota3A, %eq3A_1096 : vector<16xi32>
    %select_n3A_1098 = arith.select %eq3A_1097, %get3A_1083, %get3A_1086 : vector<16xi1>, vector<16xi32>
    %swap3A_1099 = arith.constant 6320 : index
    %swap3A_1100 = tpu.vector_load %arg6[%swap3A_1099] {strides = array<i32>} : memref<8976xi32, #tpu.memory_space<vmem>>, vector<16xi32>,
    %swap3A_1101 = vector.shape_cast %swap3A_1100 : vector<16xi32> to vector<16xi32>
    %swap3A_1102 = vector.shape_cast %select_n3A_1098 : vector<16xi32> to vector<16xi32>
    tpu.vector_store %arg6[%swap3A_1099], %swap3A_1102 {strides = array<i32>} : memref<8976xi32, #tpu.memory_space<vmem>>, vector<16xi32>,
    %dma_wait3A_1103 = arith.constant 6344 : i32
    %dma_wait3A_1104 = tpu.memref_slice %arg5[%dma_wait3A_1103] : memref<8976xi32, #tpu.memory_space<vmem>> -> memref<512xi32, #tpu.memory_space<vmem>>
    %dma_wait3A_1105 = tpu.memref_slice %arg2[%mul3A_296] : memref<524288xi32, #tpu.memory_space<hbm>> -> memref<512xi32, #tpu.memory_space<hbm>>
    %dma_wait3A_1106 = arith.constant 6344 : i32
    %dma_wait3A_1107 = tpu.memref_slice %arg5[%dma_wait3A_1106] : memref<8976xi32, #tpu.memory_space<vmem>> -> memref<512xi32, #tpu.memory_space<vmem>>
    %dma_wait3A_1108 = tpu.memref_slice %arg2[%mul3A_296] : memref<524288xi32, #tpu.memory_space<hbm>> -> memref<512xi32, #tpu.memory_space<hbm>>
    tpu.wait_dma2 semaphore(%arg11 : memref<!tpu.dma_semaphore, #tpu.memory_space<semaphore_mem>>) src(%dma_wait3A_1108 : memref<512xi32, #tpu.memory_space<hbm>>) dst(%dma_wait3A_1107 : memref<512xi32, #tpu.memory_space<vmem>>)
    %dma_wait3A_1109 = arith.constant 6344 : i32
    %dma_wait3A_1110 = tpu.memref_slice %arg6[%dma_wait3A_1109] : memref<8976xi32, #tpu.memory_space<vmem>> -> memref<512xi32, #tpu.memory_space<vmem>>
    %dma_wait3A_1111 = tpu.memref_slice %arg2[%add3A_306] : memref<524288xi32, #tpu.memory_space<hbm>> -> memref<512xi32, #tpu.memory_space<hbm>>
    %dma_wait3A_1112 = arith.constant 6344 : i32
    %dma_wait3A_1113 = tpu.memref_slice %arg6[%dma_wait3A_1112] : memref<8976xi32, #tpu.memory_space<vmem>> -> memref<512xi32, #tpu.memory_space<vmem>>
    %dma_wait3A_1114 = tpu.memref_slice %arg2[%add3A_306] : memref<524288xi32, #tpu.memory_space<hbm>> -> memref<512xi32, #tpu.memory_space<hbm>>
    tpu.wait_dma2 semaphore(%arg11 : memref<!tpu.dma_semaphore, #tpu.memory_space<semaphore_mem>>) src(%dma_wait3A_1114 : memref<512xi32, #tpu.memory_space<hbm>>) dst(%dma_wait3A_1113 : memref<512xi32, #tpu.memory_space<vmem>>)
    %get3A_1115 = arith.constant 6336 : index
    %get3A_1116 = tpu.vector_load %arg5[%get3A_1115] {strides = array<i32>} : memref<8976xi32, #tpu.memory_space<vmem>>, vector<16xi32>,
    %get3A_1117 = vector.shape_cast %get3A_1116 : vector<16xi32> to vector<16xi32>
    %get3A_1118 = arith.constant 6848 : index
    %get3A_1119 = tpu.vector_load %arg5[%get3A_1118] {strides = array<i32>} : memref<8976xi32, #tpu.memory_space<vmem>>, vector<16xi32>,
    %get3A_1120 = vector.shape_cast %get3A_1119 : vector<16xi32> to vector<16xi32>
    %eq3A_1121 = arith.constant 7 : i32
    %eq3A_1122 = vector.broadcast %eq3A_1121 : i32 to vector<16xi32>
    %eq3A_1123 = arith.cmpi eq, %iota3A, %eq3A_1122 : vector<16xi32>
    %select_n3A_1124 = arith.select %eq3A_1123, %get3A_1120, %get3A_1117 : vector<16xi1>, vector<16xi32>
    %swap3A_1125 = arith.constant 6336 : index
    %swap3A_1126 = tpu.vector_load %arg5[%swap3A_1125] {strides = array<i32>} : memref<8976xi32, #tpu.memory_space<vmem>>, vector<16xi32>,
    %swap3A_1127 = vector.shape_cast %swap3A_1126 : vector<16xi32> to vector<16xi32>
    %swap3A_1128 = vector.shape_cast %select_n3A_1124 : vector<16xi32> to vector<16xi32>
    tpu.vector_store %arg5[%swap3A_1125], %swap3A_1128 {strides = array<i32>} : memref<8976xi32, #tpu.memory_space<vmem>>, vector<16xi32>,
    %eq3A_1129 = arith.constant 8 : i32
    %eq3A_1130 = vector.broadcast %eq3A_1129 : i32 to vector<16xi32>
    %eq3A_1131 = arith.cmpi eq, %iota3A, %eq3A_1130 : vector<16xi32>
    %select_n3A_1132 = arith.select %eq3A_1131, %get3A_1117, %get3A_1120 : vector<16xi1>, vector<16xi32>
    %swap3A_1133 = arith.constant 6848 : index
    %swap3A_1134 = tpu.vector_load %arg5[%swap3A_1133] {strides = array<i32>} : memref<8976xi32, #tpu.memory_space<vmem>>, vector<16xi32>,
    %swap3A_1135 = vector.shape_cast %swap3A_1134 : vector<16xi32> to vector<16xi32>
    %swap3A_1136 = vector.shape_cast %select_n3A_1132 : vector<16xi32> to vector<16xi32>
    tpu.vector_store %arg5[%swap3A_1133], %swap3A_1136 {strides = array<i32>} : memref<8976xi32, #tpu.memory_space<vmem>>, vector<16xi32>,
    %get3A_1137 = arith.constant 6336 : index
    %get3A_1138 = tpu.vector_load %arg6[%get3A_1137] {strides = array<i32>} : memref<8976xi32, #tpu.memory_space<vmem>>, vector<16xi32>,
    %get3A_1139 = vector.shape_cast %get3A_1138 : vector<16xi32> to vector<16xi32>
    %get3A_1140 = arith.constant 6848 : index
    %get3A_1141 = tpu.vector_load %arg6[%get3A_1140] {strides = array<i32>} : memref<8976xi32, #tpu.memory_space<vmem>>, vector<16xi32>,
    %get3A_1142 = vector.shape_cast %get3A_1141 : vector<16xi32> to vector<16xi32>
    %eq3A_1143 = arith.constant 7 : i32
    %eq3A_1144 = vector.broadcast %eq3A_1143 : i32 to vector<16xi32>
    %eq3A_1145 = arith.cmpi eq, %iota3A, %eq3A_1144 : vector<16xi32>
    %select_n3A_1146 = arith.select %eq3A_1145, %get3A_1142, %get3A_1139 : vector<16xi1>, vector<16xi32>
    %swap3A_1147 = arith.constant 6336 : index
    %swap3A_1148 = tpu.vector_load %arg6[%swap3A_1147] {strides = array<i32>} : memref<8976xi32, #tpu.memory_space<vmem>>, vector<16xi32>,
    %swap3A_1149 = vector.shape_cast %swap3A_1148 : vector<16xi32> to vector<16xi32>
    %swap3A_1150 = vector.shape_cast %select_n3A_1146 : vector<16xi32> to vector<16xi32>
    tpu.vector_store %arg6[%swap3A_1147], %swap3A_1150 {strides = array<i32>} : memref<8976xi32, #tpu.memory_space<vmem>>, vector<16xi32>,
    %eq3A_1151 = arith.constant 8 : i32
    %eq3A_1152 = vector.broadcast %eq3A_1151 : i32 to vector<16xi32>
    %eq3A_1153 = arith.cmpi eq, %iota3A, %eq3A_1152 : vector<16xi32>
    %select_n3A_1154 = arith.select %eq3A_1153, %get3A_1139, %get3A_1142 : vector<16xi1>, vector<16xi32>
    %swap3A_1155 = arith.constant 6848 : index
    %swap3A_1156 = tpu.vector_load %arg6[%swap3A_1155] {strides = array<i32>} : memref<8976xi32, #tpu.memory_space<vmem>>, vector<16xi32>,
    %swap3A_1157 = vector.shape_cast %swap3A_1156 : vector<16xi32> to vector<16xi32>
    %swap3A_1158 = vector.shape_cast %select_n3A_1154 : vector<16xi32> to vector<16xi32>
    tpu.vector_store %arg6[%swap3A_1155], %swap3A_1158 {strides = array<i32>} : memref<8976xi32, #tpu.memory_space<vmem>>, vector<16xi32>,
    %parallel_loop3A_1159 = arith.constant 0 : i32
    %parallel_loop3A_1160 = arith.constant 32 : i32
    %parallel_loop3A_1161 = arith.constant 1 : i32
    %parallel_loop3A_1162:3 = scf.for %parallel_loop3A_1416 = %parallel_loop3A_1159 to %parallel_loop3A_1160 step %parallel_loop3A_1161 iter_args(%parallel_loop3A_1417 = %parallel_loop3A_1046#0, %parallel_loop3A_1418 = %parallel_loop3A_1046#1, %parallel_loop3A_1419 = %parallel_loop3A_1046#2) -> (vector<16xf32>, vector<16xi32>, vector<16xi32>)  : i32 {
      %parallel_loop3A_1420 = arith.constant 16 : i32
      %parallel_loop3A_1421 = arith.muli %parallel_loop3A_1416, %parallel_loop3A_1420 : i32
      %parallel_loop3A_1422 = arith.constant 5816 : i32
      %parallel_loop3A_1423 = arith.addi %parallel_loop3A_1422, %parallel_loop3A_1421 : i32
      %parallel_loop3A_1424 = arith.constant 528 : i32
      %parallel_loop3A_1425 = arith.subi %parallel_loop3A_1423, %parallel_loop3A_1424 : i32
      %parallel_loop3A_1426 = arith.constant 528 : i32
      %parallel_loop3A_1427 = arith.addi %parallel_loop3A_1423, %parallel_loop3A_1426 : i32
      %parallel_loop3A_1428 = arith.constant 1 : i32
      %parallel_loop3A_1429 = arith.subi %parallel_loop3A_1425, %parallel_loop3A_1428 : i32
      %parallel_loop3A_1430 = arith.index_cast %parallel_loop3A_1429 : i32 to index
      %parallel_loop3A_1431 = tpu.vector_load %arg5[%parallel_loop3A_1430] {strides = array<i32>} : memref<8976xi32, #tpu.memory_space<vmem>>, vector<16xi32>,
      %parallel_loop3A_1432 = vector.shape_cast %parallel_loop3A_1431 : vector<16xi32> to vector<16xi32>
      %parallel_loop3A_1433 = arith.constant 1 : i32
      %parallel_loop3A_1434 = arith.subi %parallel_loop3A_1425, %parallel_loop3A_1433 : i32
      %parallel_loop3A_1435 = arith.index_cast %parallel_loop3A_1434 : i32 to index
      %parallel_loop3A_1436 = tpu.vector_load %arg6[%parallel_loop3A_1435] {strides = array<i32>} : memref<8976xi32, #tpu.memory_space<vmem>>, vector<16xi32>,
      %parallel_loop3A_1437 = vector.shape_cast %parallel_loop3A_1436 : vector<16xi32> to vector<16xi32>
      %parallel_loop3A_1438 = arith.index_cast %parallel_loop3A_1425 : i32 to index
      %parallel_loop3A_1439 = tpu.vector_load %arg5[%parallel_loop3A_1438] {strides = array<i32>} : memref<8976xi32, #tpu.memory_space<vmem>>, vector<16xi32>,
      %parallel_loop3A_1440 = vector.shape_cast %parallel_loop3A_1439 : vector<16xi32> to vector<16xi32>
      %parallel_loop3A_1441 = arith.index_cast %parallel_loop3A_1425 : i32 to index
      %parallel_loop3A_1442 = tpu.vector_load %arg6[%parallel_loop3A_1441] {strides = array<i32>} : memref<8976xi32, #tpu.memory_space<vmem>>, vector<16xi32>,
      %parallel_loop3A_1443 = vector.shape_cast %parallel_loop3A_1442 : vector<16xi32> to vector<16xi32>
      %parallel_loop3A_1444 = arith.constant 1 : i32
      %parallel_loop3A_1445 = arith.addi %parallel_loop3A_1425, %parallel_loop3A_1444 : i32
      %parallel_loop3A_1446 = arith.index_cast %parallel_loop3A_1445 : i32 to index
      %parallel_loop3A_1447 = tpu.vector_load %arg5[%parallel_loop3A_1446] {strides = array<i32>} : memref<8976xi32, #tpu.memory_space<vmem>>, vector<16xi32>,
      %parallel_loop3A_1448 = vector.shape_cast %parallel_loop3A_1447 : vector<16xi32> to vector<16xi32>
      %parallel_loop3A_1449 = arith.constant 1 : i32
      %parallel_loop3A_1450 = arith.addi %parallel_loop3A_1425, %parallel_loop3A_1449 : i32
      %parallel_loop3A_1451 = arith.index_cast %parallel_loop3A_1450 : i32 to index
      %parallel_loop3A_1452 = tpu.vector_load %arg6[%parallel_loop3A_1451] {strides = array<i32>} : memref<8976xi32, #tpu.memory_space<vmem>>, vector<16xi32>,
      %parallel_loop3A_1453 = vector.shape_cast %parallel_loop3A_1452 : vector<16xi32> to vector<16xi32>
      %parallel_loop3A_1454 = arith.constant 1 : i32
      %parallel_loop3A_1455 = arith.subi %parallel_loop3A_1423, %parallel_loop3A_1454 : i32
      %parallel_loop3A_1456 = arith.index_cast %parallel_loop3A_1455 : i32 to index
      %parallel_loop3A_1457 = tpu.vector_load %arg5[%parallel_loop3A_1456] {strides = array<i32>} : memref<8976xi32, #tpu.memory_space<vmem>>, vector<16xi32>,
      %parallel_loop3A_1458 = vector.shape_cast %parallel_loop3A_1457 : vector<16xi32> to vector<16xi32>
      %parallel_loop3A_1459 = arith.constant 1 : i32
      %parallel_loop3A_1460 = arith.subi %parallel_loop3A_1423, %parallel_loop3A_1459 : i32
      %parallel_loop3A_1461 = arith.index_cast %parallel_loop3A_1460 : i32 to index
      %parallel_loop3A_1462 = tpu.vector_load %arg6[%parallel_loop3A_1461] {strides = array<i32>} : memref<8976xi32, #tpu.memory_space<vmem>>, vector<16xi32>,
      %parallel_loop3A_1463 = vector.shape_cast %parallel_loop3A_1462 : vector<16xi32> to vector<16xi32>
      %parallel_loop3A_1464 = arith.index_cast %parallel_loop3A_1423 : i32 to index
      %parallel_loop3A_1465 = tpu.vector_load %arg5[%parallel_loop3A_1464] {strides = array<i32>} : memref<8976xi32, #tpu.memory_space<vmem>>, vector<16xi32>,
      %parallel_loop3A_1466 = vector.shape_cast %parallel_loop3A_1465 : vector<16xi32> to vector<16xi32>
      %parallel_loop3A_1467 = arith.index_cast %parallel_loop3A_1423 : i32 to index
      %parallel_loop3A_1468 = tpu.vector_load %arg6[%parallel_loop3A_1467] {strides = array<i32>} : memref<8976xi32, #tpu.memory_space<vmem>>, vector<16xi32>,
      %parallel_loop3A_1469 = vector.shape_cast %parallel_loop3A_1468 : vector<16xi32> to vector<16xi32>
      %parallel_loop3A_1470 = arith.constant 1 : i32
      %parallel_loop3A_1471 = arith.addi %parallel_loop3A_1423, %parallel_loop3A_1470 : i32
      %parallel_loop3A_1472 = arith.index_cast %parallel_loop3A_1471 : i32 to index
      %parallel_loop3A_1473 = tpu.vector_load %arg5[%parallel_loop3A_1472] {strides = array<i32>} : memref<8976xi32, #tpu.memory_space<vmem>>, vector<16xi32>,
      %parallel_loop3A_1474 = vector.shape_cast %parallel_loop3A_1473 : vector<16xi32> to vector<16xi32>
      %parallel_loop3A_1475 = arith.constant 1 : i32
      %parallel_loop3A_1476 = arith.addi %parallel_loop3A_1423, %parallel_loop3A_1475 : i32
      %parallel_loop3A_1477 = arith.index_cast %parallel_loop3A_1476 : i32 to index
      %parallel_loop3A_1478 = tpu.vector_load %arg6[%parallel_loop3A_1477] {strides = array<i32>} : memref<8976xi32, #tpu.memory_space<vmem>>, vector<16xi32>,
      %parallel_loop3A_1479 = vector.shape_cast %parallel_loop3A_1478 : vector<16xi32> to vector<16xi32>
      %parallel_loop3A_1480 = arith.constant 1 : i32
      %parallel_loop3A_1481 = arith.subi %parallel_loop3A_1427, %parallel_loop3A_1480 : i32
      %parallel_loop3A_1482 = arith.index_cast %parallel_loop3A_1481 : i32 to index
      %parallel_loop3A_1483 = tpu.vector_load %arg5[%parallel_loop3A_1482] {strides = array<i32>} : memref<8976xi32, #tpu.memory_space<vmem>>, vector<16xi32>,
      %parallel_loop3A_1484 = vector.shape_cast %parallel_loop3A_1483 : vector<16xi32> to vector<16xi32>
      %parallel_loop3A_1485 = arith.constant 1 : i32
      %parallel_loop3A_1486 = arith.subi %parallel_loop3A_1427, %parallel_loop3A_1485 : i32
      %parallel_loop3A_1487 = arith.index_cast %parallel_loop3A_1486 : i32 to index
      %parallel_loop3A_1488 = tpu.vector_load %arg6[%parallel_loop3A_1487] {strides = array<i32>} : memref<8976xi32, #tpu.memory_space<vmem>>, vector<16xi32>,
      %parallel_loop3A_1489 = vector.shape_cast %parallel_loop3A_1488 : vector<16xi32> to vector<16xi32>
      %parallel_loop3A_1490 = arith.index_cast %parallel_loop3A_1427 : i32 to index
      %parallel_loop3A_1491 = tpu.vector_load %arg5[%parallel_loop3A_1490] {strides = array<i32>} : memref<8976xi32, #tpu.memory_space<vmem>>, vector<16xi32>,
      %parallel_loop3A_1492 = vector.shape_cast %parallel_loop3A_1491 : vector<16xi32> to vector<16xi32>
      %parallel_loop3A_1493 = arith.index_cast %parallel_loop3A_1427 : i32 to index
      %parallel_loop3A_1494 = tpu.vector_load %arg6[%parallel_loop3A_1493] {strides = array<i32>} : memref<8976xi32, #tpu.memory_space<vmem>>, vector<16xi32>,
      %parallel_loop3A_1495 = vector.shape_cast %parallel_loop3A_1494 : vector<16xi32> to vector<16xi32>
      %parallel_loop3A_1496 = arith.constant 3 : i32
      %parallel_loop3A_1497 = vector.broadcast %parallel_loop3A_1496 : i32 to vector<16xi32>
      %parallel_loop3A_1498 = arith.muli %parallel_loop3A_1469, %parallel_loop3A_1497 : vector<16xi32>
      %parallel_loop3A_1499 = arith.constant 1 : i32
      %parallel_loop3A_1500 = vector.broadcast %parallel_loop3A_1499 : i32 to vector<16xi32>
      %parallel_loop3A_1501 = arith.andi %parallel_loop3A_1466, %parallel_loop3A_1500 : vector<16xi32>
      %parallel_loop3A_1502 = arith.addi %parallel_loop3A_1418, %parallel_loop3A_1501 : vector<16xi32>
      %parallel_loop3A_1503 = arith.constant 1 : i32
      %parallel_loop3A_1504 = vector.broadcast %parallel_loop3A_1503 : i32 to vector<16xi32>
      %parallel_loop3A_1505 = arith.shrsi %parallel_loop3A_1466, %parallel_loop3A_1504 : vector<16xi32>
      %parallel_loop3A_1506 = arith.addi %parallel_loop3A_1419, %parallel_loop3A_1505 : vector<16xi32>
      %parallel_loop3A_1507 = arith.cmpi ne, %parallel_loop3A_1466, %parallel_loop3A_1458 : vector<16xi32>
      %parallel_loop3A_1508 = arith.addi %parallel_loop3A_1498, %parallel_loop3A_1463 : vector<16xi32>
      %parallel_loop3A_1509 = arith.constant 9 : i32
      %parallel_loop3A_1510 = vector.broadcast %parallel_loop3A_1509 : i32 to vector<16xi32>
      %parallel_loop3A_1511 = arith.select %parallel_loop3A_1507, %parallel_loop3A_1508, %parallel_loop3A_1510 : vector<16xi1>, vector<16xi32>
      %parallel_loop3A_1512 = arith.constant 0 : i32
      %parallel_loop3A_1513 = vector.broadcast %parallel_loop3A_1512 : i32 to vector<16xi32>
      %parallel_loop3A_1514 = arith.cmpi slt, %parallel_loop3A_1511, %parallel_loop3A_1513 : vector<16xi32>
      %parallel_loop3A_1515 = arith.constant 16 : i32
      %parallel_loop3A_1516 = vector.broadcast %parallel_loop3A_1515 : i32 to vector<16xi32>
      %parallel_loop3A_1517 = arith.addi %parallel_loop3A_1511, %parallel_loop3A_1516 : vector<16xi32>
      %parallel_loop3A_1518 = arith.select %parallel_loop3A_1514, %parallel_loop3A_1517, %parallel_loop3A_1511 : vector<16xi1>, vector<16xi32>
      %parallel_loop3A_1519 = vector.shape_cast %parallel_loop3A_1518 : vector<16xi32> to vector<16x1xi32>
      %parallel_loop3A_1520 = vector.shape_cast %parallel_loop3A_1519 : vector<16x1xi32> to vector<16xi32>
      %parallel_loop3A_1521 = tpu.dynamic_gather %get3A_574[%parallel_loop3A_1520] in [0] : vector<16xf32>, vector<16xi32> -> vector<16xf32>
      %parallel_loop3A_1522 = arith.addf %parallel_loop3A_1417, %parallel_loop3A_1521 : vector<16xf32>
      %parallel_loop3A_1523 = arith.cmpi ne, %parallel_loop3A_1466, %parallel_loop3A_1432 : vector<16xi32>
      %parallel_loop3A_1524 = arith.addi %parallel_loop3A_1498, %parallel_loop3A_1437 : vector<16xi32>
      %parallel_loop3A_1525 = arith.constant 9 : i32
      %parallel_loop3A_1526 = vector.broadcast %parallel_loop3A_1525 : i32 to vector<16xi32>
      %parallel_loop3A_1527 = arith.select %parallel_loop3A_1523, %parallel_loop3A_1524, %parallel_loop3A_1526 : vector<16xi1>, vector<16xi32>
      %parallel_loop3A_1528 = arith.constant 0 : i32
      %parallel_loop3A_1529 = vector.broadcast %parallel_loop3A_1528 : i32 to vector<16xi32>
      %parallel_loop3A_1530 = arith.cmpi slt, %parallel_loop3A_1527, %parallel_loop3A_1529 : vector<16xi32>
      %parallel_loop3A_1531 = arith.constant 16 : i32
      %parallel_loop3A_1532 = vector.broadcast %parallel_loop3A_1531 : i32 to vector<16xi32>
      %parallel_loop3A_1533 = arith.addi %parallel_loop3A_1527, %parallel_loop3A_1532 : vector<16xi32>
      %parallel_loop3A_1534 = arith.select %parallel_loop3A_1530, %parallel_loop3A_1533, %parallel_loop3A_1527 : vector<16xi1>, vector<16xi32>
      %parallel_loop3A_1535 = vector.shape_cast %parallel_loop3A_1534 : vector<16xi32> to vector<16x1xi32>
      %parallel_loop3A_1536 = vector.shape_cast %parallel_loop3A_1535 : vector<16x1xi32> to vector<16xi32>
      %parallel_loop3A_1537 = tpu.dynamic_gather %get3A_574[%parallel_loop3A_1536] in [0] : vector<16xf32>, vector<16xi32> -> vector<16xf32>
      %parallel_loop3A_1538 = arith.addf %parallel_loop3A_1522, %parallel_loop3A_1537 : vector<16xf32>
      %parallel_loop3A_1539 = arith.cmpi ne, %parallel_loop3A_1466, %parallel_loop3A_1440 : vector<16xi32>
      %parallel_loop3A_1540 = arith.addi %parallel_loop3A_1498, %parallel_loop3A_1443 : vector<16xi32>
      %parallel_loop3A_1541 = arith.constant 9 : i32
      %parallel_loop3A_1542 = vector.broadcast %parallel_loop3A_1541 : i32 to vector<16xi32>
      %parallel_loop3A_1543 = arith.select %parallel_loop3A_1539, %parallel_loop3A_1540, %parallel_loop3A_1542 : vector<16xi1>, vector<16xi32>
      %parallel_loop3A_1544 = arith.constant 0 : i32
      %parallel_loop3A_1545 = vector.broadcast %parallel_loop3A_1544 : i32 to vector<16xi32>
      %parallel_loop3A_1546 = arith.cmpi slt, %parallel_loop3A_1543, %parallel_loop3A_1545 : vector<16xi32>
      %parallel_loop3A_1547 = arith.constant 16 : i32
      %parallel_loop3A_1548 = vector.broadcast %parallel_loop3A_1547 : i32 to vector<16xi32>
      %parallel_loop3A_1549 = arith.addi %parallel_loop3A_1543, %parallel_loop3A_1548 : vector<16xi32>
      %parallel_loop3A_1550 = arith.select %parallel_loop3A_1546, %parallel_loop3A_1549, %parallel_loop3A_1543 : vector<16xi1>, vector<16xi32>
      %parallel_loop3A_1551 = vector.shape_cast %parallel_loop3A_1550 : vector<16xi32> to vector<16x1xi32>
      %parallel_loop3A_1552 = vector.shape_cast %parallel_loop3A_1551 : vector<16x1xi32> to vector<16xi32>
      %parallel_loop3A_1553 = tpu.dynamic_gather %get3A_574[%parallel_loop3A_1552] in [0] : vector<16xf32>, vector<16xi32> -> vector<16xf32>
      %parallel_loop3A_1554 = arith.addf %parallel_loop3A_1538, %parallel_loop3A_1553 : vector<16xf32>
      %parallel_loop3A_1555 = arith.cmpi ne, %parallel_loop3A_1466, %parallel_loop3A_1448 : vector<16xi32>
      %parallel_loop3A_1556 = arith.addi %parallel_loop3A_1498, %parallel_loop3A_1453 : vector<16xi32>
      %parallel_loop3A_1557 = arith.constant 9 : i32
      %parallel_loop3A_1558 = vector.broadcast %parallel_loop3A_1557 : i32 to vector<16xi32>
      %parallel_loop3A_1559 = arith.select %parallel_loop3A_1555, %parallel_loop3A_1556, %parallel_loop3A_1558 : vector<16xi1>, vector<16xi32>
      %parallel_loop3A_1560 = arith.constant 0 : i32
      %parallel_loop3A_1561 = vector.broadcast %parallel_loop3A_1560 : i32 to vector<16xi32>
      %parallel_loop3A_1562 = arith.cmpi slt, %parallel_loop3A_1559, %parallel_loop3A_1561 : vector<16xi32>
      %parallel_loop3A_1563 = arith.constant 16 : i32
      %parallel_loop3A_1564 = vector.broadcast %parallel_loop3A_1563 : i32 to vector<16xi32>
      %parallel_loop3A_1565 = arith.addi %parallel_loop3A_1559, %parallel_loop3A_1564 : vector<16xi32>
      %parallel_loop3A_1566 = arith.select %parallel_loop3A_1562, %parallel_loop3A_1565, %parallel_loop3A_1559 : vector<16xi1>, vector<16xi32>
      %parallel_loop3A_1567 = vector.shape_cast %parallel_loop3A_1566 : vector<16xi32> to vector<16x1xi32>
      %parallel_loop3A_1568 = vector.shape_cast %parallel_loop3A_1567 : vector<16x1xi32> to vector<16xi32>
      %parallel_loop3A_1569 = tpu.dynamic_gather %get3A_574[%parallel_loop3A_1568] in [0] : vector<16xf32>, vector<16xi32> -> vector<16xf32>
      %parallel_loop3A_1570 = arith.addf %parallel_loop3A_1554, %parallel_loop3A_1569 : vector<16xf32>
      %parallel_loop3A_1571 = arith.constant 3 : i32
      %parallel_loop3A_1572 = vector.broadcast %parallel_loop3A_1571 : i32 to vector<16xi32>
      %parallel_loop3A_1573 = arith.muli %parallel_loop3A_1495, %parallel_loop3A_1572 : vector<16xi32>
      %parallel_loop3A_1574 = arith.constant 1 : i32
      %parallel_loop3A_1575 = vector.broadcast %parallel_loop3A_1574 : i32 to vector<16xi32>
      %parallel_loop3A_1576 = arith.andi %parallel_loop3A_1492, %parallel_loop3A_1575 : vector<16xi32>
      %parallel_loop3A_1577 = arith.addi %parallel_loop3A_1502, %parallel_loop3A_1576 : vector<16xi32>
      %parallel_loop3A_1578 = arith.constant 1 : i32
      %parallel_loop3A_1579 = vector.broadcast %parallel_loop3A_1578 : i32 to vector<16xi32>
      %parallel_loop3A_1580 = arith.shrsi %parallel_loop3A_1492, %parallel_loop3A_1579 : vector<16xi32>
      %parallel_loop3A_1581 = arith.addi %parallel_loop3A_1506, %parallel_loop3A_1580 : vector<16xi32>
      %parallel_loop3A_1582 = arith.cmpi ne, %parallel_loop3A_1492, %parallel_loop3A_1484 : vector<16xi32>
      %parallel_loop3A_1583 = arith.addi %parallel_loop3A_1573, %parallel_loop3A_1489 : vector<16xi32>
      %parallel_loop3A_1584 = arith.constant 9 : i32
      %parallel_loop3A_1585 = vector.broadcast %parallel_loop3A_1584 : i32 to vector<16xi32>
      %parallel_loop3A_1586 = arith.select %parallel_loop3A_1582, %parallel_loop3A_1583, %parallel_loop3A_1585 : vector<16xi1>, vector<16xi32>
      %parallel_loop3A_1587 = arith.constant 0 : i32
      %parallel_loop3A_1588 = vector.broadcast %parallel_loop3A_1587 : i32 to vector<16xi32>
      %parallel_loop3A_1589 = arith.cmpi slt, %parallel_loop3A_1586, %parallel_loop3A_1588 : vector<16xi32>
      %parallel_loop3A_1590 = arith.constant 16 : i32
      %parallel_loop3A_1591 = vector.broadcast %parallel_loop3A_1590 : i32 to vector<16xi32>
      %parallel_loop3A_1592 = arith.addi %parallel_loop3A_1586, %parallel_loop3A_1591 : vector<16xi32>
      %parallel_loop3A_1593 = arith.select %parallel_loop3A_1589, %parallel_loop3A_1592, %parallel_loop3A_1586 : vector<16xi1>, vector<16xi32>
      %parallel_loop3A_1594 = vector.shape_cast %parallel_loop3A_1593 : vector<16xi32> to vector<16x1xi32>
      %parallel_loop3A_1595 = vector.shape_cast %parallel_loop3A_1594 : vector<16x1xi32> to vector<16xi32>
      %parallel_loop3A_1596 = tpu.dynamic_gather %get3A_574[%parallel_loop3A_1595] in [0] : vector<16xf32>, vector<16xi32> -> vector<16xf32>
      %parallel_loop3A_1597 = arith.addf %parallel_loop3A_1570, %parallel_loop3A_1596 : vector<16xf32>
      %parallel_loop3A_1598 = arith.cmpi ne, %parallel_loop3A_1492, %parallel_loop3A_1458 : vector<16xi32>
      %parallel_loop3A_1599 = arith.addi %parallel_loop3A_1573, %parallel_loop3A_1463 : vector<16xi32>
      %parallel_loop3A_1600 = arith.constant 9 : i32
      %parallel_loop3A_1601 = vector.broadcast %parallel_loop3A_1600 : i32 to vector<16xi32>
      %parallel_loop3A_1602 = arith.select %parallel_loop3A_1598, %parallel_loop3A_1599, %parallel_loop3A_1601 : vector<16xi1>, vector<16xi32>
      %parallel_loop3A_1603 = arith.constant 0 : i32
      %parallel_loop3A_1604 = vector.broadcast %parallel_loop3A_1603 : i32 to vector<16xi32>
      %parallel_loop3A_1605 = arith.cmpi slt, %parallel_loop3A_1602, %parallel_loop3A_1604 : vector<16xi32>
      %parallel_loop3A_1606 = arith.constant 16 : i32
      %parallel_loop3A_1607 = vector.broadcast %parallel_loop3A_1606 : i32 to vector<16xi32>
      %parallel_loop3A_1608 = arith.addi %parallel_loop3A_1602, %parallel_loop3A_1607 : vector<16xi32>
      %parallel_loop3A_1609 = arith.select %parallel_loop3A_1605, %parallel_loop3A_1608, %parallel_loop3A_1602 : vector<16xi1>, vector<16xi32>
      %parallel_loop3A_1610 = vector.shape_cast %parallel_loop3A_1609 : vector<16xi32> to vector<16x1xi32>
      %parallel_loop3A_1611 = vector.shape_cast %parallel_loop3A_1610 : vector<16x1xi32> to vector<16xi32>
      %parallel_loop3A_1612 = tpu.dynamic_gather %get3A_574[%parallel_loop3A_1611] in [0] : vector<16xf32>, vector<16xi32> -> vector<16xf32>
      %parallel_loop3A_1613 = arith.addf %parallel_loop3A_1597, %parallel_loop3A_1612 : vector<16xf32>
      %parallel_loop3A_1614 = arith.cmpi ne, %parallel_loop3A_1492, %parallel_loop3A_1466 : vector<16xi32>
      %parallel_loop3A_1615 = arith.addi %parallel_loop3A_1573, %parallel_loop3A_1469 : vector<16xi32>
      %parallel_loop3A_1616 = arith.constant 9 : i32
      %parallel_loop3A_1617 = vector.broadcast %parallel_loop3A_1616 : i32 to vector<16xi32>
      %parallel_loop3A_1618 = arith.select %parallel_loop3A_1614, %parallel_loop3A_1615, %parallel_loop3A_1617 : vector<16xi1>, vector<16xi32>
      %parallel_loop3A_1619 = arith.constant 0 : i32
      %parallel_loop3A_1620 = vector.broadcast %parallel_loop3A_1619 : i32 to vector<16xi32>
      %parallel_loop3A_1621 = arith.cmpi slt, %parallel_loop3A_1618, %parallel_loop3A_1620 : vector<16xi32>
      %parallel_loop3A_1622 = arith.constant 16 : i32
      %parallel_loop3A_1623 = vector.broadcast %parallel_loop3A_1622 : i32 to vector<16xi32>
      %parallel_loop3A_1624 = arith.addi %parallel_loop3A_1618, %parallel_loop3A_1623 : vector<16xi32>
      %parallel_loop3A_1625 = arith.select %parallel_loop3A_1621, %parallel_loop3A_1624, %parallel_loop3A_1618 : vector<16xi1>, vector<16xi32>
      %parallel_loop3A_1626 = vector.shape_cast %parallel_loop3A_1625 : vector<16xi32> to vector<16x1xi32>
      %parallel_loop3A_1627 = vector.shape_cast %parallel_loop3A_1626 : vector<16x1xi32> to vector<16xi32>
      %parallel_loop3A_1628 = tpu.dynamic_gather %get3A_574[%parallel_loop3A_1627] in [0] : vector<16xf32>, vector<16xi32> -> vector<16xf32>
      %parallel_loop3A_1629 = arith.addf %parallel_loop3A_1613, %parallel_loop3A_1628 : vector<16xf32>
      %parallel_loop3A_1630 = arith.cmpi ne, %parallel_loop3A_1492, %parallel_loop3A_1474 : vector<16xi32>
      %parallel_loop3A_1631 = arith.addi %parallel_loop3A_1573, %parallel_loop3A_1479 : vector<16xi32>
      %parallel_loop3A_1632 = arith.constant 9 : i32
      %parallel_loop3A_1633 = vector.broadcast %parallel_loop3A_1632 : i32 to vector<16xi32>
      %parallel_loop3A_1634 = arith.select %parallel_loop3A_1630, %parallel_loop3A_1631, %parallel_loop3A_1633 : vector<16xi1>, vector<16xi32>
      %parallel_loop3A_1635 = arith.constant 0 : i32
      %parallel_loop3A_1636 = vector.broadcast %parallel_loop3A_1635 : i32 to vector<16xi32>
      %parallel_loop3A_1637 = arith.cmpi slt, %parallel_loop3A_1634, %parallel_loop3A_1636 : vector<16xi32>
      %parallel_loop3A_1638 = arith.constant 16 : i32
      %parallel_loop3A_1639 = vector.broadcast %parallel_loop3A_1638 : i32 to vector<16xi32>
      %parallel_loop3A_1640 = arith.addi %parallel_loop3A_1634, %parallel_loop3A_1639 : vector<16xi32>
      %parallel_loop3A_1641 = arith.select %parallel_loop3A_1637, %parallel_loop3A_1640, %parallel_loop3A_1634 : vector<16xi1>, vector<16xi32>
      %parallel_loop3A_1642 = vector.shape_cast %parallel_loop3A_1641 : vector<16xi32> to vector<16x1xi32>
      %parallel_loop3A_1643 = vector.shape_cast %parallel_loop3A_1642 : vector<16x1xi32> to vector<16xi32>
      %parallel_loop3A_1644 = tpu.dynamic_gather %get3A_574[%parallel_loop3A_1643] in [0] : vector<16xf32>, vector<16xi32> -> vector<16xf32>
      %parallel_loop3A_1645 = arith.addf %parallel_loop3A_1629, %parallel_loop3A_1644 : vector<16xf32>
      scf.yield %parallel_loop3A_1645, %parallel_loop3A_1577, %parallel_loop3A_1581 : vector<16xf32>, vector<16xi32>, vector<16xi32>
    } {sc.loop_unroll_factor = 2 : i64, sc.parallel_access}
    %dma_wait3A_1163 = arith.constant 6872 : i32
    %dma_wait3A_1164 = tpu.memref_slice %arg5[%dma_wait3A_1163] : memref<8976xi32, #tpu.memory_space<vmem>> -> memref<512xi32, #tpu.memory_space<vmem>>
    %dma_wait3A_1165 = tpu.memref_slice %arg2[%mul3A_320] : memref<524288xi32, #tpu.memory_space<hbm>> -> memref<512xi32, #tpu.memory_space<hbm>>
    %dma_wait3A_1166 = arith.constant 6872 : i32
    %dma_wait3A_1167 = tpu.memref_slice %arg5[%dma_wait3A_1166] : memref<8976xi32, #tpu.memory_space<vmem>> -> memref<512xi32, #tpu.memory_space<vmem>>
    %dma_wait3A_1168 = tpu.memref_slice %arg2[%mul3A_320] : memref<524288xi32, #tpu.memory_space<hbm>> -> memref<512xi32, #tpu.memory_space<hbm>>
    tpu.wait_dma2 semaphore(%arg11 : memref<!tpu.dma_semaphore, #tpu.memory_space<semaphore_mem>>) src(%dma_wait3A_1168 : memref<512xi32, #tpu.memory_space<hbm>>) dst(%dma_wait3A_1167 : memref<512xi32, #tpu.memory_space<vmem>>)
    %dma_wait3A_1169 = arith.constant 6872 : i32
    %dma_wait3A_1170 = tpu.memref_slice %arg6[%dma_wait3A_1169] : memref<8976xi32, #tpu.memory_space<vmem>> -> memref<512xi32, #tpu.memory_space<vmem>>
    %dma_wait3A_1171 = tpu.memref_slice %arg2[%add3A_330] : memref<524288xi32, #tpu.memory_space<hbm>> -> memref<512xi32, #tpu.memory_space<hbm>>
    %dma_wait3A_1172 = arith.constant 6872 : i32
    %dma_wait3A_1173 = tpu.memref_slice %arg6[%dma_wait3A_1172] : memref<8976xi32, #tpu.memory_space<vmem>> -> memref<512xi32, #tpu.memory_space<vmem>>
    %dma_wait3A_1174 = tpu.memref_slice %arg2[%add3A_330] : memref<524288xi32, #tpu.memory_space<hbm>> -> memref<512xi32, #tpu.memory_space<hbm>>
    tpu.wait_dma2 semaphore(%arg11 : memref<!tpu.dma_semaphore, #tpu.memory_space<semaphore_mem>>) src(%dma_wait3A_1174 : memref<512xi32, #tpu.memory_space<hbm>>) dst(%dma_wait3A_1173 : memref<512xi32, #tpu.memory_space<vmem>>)
    %get3A_1175 = arith.constant 6864 : index
    %get3A_1176 = tpu.vector_load %arg5[%get3A_1175] {strides = array<i32>} : memref<8976xi32, #tpu.memory_space<vmem>>, vector<16xi32>,
    %get3A_1177 = vector.shape_cast %get3A_1176 : vector<16xi32> to vector<16xi32>
    %get3A_1178 = arith.constant 7376 : index
    %get3A_1179 = tpu.vector_load %arg5[%get3A_1178] {strides = array<i32>} : memref<8976xi32, #tpu.memory_space<vmem>>, vector<16xi32>,
    %get3A_1180 = vector.shape_cast %get3A_1179 : vector<16xi32> to vector<16xi32>
    %eq3A_1181 = arith.constant 7 : i32
    %eq3A_1182 = vector.broadcast %eq3A_1181 : i32 to vector<16xi32>
    %eq3A_1183 = arith.cmpi eq, %iota3A, %eq3A_1182 : vector<16xi32>
    %select_n3A_1184 = arith.select %eq3A_1183, %get3A_1180, %get3A_1177 : vector<16xi1>, vector<16xi32>
    %swap3A_1185 = arith.constant 6864 : index
    %swap3A_1186 = tpu.vector_load %arg5[%swap3A_1185] {strides = array<i32>} : memref<8976xi32, #tpu.memory_space<vmem>>, vector<16xi32>,
    %swap3A_1187 = vector.shape_cast %swap3A_1186 : vector<16xi32> to vector<16xi32>
    %swap3A_1188 = vector.shape_cast %select_n3A_1184 : vector<16xi32> to vector<16xi32>
    tpu.vector_store %arg5[%swap3A_1185], %swap3A_1188 {strides = array<i32>} : memref<8976xi32, #tpu.memory_space<vmem>>, vector<16xi32>,
    %eq3A_1189 = arith.constant 8 : i32
    %eq3A_1190 = vector.broadcast %eq3A_1189 : i32 to vector<16xi32>
    %eq3A_1191 = arith.cmpi eq, %iota3A, %eq3A_1190 : vector<16xi32>
    %select_n3A_1192 = arith.select %eq3A_1191, %get3A_1177, %get3A_1180 : vector<16xi1>, vector<16xi32>
    %swap3A_1193 = arith.constant 7376 : index
    %swap3A_1194 = tpu.vector_load %arg5[%swap3A_1193] {strides = array<i32>} : memref<8976xi32, #tpu.memory_space<vmem>>, vector<16xi32>,
    %swap3A_1195 = vector.shape_cast %swap3A_1194 : vector<16xi32> to vector<16xi32>
    %swap3A_1196 = vector.shape_cast %select_n3A_1192 : vector<16xi32> to vector<16xi32>
    tpu.vector_store %arg5[%swap3A_1193], %swap3A_1196 {strides = array<i32>} : memref<8976xi32, #tpu.memory_space<vmem>>, vector<16xi32>,
    %get3A_1197 = arith.constant 6864 : index
    %get3A_1198 = tpu.vector_load %arg6[%get3A_1197] {strides = array<i32>} : memref<8976xi32, #tpu.memory_space<vmem>>, vector<16xi32>,
    %get3A_1199 = vector.shape_cast %get3A_1198 : vector<16xi32> to vector<16xi32>
    %get3A_1200 = arith.constant 7376 : index
    %get3A_1201 = tpu.vector_load %arg6[%get3A_1200] {strides = array<i32>} : memref<8976xi32, #tpu.memory_space<vmem>>, vector<16xi32>,
    %get3A_1202 = vector.shape_cast %get3A_1201 : vector<16xi32> to vector<16xi32>
    %eq3A_1203 = arith.constant 7 : i32
    %eq3A_1204 = vector.broadcast %eq3A_1203 : i32 to vector<16xi32>
    %eq3A_1205 = arith.cmpi eq, %iota3A, %eq3A_1204 : vector<16xi32>
    %select_n3A_1206 = arith.select %eq3A_1205, %get3A_1202, %get3A_1199 : vector<16xi1>, vector<16xi32>
    %swap3A_1207 = arith.constant 6864 : index
    %swap3A_1208 = tpu.vector_load %arg6[%swap3A_1207] {strides = array<i32>} : memref<8976xi32, #tpu.memory_space<vmem>>, vector<16xi32>,
    %swap3A_1209 = vector.shape_cast %swap3A_1208 : vector<16xi32> to vector<16xi32>
    %swap3A_1210 = vector.shape_cast %select_n3A_1206 : vector<16xi32> to vector<16xi32>
    tpu.vector_store %arg6[%swap3A_1207], %swap3A_1210 {strides = array<i32>} : memref<8976xi32, #tpu.memory_space<vmem>>, vector<16xi32>,
    %eq3A_1211 = arith.constant 8 : i32
    %eq3A_1212 = vector.broadcast %eq3A_1211 : i32 to vector<16xi32>
    %eq3A_1213 = arith.cmpi eq, %iota3A, %eq3A_1212 : vector<16xi32>
    %select_n3A_1214 = arith.select %eq3A_1213, %get3A_1199, %get3A_1202 : vector<16xi1>, vector<16xi32>
    %swap3A_1215 = arith.constant 7376 : index
    %swap3A_1216 = tpu.vector_load %arg6[%swap3A_1215] {strides = array<i32>} : memref<8976xi32, #tpu.memory_space<vmem>>, vector<16xi32>,
    %swap3A_1217 = vector.shape_cast %swap3A_1216 : vector<16xi32> to vector<16xi32>
    %swap3A_1218 = vector.shape_cast %select_n3A_1214 : vector<16xi32> to vector<16xi32>
    tpu.vector_store %arg6[%swap3A_1215], %swap3A_1218 {strides = array<i32>} : memref<8976xi32, #tpu.memory_space<vmem>>, vector<16xi32>,
    %dma_wait3A_1219 = arith.constant 7400 : i32
    %dma_wait3A_1220 = tpu.memref_slice %arg5[%dma_wait3A_1219] : memref<8976xi32, #tpu.memory_space<vmem>> -> memref<512xi32, #tpu.memory_space<vmem>>
    %dma_wait3A_1221 = tpu.memref_slice %arg2[%mul3A_344] : memref<524288xi32, #tpu.memory_space<hbm>> -> memref<512xi32, #tpu.memory_space<hbm>>
    %dma_wait3A_1222 = arith.constant 7400 : i32
    %dma_wait3A_1223 = tpu.memref_slice %arg5[%dma_wait3A_1222] : memref<8976xi32, #tpu.memory_space<vmem>> -> memref<512xi32, #tpu.memory_space<vmem>>
    %dma_wait3A_1224 = tpu.memref_slice %arg2[%mul3A_344] : memref<524288xi32, #tpu.memory_space<hbm>> -> memref<512xi32, #tpu.memory_space<hbm>>
    tpu.wait_dma2 semaphore(%arg11 : memref<!tpu.dma_semaphore, #tpu.memory_space<semaphore_mem>>) src(%dma_wait3A_1224 : memref<512xi32, #tpu.memory_space<hbm>>) dst(%dma_wait3A_1223 : memref<512xi32, #tpu.memory_space<vmem>>)
    %dma_wait3A_1225 = arith.constant 7400 : i32
    %dma_wait3A_1226 = tpu.memref_slice %arg6[%dma_wait3A_1225] : memref<8976xi32, #tpu.memory_space<vmem>> -> memref<512xi32, #tpu.memory_space<vmem>>
    %dma_wait3A_1227 = tpu.memref_slice %arg2[%add3A_354] : memref<524288xi32, #tpu.memory_space<hbm>> -> memref<512xi32, #tpu.memory_space<hbm>>
    %dma_wait3A_1228 = arith.constant 7400 : i32
    %dma_wait3A_1229 = tpu.memref_slice %arg6[%dma_wait3A_1228] : memref<8976xi32, #tpu.memory_space<vmem>> -> memref<512xi32, #tpu.memory_space<vmem>>
    %dma_wait3A_1230 = tpu.memref_slice %arg2[%add3A_354] : memref<524288xi32, #tpu.memory_space<hbm>> -> memref<512xi32, #tpu.memory_space<hbm>>
    tpu.wait_dma2 semaphore(%arg11 : memref<!tpu.dma_semaphore, #tpu.memory_space<semaphore_mem>>) src(%dma_wait3A_1230 : memref<512xi32, #tpu.memory_space<hbm>>) dst(%dma_wait3A_1229 : memref<512xi32, #tpu.memory_space<vmem>>)
    %get3A_1231 = arith.constant 7392 : index
    %get3A_1232 = tpu.vector_load %arg5[%get3A_1231] {strides = array<i32>} : memref<8976xi32, #tpu.memory_space<vmem>>, vector<16xi32>,
    %get3A_1233 = vector.shape_cast %get3A_1232 : vector<16xi32> to vector<16xi32>
    %get3A_1234 = arith.constant 7904 : index
    %get3A_1235 = tpu.vector_load %arg5[%get3A_1234] {strides = array<i32>} : memref<8976xi32, #tpu.memory_space<vmem>>, vector<16xi32>,
    %get3A_1236 = vector.shape_cast %get3A_1235 : vector<16xi32> to vector<16xi32>
    %eq3A_1237 = arith.constant 7 : i32
    %eq3A_1238 = vector.broadcast %eq3A_1237 : i32 to vector<16xi32>
    %eq3A_1239 = arith.cmpi eq, %iota3A, %eq3A_1238 : vector<16xi32>
    %select_n3A_1240 = arith.select %eq3A_1239, %get3A_1236, %get3A_1233 : vector<16xi1>, vector<16xi32>
    %swap3A_1241 = arith.constant 7392 : index
    %swap3A_1242 = tpu.vector_load %arg5[%swap3A_1241] {strides = array<i32>} : memref<8976xi32, #tpu.memory_space<vmem>>, vector<16xi32>,
    %swap3A_1243 = vector.shape_cast %swap3A_1242 : vector<16xi32> to vector<16xi32>
    %swap3A_1244 = vector.shape_cast %select_n3A_1240 : vector<16xi32> to vector<16xi32>
    tpu.vector_store %arg5[%swap3A_1241], %swap3A_1244 {strides = array<i32>} : memref<8976xi32, #tpu.memory_space<vmem>>, vector<16xi32>,
    %eq3A_1245 = arith.constant 8 : i32
    %eq3A_1246 = vector.broadcast %eq3A_1245 : i32 to vector<16xi32>
    %eq3A_1247 = arith.cmpi eq, %iota3A, %eq3A_1246 : vector<16xi32>
    %select_n3A_1248 = arith.select %eq3A_1247, %get3A_1233, %get3A_1236 : vector<16xi1>, vector<16xi32>
    %swap3A_1249 = arith.constant 7904 : index
    %swap3A_1250 = tpu.vector_load %arg5[%swap3A_1249] {strides = array<i32>} : memref<8976xi32, #tpu.memory_space<vmem>>, vector<16xi32>,
    %swap3A_1251 = vector.shape_cast %swap3A_1250 : vector<16xi32> to vector<16xi32>
    %swap3A_1252 = vector.shape_cast %select_n3A_1248 : vector<16xi32> to vector<16xi32>
    tpu.vector_store %arg5[%swap3A_1249], %swap3A_1252 {strides = array<i32>} : memref<8976xi32, #tpu.memory_space<vmem>>, vector<16xi32>,
    %get3A_1253 = arith.constant 7392 : index
    %get3A_1254 = tpu.vector_load %arg6[%get3A_1253] {strides = array<i32>} : memref<8976xi32, #tpu.memory_space<vmem>>, vector<16xi32>,
    %get3A_1255 = vector.shape_cast %get3A_1254 : vector<16xi32> to vector<16xi32>
    %get3A_1256 = arith.constant 7904 : index
    %get3A_1257 = tpu.vector_load %arg6[%get3A_1256] {strides = array<i32>} : memref<8976xi32, #tpu.memory_space<vmem>>, vector<16xi32>,
    %get3A_1258 = vector.shape_cast %get3A_1257 : vector<16xi32> to vector<16xi32>
    %eq3A_1259 = arith.constant 7 : i32
    %eq3A_1260 = vector.broadcast %eq3A_1259 : i32 to vector<16xi32>
    %eq3A_1261 = arith.cmpi eq, %iota3A, %eq3A_1260 : vector<16xi32>
    %select_n3A_1262 = arith.select %eq3A_1261, %get3A_1258, %get3A_1255 : vector<16xi1>, vector<16xi32>
    %swap3A_1263 = arith.constant 7392 : index
    %swap3A_1264 = tpu.vector_load %arg6[%swap3A_1263] {strides = array<i32>} : memref<8976xi32, #tpu.memory_space<vmem>>, vector<16xi32>,
    %swap3A_1265 = vector.shape_cast %swap3A_1264 : vector<16xi32> to vector<16xi32>
    %swap3A_1266 = vector.shape_cast %select_n3A_1262 : vector<16xi32> to vector<16xi32>
    tpu.vector_store %arg6[%swap3A_1263], %swap3A_1266 {strides = array<i32>} : memref<8976xi32, #tpu.memory_space<vmem>>, vector<16xi32>,
    %eq3A_1267 = arith.constant 8 : i32
    %eq3A_1268 = vector.broadcast %eq3A_1267 : i32 to vector<16xi32>
    %eq3A_1269 = arith.cmpi eq, %iota3A, %eq3A_1268 : vector<16xi32>
    %select_n3A_1270 = arith.select %eq3A_1269, %get3A_1255, %get3A_1258 : vector<16xi1>, vector<16xi32>
    %swap3A_1271 = arith.constant 7904 : index
    %swap3A_1272 = tpu.vector_load %arg6[%swap3A_1271] {strides = array<i32>} : memref<8976xi32, #tpu.memory_space<vmem>>, vector<16xi32>,
    %swap3A_1273 = vector.shape_cast %swap3A_1272 : vector<16xi32> to vector<16xi32>
    %swap3A_1274 = vector.shape_cast %select_n3A_1270 : vector<16xi32> to vector<16xi32>
    tpu.vector_store %arg6[%swap3A_1271], %swap3A_1274 {strides = array<i32>} : memref<8976xi32, #tpu.memory_space<vmem>>, vector<16xi32>,
    %parallel_loop3A_1275 = arith.constant 0 : i32
    %parallel_loop3A_1276 = arith.constant 32 : i32
    %parallel_loop3A_1277 = arith.constant 1 : i32
    %parallel_loop3A_1278:3 = scf.for %parallel_loop3A_1416 = %parallel_loop3A_1275 to %parallel_loop3A_1276 step %parallel_loop3A_1277 iter_args(%parallel_loop3A_1417 = %parallel_loop3A_1162#0, %parallel_loop3A_1418 = %parallel_loop3A_1162#1, %parallel_loop3A_1419 = %parallel_loop3A_1162#2) -> (vector<16xf32>, vector<16xi32>, vector<16xi32>)  : i32 {
      %parallel_loop3A_1420 = arith.constant 16 : i32
      %parallel_loop3A_1421 = arith.muli %parallel_loop3A_1416, %parallel_loop3A_1420 : i32
      %parallel_loop3A_1422 = arith.constant 6872 : i32
      %parallel_loop3A_1423 = arith.addi %parallel_loop3A_1422, %parallel_loop3A_1421 : i32
      %parallel_loop3A_1424 = arith.constant 528 : i32
      %parallel_loop3A_1425 = arith.subi %parallel_loop3A_1423, %parallel_loop3A_1424 : i32
      %parallel_loop3A_1426 = arith.constant 528 : i32
      %parallel_loop3A_1427 = arith.addi %parallel_loop3A_1423, %parallel_loop3A_1426 : i32
      %parallel_loop3A_1428 = arith.constant 1 : i32
      %parallel_loop3A_1429 = arith.subi %parallel_loop3A_1425, %parallel_loop3A_1428 : i32
      %parallel_loop3A_1430 = arith.index_cast %parallel_loop3A_1429 : i32 to index
      %parallel_loop3A_1431 = tpu.vector_load %arg5[%parallel_loop3A_1430] {strides = array<i32>} : memref<8976xi32, #tpu.memory_space<vmem>>, vector<16xi32>,
      %parallel_loop3A_1432 = vector.shape_cast %parallel_loop3A_1431 : vector<16xi32> to vector<16xi32>
      %parallel_loop3A_1433 = arith.constant 1 : i32
      %parallel_loop3A_1434 = arith.subi %parallel_loop3A_1425, %parallel_loop3A_1433 : i32
      %parallel_loop3A_1435 = arith.index_cast %parallel_loop3A_1434 : i32 to index
      %parallel_loop3A_1436 = tpu.vector_load %arg6[%parallel_loop3A_1435] {strides = array<i32>} : memref<8976xi32, #tpu.memory_space<vmem>>, vector<16xi32>,
      %parallel_loop3A_1437 = vector.shape_cast %parallel_loop3A_1436 : vector<16xi32> to vector<16xi32>
      %parallel_loop3A_1438 = arith.index_cast %parallel_loop3A_1425 : i32 to index
      %parallel_loop3A_1439 = tpu.vector_load %arg5[%parallel_loop3A_1438] {strides = array<i32>} : memref<8976xi32, #tpu.memory_space<vmem>>, vector<16xi32>,
      %parallel_loop3A_1440 = vector.shape_cast %parallel_loop3A_1439 : vector<16xi32> to vector<16xi32>
      %parallel_loop3A_1441 = arith.index_cast %parallel_loop3A_1425 : i32 to index
      %parallel_loop3A_1442 = tpu.vector_load %arg6[%parallel_loop3A_1441] {strides = array<i32>} : memref<8976xi32, #tpu.memory_space<vmem>>, vector<16xi32>,
      %parallel_loop3A_1443 = vector.shape_cast %parallel_loop3A_1442 : vector<16xi32> to vector<16xi32>
      %parallel_loop3A_1444 = arith.constant 1 : i32
      %parallel_loop3A_1445 = arith.addi %parallel_loop3A_1425, %parallel_loop3A_1444 : i32
      %parallel_loop3A_1446 = arith.index_cast %parallel_loop3A_1445 : i32 to index
      %parallel_loop3A_1447 = tpu.vector_load %arg5[%parallel_loop3A_1446] {strides = array<i32>} : memref<8976xi32, #tpu.memory_space<vmem>>, vector<16xi32>,
      %parallel_loop3A_1448 = vector.shape_cast %parallel_loop3A_1447 : vector<16xi32> to vector<16xi32>
      %parallel_loop3A_1449 = arith.constant 1 : i32
      %parallel_loop3A_1450 = arith.addi %parallel_loop3A_1425, %parallel_loop3A_1449 : i32
      %parallel_loop3A_1451 = arith.index_cast %parallel_loop3A_1450 : i32 to index
      %parallel_loop3A_1452 = tpu.vector_load %arg6[%parallel_loop3A_1451] {strides = array<i32>} : memref<8976xi32, #tpu.memory_space<vmem>>, vector<16xi32>,
      %parallel_loop3A_1453 = vector.shape_cast %parallel_loop3A_1452 : vector<16xi32> to vector<16xi32>
      %parallel_loop3A_1454 = arith.constant 1 : i32
      %parallel_loop3A_1455 = arith.subi %parallel_loop3A_1423, %parallel_loop3A_1454 : i32
      %parallel_loop3A_1456 = arith.index_cast %parallel_loop3A_1455 : i32 to index
      %parallel_loop3A_1457 = tpu.vector_load %arg5[%parallel_loop3A_1456] {strides = array<i32>} : memref<8976xi32, #tpu.memory_space<vmem>>, vector<16xi32>,
      %parallel_loop3A_1458 = vector.shape_cast %parallel_loop3A_1457 : vector<16xi32> to vector<16xi32>
      %parallel_loop3A_1459 = arith.constant 1 : i32
      %parallel_loop3A_1460 = arith.subi %parallel_loop3A_1423, %parallel_loop3A_1459 : i32
      %parallel_loop3A_1461 = arith.index_cast %parallel_loop3A_1460 : i32 to index
      %parallel_loop3A_1462 = tpu.vector_load %arg6[%parallel_loop3A_1461] {strides = array<i32>} : memref<8976xi32, #tpu.memory_space<vmem>>, vector<16xi32>,
      %parallel_loop3A_1463 = vector.shape_cast %parallel_loop3A_1462 : vector<16xi32> to vector<16xi32>
      %parallel_loop3A_1464 = arith.index_cast %parallel_loop3A_1423 : i32 to index
      %parallel_loop3A_1465 = tpu.vector_load %arg5[%parallel_loop3A_1464] {strides = array<i32>} : memref<8976xi32, #tpu.memory_space<vmem>>, vector<16xi32>,
      %parallel_loop3A_1466 = vector.shape_cast %parallel_loop3A_1465 : vector<16xi32> to vector<16xi32>
      %parallel_loop3A_1467 = arith.index_cast %parallel_loop3A_1423 : i32 to index
      %parallel_loop3A_1468 = tpu.vector_load %arg6[%parallel_loop3A_1467] {strides = array<i32>} : memref<8976xi32, #tpu.memory_space<vmem>>, vector<16xi32>,
      %parallel_loop3A_1469 = vector.shape_cast %parallel_loop3A_1468 : vector<16xi32> to vector<16xi32>
      %parallel_loop3A_1470 = arith.constant 1 : i32
      %parallel_loop3A_1471 = arith.addi %parallel_loop3A_1423, %parallel_loop3A_1470 : i32
      %parallel_loop3A_1472 = arith.index_cast %parallel_loop3A_1471 : i32 to index
      %parallel_loop3A_1473 = tpu.vector_load %arg5[%parallel_loop3A_1472] {strides = array<i32>} : memref<8976xi32, #tpu.memory_space<vmem>>, vector<16xi32>,
      %parallel_loop3A_1474 = vector.shape_cast %parallel_loop3A_1473 : vector<16xi32> to vector<16xi32>
      %parallel_loop3A_1475 = arith.constant 1 : i32
      %parallel_loop3A_1476 = arith.addi %parallel_loop3A_1423, %parallel_loop3A_1475 : i32
      %parallel_loop3A_1477 = arith.index_cast %parallel_loop3A_1476 : i32 to index
      %parallel_loop3A_1478 = tpu.vector_load %arg6[%parallel_loop3A_1477] {strides = array<i32>} : memref<8976xi32, #tpu.memory_space<vmem>>, vector<16xi32>,
      %parallel_loop3A_1479 = vector.shape_cast %parallel_loop3A_1478 : vector<16xi32> to vector<16xi32>
      %parallel_loop3A_1480 = arith.constant 1 : i32
      %parallel_loop3A_1481 = arith.subi %parallel_loop3A_1427, %parallel_loop3A_1480 : i32
      %parallel_loop3A_1482 = arith.index_cast %parallel_loop3A_1481 : i32 to index
      %parallel_loop3A_1483 = tpu.vector_load %arg5[%parallel_loop3A_1482] {strides = array<i32>} : memref<8976xi32, #tpu.memory_space<vmem>>, vector<16xi32>,
      %parallel_loop3A_1484 = vector.shape_cast %parallel_loop3A_1483 : vector<16xi32> to vector<16xi32>
      %parallel_loop3A_1485 = arith.constant 1 : i32
      %parallel_loop3A_1486 = arith.subi %parallel_loop3A_1427, %parallel_loop3A_1485 : i32
      %parallel_loop3A_1487 = arith.index_cast %parallel_loop3A_1486 : i32 to index
      %parallel_loop3A_1488 = tpu.vector_load %arg6[%parallel_loop3A_1487] {strides = array<i32>} : memref<8976xi32, #tpu.memory_space<vmem>>, vector<16xi32>,
      %parallel_loop3A_1489 = vector.shape_cast %parallel_loop3A_1488 : vector<16xi32> to vector<16xi32>
      %parallel_loop3A_1490 = arith.index_cast %parallel_loop3A_1427 : i32 to index
      %parallel_loop3A_1491 = tpu.vector_load %arg5[%parallel_loop3A_1490] {strides = array<i32>} : memref<8976xi32, #tpu.memory_space<vmem>>, vector<16xi32>,
      %parallel_loop3A_1492 = vector.shape_cast %parallel_loop3A_1491 : vector<16xi32> to vector<16xi32>
      %parallel_loop3A_1493 = arith.index_cast %parallel_loop3A_1427 : i32 to index
      %parallel_loop3A_1494 = tpu.vector_load %arg6[%parallel_loop3A_1493] {strides = array<i32>} : memref<8976xi32, #tpu.memory_space<vmem>>, vector<16xi32>,
      %parallel_loop3A_1495 = vector.shape_cast %parallel_loop3A_1494 : vector<16xi32> to vector<16xi32>
      %parallel_loop3A_1496 = arith.constant 3 : i32
      %parallel_loop3A_1497 = vector.broadcast %parallel_loop3A_1496 : i32 to vector<16xi32>
      %parallel_loop3A_1498 = arith.muli %parallel_loop3A_1469, %parallel_loop3A_1497 : vector<16xi32>
      %parallel_loop3A_1499 = arith.constant 1 : i32
      %parallel_loop3A_1500 = vector.broadcast %parallel_loop3A_1499 : i32 to vector<16xi32>
      %parallel_loop3A_1501 = arith.andi %parallel_loop3A_1466, %parallel_loop3A_1500 : vector<16xi32>
      %parallel_loop3A_1502 = arith.addi %parallel_loop3A_1418, %parallel_loop3A_1501 : vector<16xi32>
      %parallel_loop3A_1503 = arith.constant 1 : i32
      %parallel_loop3A_1504 = vector.broadcast %parallel_loop3A_1503 : i32 to vector<16xi32>
      %parallel_loop3A_1505 = arith.shrsi %parallel_loop3A_1466, %parallel_loop3A_1504 : vector<16xi32>
      %parallel_loop3A_1506 = arith.addi %parallel_loop3A_1419, %parallel_loop3A_1505 : vector<16xi32>
      %parallel_loop3A_1507 = arith.cmpi ne, %parallel_loop3A_1466, %parallel_loop3A_1458 : vector<16xi32>
      %parallel_loop3A_1508 = arith.addi %parallel_loop3A_1498, %parallel_loop3A_1463 : vector<16xi32>
      %parallel_loop3A_1509 = arith.constant 9 : i32
      %parallel_loop3A_1510 = vector.broadcast %parallel_loop3A_1509 : i32 to vector<16xi32>
      %parallel_loop3A_1511 = arith.select %parallel_loop3A_1507, %parallel_loop3A_1508, %parallel_loop3A_1510 : vector<16xi1>, vector<16xi32>
      %parallel_loop3A_1512 = arith.constant 0 : i32
      %parallel_loop3A_1513 = vector.broadcast %parallel_loop3A_1512 : i32 to vector<16xi32>
      %parallel_loop3A_1514 = arith.cmpi slt, %parallel_loop3A_1511, %parallel_loop3A_1513 : vector<16xi32>
      %parallel_loop3A_1515 = arith.constant 16 : i32
      %parallel_loop3A_1516 = vector.broadcast %parallel_loop3A_1515 : i32 to vector<16xi32>
      %parallel_loop3A_1517 = arith.addi %parallel_loop3A_1511, %parallel_loop3A_1516 : vector<16xi32>
      %parallel_loop3A_1518 = arith.select %parallel_loop3A_1514, %parallel_loop3A_1517, %parallel_loop3A_1511 : vector<16xi1>, vector<16xi32>
      %parallel_loop3A_1519 = vector.shape_cast %parallel_loop3A_1518 : vector<16xi32> to vector<16x1xi32>
      %parallel_loop3A_1520 = vector.shape_cast %parallel_loop3A_1519 : vector<16x1xi32> to vector<16xi32>
      %parallel_loop3A_1521 = tpu.dynamic_gather %get3A_574[%parallel_loop3A_1520] in [0] : vector<16xf32>, vector<16xi32> -> vector<16xf32>
      %parallel_loop3A_1522 = arith.addf %parallel_loop3A_1417, %parallel_loop3A_1521 : vector<16xf32>
      %parallel_loop3A_1523 = arith.cmpi ne, %parallel_loop3A_1466, %parallel_loop3A_1432 : vector<16xi32>
      %parallel_loop3A_1524 = arith.addi %parallel_loop3A_1498, %parallel_loop3A_1437 : vector<16xi32>
      %parallel_loop3A_1525 = arith.constant 9 : i32
      %parallel_loop3A_1526 = vector.broadcast %parallel_loop3A_1525 : i32 to vector<16xi32>
      %parallel_loop3A_1527 = arith.select %parallel_loop3A_1523, %parallel_loop3A_1524, %parallel_loop3A_1526 : vector<16xi1>, vector<16xi32>
      %parallel_loop3A_1528 = arith.constant 0 : i32
      %parallel_loop3A_1529 = vector.broadcast %parallel_loop3A_1528 : i32 to vector<16xi32>
      %parallel_loop3A_1530 = arith.cmpi slt, %parallel_loop3A_1527, %parallel_loop3A_1529 : vector<16xi32>
      %parallel_loop3A_1531 = arith.constant 16 : i32
      %parallel_loop3A_1532 = vector.broadcast %parallel_loop3A_1531 : i32 to vector<16xi32>
      %parallel_loop3A_1533 = arith.addi %parallel_loop3A_1527, %parallel_loop3A_1532 : vector<16xi32>
      %parallel_loop3A_1534 = arith.select %parallel_loop3A_1530, %parallel_loop3A_1533, %parallel_loop3A_1527 : vector<16xi1>, vector<16xi32>
      %parallel_loop3A_1535 = vector.shape_cast %parallel_loop3A_1534 : vector<16xi32> to vector<16x1xi32>
      %parallel_loop3A_1536 = vector.shape_cast %parallel_loop3A_1535 : vector<16x1xi32> to vector<16xi32>
      %parallel_loop3A_1537 = tpu.dynamic_gather %get3A_574[%parallel_loop3A_1536] in [0] : vector<16xf32>, vector<16xi32> -> vector<16xf32>
      %parallel_loop3A_1538 = arith.addf %parallel_loop3A_1522, %parallel_loop3A_1537 : vector<16xf32>
      %parallel_loop3A_1539 = arith.cmpi ne, %parallel_loop3A_1466, %parallel_loop3A_1440 : vector<16xi32>
      %parallel_loop3A_1540 = arith.addi %parallel_loop3A_1498, %parallel_loop3A_1443 : vector<16xi32>
      %parallel_loop3A_1541 = arith.constant 9 : i32
      %parallel_loop3A_1542 = vector.broadcast %parallel_loop3A_1541 : i32 to vector<16xi32>
      %parallel_loop3A_1543 = arith.select %parallel_loop3A_1539, %parallel_loop3A_1540, %parallel_loop3A_1542 : vector<16xi1>, vector<16xi32>
      %parallel_loop3A_1544 = arith.constant 0 : i32
      %parallel_loop3A_1545 = vector.broadcast %parallel_loop3A_1544 : i32 to vector<16xi32>
      %parallel_loop3A_1546 = arith.cmpi slt, %parallel_loop3A_1543, %parallel_loop3A_1545 : vector<16xi32>
      %parallel_loop3A_1547 = arith.constant 16 : i32
      %parallel_loop3A_1548 = vector.broadcast %parallel_loop3A_1547 : i32 to vector<16xi32>
      %parallel_loop3A_1549 = arith.addi %parallel_loop3A_1543, %parallel_loop3A_1548 : vector<16xi32>
      %parallel_loop3A_1550 = arith.select %parallel_loop3A_1546, %parallel_loop3A_1549, %parallel_loop3A_1543 : vector<16xi1>, vector<16xi32>
      %parallel_loop3A_1551 = vector.shape_cast %parallel_loop3A_1550 : vector<16xi32> to vector<16x1xi32>
      %parallel_loop3A_1552 = vector.shape_cast %parallel_loop3A_1551 : vector<16x1xi32> to vector<16xi32>
      %parallel_loop3A_1553 = tpu.dynamic_gather %get3A_574[%parallel_loop3A_1552] in [0] : vector<16xf32>, vector<16xi32> -> vector<16xf32>
      %parallel_loop3A_1554 = arith.addf %parallel_loop3A_1538, %parallel_loop3A_1553 : vector<16xf32>
      %parallel_loop3A_1555 = arith.cmpi ne, %parallel_loop3A_1466, %parallel_loop3A_1448 : vector<16xi32>
      %parallel_loop3A_1556 = arith.addi %parallel_loop3A_1498, %parallel_loop3A_1453 : vector<16xi32>
      %parallel_loop3A_1557 = arith.constant 9 : i32
      %parallel_loop3A_1558 = vector.broadcast %parallel_loop3A_1557 : i32 to vector<16xi32>
      %parallel_loop3A_1559 = arith.select %parallel_loop3A_1555, %parallel_loop3A_1556, %parallel_loop3A_1558 : vector<16xi1>, vector<16xi32>
      %parallel_loop3A_1560 = arith.constant 0 : i32
      %parallel_loop3A_1561 = vector.broadcast %parallel_loop3A_1560 : i32 to vector<16xi32>
      %parallel_loop3A_1562 = arith.cmpi slt, %parallel_loop3A_1559, %parallel_loop3A_1561 : vector<16xi32>
      %parallel_loop3A_1563 = arith.constant 16 : i32
      %parallel_loop3A_1564 = vector.broadcast %parallel_loop3A_1563 : i32 to vector<16xi32>
      %parallel_loop3A_1565 = arith.addi %parallel_loop3A_1559, %parallel_loop3A_1564 : vector<16xi32>
      %parallel_loop3A_1566 = arith.select %parallel_loop3A_1562, %parallel_loop3A_1565, %parallel_loop3A_1559 : vector<16xi1>, vector<16xi32>
      %parallel_loop3A_1567 = vector.shape_cast %parallel_loop3A_1566 : vector<16xi32> to vector<16x1xi32>
      %parallel_loop3A_1568 = vector.shape_cast %parallel_loop3A_1567 : vector<16x1xi32> to vector<16xi32>
      %parallel_loop3A_1569 = tpu.dynamic_gather %get3A_574[%parallel_loop3A_1568] in [0] : vector<16xf32>, vector<16xi32> -> vector<16xf32>
      %parallel_loop3A_1570 = arith.addf %parallel_loop3A_1554, %parallel_loop3A_1569 : vector<16xf32>
      %parallel_loop3A_1571 = arith.constant 3 : i32
      %parallel_loop3A_1572 = vector.broadcast %parallel_loop3A_1571 : i32 to vector<16xi32>
      %parallel_loop3A_1573 = arith.muli %parallel_loop3A_1495, %parallel_loop3A_1572 : vector<16xi32>
      %parallel_loop3A_1574 = arith.constant 1 : i32
      %parallel_loop3A_1575 = vector.broadcast %parallel_loop3A_1574 : i32 to vector<16xi32>
      %parallel_loop3A_1576 = arith.andi %parallel_loop3A_1492, %parallel_loop3A_1575 : vector<16xi32>
      %parallel_loop3A_1577 = arith.addi %parallel_loop3A_1502, %parallel_loop3A_1576 : vector<16xi32>
      %parallel_loop3A_1578 = arith.constant 1 : i32
      %parallel_loop3A_1579 = vector.broadcast %parallel_loop3A_1578 : i32 to vector<16xi32>
      %parallel_loop3A_1580 = arith.shrsi %parallel_loop3A_1492, %parallel_loop3A_1579 : vector<16xi32>
      %parallel_loop3A_1581 = arith.addi %parallel_loop3A_1506, %parallel_loop3A_1580 : vector<16xi32>
      %parallel_loop3A_1582 = arith.cmpi ne, %parallel_loop3A_1492, %parallel_loop3A_1484 : vector<16xi32>
      %parallel_loop3A_1583 = arith.addi %parallel_loop3A_1573, %parallel_loop3A_1489 : vector<16xi32>
      %parallel_loop3A_1584 = arith.constant 9 : i32
      %parallel_loop3A_1585 = vector.broadcast %parallel_loop3A_1584 : i32 to vector<16xi32>
      %parallel_loop3A_1586 = arith.select %parallel_loop3A_1582, %parallel_loop3A_1583, %parallel_loop3A_1585 : vector<16xi1>, vector<16xi32>
      %parallel_loop3A_1587 = arith.constant 0 : i32
      %parallel_loop3A_1588 = vector.broadcast %parallel_loop3A_1587 : i32 to vector<16xi32>
      %parallel_loop3A_1589 = arith.cmpi slt, %parallel_loop3A_1586, %parallel_loop3A_1588 : vector<16xi32>
      %parallel_loop3A_1590 = arith.constant 16 : i32
      %parallel_loop3A_1591 = vector.broadcast %parallel_loop3A_1590 : i32 to vector<16xi32>
      %parallel_loop3A_1592 = arith.addi %parallel_loop3A_1586, %parallel_loop3A_1591 : vector<16xi32>
      %parallel_loop3A_1593 = arith.select %parallel_loop3A_1589, %parallel_loop3A_1592, %parallel_loop3A_1586 : vector<16xi1>, vector<16xi32>
      %parallel_loop3A_1594 = vector.shape_cast %parallel_loop3A_1593 : vector<16xi32> to vector<16x1xi32>
      %parallel_loop3A_1595 = vector.shape_cast %parallel_loop3A_1594 : vector<16x1xi32> to vector<16xi32>
      %parallel_loop3A_1596 = tpu.dynamic_gather %get3A_574[%parallel_loop3A_1595] in [0] : vector<16xf32>, vector<16xi32> -> vector<16xf32>
      %parallel_loop3A_1597 = arith.addf %parallel_loop3A_1570, %parallel_loop3A_1596 : vector<16xf32>
      %parallel_loop3A_1598 = arith.cmpi ne, %parallel_loop3A_1492, %parallel_loop3A_1458 : vector<16xi32>
      %parallel_loop3A_1599 = arith.addi %parallel_loop3A_1573, %parallel_loop3A_1463 : vector<16xi32>
      %parallel_loop3A_1600 = arith.constant 9 : i32
      %parallel_loop3A_1601 = vector.broadcast %parallel_loop3A_1600 : i32 to vector<16xi32>
      %parallel_loop3A_1602 = arith.select %parallel_loop3A_1598, %parallel_loop3A_1599, %parallel_loop3A_1601 : vector<16xi1>, vector<16xi32>
      %parallel_loop3A_1603 = arith.constant 0 : i32
      %parallel_loop3A_1604 = vector.broadcast %parallel_loop3A_1603 : i32 to vector<16xi32>
      %parallel_loop3A_1605 = arith.cmpi slt, %parallel_loop3A_1602, %parallel_loop3A_1604 : vector<16xi32>
      %parallel_loop3A_1606 = arith.constant 16 : i32
      %parallel_loop3A_1607 = vector.broadcast %parallel_loop3A_1606 : i32 to vector<16xi32>
      %parallel_loop3A_1608 = arith.addi %parallel_loop3A_1602, %parallel_loop3A_1607 : vector<16xi32>
      %parallel_loop3A_1609 = arith.select %parallel_loop3A_1605, %parallel_loop3A_1608, %parallel_loop3A_1602 : vector<16xi1>, vector<16xi32>
      %parallel_loop3A_1610 = vector.shape_cast %parallel_loop3A_1609 : vector<16xi32> to vector<16x1xi32>
      %parallel_loop3A_1611 = vector.shape_cast %parallel_loop3A_1610 : vector<16x1xi32> to vector<16xi32>
      %parallel_loop3A_1612 = tpu.dynamic_gather %get3A_574[%parallel_loop3A_1611] in [0] : vector<16xf32>, vector<16xi32> -> vector<16xf32>
      %parallel_loop3A_1613 = arith.addf %parallel_loop3A_1597, %parallel_loop3A_1612 : vector<16xf32>
      %parallel_loop3A_1614 = arith.cmpi ne, %parallel_loop3A_1492, %parallel_loop3A_1466 : vector<16xi32>
      %parallel_loop3A_1615 = arith.addi %parallel_loop3A_1573, %parallel_loop3A_1469 : vector<16xi32>
      %parallel_loop3A_1616 = arith.constant 9 : i32
      %parallel_loop3A_1617 = vector.broadcast %parallel_loop3A_1616 : i32 to vector<16xi32>
      %parallel_loop3A_1618 = arith.select %parallel_loop3A_1614, %parallel_loop3A_1615, %parallel_loop3A_1617 : vector<16xi1>, vector<16xi32>
      %parallel_loop3A_1619 = arith.constant 0 : i32
      %parallel_loop3A_1620 = vector.broadcast %parallel_loop3A_1619 : i32 to vector<16xi32>
      %parallel_loop3A_1621 = arith.cmpi slt, %parallel_loop3A_1618, %parallel_loop3A_1620 : vector<16xi32>
      %parallel_loop3A_1622 = arith.constant 16 : i32
      %parallel_loop3A_1623 = vector.broadcast %parallel_loop3A_1622 : i32 to vector<16xi32>
      %parallel_loop3A_1624 = arith.addi %parallel_loop3A_1618, %parallel_loop3A_1623 : vector<16xi32>
      %parallel_loop3A_1625 = arith.select %parallel_loop3A_1621, %parallel_loop3A_1624, %parallel_loop3A_1618 : vector<16xi1>, vector<16xi32>
      %parallel_loop3A_1626 = vector.shape_cast %parallel_loop3A_1625 : vector<16xi32> to vector<16x1xi32>
      %parallel_loop3A_1627 = vector.shape_cast %parallel_loop3A_1626 : vector<16x1xi32> to vector<16xi32>
      %parallel_loop3A_1628 = tpu.dynamic_gather %get3A_574[%parallel_loop3A_1627] in [0] : vector<16xf32>, vector<16xi32> -> vector<16xf32>
      %parallel_loop3A_1629 = arith.addf %parallel_loop3A_1613, %parallel_loop3A_1628 : vector<16xf32>
      %parallel_loop3A_1630 = arith.cmpi ne, %parallel_loop3A_1492, %parallel_loop3A_1474 : vector<16xi32>
      %parallel_loop3A_1631 = arith.addi %parallel_loop3A_1573, %parallel_loop3A_1479 : vector<16xi32>
      %parallel_loop3A_1632 = arith.constant 9 : i32
      %parallel_loop3A_1633 = vector.broadcast %parallel_loop3A_1632 : i32 to vector<16xi32>
      %parallel_loop3A_1634 = arith.select %parallel_loop3A_1630, %parallel_loop3A_1631, %parallel_loop3A_1633 : vector<16xi1>, vector<16xi32>
      %parallel_loop3A_1635 = arith.constant 0 : i32
      %parallel_loop3A_1636 = vector.broadcast %parallel_loop3A_1635 : i32 to vector<16xi32>
      %parallel_loop3A_1637 = arith.cmpi slt, %parallel_loop3A_1634, %parallel_loop3A_1636 : vector<16xi32>
      %parallel_loop3A_1638 = arith.constant 16 : i32
      %parallel_loop3A_1639 = vector.broadcast %parallel_loop3A_1638 : i32 to vector<16xi32>
      %parallel_loop3A_1640 = arith.addi %parallel_loop3A_1634, %parallel_loop3A_1639 : vector<16xi32>
      %parallel_loop3A_1641 = arith.select %parallel_loop3A_1637, %parallel_loop3A_1640, %parallel_loop3A_1634 : vector<16xi1>, vector<16xi32>
      %parallel_loop3A_1642 = vector.shape_cast %parallel_loop3A_1641 : vector<16xi32> to vector<16x1xi32>
      %parallel_loop3A_1643 = vector.shape_cast %parallel_loop3A_1642 : vector<16x1xi32> to vector<16xi32>
      %parallel_loop3A_1644 = tpu.dynamic_gather %get3A_574[%parallel_loop3A_1643] in [0] : vector<16xf32>, vector<16xi32> -> vector<16xf32>
      %parallel_loop3A_1645 = arith.addf %parallel_loop3A_1629, %parallel_loop3A_1644 : vector<16xf32>
      scf.yield %parallel_loop3A_1645, %parallel_loop3A_1577, %parallel_loop3A_1581 : vector<16xf32>, vector<16xi32>, vector<16xi32>
    } {sc.loop_unroll_factor = 2 : i64, sc.parallel_access}
    %dma_wait3A_1279 = arith.constant 7928 : i32
    %dma_wait3A_1280 = tpu.memref_slice %arg5[%dma_wait3A_1279] : memref<8976xi32, #tpu.memory_space<vmem>> -> memref<512xi32, #tpu.memory_space<vmem>>
    %dma_wait3A_1281 = tpu.memref_slice %arg2[%mul3A_368] : memref<524288xi32, #tpu.memory_space<hbm>> -> memref<512xi32, #tpu.memory_space<hbm>>
    %dma_wait3A_1282 = arith.constant 7928 : i32
    %dma_wait3A_1283 = tpu.memref_slice %arg5[%dma_wait3A_1282] : memref<8976xi32, #tpu.memory_space<vmem>> -> memref<512xi32, #tpu.memory_space<vmem>>
    %dma_wait3A_1284 = tpu.memref_slice %arg2[%mul3A_368] : memref<524288xi32, #tpu.memory_space<hbm>> -> memref<512xi32, #tpu.memory_space<hbm>>
    tpu.wait_dma2 semaphore(%arg11 : memref<!tpu.dma_semaphore, #tpu.memory_space<semaphore_mem>>) src(%dma_wait3A_1284 : memref<512xi32, #tpu.memory_space<hbm>>) dst(%dma_wait3A_1283 : memref<512xi32, #tpu.memory_space<vmem>>)
    %dma_wait3A_1285 = arith.constant 7928 : i32
    %dma_wait3A_1286 = tpu.memref_slice %arg6[%dma_wait3A_1285] : memref<8976xi32, #tpu.memory_space<vmem>> -> memref<512xi32, #tpu.memory_space<vmem>>
    %dma_wait3A_1287 = tpu.memref_slice %arg2[%add3A_378] : memref<524288xi32, #tpu.memory_space<hbm>> -> memref<512xi32, #tpu.memory_space<hbm>>
    %dma_wait3A_1288 = arith.constant 7928 : i32
    %dma_wait3A_1289 = tpu.memref_slice %arg6[%dma_wait3A_1288] : memref<8976xi32, #tpu.memory_space<vmem>> -> memref<512xi32, #tpu.memory_space<vmem>>
    %dma_wait3A_1290 = tpu.memref_slice %arg2[%add3A_378] : memref<524288xi32, #tpu.memory_space<hbm>> -> memref<512xi32, #tpu.memory_space<hbm>>
    tpu.wait_dma2 semaphore(%arg11 : memref<!tpu.dma_semaphore, #tpu.memory_space<semaphore_mem>>) src(%dma_wait3A_1290 : memref<512xi32, #tpu.memory_space<hbm>>) dst(%dma_wait3A_1289 : memref<512xi32, #tpu.memory_space<vmem>>)
    %get3A_1291 = arith.constant 7920 : index
    %get3A_1292 = tpu.vector_load %arg5[%get3A_1291] {strides = array<i32>} : memref<8976xi32, #tpu.memory_space<vmem>>, vector<16xi32>,
    %get3A_1293 = vector.shape_cast %get3A_1292 : vector<16xi32> to vector<16xi32>
    %get3A_1294 = arith.constant 8432 : index
    %get3A_1295 = tpu.vector_load %arg5[%get3A_1294] {strides = array<i32>} : memref<8976xi32, #tpu.memory_space<vmem>>, vector<16xi32>,
    %get3A_1296 = vector.shape_cast %get3A_1295 : vector<16xi32> to vector<16xi32>
    %eq3A_1297 = arith.constant 7 : i32
    %eq3A_1298 = vector.broadcast %eq3A_1297 : i32 to vector<16xi32>
    %eq3A_1299 = arith.cmpi eq, %iota3A, %eq3A_1298 : vector<16xi32>
    %select_n3A_1300 = arith.select %eq3A_1299, %get3A_1296, %get3A_1293 : vector<16xi1>, vector<16xi32>
    %swap3A_1301 = arith.constant 7920 : index
    %swap3A_1302 = tpu.vector_load %arg5[%swap3A_1301] {strides = array<i32>} : memref<8976xi32, #tpu.memory_space<vmem>>, vector<16xi32>,
    %swap3A_1303 = vector.shape_cast %swap3A_1302 : vector<16xi32> to vector<16xi32>
    %swap3A_1304 = vector.shape_cast %select_n3A_1300 : vector<16xi32> to vector<16xi32>
    tpu.vector_store %arg5[%swap3A_1301], %swap3A_1304 {strides = array<i32>} : memref<8976xi32, #tpu.memory_space<vmem>>, vector<16xi32>,
    %eq3A_1305 = arith.constant 8 : i32
    %eq3A_1306 = vector.broadcast %eq3A_1305 : i32 to vector<16xi32>
    %eq3A_1307 = arith.cmpi eq, %iota3A, %eq3A_1306 : vector<16xi32>
    %select_n3A_1308 = arith.select %eq3A_1307, %get3A_1293, %get3A_1296 : vector<16xi1>, vector<16xi32>
    %swap3A_1309 = arith.constant 8432 : index
    %swap3A_1310 = tpu.vector_load %arg5[%swap3A_1309] {strides = array<i32>} : memref<8976xi32, #tpu.memory_space<vmem>>, vector<16xi32>,
    %swap3A_1311 = vector.shape_cast %swap3A_1310 : vector<16xi32> to vector<16xi32>
    %swap3A_1312 = vector.shape_cast %select_n3A_1308 : vector<16xi32> to vector<16xi32>
    tpu.vector_store %arg5[%swap3A_1309], %swap3A_1312 {strides = array<i32>} : memref<8976xi32, #tpu.memory_space<vmem>>, vector<16xi32>,
    %get3A_1313 = arith.constant 7920 : index
    %get3A_1314 = tpu.vector_load %arg6[%get3A_1313] {strides = array<i32>} : memref<8976xi32, #tpu.memory_space<vmem>>, vector<16xi32>,
    %get3A_1315 = vector.shape_cast %get3A_1314 : vector<16xi32> to vector<16xi32>
    %get3A_1316 = arith.constant 8432 : index
    %get3A_1317 = tpu.vector_load %arg6[%get3A_1316] {strides = array<i32>} : memref<8976xi32, #tpu.memory_space<vmem>>, vector<16xi32>,
    %get3A_1318 = vector.shape_cast %get3A_1317 : vector<16xi32> to vector<16xi32>
    %eq3A_1319 = arith.constant 7 : i32
    %eq3A_1320 = vector.broadcast %eq3A_1319 : i32 to vector<16xi32>
    %eq3A_1321 = arith.cmpi eq, %iota3A, %eq3A_1320 : vector<16xi32>
    %select_n3A_1322 = arith.select %eq3A_1321, %get3A_1318, %get3A_1315 : vector<16xi1>, vector<16xi32>
    %swap3A_1323 = arith.constant 7920 : index
    %swap3A_1324 = tpu.vector_load %arg6[%swap3A_1323] {strides = array<i32>} : memref<8976xi32, #tpu.memory_space<vmem>>, vector<16xi32>,
    %swap3A_1325 = vector.shape_cast %swap3A_1324 : vector<16xi32> to vector<16xi32>
    %swap3A_1326 = vector.shape_cast %select_n3A_1322 : vector<16xi32> to vector<16xi32>
    tpu.vector_store %arg6[%swap3A_1323], %swap3A_1326 {strides = array<i32>} : memref<8976xi32, #tpu.memory_space<vmem>>, vector<16xi32>,
    %eq3A_1327 = arith.constant 8 : i32
    %eq3A_1328 = vector.broadcast %eq3A_1327 : i32 to vector<16xi32>
    %eq3A_1329 = arith.cmpi eq, %iota3A, %eq3A_1328 : vector<16xi32>
    %select_n3A_1330 = arith.select %eq3A_1329, %get3A_1315, %get3A_1318 : vector<16xi1>, vector<16xi32>
    %swap3A_1331 = arith.constant 8432 : index
    %swap3A_1332 = tpu.vector_load %arg6[%swap3A_1331] {strides = array<i32>} : memref<8976xi32, #tpu.memory_space<vmem>>, vector<16xi32>,
    %swap3A_1333 = vector.shape_cast %swap3A_1332 : vector<16xi32> to vector<16xi32>
    %swap3A_1334 = vector.shape_cast %select_n3A_1330 : vector<16xi32> to vector<16xi32>
    tpu.vector_store %arg6[%swap3A_1331], %swap3A_1334 {strides = array<i32>} : memref<8976xi32, #tpu.memory_space<vmem>>, vector<16xi32>,
    %dma_wait3A_1335 = arith.constant 8456 : i32
    %dma_wait3A_1336 = tpu.memref_slice %arg5[%dma_wait3A_1335] : memref<8976xi32, #tpu.memory_space<vmem>> -> memref<512xi32, #tpu.memory_space<vmem>>
    %dma_wait3A_1337 = tpu.memref_slice %arg2[%mul3A_392] : memref<524288xi32, #tpu.memory_space<hbm>> -> memref<512xi32, #tpu.memory_space<hbm>>
    %dma_wait3A_1338 = arith.constant 8456 : i32
    %dma_wait3A_1339 = tpu.memref_slice %arg5[%dma_wait3A_1338] : memref<8976xi32, #tpu.memory_space<vmem>> -> memref<512xi32, #tpu.memory_space<vmem>>
    %dma_wait3A_1340 = tpu.memref_slice %arg2[%mul3A_392] : memref<524288xi32, #tpu.memory_space<hbm>> -> memref<512xi32, #tpu.memory_space<hbm>>
    tpu.wait_dma2 semaphore(%arg11 : memref<!tpu.dma_semaphore, #tpu.memory_space<semaphore_mem>>) src(%dma_wait3A_1340 : memref<512xi32, #tpu.memory_space<hbm>>) dst(%dma_wait3A_1339 : memref<512xi32, #tpu.memory_space<vmem>>)
    %dma_wait3A_1341 = arith.constant 8456 : i32
    %dma_wait3A_1342 = tpu.memref_slice %arg6[%dma_wait3A_1341] : memref<8976xi32, #tpu.memory_space<vmem>> -> memref<512xi32, #tpu.memory_space<vmem>>
    %dma_wait3A_1343 = tpu.memref_slice %arg2[%add3A_402] : memref<524288xi32, #tpu.memory_space<hbm>> -> memref<512xi32, #tpu.memory_space<hbm>>
    %dma_wait3A_1344 = arith.constant 8456 : i32
    %dma_wait3A_1345 = tpu.memref_slice %arg6[%dma_wait3A_1344] : memref<8976xi32, #tpu.memory_space<vmem>> -> memref<512xi32, #tpu.memory_space<vmem>>
    %dma_wait3A_1346 = tpu.memref_slice %arg2[%add3A_402] : memref<524288xi32, #tpu.memory_space<hbm>> -> memref<512xi32, #tpu.memory_space<hbm>>
    tpu.wait_dma2 semaphore(%arg11 : memref<!tpu.dma_semaphore, #tpu.memory_space<semaphore_mem>>) src(%dma_wait3A_1346 : memref<512xi32, #tpu.memory_space<hbm>>) dst(%dma_wait3A_1345 : memref<512xi32, #tpu.memory_space<vmem>>)
    %get3A_1347 = arith.constant 8448 : index
    %get3A_1348 = tpu.vector_load %arg5[%get3A_1347] {strides = array<i32>} : memref<8976xi32, #tpu.memory_space<vmem>>, vector<16xi32>,
    %get3A_1349 = vector.shape_cast %get3A_1348 : vector<16xi32> to vector<16xi32>
    %get3A_1350 = arith.constant 8960 : index
    %get3A_1351 = tpu.vector_load %arg5[%get3A_1350] {strides = array<i32>} : memref<8976xi32, #tpu.memory_space<vmem>>, vector<16xi32>,
    %get3A_1352 = vector.shape_cast %get3A_1351 : vector<16xi32> to vector<16xi32>
    %eq3A_1353 = arith.constant 7 : i32
    %eq3A_1354 = vector.broadcast %eq3A_1353 : i32 to vector<16xi32>
    %eq3A_1355 = arith.cmpi eq, %iota3A, %eq3A_1354 : vector<16xi32>
    %select_n3A_1356 = arith.select %eq3A_1355, %get3A_1352, %get3A_1349 : vector<16xi1>, vector<16xi32>
    %swap3A_1357 = arith.constant 8448 : index
    %swap3A_1358 = tpu.vector_load %arg5[%swap3A_1357] {strides = array<i32>} : memref<8976xi32, #tpu.memory_space<vmem>>, vector<16xi32>,
    %swap3A_1359 = vector.shape_cast %swap3A_1358 : vector<16xi32> to vector<16xi32>
    %swap3A_1360 = vector.shape_cast %select_n3A_1356 : vector<16xi32> to vector<16xi32>
    tpu.vector_store %arg5[%swap3A_1357], %swap3A_1360 {strides = array<i32>} : memref<8976xi32, #tpu.memory_space<vmem>>, vector<16xi32>,
    %eq3A_1361 = arith.constant 8 : i32
    %eq3A_1362 = vector.broadcast %eq3A_1361 : i32 to vector<16xi32>
    %eq3A_1363 = arith.cmpi eq, %iota3A, %eq3A_1362 : vector<16xi32>
    %select_n3A_1364 = arith.select %eq3A_1363, %get3A_1349, %get3A_1352 : vector<16xi1>, vector<16xi32>
    %swap3A_1365 = arith.constant 8960 : index
    %swap3A_1366 = tpu.vector_load %arg5[%swap3A_1365] {strides = array<i32>} : memref<8976xi32, #tpu.memory_space<vmem>>, vector<16xi32>,
    %swap3A_1367 = vector.shape_cast %swap3A_1366 : vector<16xi32> to vector<16xi32>
    %swap3A_1368 = vector.shape_cast %select_n3A_1364 : vector<16xi32> to vector<16xi32>
    tpu.vector_store %arg5[%swap3A_1365], %swap3A_1368 {strides = array<i32>} : memref<8976xi32, #tpu.memory_space<vmem>>, vector<16xi32>,
    %get3A_1369 = arith.constant 8448 : index
    %get3A_1370 = tpu.vector_load %arg6[%get3A_1369] {strides = array<i32>} : memref<8976xi32, #tpu.memory_space<vmem>>, vector<16xi32>,
    %get3A_1371 = vector.shape_cast %get3A_1370 : vector<16xi32> to vector<16xi32>
    %get3A_1372 = arith.constant 8960 : index
    %get3A_1373 = tpu.vector_load %arg6[%get3A_1372] {strides = array<i32>} : memref<8976xi32, #tpu.memory_space<vmem>>, vector<16xi32>,
    %get3A_1374 = vector.shape_cast %get3A_1373 : vector<16xi32> to vector<16xi32>
    %eq3A_1375 = arith.constant 7 : i32
    %eq3A_1376 = vector.broadcast %eq3A_1375 : i32 to vector<16xi32>
    %eq3A_1377 = arith.cmpi eq, %iota3A, %eq3A_1376 : vector<16xi32>
    %select_n3A_1378 = arith.select %eq3A_1377, %get3A_1374, %get3A_1371 : vector<16xi1>, vector<16xi32>
    %swap3A_1379 = arith.constant 8448 : index
    %swap3A_1380 = tpu.vector_load %arg6[%swap3A_1379] {strides = array<i32>} : memref<8976xi32, #tpu.memory_space<vmem>>, vector<16xi32>,
    %swap3A_1381 = vector.shape_cast %swap3A_1380 : vector<16xi32> to vector<16xi32>
    %swap3A_1382 = vector.shape_cast %select_n3A_1378 : vector<16xi32> to vector<16xi32>
    tpu.vector_store %arg6[%swap3A_1379], %swap3A_1382 {strides = array<i32>} : memref<8976xi32, #tpu.memory_space<vmem>>, vector<16xi32>,
    %eq3A_1383 = arith.constant 8 : i32
    %eq3A_1384 = vector.broadcast %eq3A_1383 : i32 to vector<16xi32>
    %eq3A_1385 = arith.cmpi eq, %iota3A, %eq3A_1384 : vector<16xi32>
    %select_n3A_1386 = arith.select %eq3A_1385, %get3A_1371, %get3A_1374 : vector<16xi1>, vector<16xi32>
    %swap3A_1387 = arith.constant 8960 : index
    %swap3A_1388 = tpu.vector_load %arg6[%swap3A_1387] {strides = array<i32>} : memref<8976xi32, #tpu.memory_space<vmem>>, vector<16xi32>,
    %swap3A_1389 = vector.shape_cast %swap3A_1388 : vector<16xi32> to vector<16xi32>
    %swap3A_1390 = vector.shape_cast %select_n3A_1386 : vector<16xi32> to vector<16xi32>
    tpu.vector_store %arg6[%swap3A_1387], %swap3A_1390 {strides = array<i32>} : memref<8976xi32, #tpu.memory_space<vmem>>, vector<16xi32>,
    %parallel_loop3A_1391 = arith.constant 0 : i32
    %parallel_loop3A_1392 = arith.constant 32 : i32
    %parallel_loop3A_1393 = arith.constant 1 : i32
    %parallel_loop3A_1394:3 = scf.for %parallel_loop3A_1416 = %parallel_loop3A_1391 to %parallel_loop3A_1392 step %parallel_loop3A_1393 iter_args(%parallel_loop3A_1417 = %parallel_loop3A_1278#0, %parallel_loop3A_1418 = %parallel_loop3A_1278#1, %parallel_loop3A_1419 = %parallel_loop3A_1278#2) -> (vector<16xf32>, vector<16xi32>, vector<16xi32>)  : i32 {
      %parallel_loop3A_1420 = arith.constant 16 : i32
      %parallel_loop3A_1421 = arith.muli %parallel_loop3A_1416, %parallel_loop3A_1420 : i32
      %parallel_loop3A_1422 = arith.constant 7928 : i32
      %parallel_loop3A_1423 = arith.addi %parallel_loop3A_1422, %parallel_loop3A_1421 : i32
      %parallel_loop3A_1424 = arith.constant 528 : i32
      %parallel_loop3A_1425 = arith.subi %parallel_loop3A_1423, %parallel_loop3A_1424 : i32
      %parallel_loop3A_1426 = arith.constant 528 : i32
      %parallel_loop3A_1427 = arith.addi %parallel_loop3A_1423, %parallel_loop3A_1426 : i32
      %parallel_loop3A_1428 = arith.constant 1 : i32
      %parallel_loop3A_1429 = arith.subi %parallel_loop3A_1425, %parallel_loop3A_1428 : i32
      %parallel_loop3A_1430 = arith.index_cast %parallel_loop3A_1429 : i32 to index
      %parallel_loop3A_1431 = tpu.vector_load %arg5[%parallel_loop3A_1430] {strides = array<i32>} : memref<8976xi32, #tpu.memory_space<vmem>>, vector<16xi32>,
      %parallel_loop3A_1432 = vector.shape_cast %parallel_loop3A_1431 : vector<16xi32> to vector<16xi32>
      %parallel_loop3A_1433 = arith.constant 1 : i32
      %parallel_loop3A_1434 = arith.subi %parallel_loop3A_1425, %parallel_loop3A_1433 : i32
      %parallel_loop3A_1435 = arith.index_cast %parallel_loop3A_1434 : i32 to index
      %parallel_loop3A_1436 = tpu.vector_load %arg6[%parallel_loop3A_1435] {strides = array<i32>} : memref<8976xi32, #tpu.memory_space<vmem>>, vector<16xi32>,
      %parallel_loop3A_1437 = vector.shape_cast %parallel_loop3A_1436 : vector<16xi32> to vector<16xi32>
      %parallel_loop3A_1438 = arith.index_cast %parallel_loop3A_1425 : i32 to index
      %parallel_loop3A_1439 = tpu.vector_load %arg5[%parallel_loop3A_1438] {strides = array<i32>} : memref<8976xi32, #tpu.memory_space<vmem>>, vector<16xi32>,
      %parallel_loop3A_1440 = vector.shape_cast %parallel_loop3A_1439 : vector<16xi32> to vector<16xi32>
      %parallel_loop3A_1441 = arith.index_cast %parallel_loop3A_1425 : i32 to index
      %parallel_loop3A_1442 = tpu.vector_load %arg6[%parallel_loop3A_1441] {strides = array<i32>} : memref<8976xi32, #tpu.memory_space<vmem>>, vector<16xi32>,
      %parallel_loop3A_1443 = vector.shape_cast %parallel_loop3A_1442 : vector<16xi32> to vector<16xi32>
      %parallel_loop3A_1444 = arith.constant 1 : i32
      %parallel_loop3A_1445 = arith.addi %parallel_loop3A_1425, %parallel_loop3A_1444 : i32
      %parallel_loop3A_1446 = arith.index_cast %parallel_loop3A_1445 : i32 to index
      %parallel_loop3A_1447 = tpu.vector_load %arg5[%parallel_loop3A_1446] {strides = array<i32>} : memref<8976xi32, #tpu.memory_space<vmem>>, vector<16xi32>,
      %parallel_loop3A_1448 = vector.shape_cast %parallel_loop3A_1447 : vector<16xi32> to vector<16xi32>
      %parallel_loop3A_1449 = arith.constant 1 : i32
      %parallel_loop3A_1450 = arith.addi %parallel_loop3A_1425, %parallel_loop3A_1449 : i32
      %parallel_loop3A_1451 = arith.index_cast %parallel_loop3A_1450 : i32 to index
      %parallel_loop3A_1452 = tpu.vector_load %arg6[%parallel_loop3A_1451] {strides = array<i32>} : memref<8976xi32, #tpu.memory_space<vmem>>, vector<16xi32>,
      %parallel_loop3A_1453 = vector.shape_cast %parallel_loop3A_1452 : vector<16xi32> to vector<16xi32>
      %parallel_loop3A_1454 = arith.constant 1 : i32
      %parallel_loop3A_1455 = arith.subi %parallel_loop3A_1423, %parallel_loop3A_1454 : i32
      %parallel_loop3A_1456 = arith.index_cast %parallel_loop3A_1455 : i32 to index
      %parallel_loop3A_1457 = tpu.vector_load %arg5[%parallel_loop3A_1456] {strides = array<i32>} : memref<8976xi32, #tpu.memory_space<vmem>>, vector<16xi32>,
      %parallel_loop3A_1458 = vector.shape_cast %parallel_loop3A_1457 : vector<16xi32> to vector<16xi32>
      %parallel_loop3A_1459 = arith.constant 1 : i32
      %parallel_loop3A_1460 = arith.subi %parallel_loop3A_1423, %parallel_loop3A_1459 : i32
      %parallel_loop3A_1461 = arith.index_cast %parallel_loop3A_1460 : i32 to index
      %parallel_loop3A_1462 = tpu.vector_load %arg6[%parallel_loop3A_1461] {strides = array<i32>} : memref<8976xi32, #tpu.memory_space<vmem>>, vector<16xi32>,
      %parallel_loop3A_1463 = vector.shape_cast %parallel_loop3A_1462 : vector<16xi32> to vector<16xi32>
      %parallel_loop3A_1464 = arith.index_cast %parallel_loop3A_1423 : i32 to index
      %parallel_loop3A_1465 = tpu.vector_load %arg5[%parallel_loop3A_1464] {strides = array<i32>} : memref<8976xi32, #tpu.memory_space<vmem>>, vector<16xi32>,
      %parallel_loop3A_1466 = vector.shape_cast %parallel_loop3A_1465 : vector<16xi32> to vector<16xi32>
      %parallel_loop3A_1467 = arith.index_cast %parallel_loop3A_1423 : i32 to index
      %parallel_loop3A_1468 = tpu.vector_load %arg6[%parallel_loop3A_1467] {strides = array<i32>} : memref<8976xi32, #tpu.memory_space<vmem>>, vector<16xi32>,
      %parallel_loop3A_1469 = vector.shape_cast %parallel_loop3A_1468 : vector<16xi32> to vector<16xi32>
      %parallel_loop3A_1470 = arith.constant 1 : i32
      %parallel_loop3A_1471 = arith.addi %parallel_loop3A_1423, %parallel_loop3A_1470 : i32
      %parallel_loop3A_1472 = arith.index_cast %parallel_loop3A_1471 : i32 to index
      %parallel_loop3A_1473 = tpu.vector_load %arg5[%parallel_loop3A_1472] {strides = array<i32>} : memref<8976xi32, #tpu.memory_space<vmem>>, vector<16xi32>,
      %parallel_loop3A_1474 = vector.shape_cast %parallel_loop3A_1473 : vector<16xi32> to vector<16xi32>
      %parallel_loop3A_1475 = arith.constant 1 : i32
      %parallel_loop3A_1476 = arith.addi %parallel_loop3A_1423, %parallel_loop3A_1475 : i32
      %parallel_loop3A_1477 = arith.index_cast %parallel_loop3A_1476 : i32 to index
      %parallel_loop3A_1478 = tpu.vector_load %arg6[%parallel_loop3A_1477] {strides = array<i32>} : memref<8976xi32, #tpu.memory_space<vmem>>, vector<16xi32>,
      %parallel_loop3A_1479 = vector.shape_cast %parallel_loop3A_1478 : vector<16xi32> to vector<16xi32>
      %parallel_loop3A_1480 = arith.constant 1 : i32
      %parallel_loop3A_1481 = arith.subi %parallel_loop3A_1427, %parallel_loop3A_1480 : i32
      %parallel_loop3A_1482 = arith.index_cast %parallel_loop3A_1481 : i32 to index
      %parallel_loop3A_1483 = tpu.vector_load %arg5[%parallel_loop3A_1482] {strides = array<i32>} : memref<8976xi32, #tpu.memory_space<vmem>>, vector<16xi32>,
      %parallel_loop3A_1484 = vector.shape_cast %parallel_loop3A_1483 : vector<16xi32> to vector<16xi32>
      %parallel_loop3A_1485 = arith.constant 1 : i32
      %parallel_loop3A_1486 = arith.subi %parallel_loop3A_1427, %parallel_loop3A_1485 : i32
      %parallel_loop3A_1487 = arith.index_cast %parallel_loop3A_1486 : i32 to index
      %parallel_loop3A_1488 = tpu.vector_load %arg6[%parallel_loop3A_1487] {strides = array<i32>} : memref<8976xi32, #tpu.memory_space<vmem>>, vector<16xi32>,
      %parallel_loop3A_1489 = vector.shape_cast %parallel_loop3A_1488 : vector<16xi32> to vector<16xi32>
      %parallel_loop3A_1490 = arith.index_cast %parallel_loop3A_1427 : i32 to index
      %parallel_loop3A_1491 = tpu.vector_load %arg5[%parallel_loop3A_1490] {strides = array<i32>} : memref<8976xi32, #tpu.memory_space<vmem>>, vector<16xi32>,
      %parallel_loop3A_1492 = vector.shape_cast %parallel_loop3A_1491 : vector<16xi32> to vector<16xi32>
      %parallel_loop3A_1493 = arith.index_cast %parallel_loop3A_1427 : i32 to index
      %parallel_loop3A_1494 = tpu.vector_load %arg6[%parallel_loop3A_1493] {strides = array<i32>} : memref<8976xi32, #tpu.memory_space<vmem>>, vector<16xi32>,
      %parallel_loop3A_1495 = vector.shape_cast %parallel_loop3A_1494 : vector<16xi32> to vector<16xi32>
      %parallel_loop3A_1496 = arith.constant 3 : i32
      %parallel_loop3A_1497 = vector.broadcast %parallel_loop3A_1496 : i32 to vector<16xi32>
      %parallel_loop3A_1498 = arith.muli %parallel_loop3A_1469, %parallel_loop3A_1497 : vector<16xi32>
      %parallel_loop3A_1499 = arith.constant 1 : i32
      %parallel_loop3A_1500 = vector.broadcast %parallel_loop3A_1499 : i32 to vector<16xi32>
      %parallel_loop3A_1501 = arith.andi %parallel_loop3A_1466, %parallel_loop3A_1500 : vector<16xi32>
      %parallel_loop3A_1502 = arith.addi %parallel_loop3A_1418, %parallel_loop3A_1501 : vector<16xi32>
      %parallel_loop3A_1503 = arith.constant 1 : i32
      %parallel_loop3A_1504 = vector.broadcast %parallel_loop3A_1503 : i32 to vector<16xi32>
      %parallel_loop3A_1505 = arith.shrsi %parallel_loop3A_1466, %parallel_loop3A_1504 : vector<16xi32>
      %parallel_loop3A_1506 = arith.addi %parallel_loop3A_1419, %parallel_loop3A_1505 : vector<16xi32>
      %parallel_loop3A_1507 = arith.cmpi ne, %parallel_loop3A_1466, %parallel_loop3A_1458 : vector<16xi32>
      %parallel_loop3A_1508 = arith.addi %parallel_loop3A_1498, %parallel_loop3A_1463 : vector<16xi32>
      %parallel_loop3A_1509 = arith.constant 9 : i32
      %parallel_loop3A_1510 = vector.broadcast %parallel_loop3A_1509 : i32 to vector<16xi32>
      %parallel_loop3A_1511 = arith.select %parallel_loop3A_1507, %parallel_loop3A_1508, %parallel_loop3A_1510 : vector<16xi1>, vector<16xi32>
      %parallel_loop3A_1512 = arith.constant 0 : i32
      %parallel_loop3A_1513 = vector.broadcast %parallel_loop3A_1512 : i32 to vector<16xi32>
      %parallel_loop3A_1514 = arith.cmpi slt, %parallel_loop3A_1511, %parallel_loop3A_1513 : vector<16xi32>
      %parallel_loop3A_1515 = arith.constant 16 : i32
      %parallel_loop3A_1516 = vector.broadcast %parallel_loop3A_1515 : i32 to vector<16xi32>
      %parallel_loop3A_1517 = arith.addi %parallel_loop3A_1511, %parallel_loop3A_1516 : vector<16xi32>
      %parallel_loop3A_1518 = arith.select %parallel_loop3A_1514, %parallel_loop3A_1517, %parallel_loop3A_1511 : vector<16xi1>, vector<16xi32>
      %parallel_loop3A_1519 = vector.shape_cast %parallel_loop3A_1518 : vector<16xi32> to vector<16x1xi32>
      %parallel_loop3A_1520 = vector.shape_cast %parallel_loop3A_1519 : vector<16x1xi32> to vector<16xi32>
      %parallel_loop3A_1521 = tpu.dynamic_gather %get3A_574[%parallel_loop3A_1520] in [0] : vector<16xf32>, vector<16xi32> -> vector<16xf32>
      %parallel_loop3A_1522 = arith.addf %parallel_loop3A_1417, %parallel_loop3A_1521 : vector<16xf32>
      %parallel_loop3A_1523 = arith.cmpi ne, %parallel_loop3A_1466, %parallel_loop3A_1432 : vector<16xi32>
      %parallel_loop3A_1524 = arith.addi %parallel_loop3A_1498, %parallel_loop3A_1437 : vector<16xi32>
      %parallel_loop3A_1525 = arith.constant 9 : i32
      %parallel_loop3A_1526 = vector.broadcast %parallel_loop3A_1525 : i32 to vector<16xi32>
      %parallel_loop3A_1527 = arith.select %parallel_loop3A_1523, %parallel_loop3A_1524, %parallel_loop3A_1526 : vector<16xi1>, vector<16xi32>
      %parallel_loop3A_1528 = arith.constant 0 : i32
      %parallel_loop3A_1529 = vector.broadcast %parallel_loop3A_1528 : i32 to vector<16xi32>
      %parallel_loop3A_1530 = arith.cmpi slt, %parallel_loop3A_1527, %parallel_loop3A_1529 : vector<16xi32>
      %parallel_loop3A_1531 = arith.constant 16 : i32
      %parallel_loop3A_1532 = vector.broadcast %parallel_loop3A_1531 : i32 to vector<16xi32>
      %parallel_loop3A_1533 = arith.addi %parallel_loop3A_1527, %parallel_loop3A_1532 : vector<16xi32>
      %parallel_loop3A_1534 = arith.select %parallel_loop3A_1530, %parallel_loop3A_1533, %parallel_loop3A_1527 : vector<16xi1>, vector<16xi32>
      %parallel_loop3A_1535 = vector.shape_cast %parallel_loop3A_1534 : vector<16xi32> to vector<16x1xi32>
      %parallel_loop3A_1536 = vector.shape_cast %parallel_loop3A_1535 : vector<16x1xi32> to vector<16xi32>
      %parallel_loop3A_1537 = tpu.dynamic_gather %get3A_574[%parallel_loop3A_1536] in [0] : vector<16xf32>, vector<16xi32> -> vector<16xf32>
      %parallel_loop3A_1538 = arith.addf %parallel_loop3A_1522, %parallel_loop3A_1537 : vector<16xf32>
      %parallel_loop3A_1539 = arith.cmpi ne, %parallel_loop3A_1466, %parallel_loop3A_1440 : vector<16xi32>
      %parallel_loop3A_1540 = arith.addi %parallel_loop3A_1498, %parallel_loop3A_1443 : vector<16xi32>
      %parallel_loop3A_1541 = arith.constant 9 : i32
      %parallel_loop3A_1542 = vector.broadcast %parallel_loop3A_1541 : i32 to vector<16xi32>
      %parallel_loop3A_1543 = arith.select %parallel_loop3A_1539, %parallel_loop3A_1540, %parallel_loop3A_1542 : vector<16xi1>, vector<16xi32>
      %parallel_loop3A_1544 = arith.constant 0 : i32
      %parallel_loop3A_1545 = vector.broadcast %parallel_loop3A_1544 : i32 to vector<16xi32>
      %parallel_loop3A_1546 = arith.cmpi slt, %parallel_loop3A_1543, %parallel_loop3A_1545 : vector<16xi32>
      %parallel_loop3A_1547 = arith.constant 16 : i32
      %parallel_loop3A_1548 = vector.broadcast %parallel_loop3A_1547 : i32 to vector<16xi32>
      %parallel_loop3A_1549 = arith.addi %parallel_loop3A_1543, %parallel_loop3A_1548 : vector<16xi32>
      %parallel_loop3A_1550 = arith.select %parallel_loop3A_1546, %parallel_loop3A_1549, %parallel_loop3A_1543 : vector<16xi1>, vector<16xi32>
      %parallel_loop3A_1551 = vector.shape_cast %parallel_loop3A_1550 : vector<16xi32> to vector<16x1xi32>
      %parallel_loop3A_1552 = vector.shape_cast %parallel_loop3A_1551 : vector<16x1xi32> to vector<16xi32>
      %parallel_loop3A_1553 = tpu.dynamic_gather %get3A_574[%parallel_loop3A_1552] in [0] : vector<16xf32>, vector<16xi32> -> vector<16xf32>
      %parallel_loop3A_1554 = arith.addf %parallel_loop3A_1538, %parallel_loop3A_1553 : vector<16xf32>
      %parallel_loop3A_1555 = arith.cmpi ne, %parallel_loop3A_1466, %parallel_loop3A_1448 : vector<16xi32>
      %parallel_loop3A_1556 = arith.addi %parallel_loop3A_1498, %parallel_loop3A_1453 : vector<16xi32>
      %parallel_loop3A_1557 = arith.constant 9 : i32
      %parallel_loop3A_1558 = vector.broadcast %parallel_loop3A_1557 : i32 to vector<16xi32>
      %parallel_loop3A_1559 = arith.select %parallel_loop3A_1555, %parallel_loop3A_1556, %parallel_loop3A_1558 : vector<16xi1>, vector<16xi32>
      %parallel_loop3A_1560 = arith.constant 0 : i32
      %parallel_loop3A_1561 = vector.broadcast %parallel_loop3A_1560 : i32 to vector<16xi32>
      %parallel_loop3A_1562 = arith.cmpi slt, %parallel_loop3A_1559, %parallel_loop3A_1561 : vector<16xi32>
      %parallel_loop3A_1563 = arith.constant 16 : i32
      %parallel_loop3A_1564 = vector.broadcast %parallel_loop3A_1563 : i32 to vector<16xi32>
      %parallel_loop3A_1565 = arith.addi %parallel_loop3A_1559, %parallel_loop3A_1564 : vector<16xi32>
      %parallel_loop3A_1566 = arith.select %parallel_loop3A_1562, %parallel_loop3A_1565, %parallel_loop3A_1559 : vector<16xi1>, vector<16xi32>
      %parallel_loop3A_1567 = vector.shape_cast %parallel_loop3A_1566 : vector<16xi32> to vector<16x1xi32>
      %parallel_loop3A_1568 = vector.shape_cast %parallel_loop3A_1567 : vector<16x1xi32> to vector<16xi32>
      %parallel_loop3A_1569 = tpu.dynamic_gather %get3A_574[%parallel_loop3A_1568] in [0] : vector<16xf32>, vector<16xi32> -> vector<16xf32>
      %parallel_loop3A_1570 = arith.addf %parallel_loop3A_1554, %parallel_loop3A_1569 : vector<16xf32>
      %parallel_loop3A_1571 = arith.constant 3 : i32
      %parallel_loop3A_1572 = vector.broadcast %parallel_loop3A_1571 : i32 to vector<16xi32>
      %parallel_loop3A_1573 = arith.muli %parallel_loop3A_1495, %parallel_loop3A_1572 : vector<16xi32>
      %parallel_loop3A_1574 = arith.constant 1 : i32
      %parallel_loop3A_1575 = vector.broadcast %parallel_loop3A_1574 : i32 to vector<16xi32>
      %parallel_loop3A_1576 = arith.andi %parallel_loop3A_1492, %parallel_loop3A_1575 : vector<16xi32>
      %parallel_loop3A_1577 = arith.addi %parallel_loop3A_1502, %parallel_loop3A_1576 : vector<16xi32>
      %parallel_loop3A_1578 = arith.constant 1 : i32
      %parallel_loop3A_1579 = vector.broadcast %parallel_loop3A_1578 : i32 to vector<16xi32>
      %parallel_loop3A_1580 = arith.shrsi %parallel_loop3A_1492, %parallel_loop3A_1579 : vector<16xi32>
      %parallel_loop3A_1581 = arith.addi %parallel_loop3A_1506, %parallel_loop3A_1580 : vector<16xi32>
      %parallel_loop3A_1582 = arith.cmpi ne, %parallel_loop3A_1492, %parallel_loop3A_1484 : vector<16xi32>
      %parallel_loop3A_1583 = arith.addi %parallel_loop3A_1573, %parallel_loop3A_1489 : vector<16xi32>
      %parallel_loop3A_1584 = arith.constant 9 : i32
      %parallel_loop3A_1585 = vector.broadcast %parallel_loop3A_1584 : i32 to vector<16xi32>
      %parallel_loop3A_1586 = arith.select %parallel_loop3A_1582, %parallel_loop3A_1583, %parallel_loop3A_1585 : vector<16xi1>, vector<16xi32>
      %parallel_loop3A_1587 = arith.constant 0 : i32
      %parallel_loop3A_1588 = vector.broadcast %parallel_loop3A_1587 : i32 to vector<16xi32>
      %parallel_loop3A_1589 = arith.cmpi slt, %parallel_loop3A_1586, %parallel_loop3A_1588 : vector<16xi32>
      %parallel_loop3A_1590 = arith.constant 16 : i32
      %parallel_loop3A_1591 = vector.broadcast %parallel_loop3A_1590 : i32 to vector<16xi32>
      %parallel_loop3A_1592 = arith.addi %parallel_loop3A_1586, %parallel_loop3A_1591 : vector<16xi32>
      %parallel_loop3A_1593 = arith.select %parallel_loop3A_1589, %parallel_loop3A_1592, %parallel_loop3A_1586 : vector<16xi1>, vector<16xi32>
      %parallel_loop3A_1594 = vector.shape_cast %parallel_loop3A_1593 : vector<16xi32> to vector<16x1xi32>
      %parallel_loop3A_1595 = vector.shape_cast %parallel_loop3A_1594 : vector<16x1xi32> to vector<16xi32>
      %parallel_loop3A_1596 = tpu.dynamic_gather %get3A_574[%parallel_loop3A_1595] in [0] : vector<16xf32>, vector<16xi32> -> vector<16xf32>
      %parallel_loop3A_1597 = arith.addf %parallel_loop3A_1570, %parallel_loop3A_1596 : vector<16xf32>
      %parallel_loop3A_1598 = arith.cmpi ne, %parallel_loop3A_1492, %parallel_loop3A_1458 : vector<16xi32>
      %parallel_loop3A_1599 = arith.addi %parallel_loop3A_1573, %parallel_loop3A_1463 : vector<16xi32>
      %parallel_loop3A_1600 = arith.constant 9 : i32
      %parallel_loop3A_1601 = vector.broadcast %parallel_loop3A_1600 : i32 to vector<16xi32>
      %parallel_loop3A_1602 = arith.select %parallel_loop3A_1598, %parallel_loop3A_1599, %parallel_loop3A_1601 : vector<16xi1>, vector<16xi32>
      %parallel_loop3A_1603 = arith.constant 0 : i32
      %parallel_loop3A_1604 = vector.broadcast %parallel_loop3A_1603 : i32 to vector<16xi32>
      %parallel_loop3A_1605 = arith.cmpi slt, %parallel_loop3A_1602, %parallel_loop3A_1604 : vector<16xi32>
      %parallel_loop3A_1606 = arith.constant 16 : i32
      %parallel_loop3A_1607 = vector.broadcast %parallel_loop3A_1606 : i32 to vector<16xi32>
      %parallel_loop3A_1608 = arith.addi %parallel_loop3A_1602, %parallel_loop3A_1607 : vector<16xi32>
      %parallel_loop3A_1609 = arith.select %parallel_loop3A_1605, %parallel_loop3A_1608, %parallel_loop3A_1602 : vector<16xi1>, vector<16xi32>
      %parallel_loop3A_1610 = vector.shape_cast %parallel_loop3A_1609 : vector<16xi32> to vector<16x1xi32>
      %parallel_loop3A_1611 = vector.shape_cast %parallel_loop3A_1610 : vector<16x1xi32> to vector<16xi32>
      %parallel_loop3A_1612 = tpu.dynamic_gather %get3A_574[%parallel_loop3A_1611] in [0] : vector<16xf32>, vector<16xi32> -> vector<16xf32>
      %parallel_loop3A_1613 = arith.addf %parallel_loop3A_1597, %parallel_loop3A_1612 : vector<16xf32>
      %parallel_loop3A_1614 = arith.cmpi ne, %parallel_loop3A_1492, %parallel_loop3A_1466 : vector<16xi32>
      %parallel_loop3A_1615 = arith.addi %parallel_loop3A_1573, %parallel_loop3A_1469 : vector<16xi32>
      %parallel_loop3A_1616 = arith.constant 9 : i32
      %parallel_loop3A_1617 = vector.broadcast %parallel_loop3A_1616 : i32 to vector<16xi32>
      %parallel_loop3A_1618 = arith.select %parallel_loop3A_1614, %parallel_loop3A_1615, %parallel_loop3A_1617 : vector<16xi1>, vector<16xi32>
      %parallel_loop3A_1619 = arith.constant 0 : i32
      %parallel_loop3A_1620 = vector.broadcast %parallel_loop3A_1619 : i32 to vector<16xi32>
      %parallel_loop3A_1621 = arith.cmpi slt, %parallel_loop3A_1618, %parallel_loop3A_1620 : vector<16xi32>
      %parallel_loop3A_1622 = arith.constant 16 : i32
      %parallel_loop3A_1623 = vector.broadcast %parallel_loop3A_1622 : i32 to vector<16xi32>
      %parallel_loop3A_1624 = arith.addi %parallel_loop3A_1618, %parallel_loop3A_1623 : vector<16xi32>
      %parallel_loop3A_1625 = arith.select %parallel_loop3A_1621, %parallel_loop3A_1624, %parallel_loop3A_1618 : vector<16xi1>, vector<16xi32>
      %parallel_loop3A_1626 = vector.shape_cast %parallel_loop3A_1625 : vector<16xi32> to vector<16x1xi32>
      %parallel_loop3A_1627 = vector.shape_cast %parallel_loop3A_1626 : vector<16x1xi32> to vector<16xi32>
      %parallel_loop3A_1628 = tpu.dynamic_gather %get3A_574[%parallel_loop3A_1627] in [0] : vector<16xf32>, vector<16xi32> -> vector<16xf32>
      %parallel_loop3A_1629 = arith.addf %parallel_loop3A_1613, %parallel_loop3A_1628 : vector<16xf32>
      %parallel_loop3A_1630 = arith.cmpi ne, %parallel_loop3A_1492, %parallel_loop3A_1474 : vector<16xi32>
      %parallel_loop3A_1631 = arith.addi %parallel_loop3A_1573, %parallel_loop3A_1479 : vector<16xi32>
      %parallel_loop3A_1632 = arith.constant 9 : i32
      %parallel_loop3A_1633 = vector.broadcast %parallel_loop3A_1632 : i32 to vector<16xi32>
      %parallel_loop3A_1634 = arith.select %parallel_loop3A_1630, %parallel_loop3A_1631, %parallel_loop3A_1633 : vector<16xi1>, vector<16xi32>
      %parallel_loop3A_1635 = arith.constant 0 : i32
      %parallel_loop3A_1636 = vector.broadcast %parallel_loop3A_1635 : i32 to vector<16xi32>
      %parallel_loop3A_1637 = arith.cmpi slt, %parallel_loop3A_1634, %parallel_loop3A_1636 : vector<16xi32>
      %parallel_loop3A_1638 = arith.constant 16 : i32
      %parallel_loop3A_1639 = vector.broadcast %parallel_loop3A_1638 : i32 to vector<16xi32>
      %parallel_loop3A_1640 = arith.addi %parallel_loop3A_1634, %parallel_loop3A_1639 : vector<16xi32>
      %parallel_loop3A_1641 = arith.select %parallel_loop3A_1637, %parallel_loop3A_1640, %parallel_loop3A_1634 : vector<16xi1>, vector<16xi32>
      %parallel_loop3A_1642 = vector.shape_cast %parallel_loop3A_1641 : vector<16xi32> to vector<16x1xi32>
      %parallel_loop3A_1643 = vector.shape_cast %parallel_loop3A_1642 : vector<16x1xi32> to vector<16xi32>
      %parallel_loop3A_1644 = tpu.dynamic_gather %get3A_574[%parallel_loop3A_1643] in [0] : vector<16xf32>, vector<16xi32> -> vector<16xf32>
      %parallel_loop3A_1645 = arith.addf %parallel_loop3A_1629, %parallel_loop3A_1644 : vector<16xf32>
      scf.yield %parallel_loop3A_1645, %parallel_loop3A_1577, %parallel_loop3A_1581 : vector<16xf32>, vector<16xi32>, vector<16xi32>
    } {sc.loop_unroll_factor = 2 : i64, sc.parallel_access}
    %swap3A_1395 = arith.constant 0 : index
    %swap3A_1396 = tpu.vector_load %arg8[%swap3A_1395] {strides = array<i32>} : memref<48xf32, #tpu.memory_space<vmem>>, vector<16xf32>,
    %swap3A_1397 = vector.shape_cast %swap3A_1396 : vector<16xf32> to vector<16xf32>
    %swap3A_1398 = vector.shape_cast %parallel_loop3A_1394#0 : vector<16xf32> to vector<16xf32>
    tpu.vector_store %arg8[%swap3A_1395], %swap3A_1398 {strides = array<i32>} : memref<48xf32, #tpu.memory_space<vmem>>, vector<16xf32>,
    %convert_element_type3A = arith.sitofp %parallel_loop3A_1394#1 : vector<16xi32> to vector<16xf32>
    %swap3A_1399 = arith.constant 16 : index
    %swap3A_1400 = tpu.vector_load %arg8[%swap3A_1399] {strides = array<i32>} : memref<48xf32, #tpu.memory_space<vmem>>, vector<16xf32>,
    %swap3A_1401 = vector.shape_cast %swap3A_1400 : vector<16xf32> to vector<16xf32>
    %swap3A_1402 = vector.shape_cast %convert_element_type3A : vector<16xf32> to vector<16xf32>
    tpu.vector_store %arg8[%swap3A_1399], %swap3A_1402 {strides = array<i32>} : memref<48xf32, #tpu.memory_space<vmem>>, vector<16xf32>,
    %convert_element_type3A_1403 = arith.sitofp %parallel_loop3A_1394#2 : vector<16xi32> to vector<16xf32>
    %swap3A_1404 = arith.constant 32 : index
    %swap3A_1405 = tpu.vector_load %arg8[%swap3A_1404] {strides = array<i32>} : memref<48xf32, #tpu.memory_space<vmem>>, vector<16xf32>,
    %swap3A_1406 = vector.shape_cast %swap3A_1405 : vector<16xf32> to vector<16xf32>
    %swap3A_1407 = vector.shape_cast %convert_element_type3A_1403 : vector<16xf32> to vector<16xf32>
    tpu.vector_store %arg8[%swap3A_1404], %swap3A_1407 {strides = array<i32>} : memref<48xf32, #tpu.memory_space<vmem>>, vector<16xf32>,
    %mul3A_1408 = arith.constant 3 : i32
    %mul3A_1409 = arith.muli %arg1, %mul3A_1408 : i32
    %mul3A_1410 = arith.constant 16 : i32
    %mul3A_1411 = arith.muli %mul3A_1409, %mul3A_1410 : i32
    "tpu.region"() ({
      %run_scoped3A = tpu.sem_alloc : memref<!tpu.dma_semaphore, #tpu.memory_space<semaphore_mem>>
      %dma_start3A_1416 = tpu.memref_slice %arg10[%mul3A_1411] : memref<768xf32, #tpu.memory_space<vmem_shared>> -> memref<48xf32, #tpu.memory_space<vmem_shared>>
      %dma_start3A_1417 = tpu.memref_slice %arg10[%mul3A_1411] : memref<768xf32, #tpu.memory_space<vmem_shared>> -> memref<48xf32, #tpu.memory_space<vmem_shared>>
      tpu.enqueue_dma source(%arg8 : memref<48xf32, #tpu.memory_space<vmem>>) target(%dma_start3A_1417 : memref<48xf32, #tpu.memory_space<vmem_shared>>) target_semaphore(%run_scoped3A : memref<!tpu.dma_semaphore, #tpu.memory_space<semaphore_mem>>)
      %dma_wait3A_1418 = tpu.memref_slice %arg10[%mul3A_1411] : memref<768xf32, #tpu.memory_space<vmem_shared>> -> memref<48xf32, #tpu.memory_space<vmem_shared>>
      %dma_wait3A_1419 = tpu.memref_slice %arg10[%mul3A_1411] : memref<768xf32, #tpu.memory_space<vmem_shared>> -> memref<48xf32, #tpu.memory_space<vmem_shared>>
      tpu.wait_dma2 semaphore(%run_scoped3A : memref<!tpu.dma_semaphore, #tpu.memory_space<semaphore_mem>>) src(%arg8 : memref<48xf32, #tpu.memory_space<vmem>>) dst(%dma_wait3A_1419 : memref<48xf32, #tpu.memory_space<vmem_shared>>)
      tpu.yield
    }) : () -> ()
    %barrier3A = arith.constant 0 : index
    tpu.barrier barrier_id(%barrier3A)
    %eq3A_1412 = arith.constant 0 : i32
    %eq3A_1413 = arith.cmpi eq, %arg1, %eq3A_1412 : i32
    %convert_element_type3A_1414 = arith.extui %eq3A_1413 : i1 to i32
    %cond3A = arith.constant 0 : i32
    %cond3A_1415 = arith.cmpi ne, %convert_element_type3A_1414, %cond3A : i32
    scf.if %cond3A_1415 {
      "tpu.region"() ({
        %run_scoped3A = tpu.sem_alloc : memref<!tpu.dma_semaphore, #tpu.memory_space<semaphore_mem>>
        tpu.enqueue_dma source(%arg10 : memref<768xf32, #tpu.memory_space<vmem_shared>>) target(%arg9 : memref<768xf32, #tpu.memory_space<vmem>>) target_semaphore(%run_scoped3A : memref<!tpu.dma_semaphore, #tpu.memory_space<semaphore_mem>>)
        tpu.wait_dma2 semaphore(%run_scoped3A : memref<!tpu.dma_semaphore, #tpu.memory_space<semaphore_mem>>) src(%arg10 : memref<768xf32, #tpu.memory_space<vmem_shared>>) dst(%arg9 : memref<768xf32, #tpu.memory_space<vmem>>)
        tpu.yield
      }) : () -> ()
      %broadcast_in_dim3A_1416 = arith.constant 0.000000e+00 : f32
      %broadcast_in_dim3A_1417 = vector.broadcast %broadcast_in_dim3A_1416 : f32 to vector<16xf32>
      %scan3A = arith.constant 0 : i32
      %scan3A_1418 = arith.constant 16 : i32
      %scan3A_1419 = arith.addi %scan3A, %scan3A_1418 : i32
      %scan3A_1420 = arith.constant 1 : i32
      %scan3A_1421:3 = scf.for %scan3A_1435 = %scan3A to %scan3A_1419 step %scan3A_1420 iter_args(%scan3A_1436 = %broadcast_in_dim3A_1417, %scan3A_1437 = %broadcast_in_dim3A_1417, %scan3A_1438 = %broadcast_in_dim3A_1417) -> (vector<16xf32>, vector<16xf32>, vector<16xf32>)  : i32 {
        %mul3A_1439 = arith.constant 3 : i32
        %mul3A_1440 = arith.muli %scan3A_1435, %mul3A_1439 : i32
        %mul3A_1441 = arith.constant 16 : i32
        %mul3A_1442 = arith.muli %mul3A_1440, %mul3A_1441 : i32
        %get3A_1443 = arith.index_cast %mul3A_1442 : i32 to index
        %get3A_1444 = tpu.vector_load %arg9[%get3A_1443] {strides = array<i32>} : memref<768xf32, #tpu.memory_space<vmem>>, vector<16xf32>,
        %get3A_1445 = vector.shape_cast %get3A_1444 : vector<16xf32> to vector<16xf32>
        %add3A_1446 = arith.addf %scan3A_1436, %get3A_1445 : vector<16xf32>
        %add3A_1447 = arith.constant 16 : i32
        %add3A_1448 = arith.addi %mul3A_1442, %add3A_1447 : i32
        %get3A_1449 = arith.index_cast %add3A_1448 : i32 to index
        %get3A_1450 = tpu.vector_load %arg9[%get3A_1449] {strides = array<i32>} : memref<768xf32, #tpu.memory_space<vmem>>, vector<16xf32>,
        %get3A_1451 = vector.shape_cast %get3A_1450 : vector<16xf32> to vector<16xf32>
        %add3A_1452 = arith.addf %scan3A_1437, %get3A_1451 : vector<16xf32>
        %add3A_1453 = arith.constant 32 : i32
        %add3A_1454 = arith.addi %mul3A_1442, %add3A_1453 : i32
        %get3A_1455 = arith.index_cast %add3A_1454 : i32 to index
        %get3A_1456 = tpu.vector_load %arg9[%get3A_1455] {strides = array<i32>} : memref<768xf32, #tpu.memory_space<vmem>>, vector<16xf32>,
        %get3A_1457 = vector.shape_cast %get3A_1456 : vector<16xf32> to vector<16xf32>
        %add3A_1458 = arith.addf %scan3A_1438, %get3A_1457 : vector<16xf32>
        scf.yield %add3A_1446, %add3A_1452, %add3A_1458 : vector<16xf32>, vector<16xf32>, vector<16xf32>
      }
      %scan3A_1422 = arith.constant 16 : i32
      %swap3A_1423 = arith.constant 0 : index
      %swap3A_1424 = tpu.vector_load %arg8[%swap3A_1423] {strides = array<i32>} : memref<48xf32, #tpu.memory_space<vmem>>, vector<16xf32>,
      %swap3A_1425 = vector.shape_cast %swap3A_1424 : vector<16xf32> to vector<16xf32>
      %swap3A_1426 = vector.shape_cast %scan3A_1421#0 : vector<16xf32> to vector<16xf32>
      tpu.vector_store %arg8[%swap3A_1423], %swap3A_1426 {strides = array<i32>} : memref<48xf32, #tpu.memory_space<vmem>>, vector<16xf32>,
      %swap3A_1427 = arith.constant 16 : index
      %swap3A_1428 = tpu.vector_load %arg8[%swap3A_1427] {strides = array<i32>} : memref<48xf32, #tpu.memory_space<vmem>>, vector<16xf32>,
      %swap3A_1429 = vector.shape_cast %swap3A_1428 : vector<16xf32> to vector<16xf32>
      %swap3A_1430 = vector.shape_cast %scan3A_1421#1 : vector<16xf32> to vector<16xf32>
      tpu.vector_store %arg8[%swap3A_1427], %swap3A_1430 {strides = array<i32>} : memref<48xf32, #tpu.memory_space<vmem>>, vector<16xf32>,
      %swap3A_1431 = arith.constant 32 : index
      %swap3A_1432 = tpu.vector_load %arg8[%swap3A_1431] {strides = array<i32>} : memref<48xf32, #tpu.memory_space<vmem>>, vector<16xf32>,
      %swap3A_1433 = vector.shape_cast %swap3A_1432 : vector<16xf32> to vector<16xf32>
      %swap3A_1434 = vector.shape_cast %scan3A_1421#2 : vector<16xf32> to vector<16xf32>
      tpu.vector_store %arg8[%swap3A_1431], %swap3A_1434 {strides = array<i32>} : memref<48xf32, #tpu.memory_space<vmem>>, vector<16xf32>,
      "tpu.region"() ({
        %run_scoped3A = tpu.sem_alloc : memref<!tpu.dma_semaphore, #tpu.memory_space<semaphore_mem>>
        %dma_start3A_1435 = arith.constant 0 : i32
        %dma_start3A_1436 = tpu.memref_slice %arg4[%arg0, %dma_start3A_1435] : memref<2x48xf32, #tpu.memory_space<hbm>> -> memref<1x48xf32, #tpu.memory_space<hbm>>
        %dma_start3A_1437 = tpu.memref_squeeze %dma_start3A_1436 : memref<1x48xf32, #tpu.memory_space<hbm>> -> memref<48xf32, #tpu.memory_space<hbm>>
        %dma_start3A_1438 = arith.constant 0 : i32
        %dma_start3A_1439 = tpu.memref_slice %arg4[%arg0, %dma_start3A_1438] : memref<2x48xf32, #tpu.memory_space<hbm>> -> memref<1x48xf32, #tpu.memory_space<hbm>>
        %dma_start3A_1440 = tpu.memref_squeeze %dma_start3A_1439 : memref<1x48xf32, #tpu.memory_space<hbm>> -> memref<48xf32, #tpu.memory_space<hbm>>
        tpu.enqueue_dma source(%arg8 : memref<48xf32, #tpu.memory_space<vmem>>) target(%dma_start3A_1440 : memref<48xf32, #tpu.memory_space<hbm>>) target_semaphore(%run_scoped3A : memref<!tpu.dma_semaphore, #tpu.memory_space<semaphore_mem>>)
        %dma_wait3A_1441 = arith.constant 0 : i32
        %dma_wait3A_1442 = tpu.memref_slice %arg4[%arg0, %dma_wait3A_1441] : memref<2x48xf32, #tpu.memory_space<hbm>> -> memref<1x48xf32, #tpu.memory_space<hbm>>
        %dma_wait3A_1443 = tpu.memref_squeeze %dma_wait3A_1442 : memref<1x48xf32, #tpu.memory_space<hbm>> -> memref<48xf32, #tpu.memory_space<hbm>>
        %dma_wait3A_1444 = arith.constant 0 : i32
        %dma_wait3A_1445 = tpu.memref_slice %arg4[%arg0, %dma_wait3A_1444] : memref<2x48xf32, #tpu.memory_space<hbm>> -> memref<1x48xf32, #tpu.memory_space<hbm>>
        %dma_wait3A_1446 = tpu.memref_squeeze %dma_wait3A_1445 : memref<1x48xf32, #tpu.memory_space<hbm>> -> memref<48xf32, #tpu.memory_space<hbm>>
        tpu.wait_dma2 semaphore(%run_scoped3A : memref<!tpu.dma_semaphore, #tpu.memory_space<semaphore_mem>>) src(%arg8 : memref<48xf32, #tpu.memory_space<vmem>>) dst(%dma_wait3A_1446 : memref<48xf32, #tpu.memory_space<hbm>>)
        tpu.yield
      }) : () -> ()
    } else {
    }
    return
  }
}

</mosaic_0001>

<sc_bundles>
// kernel: _sc_call.3.cloned.1.call-start
scs
__scs_entry_jumppad:
0x0: {  	(pc) =	sbr.rel $0x88, $3  }
0x1: {  	(tag) =	ssettag $0x0;
	lr =	simm.s32 $0x1  }
0x2: {  	[smem:$0x3F9F] =	sst lr;
	_ =	strace $0xD0000000  }
0x3: {  	_ = 	snop  }
0x4: {  	_ = 	snop  }
0x5: {  	_ = 	snop  }
0x6: {  	_ = 	snop  }
0x7: {  	_ = 	snop  }
__scs_overlays_trampoline_lowered:
0x8: {  	[smem:$0x3FAE] =	sst s0  }
0x9: {  	[smem:$0x3FAF] =	sst s1  }
0xa: {  	[smem:$0x3FB0] =	sst s2  }
0xb: {  	[smem:$0x3FB1] =	sst s3  }
0xc: {  	[smem:$0x3FB2] =	sst s4  }
0xd: {  	[smem:$0x3FB3] =	sst s5  }
0xe: {  	[smem:$0x3FB4] =	sst s6  }
0xf: {  	[smem:$0x3FB5] =	sst s7  }
0x10: {  	[smem:$0x3FB6] =	sst s8  }
0x11: {  	[smem:$0x3FB7] =	sst s9;
	s0 =	simm.s32 @!p0 $0x0  }
0x12: {  	s1 =	sld [smem:$0x3F9D];
	s0 =	simm.s32 @p0 $0x1  }
0x13: {  	[smem:$0x3FB8] =	sst s0;
	s0 =	simm.s32 @!p1 $0x0  }
0x14: {  	s2 =	sld [smem:$0x3F9C];
	s0 =	simm.s32 @p1 $0x1  }
0x15: {  	[smem:$0x3FB9] =	sst s0;
	s0 =	simm.s32 @!p2 $0x0  }
0x16: {  	s3 =	sld [smem:$0x3FDB];
	s0 =	simm.s32 @p2 $0x1  }
0x17: {  	s4 =	simm.s32 $0x1BF5;
	[smem:$0x3FBB] =	sst s0  }
0x18: {  	s0 =	sld [smem:$0x3F9E];
	_ =	swait.ge [sflag:s4], $0x0  }
0x19: {  	s7 =	sld [smem:$0x3F9F]  }
0x1a: {  	s8 =	sadd.s32 $0xFFFFE003, lr  }
0x1b: {  	s9 =	sadd.s32 $0xFFFFFEF7, lr;
	s5 =	simm.s32 $0xFFFFFFFF;
	p2 =	slt.u32 s8, $0xFFFFF086  }
0x1c: {  	p1 =	slt.u32 s9, $0xF7A;
	s5 =	simm.s32 @!p2 $0x0  }
0x1d: {  	s5 =	simm.s32 @p1 $0x1;
	p0 =	seq.s32 s7, s2  }
0x1e: {  	s7 =	smul.u32 @!p0 $0xF7A, s2;
	p2 =	seq.s32 @!p0 s5, $0x0  }
0x1f: {  	s9 =	smul.u32 $0xF7A, s1;
	s8 =	simm.s32 @!p0 $0x1BF5;
	p2 =	por !p2, p0  }
0x20: {  	[sflag:s8] =	ssyncset.s32 @!p0 $0xFFFFF086;
	s6 =	sadd.s32 @!p0 s3, s7;
	s7 =	simm.s32 @!p0 $0x108  }
0x21: {  	s3 =	sadd.s32 s3, s9;
	s6 =	sadd.s32 @!p0 $0x88, s6;
	s7 =	simm.s32 @p2 $0x1082  }
0x22: {  	[simem:s7], [sflag:s8] =	dma.local @!p0 [hbm:s6], $0xF7A  }
0x23: {  	s9 =	sor.u32 $0xD0000000, s2;
	s6 =	simm.s32 $0x108;
	_ =	swait.ge @!p0 [sflag:s8], $0x0  }
0x24: {  	s3 =	sadd.s32 $0x88, s3;
	s6 =	simm.s32 @!p1 $0x1082;
	[sflag:s4] =	ssyncset.s32 $0xFFFFF086  }
0x25: {  	[simem:s6], [sflag:s4] =	dma.local [hbm:s3], $0xF7A  }
0x26: {  	[smem:$0x3F9F] =	sst s1;
	(tag) =	ssettag s2;
	_ =	strace s9  }
0x27: {  	s1 =	sld [smem:$0x3FAF]  }
0x28: {  	s2 =	sld [smem:$0x3FB0]  }
0x29: {  	s4 =	sld [smem:$0x3FB2]  }
0x2a: {  	p0 =	seq.s32 s5, $0x0;
	s5 =	sld [smem:$0x3FB3]  }
0x2b: {  	s6 =	sld [smem:$0x3FB4]  }
0x2c: {  	s7 =	sld [smem:$0x3FB5]  }
0x2d: {  	s3 =	simm.s32 $0x108;
	s8 =	sld [smem:$0x3FB6]  }
0x2e: {  	s3 =	simm.s32 @!p0 $0x1082;
	s9 =	sld [smem:$0x3FB7]  }
0x2f: {  	lr =	sadd.s32 s0, s3;
	s0 =	sld [smem:$0x3FAE]  }
0x30: {  	s3 =	sld [smem:$0x3FB1]  }
0x31: {  	[smem:$0x3FBA] =	sst s10  }
0x32: {  	s10 =	sld [smem:$0x3FB8];
	_ =	sdelay $0x3  }
0x33: {  	p0 =	seq.s32 s10, $0x1;
	s10 =	sld [smem:$0x3FBA];
	_ =	sdelay $0x3  }
0x34: {  	[smem:$0x3FBA] =	sst s10  }
0x35: {  	s10 =	sld [smem:$0x3FB9];
	_ =	sdelay $0x3  }
0x36: {  	p1 =	seq.s32 s10, $0x1;
	s10 =	sld [smem:$0x3FBA];
	_ =	sdelay $0x3  }
0x37: {  	[smem:$0x3FBA] =	sst s10  }
0x38: {  	s10 =	sld [smem:$0x3FBB]  }
0x39: {  	_ = 	snop;
	(pc) =	sbr.ind lr, $3  }
0x3a: {  	_ = 	snop  }
0x3b: {  	_ = 	snop  }
0x3c: {  	p2 =	seq.s32 s10, $0x1;
	s10 =	sld [smem:$0x3FBA]  }
0x3d: {  	_ =	shalt  }
0x3e: {  	_ =	shalt  }
0x3f: {  	_ =	shalt  }
0x40: {  	_ =	shalt  }
0x41: {  	_ =	shalt  }
0x42: {  	_ =	shalt  }
0x43: {  	_ =	shalt  }
0x44: {  	_ =	shalt  }
0x45: {  	_ =	shalt  }
0x46: {  	_ =	shalt  }
0x47: {  	_ =	shalt  }
0x48: {  	_ =	shalt  }
0x49: {  	_ =	shalt  }
0x4a: {  	_ =	shalt  }
0x4b: {  	_ =	shalt  }
0x4c: {  	_ =	shalt  }
0x4d: {  	_ =	shalt  }
0x4e: {  	_ =	shalt  }
0x4f: {  	_ =	shalt  }
0x50: {  	_ =	shalt  }
0x51: {  	_ =	shalt  }
0x52: {  	_ =	shalt  }
0x53: {  	_ =	shalt  }
0x54: {  	_ =	shalt  }
0x55: {  	_ =	shalt  }
0x56: {  	_ =	shalt  }
0x57: {  	_ =	shalt  }
0x58: {  	_ =	shalt  }
0x59: {  	_ =	shalt  }
0x5a: {  	_ =	shalt  }
0x5b: {  	_ =	shalt  }
0x5c: {  	_ =	shalt  }
0x5d: {  	_ =	shalt  }
0x5e: {  	_ =	shalt  }
0x5f: {  	_ =	shalt  }
0x60: {  	_ =	shalt  }
0x61: {  	_ =	shalt  }
0x62: {  	_ =	shalt  }
0x63: {  	_ =	shalt  }
0x64: {  	_ =	shalt  }
0x65: {  	_ =	shalt  }
0x66: {  	_ =	shalt  }
0x67: {  	_ =	shalt  }
0x68: {  	_ =	shalt  }
0x69: {  	_ =	shalt  }
0x6a: {  	_ =	shalt  }
0x6b: {  	_ =	shalt  }
0x6c: {  	_ =	shalt  }
0x6d: {  	_ =	shalt  }
0x6e: {  	_ =	shalt  }
0x6f: {  	_ =	shalt  }
0x70: {  	_ =	shalt  }
0x71: {  	_ =	shalt  }
0x72: {  	_ =	shalt  }
0x73: {  	_ =	shalt  }
0x74: {  	_ =	shalt  }
0x75: {  	_ =	shalt  }
0x76: {  	_ =	shalt  }
0x77: {  	_ =	shalt  }
0x78: {  	_ =	shalt  }
0x79: {  	_ =	shalt  }
0x7a: {  	_ =	shalt  }
0x7b: {  	_ =	shalt  }
0x7c: {  	_ =	shalt  }
0x7d: {  	_ =	shalt  }
0x7e: {  	_ =	shalt  }
0x7f: {  	_ =	shalt  }
0x80: {  	_ =	shalt  }
0x81: {  	_ =	shalt  }
0x82: {  	_ =	shalt  }
0x83: {  	_ =	shalt  }
0x84: {  	_ =	shalt  }
0x85: {  	_ =	shalt  }
0x86: {  	_ =	shalt  }
0x87: {  	_ =	shalt  }
.Lfunc_end0:
.L_simem_size_0:
called_computation_lowered:
.L_overlay_start_0:
0x88: {  	s2 =	sld [smem:$0x3FD9]  }
0x89: {  	s3 =	sld [smem:$0x3FFE];
	_ =	sdelay $0x1  }
0x8a: {  	s1 =	srdreg.scid  }
0x8b: {  	s0 =	sand.u32 $0x1, s1  }
0x8c: {  	s17 =	sshll.u32 s0, $0xA;
	s2 =	sadd.s32 s3, s2  }
0x8d: {  	s2 =	sadd.s32 s2, s17  }
0x8e: {  	[smem:$0x3FC6] =	sst s2  }
0x8f: {  	_ = 	snop  }
0x90: {  	s2 =	sld [smem:$0x3FC8]  }
0x91: {  	s18 =	sld [smem:$0x3FD0];
	(tm) =	ssettm $0x1  }
0x92: {  	s4 =	sld [smem:$0x3FFB];
	_ =	sdelay $0x3  }
0x93: {  	_ =	strace s4  }
0x94: {  	s4 =	sld [smem:$0x3FFC];
	_ =	sdelay $0x3  }
0x95: {  	_ =	strace s4  }
0x96: {  	s4 =	sld [smem:$0x3FFD];
	_ =	sdelay $0x3  }
0x97: {  	_ =	strace s4  }
0x98: {  	_ =	strace $0x8FFFFFFF  }
0x99: {  	s19 =	sld [smem:$0x3FDB];
	_ =	sdelay $0x1  }
0x9a: {  	s5 =	simm.s32 $_scs_section_size  }
0x9b: {  	s6 =	simm.s32 $_size__tile_overlayer_lowered;
	s7 =	simm.s32 $_tile_overlayer_lowered  }
0x9c: {  	s22 =	simm.s32 $0x1BFF;
	s21 =	sshll.u32 s7, $0x1;
	s4 =	sadd.s32 s5, s19  }
0x9d: {  	s8 =	simm.s32 $0x0;
	s20 =	sshll.u32 s6, $0x1;
	s6 =	sadd.s32 s21, s4  }
0x9e: {  	[timem:s8], [sflag:s22] =	dma.local [hbm:s6], s20  }
0x9f: {  	_ =	swait.ge [sflag:s22], s20  }
0xa0: {  	s5 =	ssub.s32 $0x0, s20;
	[sflag:s22] =	ssyncset.done $0x0  }
0xa1: {  	[sflag:s22] =	ssyncadd.s32 s5;
	_ =	sdelay $0x1  }
0xa2: {  	s23 =	simm.s32 $0x1B8B  }
0xa3: {  	_ =	swait.ge [sflag:s23], $0x1  }
0xa4: {  	[sflag:s23] =	ssyncset.done $0x0  }
0xa5: {  	s25 =	simm.s32 $0x1B8E;
	s24 =	sld [smem:$0x3FFE];
	[sflag:s23] =	ssyncadd.s32 $0xFFFFFFFF  }
0xa6: {  	s26 =	simm.s32 $execute0_lowered;
	[smem:$0x3FD2] =	sst s25  }
0xa7: {  	s6 =	sshll.u32 s26, $0x1;
	_ =	strace $0x80000046;
	[dreg:$0x1] =	wrdreg $0xFFFFFFFF  }
0xa8: {  	s28 =	simm.s32 $_size_execute0_lowered;
	s4 =	sadd.s32 s4, s6;
	[dreg:$0x0] =	wrdreg $0x0  }
0xa9: {  	s6 =	sshll.u32 s28, $0x1;
	[dreg:$0x2] =	wrdreg s4  }
0xaa: {  	[dreg:$0x3] =	wrdreg s6  }
0xab: {  	[dreg:$0x4] =	wrdreg $0xC0  }
0xac: {  	_ =	task [dreg:s8], $0x5FFFF  }
0xad: {  	[dreg:$0x1] =	wrdreg $0xFFFFFFFF  }
0xae: {  	[dreg:$0x0] =	wrdreg $0x60  }
0xaf: {  	[dreg:$0x2] =	wrdreg s24  }
0xb0: {  	[dreg:$0x3] =	wrdreg s2  }
0xb1: {  	[dreg:$0x4] =	wrdreg s18  }
0xb2: {  	[dreg:$0x5] =	wrdreg $0x4B000  }
0xb3: {  	[dreg:$0x6] =	wrdreg $0x9  }
0xb4: {  	_ =	task.clear_ibuf [dreg:s8], $0x7FFFF;
	_ =	strace $0x90000046  }
0xb5: {  	s29 =	simm.s32 $0x9;
	_ =	strace $0x80000048  }
0xb6: {  	_ =	swait.ge [sflag:s29], $0x1  }
0xb7: {  	[sflag:s29] =	ssyncadd.s32 $0xFFFFFFFF  }
0xb8: {  	_ =	strace $0x90000048  }
0xb9: {  	_ =	sfence  }
0xba: {  	s30 =	sld [smem:$0x0];
	_ =	sdelay $0x2  }
0xbb: {  	s31 =	sshll.u32 s1, $0xD;
	s1 =	sshrl.u32 s1, $0x2  }
0xbc: {  	s3 =	sand.u32 $0x4000, s31;
	s1 =	sadd.s32 s1, s30  }
0xbd: {  	s0 =	sor.u32 s3, s0;
	s1 =	sshll.u32 s1, $0x11  }
0xbe: {  	s0 =	sor.u32 s1, s0  }
0xbf: {  	s0 =	sadd.s32 $0x8F2B, s0  }
0xc0: {  	[sflag:s0] =	ssyncadd.remote.s32 $0x1  }
0xc1: {  	_ =	sfence.sel $0xFFFF  }
0xc2: {  	[dreg:$0x0] =	wrdreg $0xFFFFFFFF;
	(pc) =	sbr.abs _section_cstart, $3  }
0xc3: {  	[dreg:$0x1] =	wrdreg $0xFFFFFFFF  }
0xc4: {  	_ =	task.clear_ibuf [dreg:s8], $0x2FFFF;
	_ =	strace $0x9FFFFFFF  }
0xc5: {  	(tm) =	ssettm $0x7FFFFFFF  }
tec
execute0_lowered:
.L_overlay_start_1:
0x0: {  	(tag) =	ssettag $0x1  }
0x1: {  	s0 =	rddreg [dreg:$0x0]  }
0x2: {  	s1 =	rddreg [dreg:$0x2]  }
0x3: {  	s10 =	rddreg [dreg:$0x3]  }
0x4: {  	s2 =	srdreg.scid;
	s4 =	stileid.u32  }
0x5: {  	s3 =	simm.s32 $0x0;
	s11 =	simm.s32 $0x1;
	s12 =	simm.s32 $0x2  }
0x6: {  	s13 =	simm.s32 $0x0;
	s2 =	sand.u32 $0x1, s2;
	s5 =	sshll.u32 s4, $0xE  }
0x7: {  	[smem:$0x7FF] =	sst s3;
	s16 =	sadd.s32 $0x400, s0;
	s0 =	sadd.s32 $0x8400, s0  }
0x8: {  	s26 =	smul.u32 $0xC0, s4;
	p0 =	sne.s32 s4, $0x0;
	s6 =	sshll.u32 s2, $0xD  }
0x9: {  	_ =	strace $0x80000047;
	s15 =	ssub.s32 $0x2, s2;
	s5 =	sor.u32 s6, s5  }
0xa: {  	s2 =	sshll.u32 s2, $0x4;
	s8 =	sshrl.u32 s15, $0x1;
	s7 =	sshrl.u32 s5, $0x3  }
0xb: {  	s1 =	sadd.s32 s1, s2;
	s6 =	ssub.s32 s15, s8;
	s9 =	sadd.s32 $0x7FC0, s7  }
0xc: {  	[dreg:$0x10] =	wrdreg s1;
	s5 =	sadd.s32 s16, s7;
	s17 =	sand.u32 $0x7FC0, s9  }
0xd: {  	s18 =	sadd.s32 $0x40, s5;
	s19 =	sadd.s32 $0x8040, s5;
	s20 =	sadd.s32 $0x80, s5  }
0xe: {  	s21 =	sadd.s32 $0x8080, s5;
	s22 =	sadd.s32 $0xC0, s5;
	[dreg:$0x8] =	wrdreg s18  }
0xf: {  	s23 =	sadd.s32 $0x80C0, s5;
	s24 =	sadd.s32 $0x100, s5;
	[dreg:$0x9] =	wrdreg s19  }
0x10: {  	s25 =	sadd.s32 $0x8100, s5;
	s28 =	sadd.s32 $0x240, s5;
	[dreg:$0xa] =	wrdreg s20  }
0x11: {  	s29 =	sadd.s32 $0x8240, s5;
	s30 =	sadd.s32 $0x280, s5;
	[dreg:$0xb] =	wrdreg s21  }
0x12: {  	s31 =	sadd.s32 $0x8280, s5;
	s2 =	sadd.s32 $0x82C0, s5;
	[dreg:$0xc] =	wrdreg s22  }
0x13: {  	s1 =	sadd.s32 $0x8300, s5;
	s4 =	sadd.s32 $0x340, s5;
	[dreg:$0xd] =	wrdreg s23  }
0x14: {  	s9 =	sadd.s32 s16, s17;
	s8 =	sadd.s32 s17, s0;
	[dreg:$0xe] =	wrdreg s24  }
0x15: {  	s0 =	sadd.s32 s7, s0;
	[dreg:$0xf] =	wrdreg s25;
	s16 =	sadd.s32 $0x140, s5  }
0x16: {  	s17 =	sadd.s32 $0x8140, s5;
	s18 =	sadd.s32 $0x180, s5;
	s19 =	sadd.s32 $0x8180, s5  }
0x17: {  	s20 =	sadd.s32 $0x1C0, s5;
	s22 =	sadd.s32 $0x81C0, s5;
	s23 =	sadd.s32 $0x200, s5  }
.Ltmp0:
0x18: {  	s25 =	smax.u32 s6, $0x1;
	[dreg:$0x5] =	wrdreg s9;
	(pc) =	sbr.rel .LBB2_1-.Ltmp0, $4  }
0x19: {  	s21 =	sadd.s32 $0x300, s5;
	s6 =	sadd.s32 $0x8340, s5;
	[dreg:$0x6] =	wrdreg s8  }
0x1a: {  	s7 =	sadd.s32 $0x380, s5;
	[dreg:$0x7] =	wrdreg s0;
	s0 =	sshrl.u32 s26, $0x2  }
0x1b: {  	s26 =	sadd.s32 $0x8200, s5;
	s8 =	sadd.s32 $0x8380, s5;
	s9 =	sadd.s32 $0x3C0, s5  }
0x1c: {  	vm0 =	vcmask $0x1B20;
	vm1 =	vcmask $0x1F24;
	s24 =	sadd.s32 s0, s10;
	s0 =	sadd.s32 $0x2C0, s5;
	s10 =	sadd.s32 $0x83C0, s5  }
.LBB2_19:
0x1d: {  	s13 =	sadd.s32 $0x1, s13  }
0x1e: {  	p1 =	sne.s32 s13, s25  }
.Ltmp1:
0x1f: {  	_ = 	snop;
	(pc) =	sbr.rel @!p1 .LBB2_20-.Ltmp1, $1  }
0x20: {  	_ =	sdelay $0x3  }
.LBB2_1:
0x21: {  	s14 =	rddreg [dreg:$0x1];
	s15 =	simm.s32 $0x4700  }
0x22: {  	[tilespmem:s15], [sflag:$0x1] =	stream.linear.gather [hbm4b:s14+s3], $0x80, $0x38;
	[tilespmem:$0x4B30] =	vst v63  }
0x23: {  	s14 =	rddreg [dreg:$0x5];
	s15 =	simm.s32 $0x8  }
0x24: {  	[tilespmem:s15], [sflag:$0x1] =	stream.linear.gather [hbm4b:s14+s3], $0x200, $0x38;
	[tilespmem:$0x4B30] =	vst v63  }
0x25: {  	s14 =	rddreg [dreg:$0x6];
	s15 =	simm.s32 $0x2388  }
0x26: {  	[tilespmem:s15], [sflag:$0x1] =	stream.linear.gather [hbm4b:s14+s3], $0x200, $0x38;
	[tilespmem:$0x4B30] =	vst v63  }
0x27: {  	s15 =	simm.s32 $0x218  }
0x28: {  	[tilespmem:s15], [sflag:$0x1] =	stream.linear.gather [hbm4b:s5+s3], $0x200, $0x38;
	[tilespmem:$0x4B30] =	vst v63  }
0x29: {  	s14 =	rddreg [dreg:$0x7];
	s15 =	simm.s32 $0x2598  }
0x2a: {  	[tilespmem:s15], [sflag:$0x1] =	stream.linear.gather [hbm4b:s14+s3], $0x200, $0x38;
	[tilespmem:$0x4B30] =	vst v63  }
0x2b: {  	s14 =	rddreg [dreg:$0x8];
	s15 =	simm.s32 $0x428  }
0x2c: {  	[tilespmem:s15], [sflag:$0x1] =	stream.linear.gather [hbm4b:s14+s3], $0x200, $0x38;
	[tilespmem:$0x4B30] =	vst v63  }
0x2d: {  	s14 =	rddreg [dreg:$0x9];
	s15 =	simm.s32 $0x27A8  }
0x2e: {  	[tilespmem:s15], [sflag:$0x1] =	stream.linear.gather [hbm4b:s14+s3], $0x200, $0x38;
	[tilespmem:$0x4B30] =	vst v63  }
0x2f: {  	s14 =	rddreg [dreg:$0xa];
	s15 =	simm.s32 $0x638  }
0x30: {  	[tilespmem:s15], [sflag:$0x1] =	stream.linear.gather [hbm4b:s14+s3], $0x200, $0x38;
	[tilespmem:$0x4B30] =	vst v63  }
0x31: {  	s14 =	rddreg [dreg:$0xb];
	s15 =	simm.s32 $0x29B8  }
0x32: {  	[tilespmem:s15], [sflag:$0x1] =	stream.linear.gather [hbm4b:s14+s3], $0x200, $0x38;
	[tilespmem:$0x4B30] =	vst v63  }
0x33: {  	s14 =	rddreg [dreg:$0xc];
	s15 =	simm.s32 $0x848  }
0x34: {  	[tilespmem:s15], [sflag:$0x1] =	stream.linear.gather [hbm4b:s14+s3], $0x200, $0x38;
	[tilespmem:$0x4B30] =	vst v63  }
0x35: {  	s14 =	rddreg [dreg:$0xd];
	s15 =	simm.s32 $0x2BC8  }
0x36: {  	[tilespmem:s15], [sflag:$0x1] =	stream.linear.gather [hbm4b:s14+s3], $0x200, $0x38;
	[tilespmem:$0x4B30] =	vst v63  }
0x37: {  	s14 =	rddreg [dreg:$0xe];
	s15 =	simm.s32 $0xA58  }
0x38: {  	[tilespmem:s15], [sflag:$0x1] =	stream.linear.gather [hbm4b:s14+s3], $0x200, $0x38;
	[tilespmem:$0x4B30] =	vst v63  }
0x39: {  	s14 =	rddreg [dreg:$0xf];
	s15 =	simm.s32 $0x2DD8  }
0x3a: {  	[tilespmem:s15], [sflag:$0x1] =	stream.linear.gather [hbm4b:s14+s3], $0x200, $0x38;
	[tilespmem:$0x4B30] =	vst v63  }
0x3b: {  	s15 =	simm.s32 $0xC68  }
0x3c: {  	[tilespmem:s15], [sflag:$0x1] =	stream.linear.gather [hbm4b:s16+s3], $0x200, $0x38;
	[tilespmem:$0x4B30] =	vst v63  }
0x3d: {  	s15 =	simm.s32 $0x2FE8  }
0x3e: {  	[tilespmem:s15], [sflag:$0x1] =	stream.linear.gather [hbm4b:s17+s3], $0x200, $0x38;
	[tilespmem:$0x4B30] =	vst v63  }
0x3f: {  	s15 =	simm.s32 $0xE78  }
0x40: {  	[tilespmem:s15], [sflag:$0x1] =	stream.linear.gather [hbm4b:s18+s3], $0x200, $0x38;
	[tilespmem:$0x4B30] =	vst v63  }
0x41: {  	s15 =	simm.s32 $0x31F8  }
0x42: {  	[tilespmem:s15], [sflag:$0x1] =	stream.linear.gather [hbm4b:s19+s3], $0x200, $0x38;
	[tilespmem:$0x4B30] =	vst v63  }
0x43: {  	s15 =	simm.s32 $0x1088  }
0x44: {  	[tilespmem:s15], [sflag:$0x1] =	stream.linear.gather [hbm4b:s20+s3], $0x200, $0x38;
	[tilespmem:$0x4B30] =	vst v63  }
0x45: {  	s15 =	simm.s32 $0x3408  }
0x46: {  	[tilespmem:s15], [sflag:$0x1] =	stream.linear.gather [hbm4b:s22+s3], $0x200, $0x38;
	[tilespmem:$0x4B30] =	vst v63  }
0x47: {  	s15 =	simm.s32 $0x1298  }
0x48: {  	[tilespmem:s15], [sflag:$0x1] =	stream.linear.gather [hbm4b:s23+s3], $0x200, $0x38;
	[tilespmem:$0x4B30] =	vst v63  }
0x49: {  	s15 =	simm.s32 $0x3618  }
0x4a: {  	[tilespmem:s15], [sflag:$0x1] =	stream.linear.gather [hbm4b:s26+s3], $0x200, $0x38;
	[tilespmem:$0x4B30] =	vst v63  }
0x4b: {  	s15 =	simm.s32 $0x14A8  }
0x4c: {  	[tilespmem:s15], [sflag:$0x1] =	stream.linear.gather [hbm4b:s28+s3], $0x200, $0x38;
	[tilespmem:$0x4B30] =	vst v63  }
0x4d: {  	s15 =	simm.s32 $0x3828  }
0x4e: {  	[tilespmem:s15], [sflag:$0x1] =	stream.linear.gather [hbm4b:s29+s3], $0x200, $0x38;
	[tilespmem:$0x4B30] =	vst v63  }
0x4f: {  	s15 =	simm.s32 $0x16B8  }
0x50: {  	[tilespmem:s15], [sflag:$0x1] =	stream.linear.gather [hbm4b:s30+s3], $0x200, $0x38;
	[tilespmem:$0x4B30] =	vst v63  }
0x51: {  	s15 =	simm.s32 $0x3A38  }
0x52: {  	[tilespmem:s15], [sflag:$0x1] =	stream.linear.gather [hbm4b:s31+s3], $0x200, $0x38;
	[tilespmem:$0x4B30] =	vst v63  }
0x53: {  	s15 =	simm.s32 $0x18C8  }
0x54: {  	[tilespmem:s15], [sflag:$0x1] =	stream.linear.gather [hbm4b:s0+s3], $0x200, $0x38;
	[tilespmem:$0x4B30] =	vst v63  }
0x55: {  	s15 =	simm.s32 $0x3C48  }
0x56: {  	[tilespmem:s15], [sflag:$0x1] =	stream.linear.gather [hbm4b:s2+s3], $0x200, $0x38;
	[tilespmem:$0x4B30] =	vst v63  }
0x57: {  	s15 =	simm.s32 $0x1AD8  }
0x58: {  	[tilespmem:s15], [sflag:$0x1] =	stream.linear.gather [hbm4b:s21+s3], $0x200, $0x38;
	[tilespmem:$0x4B30] =	vst v63  }
0x59: {  	s15 =	simm.s32 $0x3E58  }
0x5a: {  	[tilespmem:s15], [sflag:$0x1] =	stream.linear.gather [hbm4b:s1+s3], $0x200, $0x38;
	[tilespmem:$0x4B30] =	vst v63  }
0x5b: {  	s15 =	simm.s32 $0x1CE8  }
0x5c: {  	[tilespmem:s15], [sflag:$0x1] =	stream.linear.gather [hbm4b:s4+s3], $0x200, $0x38;
	[tilespmem:$0x4B30] =	vst v63  }
0x5d: {  	s15 =	simm.s32 $0x4068  }
0x5e: {  	[tilespmem:s15], [sflag:$0x1] =	stream.linear.gather [hbm4b:s6+s3], $0x200, $0x38;
	[tilespmem:$0x4B30] =	vst v63  }
0x5f: {  	s15 =	simm.s32 $0x1EF8  }
0x60: {  	[tilespmem:s15], [sflag:$0x1] =	stream.linear.gather [hbm4b:s7+s3], $0x200, $0x38;
	[tilespmem:$0x4B30] =	vst v63  }
0x61: {  	s15 =	simm.s32 $0x4278  }
0x62: {  	[tilespmem:s15], [sflag:$0x1] =	stream.linear.gather [hbm4b:s8+s3], $0x200, $0x38;
	[tilespmem:$0x4B30] =	vst v63  }
0x63: {  	s15 =	simm.s32 $0x2108  }
0x64: {  	[tilespmem:s15], [sflag:$0x1] =	stream.linear.gather [hbm4b:s9+s3], $0x200, $0x38;
	[tilespmem:$0x4B30] =	vst v63  }
0x65: {  	s15 =	simm.s32 $0x4488  }
0x66: {  	[tilespmem:s15], [sflag:$0x1] =	stream.linear.gather [hbm4b:s10+s3], $0x200, $0x38;
	[tilespmem:$0x4B30] =	vst v63  }
0x67: {  	_ =	swait.ge [sflag:s11], $0x80  }
0x68: {  	[sflag:s11] =	ssyncset.done $0x0  }
0x69: {  	[sflag:s11] =	ssyncadd.s32 $0xFFFFFF80  }
0x6a: {  	_ =	swait.ge [sflag:s11], $0x200  }
0x6b: {  	[sflag:s11] =	ssyncset.done $0x0  }
0x6c: {  	[sflag:s11] =	ssyncadd.s32 $0xFFFFFE00  }
0x6d: {  	_ =	swait.ge [sflag:s11], $0x200  }
0x6e: {  	[sflag:s11] =	ssyncset.done $0x0  }
0x6f: {  	[sflag:s11] =	ssyncadd.s32 $0xFFFFFE00  }
0x70: {  	v0 =	vld [tilespmem:$0x0]  }
0x71: {  	v1 =	vld [tilespmem:$0x200]  }
0x72: {  	v2 =	vld [tilespmem:$0x2380]  }
0x73: {  	v3 =	vld [tilespmem:$0x2580];
	_ =	sdelay $0x2  }
0x74: {  	v4 =	vsel vm0, v0, v1  }
0x75: {  	v0 =	vsel vm1, v1, v0;
	[tilespmem:$0x0] =	vst v4  }
0x76: {  	[tilespmem:$0x200] =	vst v0;
	v0 =	vsel vm0, v2, v3  }
0x77: {  	[tilespmem:$0x2380] =	vst v0;
	v0 =	vsel vm1, v3, v2  }
0x78: {  	[tilespmem:$0x2580] =	vst v0  }
0x79: {  	_ =	swait.ge [sflag:s11], $0x200  }
0x7a: {  	[sflag:s11] =	ssyncset.done $0x0  }
0x7b: {  	[sflag:s11] =	ssyncadd.s32 $0xFFFFFE00  }
0x7c: {  	_ =	swait.ge [sflag:s11], $0x200  }
0x7d: {  	[sflag:s11] =	ssyncset.done $0x0  }
0x7e: {  	[sflag:s11] =	ssyncadd.s32 $0xFFFFFE00  }
0x7f: {  	v0 =	vld [tilespmem:$0x210]  }
0x80: {  	v1 =	vld [tilespmem:$0x410]  }
0x81: {  	v2 =	vld [tilespmem:$0x2590]  }
0x82: {  	v3 =	vld [tilespmem:$0x2790];
	_ =	sdelay $0x2  }
0x83: {  	v4 =	vsel vm0, v0, v1  }
0x84: {  	v0 =	vsel vm1, v1, v0;
	[tilespmem:$0x210] =	vst v4  }
0x85: {  	[tilespmem:$0x410] =	vst v0;
	v0 =	vsel vm0, v2, v3  }
0x86: {  	[tilespmem:$0x2590] =	vst v0;
	v0 =	vsel vm1, v3, v2  }
0x87: {  	[tilespmem:$0x2790] =	vst v0  }
0x88: {  	_ =	swait.ge [sflag:s11], $0x200  }
0x89: {  	[sflag:s11] =	ssyncset.done $0x0  }
0x8a: {  	[sflag:s11] =	ssyncadd.s32 $0xFFFFFE00  }
0x8b: {  	_ =	swait.ge [sflag:s11], $0x200  }
0x8c: {  	[sflag:s11] =	ssyncset.done $0x0  }
0x8d: {  	[sflag:s11] =	ssyncadd.s32 $0xFFFFFE00  }
0x8e: {  	v0 =	vld [tilespmem:$0x420]  }
0x8f: {  	v1 =	vld [tilespmem:$0x620]  }
0x90: {  	v2 =	vld [tilespmem:$0x27A0]  }
0x91: {  	v3 =	vld [tilespmem:$0x29A0];
	_ =	sdelay $0x2  }
0x92: {  	v4 =	vsel vm0, v0, v1  }
0x93: {  	v0 =	vsel vm1, v1, v0;
	[tilespmem:$0x420] =	vst v4  }
0x94: {  	[tilespmem:$0x620] =	vst v0;
	v0 =	vsel vm0, v2, v3  }
0x95: {  	[tilespmem:$0x27A0] =	vst v0;
	v0 =	vsel vm1, v3, v2  }
0x96: {  	s15 =	simm.s32 $0x0;
	[tilespmem:$0x29A0] =	vst v0;
	v0 =	vld [tilespmem:$0x4700]  }
0x97: {  	v3 =	vld [tilespmem:s15+$0x427]  }
0x98: {  	v4 =	vld [tilespmem:s15+$0x2598]  }
0x99: {  	v8 =	vld [tilespmem:s15+$0x217]  }
0x9a: {  	v1 =	vld [tilespmem:s15+$0x218]  }
0x9b: {  	v5 =	vld [tilespmem:s15+$0x2597]  }
0x9c: {  	v2 =	vld [tilespmem:s15+$0x7]  }
0x9d: {  	v6 =	vld [tilespmem:s15+$0x2387]  }
0x9e: {  	v10 =	vld [tilespmem:s15+$0x2388];
	v7 =	vmul.u32 $0x3, v4  }
0x9f: {  	v9 =	vld [tilespmem:s15+$0x8]  }
0xa0: {  	v12 =	vld [tilespmem:s15+$0x9];
	vm2 =	veq.s32 v1, v8;
	v11 =	vadd.s32 v5, v7  }
0xa1: {  	v14 =	vld [tilespmem:s15+$0x2389];
	v11 =	vsel vm2, $0x9, v11  }
0xa2: {  	v15 =	vld [tilespmem:s15+$0x27A8];
	vm2 =	veq.s32 v1, v2;
	v2 =	vadd.s32 v6, v7;
	v13 =	vperm.xlane v0, v11  }
0xa3: {  	v10 =	vadd.s32 v10, v7;
	v6 =	vimm.f32 $0.0e+00;
	v11 =	vld [tilespmem:s15+$0x428];
	v2 =	vsel vm2, $0x9, v2  }
0xa4: {  	vm2 =	veq.s32 v1, v9;
	v9 =	vld [tilespmem:s15+$0x27A7];
	v2 =	vperm.xlane v0, v2;
	v6 =	vadd.f32 v13, v6  }
0xa5: {  	v10 =	vsel vm2, $0x9, v10;
	vm2 =	veq.s32 v1, v12  }
0xa6: {  	v13 =	vld [tilespmem:s15+$0x219];
	v17 =	vperm.xlane v0, v10;
	v16 =	vadd.f32 v2, v6;
	v2 =	vadd.s32 v14, v7  }
0xa7: {  	s14 =	simm.s32 $0x10;
	v12 =	vmul.u32 $0x3, v15;
	v6 =	vimm.s32 $0x0;
	v14 =	vld [tilespmem:s15+$0x2599];
	v18 =	vsel vm2, $0x9, v2  }
0xa8: {  	v7 =	vld [tilespmem:s14+$0x2598];
	v10 =	vand.u32 $0x1, v11;
	vm2 =	veq.s32 v11, v3;
	v15 =	vadd.f32 v17, v16  }
0xa9: {  	v2 =	vld [tilespmem:s14+$0x427];
	v16 =	vperm.xlane v0, v18;
	v17 =	vadd.s32 v9, v12;
	v9 =	vshra.s32 v11, $0x1  }
0xaa: {  	s15 =	simm.s32 $0x80;
	v3 =	vld [tilespmem:s14+$0x217];
	v17 =	vsel vm2, $0x9, v17;
	vm2 =	veq.s32 v11, v8;
	v8 =	vimm.s32 $0x0  }
.LBB2_2:
0xab: {  	p1 =	sne.s32 s15, $0x7C0;
	v18 =	vld [tilespmem:s14+$0x218];
	v15 =	vadd.f32 v16, v15;
	v16 =	vperm.xlane v0, v17;
	v17 =	vadd.s32 v5, v12  }
0xac: {  	v19 =	vand.u32 $0x1, v1;
	v5 =	vld [tilespmem:s14+$0x2597];
	v17 =	vsel vm2, $0x9, v17;
	vm2 =	veq.s32 v11, v1  }
0xad: {  	v23 =	vadd.s32 v4, v12;
	v20 =	vld [tilespmem:s14+$0x9];
	v15 =	vadd.f32 v16, v15;
	v16 =	vperm.xlane v0, v17  }
0xae: {  	v22 =	vsel vm2, $0x9, v23;
	vm2 =	veq.s32 v11, v13;
	v17 =	vld [tilespmem:s14+$0x7];
	v21 =	vmul.u32 $0x3, v7;
	v4 =	vmovc v7  }
0xaf: {  	v12 =	vadd.s32 v14, v12;
	v13 =	vperm.xlane v0, v22;
	v7 =	vld [tilespmem:s14+$0x2387];
	v11 =	vadd.f32 v16, v15  }
0xb0: {  	v12 =	vsel vm2, $0x9, v12;
	v15 =	vshra.s32 v1, $0x1;
	v14 =	vld [tilespmem:s14+$0x8];
	vm3 =	veq.s32 v18, v3;
	v1 =	vmovc v18  }
0xb1: {  	v12 =	vperm.xlane v0, v12;
	v16 =	vld [tilespmem:s14+$0x2388];
	v18 =	vadd.s32 v5, v21;
	v11 =	vadd.f32 v13, v11  }
0xb2: {  	v6 =	vadd.s32 v6, v19;
	v8 =	vadd.s32 v8, v15;
	v22 =	vld [tilespmem:s14+$0x27A8];
	v13 =	vsel vm3, $0x9, v18  }
0xb3: {  	v6 =	vadd.s32 v10, v6;
	v8 =	vadd.s32 v9, v8;
	v15 =	vld [tilespmem:s14+$0x2389];
	v9 =	vadd.f32 v12, v11  }
0xb4: {  	v10 =	vperm.xlane v0, v13;
	vm2 =	veq.s32 v1, v17;
	v11 =	vld [tilespmem:s14+$0x428];
	v7 =	vadd.s32 v7, v21  }
0xb5: {  	v17 =	vld [tilespmem:s14+$0x27A7];
	v7 =	vsel vm2, $0x9, v7;
	vm2 =	veq.s32 v1, v14  }
0xb6: {  	v9 =	vadd.f32 v10, v9;
	v7 =	vperm.xlane v0, v7;
	v10 =	vadd.s32 v16, v21  }
.Ltmp2:
0xb7: {  	v13 =	vld [tilespmem:s14+$0x219];
	v10 =	vsel vm2, $0x9, v10;
	vm2 =	veq.s32 v1, v20;
	v12 =	vmul.u32 $0x3, v22;
	(pc) =	sbr.rel @p1 .LBB2_2-.Ltmp2, $4  }
0xb8: {  	v14 =	vld [tilespmem:s14+$0x2599];
	s14 =	sshra.s32 s15, $0x2;
	v9 =	vadd.f32 v7, v9;
	v16 =	vperm.xlane v0, v10;
	v7 =	vadd.s32 v15, v21  }
0xb9: {  	v18 =	vsel vm2, $0x9, v7;
	v10 =	vand.u32 $0x1, v11;
	vm2 =	veq.s32 v11, v2;
	v2 =	vld [tilespmem:s14+$0x427]  }
0xba: {  	v7 =	vld [tilespmem:s14+$0x2598];
	v15 =	vadd.f32 v16, v9;
	v16 =	vperm.xlane v0, v18;
	v17 =	vadd.s32 v17, v12  }
0xbb: {  	s15 =	sadd.s32 $0x40, s15;
	v9 =	vshra.s32 v11, $0x1;
	v17 =	vsel vm2, $0x9, v17;
	vm2 =	veq.s32 v11, v3;
	v3 =	vld [tilespmem:s14+$0x217]  }
0xbc: {  	v18 =	vld [tilespmem:s14+$0x218]  }
0xbd: {  	v19 =	vld [tilespmem:s14+$0x2597]  }
0xbe: {  	v20 =	vld [tilespmem:s14+$0x9]  }
0xbf: {  	v21 =	vld [tilespmem:s14+$0x7]  }
0xc0: {  	v22 =	vld [tilespmem:s14+$0x2387]  }
0xc1: {  	v23 =	vld [tilespmem:s14+$0x8]  }
0xc2: {  	v24 =	vld [tilespmem:s14+$0x2388]  }
0xc3: {  	v25 =	vld [tilespmem:s14+$0x27A8]  }
0xc4: {  	v26 =	vld [tilespmem:s14+$0x2389]  }
0xc5: {  	v27 =	vld [tilespmem:s14+$0x428]  }
0xc6: {  	v28 =	vld [tilespmem:s14+$0x27A7]  }
0xc7: {  	v29 =	vld [tilespmem:s14+$0x219]  }
0xc8: {  	v30 =	vld [tilespmem:s14+$0x2599];
	_ =	swait.ge [sflag:s11], $0x200  }
0xc9: {  	[sflag:s11] =	ssyncset.done $0x0  }
0xca: {  	[sflag:s11] =	ssyncadd.s32 $0xFFFFFE00  }
0xcb: {  	_ =	swait.ge [sflag:s11], $0x200  }
0xcc: {  	[sflag:s11] =	ssyncset.done $0x0  }
0xcd: {  	[sflag:s11] =	ssyncadd.s32 $0xFFFFFE00  }
0xce: {  	v31 =	vld [tilespmem:$0x630]  }
0xcf: {  	v32 =	vld [tilespmem:$0x830]  }
0xd0: {  	v33 =	vld [tilespmem:$0x29B0]  }
0xd1: {  	v34 =	vld [tilespmem:$0x2BB0];
	_ =	sdelay $0x2  }
0xd2: {  	v35 =	vsel vm0, v31, v32  }
0xd3: {  	v31 =	vsel vm1, v32, v31;
	[tilespmem:$0x630] =	vst v35  }
0xd4: {  	v60 =	vsel vm0, v33, v34;
	[tilespmem:$0x830] =	vst v31  }
0xd5: {  	v61 =	vsel vm1, v34, v33;
	[tilespmem:$0x29B0] =	vst v60  }
0xd6: {  	[tilespmem:$0x2BB0] =	vst v61  }
0xd7: {  	_ =	swait.ge [sflag:s11], $0x200  }
0xd8: {  	[sflag:s11] =	ssyncset.done $0x0  }
0xd9: {  	v15 =	vadd.f32 v16, v15;
	v16 =	vperm.xlane v0, v17;
	v5 =	vadd.s32 v5, v12;
	[sflag:s11] =	ssyncadd.s32 $0xFFFFFE00  }
0xda: {  	v4 =	vadd.s32 v4, v12;
	v5 =	vsel vm2, $0x9, v5;
	_ =	swait.ge [sflag:s11], $0x200  }
0xdb: {  	vm2 =	veq.s32 v11, v1;
	v15 =	vadd.f32 v16, v15;
	v5 =	vperm.xlane v0, v5;
	[sflag:s11] =	ssyncset.done $0x0  }
0xdc: {  	v4 =	vsel vm2, $0x9, v4;
	vm2 =	veq.s32 v11, v13;
	v11 =	vadd.s32 v14, v12;
	[sflag:s11] =	ssyncadd.s32 $0xFFFFFE00  }
0xdd: {  	v16 =	vmul.u32 $0x3, v7;
	v4 =	vperm.xlane v0, v4;
	v5 =	vadd.f32 v5, v15;
	v12 =	vld [tilespmem:$0x840]  }
0xde: {  	v13 =	vand.u32 $0x1, v1;
	v11 =	vsel vm2, $0x9, v11;
	vm3 =	veq.s32 v18, v3;
	v14 =	vld [tilespmem:$0xA40]  }
0xdf: {  	v15 =	vadd.s32 v19, v16;
	v4 =	vadd.f32 v4, v5;
	v5 =	vperm.xlane v0, v11;
	v11 =	vld [tilespmem:$0x2BC0]  }
0xe0: {  	v1 =	vshra.s32 v1, $0x1;
	v6 =	vadd.s32 v6, v13;
	v15 =	vsel vm3, $0x9, v15;
	v13 =	vld [tilespmem:$0x2DC0]  }
0xe1: {  	v1 =	vadd.s32 v8, v1;
	v4 =	vadd.f32 v5, v4;
	v5 =	vperm.xlane v0, v15  }
0xe2: {  	v6 =	vadd.s32 v10, v6;
	vm2 =	veq.s32 v18, v21;
	v8 =	vadd.s32 v22, v16  }
0xe3: {  	v8 =	vsel vm2, $0x9, v8;
	v4 =	vadd.f32 v5, v4;
	v5 =	vsel vm0, v12, v14  }
0xe4: {  	v10 =	vadd.s32 v24, v16;
	v8 =	vperm.xlane v0, v8;
	[tilespmem:$0x840] =	vst v5;
	v5 =	vsel vm1, v14, v12  }
0xe5: {  	vm3 =	veq.s32 v18, v23;
	vm2 =	veq.s32 v18, v20;
	[tilespmem:$0xA40] =	vst v5;
	v5 =	vsel vm0, v11, v13  }
0xe6: {  	v10 =	vsel vm3, $0x9, v10;
	v4 =	vadd.f32 v8, v4;
	[tilespmem:$0x2BC0] =	vst v5;
	v5 =	vsel vm1, v13, v11  }
0xe7: {  	s15 =	simm.s32 $0x0;
	v8 =	vperm.xlane v0, v10;
	v10 =	vadd.s32 v26, v16;
	v12 =	vmul.u32 $0x3, v25;
	[tilespmem:$0x2DC0] =	vst v5  }
0xe8: {  	v9 =	vadd.s32 v9, v1;
	v1 =	vsel vm2, $0x9, v10;
	vm2 =	veq.s32 v27, v2;
	v15 =	vld [tilespmem:s15+$0x847]  }
0xe9: {  	v4 =	vadd.f32 v8, v4;
	v1 =	vperm.xlane v0, v1;
	v5 =	vadd.s32 v28, v12;
	v2 =	vld [tilespmem:s15+$0x29B8]  }
0xea: {  	v16 =	vshra.s32 v18, $0x1;
	v5 =	vsel vm2, $0x9, v5;
	vm2 =	veq.s32 v27, v3;
	v62 =	vld [tilespmem:s15+$0x637]  }
0xeb: {  	v3 =	vadd.f32 v1, v4;
	v1 =	vld [tilespmem:s15+$0x638];
	v4 =	vperm.xlane v0, v5;
	v5 =	vadd.s32 v19, v12  }
0xec: {  	v8 =	vand.u32 $0x1, v27;
	v7 =	vadd.s32 v7, v12;
	v13 =	vld [tilespmem:s15+$0x427];
	v10 =	vsel vm2, $0x9, v5  }
0xed: {  	vm2 =	veq.s32 v27, v18;
	v5 =	vld [tilespmem:s15+$0x29B7];
	v3 =	vadd.f32 v4, v3;
	v4 =	vperm.xlane v0, v10  }
0xee: {  	v19 =	vld [tilespmem:s15+$0x27A8];
	v10 =	vand.u32 $0x1, v18;
	v7 =	vsel vm2, $0x9, v7;
	vm2 =	veq.s32 v27, v29  }
0xef: {  	v3 =	vadd.f32 v4, v3;
	v4 =	vperm.xlane v0, v7;
	v7 =	vadd.s32 v30, v12;
	v12 =	vld [tilespmem:s15+$0x27A7]  }
0xf0: {  	v18 =	vld [tilespmem:s15+$0x428];
	v6 =	vadd.s32 v6, v10;
	v17 =	vmul.u32 $0x3, v2;
	v7 =	vsel vm2, $0x9, v7  }
0xf1: {  	v6 =	vadd.s32 v8, v6;
	v8 =	vld [tilespmem:s15+$0x27A9];
	v3 =	vadd.f32 v4, v3;
	v4 =	vperm.xlane v0, v7  }
0xf2: {  	vm2 =	veq.s32 v1, v62;
	v7 =	vadd.s32 v9, v16;
	v9 =	vadd.s32 v5, v17;
	v16 =	vld [tilespmem:s15+$0x2BC8]  }
0xf3: {  	v11 =	vshra.s32 v27, $0x1;
	v14 =	vld [tilespmem:s15+$0x429];
	v3 =	vadd.f32 v4, v3;
	v4 =	vsel vm2, $0x9, v9  }
0xf4: {  	v10 =	vld [tilespmem:s15+$0x848];
	vm2 =	veq.s32 v1, v13;
	v4 =	vperm.xlane v0, v4;
	v9 =	vadd.s32 v12, v17  }
0xf5: {  	v63 =	vld [tilespmem:s15+$0x2BC7];
	v7 =	vadd.s32 v11, v7;
	v9 =	vsel vm2, $0x9, v9;
	vm2 =	veq.s32 v1, v18  }
0xf6: {  	v3 =	vadd.f32 v4, v3;
	v4 =	vperm.xlane v0, v9;
	v9 =	vadd.s32 v19, v17  }
0xf7: {  	v13 =	vld [tilespmem:s15+$0x639];
	v8 =	vadd.s32 v8, v17;
	v12 =	vmul.u32 $0x3, v16;
	v9 =	vsel vm2, $0x9, v9  }
0xf8: {  	s14 =	simm.s32 $0x10;
	vm2 =	veq.s32 v1, v14;
	v14 =	vld [tilespmem:s15+$0x29B9];
	v3 =	vadd.f32 v4, v3;
	v9 =	vperm.xlane v0, v9  }
0xf9: {  	v11 =	vand.u32 $0x1, v10;
	v4 =	vld [tilespmem:s14+$0x847];
	v16 =	vsel vm2, $0x9, v8;
	vm2 =	veq.s32 v10, v15  }
0xfa: {  	v8 =	vld [tilespmem:s14+$0x29B8];
	v17 =	vadd.s32 v63, v12;
	v16 =	vperm.xlane v0, v16;
	v15 =	vadd.f32 v9, v3  }
0xfb: {  	s15 =	simm.s32 $0x80;
	v17 =	vsel vm2, $0x9, v17;
	vm2 =	veq.s32 v10, v62;
	v3 =	vld [tilespmem:s14+$0x637];
	v9 =	vshra.s32 v10, $0x1  }
.LBB2_4:
0xfc: {  	p1 =	sne.s32 s15, $0x7C0;
	v18 =	vld [tilespmem:s14+$0x638];
	v15 =	vadd.f32 v16, v15;
	v16 =	vperm.xlane v0, v17;
	v17 =	vadd.s32 v5, v12  }
0xfd: {  	v19 =	vand.u32 $0x1, v1;
	v5 =	vld [tilespmem:s14+$0x29B7];
	v17 =	vsel vm2, $0x9, v17;
	vm2 =	veq.s32 v10, v1  }
0xfe: {  	v23 =	vadd.s32 v2, v12;
	v20 =	vld [tilespmem:s14+$0x429];
	v15 =	vadd.f32 v16, v15;
	v16 =	vperm.xlane v0, v17  }
0xff: {  	v22 =	vsel vm2, $0x9, v23;
	vm2 =	veq.s32 v10, v13;
	v17 =	vld [tilespmem:s14+$0x427];
	v21 =	vmul.u32 $0x3, v8;
	v2 =	vmovc v8  }
0x100: {  	v12 =	vadd.s32 v14, v12;
	v13 =	vperm.xlane v0, v22;
	v8 =	vld [tilespmem:s14+$0x27A7];
	v10 =	vadd.f32 v16, v15  }
0x101: {  	v12 =	vsel vm2, $0x9, v12;
	v15 =	vshra.s32 v1, $0x1;
	v14 =	vld [tilespmem:s14+$0x428];
	vm3 =	veq.s32 v18, v3;
	v1 =	vmovc v18  }
0x102: {  	v12 =	vperm.xlane v0, v12;
	v16 =	vld [tilespmem:s14+$0x27A8];
	v18 =	vadd.s32 v5, v21;
	v10 =	vadd.f32 v13, v10  }
0x103: {  	v6 =	vadd.s32 v6, v19;
	v7 =	vadd.s32 v7, v15;
	v22 =	vld [tilespmem:s14+$0x2BC8];
	v13 =	vsel vm3, $0x9, v18  }
0x104: {  	v6 =	vadd.s32 v11, v6;
	v7 =	vadd.s32 v9, v7;
	v15 =	vld [tilespmem:s14+$0x27A9];
	v9 =	vadd.f32 v12, v10  }
0x105: {  	v11 =	vperm.xlane v0, v13;
	vm2 =	veq.s32 v1, v17;
	v10 =	vld [tilespmem:s14+$0x848];
	v8 =	vadd.s32 v8, v21  }
0x106: {  	v17 =	vld [tilespmem:s14+$0x2BC7];
	v8 =	vsel vm2, $0x9, v8;
	vm2 =	veq.s32 v1, v14  }
0x107: {  	v9 =	vadd.f32 v11, v9;
	v8 =	vperm.xlane v0, v8;
	v11 =	vadd.s32 v16, v21  }
.Ltmp3:
0x108: {  	v13 =	vld [tilespmem:s14+$0x639];
	v11 =	vsel vm2, $0x9, v11;
	vm2 =	veq.s32 v1, v20;
	v12 =	vmul.u32 $0x3, v22;
	(pc) =	sbr.rel @p1 .LBB2_4-.Ltmp3, $4  }
0x109: {  	v14 =	vld [tilespmem:s14+$0x29B9];
	s14 =	sshra.s32 s15, $0x2;
	v9 =	vadd.f32 v8, v9;
	v16 =	vperm.xlane v0, v11;
	v8 =	vadd.s32 v15, v21  }
0x10a: {  	v18 =	vsel vm2, $0x9, v8;
	v11 =	vand.u32 $0x1, v10;
	vm2 =	veq.s32 v10, v4;
	v4 =	vld [tilespmem:s14+$0x847]  }
0x10b: {  	v8 =	vld [tilespmem:s14+$0x29B8];
	v15 =	vadd.f32 v16, v9;
	v16 =	vperm.xlane v0, v18;
	v17 =	vadd.s32 v17, v12  }
0x10c: {  	s15 =	sadd.s32 $0x40, s15;
	v9 =	vshra.s32 v10, $0x1;
	v17 =	vsel vm2, $0x9, v17;
	vm2 =	veq.s32 v10, v3;
	v3 =	vld [tilespmem:s14+$0x637]  }
0x10d: {  	v18 =	vld [tilespmem:s14+$0x638]  }
0x10e: {  	v19 =	vld [tilespmem:s14+$0x29B7]  }
0x10f: {  	v20 =	vld [tilespmem:s14+$0x429]  }
0x110: {  	v21 =	vld [tilespmem:s14+$0x427]  }
0x111: {  	v22 =	vld [tilespmem:s14+$0x27A7]  }
0x112: {  	v23 =	vld [tilespmem:s14+$0x428]  }
0x113: {  	v24 =	vld [tilespmem:s14+$0x27A8]  }
0x114: {  	v25 =	vld [tilespmem:s14+$0x2BC8]  }
0x115: {  	v26 =	vld [tilespmem:s14+$0x27A9]  }
0x116: {  	v27 =	vld [tilespmem:s14+$0x848]  }
0x117: {  	v28 =	vld [tilespmem:s14+$0x2BC7]  }
0x118: {  	v29 =	vld [tilespmem:s14+$0x639]  }
0x119: {  	v30 =	vld [tilespmem:s14+$0x29B9];
	_ =	swait.ge [sflag:s11], $0x200  }
0x11a: {  	[sflag:s11] =	ssyncset.done $0x0  }
0x11b: {  	[sflag:s11] =	ssyncadd.s32 $0xFFFFFE00  }
0x11c: {  	_ =	swait.ge [sflag:s11], $0x200  }
0x11d: {  	[sflag:s11] =	ssyncset.done $0x0  }
0x11e: {  	[sflag:s11] =	ssyncadd.s32 $0xFFFFFE00  }
0x11f: {  	v31 =	vld [tilespmem:$0xA50]  }
0x120: {  	v32 =	vld [tilespmem:$0xC50]  }
0x121: {  	v33 =	vld [tilespmem:$0x2DD0]  }
0x122: {  	v34 =	vld [tilespmem:$0x2FD0];
	_ =	sdelay $0x2  }
0x123: {  	v35 =	vsel vm0, v31, v32  }
0x124: {  	v31 =	vsel vm1, v32, v31;
	[tilespmem:$0xA50] =	vst v35  }
0x125: {  	v61 =	vsel vm0, v33, v34;
	[tilespmem:$0xC50] =	vst v31  }
0x126: {  	v62 =	vsel vm1, v34, v33;
	[tilespmem:$0x2DD0] =	vst v61  }
0x127: {  	[tilespmem:$0x2FD0] =	vst v62  }
0x128: {  	_ =	swait.ge [sflag:s11], $0x200  }
0x129: {  	[sflag:s11] =	ssyncset.done $0x0  }
0x12a: {  	v15 =	vadd.f32 v16, v15;
	v16 =	vperm.xlane v0, v17;
	v5 =	vadd.s32 v5, v12;
	[sflag:s11] =	ssyncadd.s32 $0xFFFFFE00  }
0x12b: {  	v2 =	vadd.s32 v2, v12;
	v5 =	vsel vm2, $0x9, v5;
	_ =	swait.ge [sflag:s11], $0x200  }
0x12c: {  	vm2 =	veq.s32 v10, v1;
	v15 =	vadd.f32 v16, v15;
	v5 =	vperm.xlane v0, v5;
	[sflag:s11] =	ssyncset.done $0x0  }
0x12d: {  	v2 =	vsel vm2, $0x9, v2;
	vm2 =	veq.s32 v10, v13;
	v10 =	vadd.s32 v14, v12;
	[sflag:s11] =	ssyncadd.s32 $0xFFFFFE00  }
0x12e: {  	v16 =	vmul.u32 $0x3, v8;
	v2 =	vperm.xlane v0, v2;
	v5 =	vadd.f32 v5, v15;
	v12 =	vld [tilespmem:$0xC60]  }
0x12f: {  	v13 =	vand.u32 $0x1, v1;
	v10 =	vsel vm2, $0x9, v10;
	vm3 =	veq.s32 v18, v3;
	v14 =	vld [tilespmem:$0xE60]  }
0x130: {  	v15 =	vadd.s32 v19, v16;
	v2 =	vadd.f32 v2, v5;
	v5 =	vperm.xlane v0, v10;
	v10 =	vld [tilespmem:$0x2FE0]  }
0x131: {  	v1 =	vshra.s32 v1, $0x1;
	v6 =	vadd.s32 v6, v13;
	v15 =	vsel vm3, $0x9, v15;
	v13 =	vld [tilespmem:$0x31E0]  }
0x132: {  	v1 =	vadd.s32 v7, v1;
	v2 =	vadd.f32 v5, v2;
	v5 =	vperm.xlane v0, v15  }
0x133: {  	v6 =	vadd.s32 v11, v6;
	vm2 =	veq.s32 v18, v21;
	v7 =	vadd.s32 v22, v16  }
0x134: {  	v7 =	vsel vm2, $0x9, v7;
	v2 =	vadd.f32 v5, v2;
	v5 =	vsel vm0, v12, v14  }
0x135: {  	v11 =	vadd.s32 v24, v16;
	v7 =	vperm.xlane v0, v7;
	[tilespmem:$0xC60] =	vst v5;
	v5 =	vsel vm1, v14, v12  }
0x136: {  	vm3 =	veq.s32 v18, v23;
	vm2 =	veq.s32 v18, v20;
	[tilespmem:$0xE60] =	vst v5;
	v5 =	vsel vm0, v10, v13  }
0x137: {  	v11 =	vsel vm3, $0x9, v11;
	v2 =	vadd.f32 v7, v2;
	[tilespmem:$0x2FE0] =	vst v5;
	v5 =	vsel vm1, v13, v10  }
0x138: {  	s15 =	simm.s32 $0x0;
	v7 =	vperm.xlane v0, v11;
	v12 =	vmul.u32 $0x3, v25;
	v10 =	vadd.s32 v26, v16;
	[tilespmem:$0x31E0] =	vst v5  }
0x139: {  	v9 =	vadd.s32 v9, v1;
	v1 =	vsel vm2, $0x9, v10;
	vm2 =	veq.s32 v27, v4;
	v15 =	vld [tilespmem:s15+$0xC67]  }
0x13a: {  	v4 =	vadd.f32 v7, v2;
	v5 =	vadd.s32 v28, v12;
	v1 =	vperm.xlane v0, v1;
	v2 =	vld [tilespmem:s15+$0x2DD8]  }
0x13b: {  	v11 =	vshra.s32 v27, $0x1;
	v5 =	vsel vm2, $0x9, v5;
	vm2 =	veq.s32 v27, v3;
	v63 =	vld [tilespmem:s15+$0xA57]  }
0x13c: {  	v14 =	vld [tilespmem:s15+$0x849];
	v3 =	vadd.f32 v1, v4;
	v4 =	vperm.xlane v0, v5;
	v5 =	vadd.s32 v19, v12  }
0x13d: {  	v8 =	vadd.s32 v8, v12;
	v16 =	vshra.s32 v18, $0x1;
	v1 =	vld [tilespmem:s15+$0xA58];
	v10 =	vsel vm2, $0x9, v5  }
0x13e: {  	vm2 =	veq.s32 v27, v18;
	v5 =	vld [tilespmem:s15+$0x2DD7];
	v3 =	vadd.f32 v4, v3;
	v4 =	vperm.xlane v0, v10  }
0x13f: {  	v7 =	vand.u32 $0x1, v27;
	v13 =	vld [tilespmem:s15+$0x847];
	v8 =	vsel vm2, $0x9, v8;
	vm2 =	veq.s32 v27, v29  }
0x140: {  	v3 =	vadd.f32 v4, v3;
	v4 =	vperm.xlane v0, v8;
	v8 =	vadd.s32 v30, v12;
	v12 =	vld [tilespmem:s15+$0x2BC7]  }
0x141: {  	v10 =	vand.u32 $0x1, v18;
	v18 =	vld [tilespmem:s15+$0x848];
	v17 =	vmul.u32 $0x3, v2;
	v8 =	vsel vm2, $0x9, v8  }
0x142: {  	v9 =	vadd.s32 v9, v16;
	v3 =	vadd.f32 v4, v3;
	v4 =	vperm.xlane v0, v8;
	v8 =	vld [tilespmem:s15+$0x2BC8]  }
0x143: {  	v16 =	vld [tilespmem:s15+$0x2FE8];
	v6 =	vadd.s32 v6, v10;
	vm2 =	veq.s32 v1, v63;
	v10 =	vadd.s32 v5, v17  }
0x144: {  	v19 =	vld [tilespmem:s15+$0x2BC9];
	v6 =	vadd.s32 v7, v6;
	v3 =	vadd.f32 v4, v3;
	v4 =	vsel vm2, $0x9, v10  }
0x145: {  	v10 =	vld [tilespmem:s15+$0xC68];
	vm2 =	veq.s32 v1, v13;
	v4 =	vperm.xlane v0, v4;
	v12 =	vadd.s32 v12, v17  }
0x146: {  	v7 =	vadd.s32 v11, v9;
	v9 =	vld [tilespmem:s15+$0x2FE7];
	v11 =	vsel vm2, $0x9, v12;
	vm2 =	veq.s32 v1, v18  }
0x147: {  	v3 =	vadd.f32 v4, v3;
	v4 =	vperm.xlane v0, v11;
	v8 =	vadd.s32 v8, v17  }
0x148: {  	v13 =	vld [tilespmem:s15+$0xA59];
	v12 =	vmul.u32 $0x3, v16;
	v8 =	vsel vm2, $0x9, v8;
	vm2 =	veq.s32 v1, v14  }
0x149: {  	s14 =	simm.s32 $0x10;
	v14 =	vld [tilespmem:s15+$0x2DD9];
	v3 =	vadd.f32 v4, v3;
	v16 =	vperm.xlane v0, v8;
	v8 =	vadd.s32 v19, v17  }
0x14a: {  	v4 =	vld [tilespmem:s14+$0xC67];
	v11 =	vand.u32 $0x1, v10;
	v17 =	vsel vm2, $0x9, v8;
	vm2 =	veq.s32 v10, v15  }
0x14b: {  	v8 =	vld [tilespmem:s14+$0x2DD8];
	v15 =	vadd.f32 v16, v3;
	v16 =	vperm.xlane v0, v17;
	v17 =	vadd.s32 v9, v12  }
0x14c: {  	s15 =	simm.s32 $0x80;
	v3 =	vld [tilespmem:s14+$0xA57];
	v9 =	vshra.s32 v10, $0x1;
	v17 =	vsel vm2, $0x9, v17;
	vm2 =	veq.s32 v10, v63  }
.LBB2_6:
0x14d: {  	p1 =	sne.s32 s15, $0x7C0;
	v18 =	vld [tilespmem:s14+$0xA58];
	v15 =	vadd.f32 v16, v15;
	v16 =	vperm.xlane v0, v17;
	v17 =	vadd.s32 v5, v12  }
0x14e: {  	v19 =	vand.u32 $0x1, v1;
	v5 =	vld [tilespmem:s14+$0x2DD7];
	v17 =	vsel vm2, $0x9, v17;
	vm2 =	veq.s32 v10, v1  }
0x14f: {  	v23 =	vadd.s32 v2, v12;
	v20 =	vld [tilespmem:s14+$0x849];
	v15 =	vadd.f32 v16, v15;
	v16 =	vperm.xlane v0, v17  }
0x150: {  	v22 =	vsel vm2, $0x9, v23;
	vm2 =	veq.s32 v10, v13;
	v17 =	vld [tilespmem:s14+$0x847];
	v21 =	vmul.u32 $0x3, v8;
	v2 =	vmovc v8  }
0x151: {  	v12 =	vadd.s32 v14, v12;
	v13 =	vperm.xlane v0, v22;
	v8 =	vld [tilespmem:s14+$0x2BC7];
	v10 =	vadd.f32 v16, v15  }
0x152: {  	v12 =	vsel vm2, $0x9, v12;
	v15 =	vshra.s32 v1, $0x1;
	v14 =	vld [tilespmem:s14+$0x848];
	vm3 =	veq.s32 v18, v3;
	v1 =	vmovc v18  }
0x153: {  	v12 =	vperm.xlane v0, v12;
	v16 =	vld [tilespmem:s14+$0x2BC8];
	v18 =	vadd.s32 v5, v21;
	v10 =	vadd.f32 v13, v10  }
0x154: {  	v6 =	vadd.s32 v6, v19;
	v7 =	vadd.s32 v7, v15;
	v22 =	vld [tilespmem:s14+$0x2FE8];
	v13 =	vsel vm3, $0x9, v18  }
0x155: {  	v6 =	vadd.s32 v11, v6;
	v7 =	vadd.s32 v9, v7;
	v15 =	vld [tilespmem:s14+$0x2BC9];
	v9 =	vadd.f32 v12, v10  }
0x156: {  	v11 =	vperm.xlane v0, v13;
	vm2 =	veq.s32 v1, v17;
	v10 =	vld [tilespmem:s14+$0xC68];
	v8 =	vadd.s32 v8, v21  }
0x157: {  	v17 =	vld [tilespmem:s14+$0x2FE7];
	v8 =	vsel vm2, $0x9, v8;
	vm2 =	veq.s32 v1, v14  }
0x158: {  	v9 =	vadd.f32 v11, v9;
	v8 =	vperm.xlane v0, v8;
	v11 =	vadd.s32 v16, v21  }
.Ltmp4:
0x159: {  	v13 =	vld [tilespmem:s14+$0xA59];
	v11 =	vsel vm2, $0x9, v11;
	vm2 =	veq.s32 v1, v20;
	v12 =	vmul.u32 $0x3, v22;
	(pc) =	sbr.rel @p1 .LBB2_6-.Ltmp4, $4  }
0x15a: {  	v14 =	vld [tilespmem:s14+$0x2DD9];
	s14 =	sshra.s32 s15, $0x2;
	v9 =	vadd.f32 v8, v9;
	v16 =	vperm.xlane v0, v11;
	v8 =	vadd.s32 v15, v21  }
0x15b: {  	v18 =	vsel vm2, $0x9, v8;
	v11 =	vand.u32 $0x1, v10;
	vm2 =	veq.s32 v10, v4;
	v4 =	vld [tilespmem:s14+$0xC67]  }
0x15c: {  	v8 =	vld [tilespmem:s14+$0x2DD8];
	v15 =	vadd.f32 v16, v9;
	v16 =	vperm.xlane v0, v18;
	v17 =	vadd.s32 v17, v12  }
0x15d: {  	s15 =	sadd.s32 $0x40, s15;
	v9 =	vshra.s32 v10, $0x1;
	v17 =	vsel vm2, $0x9, v17;
	vm2 =	veq.s32 v10, v3;
	v3 =	vld [tilespmem:s14+$0xA57]  }
0x15e: {  	v18 =	vld [tilespmem:s14+$0xA58]  }
0x15f: {  	v19 =	vld [tilespmem:s14+$0x2DD7]  }
0x160: {  	v20 =	vld [tilespmem:s14+$0x849]  }
0x161: {  	v21 =	vld [tilespmem:s14+$0x847]  }
0x162: {  	v22 =	vld [tilespmem:s14+$0x2BC7]  }
0x163: {  	v23 =	vld [tilespmem:s14+$0x848]  }
0x164: {  	v24 =	vld [tilespmem:s14+$0x2BC8]  }
0x165: {  	v25 =	vld [tilespmem:s14+$0x2FE8]  }
0x166: {  	v26 =	vld [tilespmem:s14+$0x2BC9]  }
0x167: {  	v27 =	vld [tilespmem:s14+$0xC68]  }
0x168: {  	v28 =	vld [tilespmem:s14+$0x2FE7]  }
0x169: {  	v29 =	vld [tilespmem:s14+$0xA59]  }
0x16a: {  	v30 =	vld [tilespmem:s14+$0x2DD9];
	_ =	swait.ge [sflag:s11], $0x200  }
0x16b: {  	[sflag:s11] =	ssyncset.done $0x0  }
0x16c: {  	[sflag:s11] =	ssyncadd.s32 $0xFFFFFE00  }
0x16d: {  	_ =	swait.ge [sflag:s11], $0x200  }
0x16e: {  	[sflag:s11] =	ssyncset.done $0x0  }
0x16f: {  	[sflag:s11] =	ssyncadd.s32 $0xFFFFFE00  }
0x170: {  	v31 =	vld [tilespmem:$0xE70]  }
0x171: {  	v32 =	vld [tilespmem:$0x1070]  }
0x172: {  	v33 =	vld [tilespmem:$0x31F0]  }
0x173: {  	v34 =	vld [tilespmem:$0x33F0];
	_ =	sdelay $0x2  }
0x174: {  	v35 =	vsel vm0, v31, v32  }
0x175: {  	v31 =	vsel vm1, v32, v31;
	[tilespmem:$0xE70] =	vst v35  }
0x176: {  	v61 =	vsel vm0, v33, v34;
	[tilespmem:$0x1070] =	vst v31  }
0x177: {  	v62 =	vsel vm1, v34, v33;
	[tilespmem:$0x31F0] =	vst v61  }
0x178: {  	[tilespmem:$0x33F0] =	vst v62  }
0x179: {  	_ =	swait.ge [sflag:s11], $0x200  }
0x17a: {  	[sflag:s11] =	ssyncset.done $0x0  }
0x17b: {  	v15 =	vadd.f32 v16, v15;
	v16 =	vperm.xlane v0, v17;
	v5 =	vadd.s32 v5, v12;
	[sflag:s11] =	ssyncadd.s32 $0xFFFFFE00  }
0x17c: {  	v2 =	vadd.s32 v2, v12;
	v5 =	vsel vm2, $0x9, v5;
	_ =	swait.ge [sflag:s11], $0x200  }
0x17d: {  	vm2 =	veq.s32 v10, v1;
	v15 =	vadd.f32 v16, v15;
	v5 =	vperm.xlane v0, v5;
	[sflag:s11] =	ssyncset.done $0x0  }
0x17e: {  	v2 =	vsel vm2, $0x9, v2;
	vm2 =	veq.s32 v10, v13;
	v10 =	vadd.s32 v14, v12;
	[sflag:s11] =	ssyncadd.s32 $0xFFFFFE00  }
0x17f: {  	v16 =	vmul.u32 $0x3, v8;
	v2 =	vperm.xlane v0, v2;
	v5 =	vadd.f32 v5, v15;
	v12 =	vld [tilespmem:$0x1080]  }
0x180: {  	v13 =	vand.u32 $0x1, v1;
	v10 =	vsel vm2, $0x9, v10;
	vm3 =	veq.s32 v18, v3;
	v14 =	vld [tilespmem:$0x1280]  }
0x181: {  	v15 =	vadd.s32 v19, v16;
	v2 =	vadd.f32 v2, v5;
	v5 =	vperm.xlane v0, v10;
	v10 =	vld [tilespmem:$0x3400]  }
0x182: {  	v1 =	vshra.s32 v1, $0x1;
	v6 =	vadd.s32 v6, v13;
	v15 =	vsel vm3, $0x9, v15;
	v13 =	vld [tilespmem:$0x3600]  }
0x183: {  	v1 =	vadd.s32 v7, v1;
	v2 =	vadd.f32 v5, v2;
	v5 =	vperm.xlane v0, v15  }
0x184: {  	v6 =	vadd.s32 v11, v6;
	vm2 =	veq.s32 v18, v21;
	v7 =	vadd.s32 v22, v16  }
0x185: {  	v7 =	vsel vm2, $0x9, v7;
	v2 =	vadd.f32 v5, v2;
	v5 =	vsel vm0, v12, v14  }
0x186: {  	v11 =	vadd.s32 v24, v16;
	v7 =	vperm.xlane v0, v7;
	[tilespmem:$0x1080] =	vst v5;
	v5 =	vsel vm1, v14, v12  }
0x187: {  	vm3 =	veq.s32 v18, v23;
	vm2 =	veq.s32 v18, v20;
	[tilespmem:$0x1280] =	vst v5;
	v5 =	vsel vm0, v10, v13  }
0x188: {  	v11 =	vsel vm3, $0x9, v11;
	v2 =	vadd.f32 v7, v2;
	[tilespmem:$0x3400] =	vst v5;
	v5 =	vsel vm1, v13, v10  }
0x189: {  	s15 =	simm.s32 $0x0;
	v7 =	vperm.xlane v0, v11;
	v12 =	vmul.u32 $0x3, v25;
	v10 =	vadd.s32 v26, v16;
	[tilespmem:$0x3600] =	vst v5  }
0x18a: {  	v9 =	vadd.s32 v9, v1;
	v1 =	vsel vm2, $0x9, v10;
	vm2 =	veq.s32 v27, v4;
	v15 =	vld [tilespmem:s15+$0x1087]  }
0x18b: {  	v4 =	vadd.f32 v7, v2;
	v5 =	vadd.s32 v28, v12;
	v1 =	vperm.xlane v0, v1;
	v2 =	vld [tilespmem:s15+$0x31F8]  }
0x18c: {  	v11 =	vshra.s32 v27, $0x1;
	v5 =	vsel vm2, $0x9, v5;
	vm2 =	veq.s32 v27, v3;
	v63 =	vld [tilespmem:s15+$0xE77]  }
0x18d: {  	v14 =	vld [tilespmem:s15+$0xC69];
	v3 =	vadd.f32 v1, v4;
	v4 =	vperm.xlane v0, v5;
	v5 =	vadd.s32 v19, v12  }
0x18e: {  	v8 =	vadd.s32 v8, v12;
	v16 =	vshra.s32 v18, $0x1;
	v1 =	vld [tilespmem:s15+$0xE78];
	v10 =	vsel vm2, $0x9, v5  }
0x18f: {  	vm2 =	veq.s32 v27, v18;
	v5 =	vld [tilespmem:s15+$0x31F7];
	v3 =	vadd.f32 v4, v3;
	v4 =	vperm.xlane v0, v10  }
0x190: {  	v7 =	vand.u32 $0x1, v27;
	v13 =	vld [tilespmem:s15+$0xC67];
	v8 =	vsel vm2, $0x9, v8;
	vm2 =	veq.s32 v27, v29  }
0x191: {  	v3 =	vadd.f32 v4, v3;
	v4 =	vperm.xlane v0, v8;
	v8 =	vadd.s32 v30, v12;
	v12 =	vld [tilespmem:s15+$0x2FE7]  }
0x192: {  	v10 =	vand.u32 $0x1, v18;
	v18 =	vld [tilespmem:s15+$0xC68];
	v17 =	vmul.u32 $0x3, v2;
	v8 =	vsel vm2, $0x9, v8  }
0x193: {  	v9 =	vadd.s32 v9, v16;
	v3 =	vadd.f32 v4, v3;
	v4 =	vperm.xlane v0, v8;
	v8 =	vld [tilespmem:s15+$0x2FE8]  }
0x194: {  	v16 =	vld [tilespmem:s15+$0x3408];
	v6 =	vadd.s32 v6, v10;
	vm2 =	veq.s32 v1, v63;
	v10 =	vadd.s32 v5, v17  }
0x195: {  	v19 =	vld [tilespmem:s15+$0x2FE9];
	v6 =	vadd.s32 v7, v6;
	v3 =	vadd.f32 v4, v3;
	v4 =	vsel vm2, $0x9, v10  }
0x196: {  	v10 =	vld [tilespmem:s15+$0x1088];
	vm2 =	veq.s32 v1, v13;
	v4 =	vperm.xlane v0, v4;
	v12 =	vadd.s32 v12, v17  }
0x197: {  	v7 =	vadd.s32 v11, v9;
	v9 =	vld [tilespmem:s15+$0x3407];
	v11 =	vsel vm2, $0x9, v12;
	vm2 =	veq.s32 v1, v18  }
0x198: {  	v3 =	vadd.f32 v4, v3;
	v4 =	vperm.xlane v0, v11;
	v8 =	vadd.s32 v8, v17  }
0x199: {  	v13 =	vld [tilespmem:s15+$0xE79];
	v12 =	vmul.u32 $0x3, v16;
	v8 =	vsel vm2, $0x9, v8;
	vm2 =	veq.s32 v1, v14  }
0x19a: {  	s14 =	simm.s32 $0x10;
	v14 =	vld [tilespmem:s15+$0x31F9];
	v3 =	vadd.f32 v4, v3;
	v16 =	vperm.xlane v0, v8;
	v8 =	vadd.s32 v19, v17  }
0x19b: {  	v4 =	vld [tilespmem:s14+$0x1087];
	v11 =	vand.u32 $0x1, v10;
	v17 =	vsel vm2, $0x9, v8;
	vm2 =	veq.s32 v10, v15  }
0x19c: {  	v8 =	vld [tilespmem:s14+$0x31F8];
	v15 =	vadd.f32 v16, v3;
	v16 =	vperm.xlane v0, v17;
	v17 =	vadd.s32 v9, v12  }
0x19d: {  	s15 =	simm.s32 $0x80;
	v3 =	vld [tilespmem:s14+$0xE77];
	v9 =	vshra.s32 v10, $0x1;
	v17 =	vsel vm2, $0x9, v17;
	vm2 =	veq.s32 v10, v63  }
.LBB2_8:
0x19e: {  	p1 =	sne.s32 s15, $0x7C0;
	v18 =	vld [tilespmem:s14+$0xE78];
	v15 =	vadd.f32 v16, v15;
	v16 =	vperm.xlane v0, v17;
	v17 =	vadd.s32 v5, v12  }
0x19f: {  	v19 =	vand.u32 $0x1, v1;
	v5 =	vld [tilespmem:s14+$0x31F7];
	v17 =	vsel vm2, $0x9, v17;
	vm2 =	veq.s32 v10, v1  }
0x1a0: {  	v23 =	vadd.s32 v2, v12;
	v20 =	vld [tilespmem:s14+$0xC69];
	v15 =	vadd.f32 v16, v15;
	v16 =	vperm.xlane v0, v17  }
0x1a1: {  	v22 =	vsel vm2, $0x9, v23;
	vm2 =	veq.s32 v10, v13;
	v17 =	vld [tilespmem:s14+$0xC67];
	v21 =	vmul.u32 $0x3, v8;
	v2 =	vmovc v8  }
0x1a2: {  	v12 =	vadd.s32 v14, v12;
	v13 =	vperm.xlane v0, v22;
	v8 =	vld [tilespmem:s14+$0x2FE7];
	v10 =	vadd.f32 v16, v15  }
0x1a3: {  	v12 =	vsel vm2, $0x9, v12;
	v15 =	vshra.s32 v1, $0x1;
	v14 =	vld [tilespmem:s14+$0xC68];
	vm3 =	veq.s32 v18, v3;
	v1 =	vmovc v18  }
0x1a4: {  	v12 =	vperm.xlane v0, v12;
	v16 =	vld [tilespmem:s14+$0x2FE8];
	v18 =	vadd.s32 v5, v21;
	v10 =	vadd.f32 v13, v10  }
0x1a5: {  	v6 =	vadd.s32 v6, v19;
	v7 =	vadd.s32 v7, v15;
	v22 =	vld [tilespmem:s14+$0x3408];
	v13 =	vsel vm3, $0x9, v18  }
0x1a6: {  	v6 =	vadd.s32 v11, v6;
	v7 =	vadd.s32 v9, v7;
	v15 =	vld [tilespmem:s14+$0x2FE9];
	v9 =	vadd.f32 v12, v10  }
0x1a7: {  	v11 =	vperm.xlane v0, v13;
	vm2 =	veq.s32 v1, v17;
	v10 =	vld [tilespmem:s14+$0x1088];
	v8 =	vadd.s32 v8, v21  }
0x1a8: {  	v17 =	vld [tilespmem:s14+$0x3407];
	v8 =	vsel vm2, $0x9, v8;
	vm2 =	veq.s32 v1, v14  }
0x1a9: {  	v9 =	vadd.f32 v11, v9;
	v8 =	vperm.xlane v0, v8;
	v11 =	vadd.s32 v16, v21  }
.Ltmp5:
0x1aa: {  	v13 =	vld [tilespmem:s14+$0xE79];
	v11 =	vsel vm2, $0x9, v11;
	vm2 =	veq.s32 v1, v20;
	v12 =	vmul.u32 $0x3, v22;
	(pc) =	sbr.rel @p1 .LBB2_8-.Ltmp5, $4  }
0x1ab: {  	v14 =	vld [tilespmem:s14+$0x31F9];
	s14 =	sshra.s32 s15, $0x2;
	v9 =	vadd.f32 v8, v9;
	v16 =	vperm.xlane v0, v11;
	v8 =	vadd.s32 v15, v21  }
0x1ac: {  	v18 =	vsel vm2, $0x9, v8;
	v11 =	vand.u32 $0x1, v10;
	vm2 =	veq.s32 v10, v4;
	v4 =	vld [tilespmem:s14+$0x1087]  }
0x1ad: {  	v8 =	vld [tilespmem:s14+$0x31F8];
	v15 =	vadd.f32 v16, v9;
	v16 =	vperm.xlane v0, v18;
	v17 =	vadd.s32 v17, v12  }
0x1ae: {  	s15 =	sadd.s32 $0x40, s15;
	v9 =	vshra.s32 v10, $0x1;
	v17 =	vsel vm2, $0x9, v17;
	vm2 =	veq.s32 v10, v3;
	v3 =	vld [tilespmem:s14+$0xE77]  }
0x1af: {  	v18 =	vld [tilespmem:s14+$0xE78]  }
0x1b0: {  	v19 =	vld [tilespmem:s14+$0x31F7]  }
0x1b1: {  	v20 =	vld [tilespmem:s14+$0xC69]  }
0x1b2: {  	v21 =	vld [tilespmem:s14+$0xC67]  }
0x1b3: {  	v22 =	vld [tilespmem:s14+$0x2FE7]  }
0x1b4: {  	v23 =	vld [tilespmem:s14+$0xC68]  }
0x1b5: {  	v24 =	vld [tilespmem:s14+$0x2FE8]  }
0x1b6: {  	v25 =	vld [tilespmem:s14+$0x3408]  }
0x1b7: {  	v26 =	vld [tilespmem:s14+$0x2FE9]  }
0x1b8: {  	v27 =	vld [tilespmem:s14+$0x1088]  }
0x1b9: {  	v28 =	vld [tilespmem:s14+$0x3407]  }
0x1ba: {  	v29 =	vld [tilespmem:s14+$0xE79]  }
0x1bb: {  	v30 =	vld [tilespmem:s14+$0x31F9];
	_ =	swait.ge [sflag:s11], $0x200  }
0x1bc: {  	[sflag:s11] =	ssyncset.done $0x0  }
0x1bd: {  	[sflag:s11] =	ssyncadd.s32 $0xFFFFFE00  }
0x1be: {  	_ =	swait.ge [sflag:s11], $0x200  }
0x1bf: {  	[sflag:s11] =	ssyncset.done $0x0  }
0x1c0: {  	[sflag:s11] =	ssyncadd.s32 $0xFFFFFE00  }
0x1c1: {  	v31 =	vld [tilespmem:$0x1290]  }
0x1c2: {  	v32 =	vld [tilespmem:$0x1490]  }
0x1c3: {  	v33 =	vld [tilespmem:$0x3610]  }
0x1c4: {  	v34 =	vld [tilespmem:$0x3810];
	_ =	sdelay $0x2  }
0x1c5: {  	v35 =	vsel vm0, v31, v32  }
0x1c6: {  	v31 =	vsel vm1, v32, v31;
	[tilespmem:$0x1290] =	vst v35  }
0x1c7: {  	v61 =	vsel vm0, v33, v34;
	[tilespmem:$0x1490] =	vst v31  }
0x1c8: {  	v62 =	vsel vm1, v34, v33;
	[tilespmem:$0x3610] =	vst v61  }
0x1c9: {  	[tilespmem:$0x3810] =	vst v62  }
0x1ca: {  	_ =	swait.ge [sflag:s11], $0x200  }
0x1cb: {  	[sflag:s11] =	ssyncset.done $0x0  }
0x1cc: {  	v15 =	vadd.f32 v16, v15;
	v16 =	vperm.xlane v0, v17;
	v5 =	vadd.s32 v5, v12;
	[sflag:s11] =	ssyncadd.s32 $0xFFFFFE00  }
0x1cd: {  	v2 =	vadd.s32 v2, v12;
	v5 =	vsel vm2, $0x9, v5;
	_ =	swait.ge [sflag:s11], $0x200  }
0x1ce: {  	vm2 =	veq.s32 v10, v1;
	v15 =	vadd.f32 v16, v15;
	v5 =	vperm.xlane v0, v5;
	[sflag:s11] =	ssyncset.done $0x0  }
0x1cf: {  	v2 =	vsel vm2, $0x9, v2;
	vm2 =	veq.s32 v10, v13;
	v10 =	vadd.s32 v14, v12;
	[sflag:s11] =	ssyncadd.s32 $0xFFFFFE00  }
0x1d0: {  	v16 =	vmul.u32 $0x3, v8;
	v2 =	vperm.xlane v0, v2;
	v5 =	vadd.f32 v5, v15;
	v12 =	vld [tilespmem:$0x14A0]  }
0x1d1: {  	v13 =	vand.u32 $0x1, v1;
	v10 =	vsel vm2, $0x9, v10;
	vm3 =	veq.s32 v18, v3;
	v14 =	vld [tilespmem:$0x16A0]  }
0x1d2: {  	v15 =	vadd.s32 v19, v16;
	v2 =	vadd.f32 v2, v5;
	v5 =	vperm.xlane v0, v10;
	v10 =	vld [tilespmem:$0x3820]  }
0x1d3: {  	v1 =	vshra.s32 v1, $0x1;
	v6 =	vadd.s32 v6, v13;
	v15 =	vsel vm3, $0x9, v15;
	v13 =	vld [tilespmem:$0x3A20]  }
0x1d4: {  	v1 =	vadd.s32 v7, v1;
	v2 =	vadd.f32 v5, v2;
	v5 =	vperm.xlane v0, v15  }
0x1d5: {  	v6 =	vadd.s32 v11, v6;
	vm2 =	veq.s32 v18, v21;
	v7 =	vadd.s32 v22, v16  }
0x1d6: {  	v7 =	vsel vm2, $0x9, v7;
	v2 =	vadd.f32 v5, v2;
	v5 =	vsel vm0, v12, v14  }
0x1d7: {  	v11 =	vadd.s32 v24, v16;
	v7 =	vperm.xlane v0, v7;
	[tilespmem:$0x14A0] =	vst v5;
	v5 =	vsel vm1, v14, v12  }
0x1d8: {  	vm3 =	veq.s32 v18, v23;
	vm2 =	veq.s32 v18, v20;
	[tilespmem:$0x16A0] =	vst v5;
	v5 =	vsel vm0, v10, v13  }
0x1d9: {  	v11 =	vsel vm3, $0x9, v11;
	v2 =	vadd.f32 v7, v2;
	[tilespmem:$0x3820] =	vst v5;
	v5 =	vsel vm1, v13, v10  }
0x1da: {  	s15 =	simm.s32 $0x0;
	v7 =	vperm.xlane v0, v11;
	v12 =	vmul.u32 $0x3, v25;
	v10 =	vadd.s32 v26, v16;
	[tilespmem:$0x3A20] =	vst v5  }
0x1db: {  	v9 =	vadd.s32 v9, v1;
	v1 =	vsel vm2, $0x9, v10;
	vm2 =	veq.s32 v27, v4;
	v15 =	vld [tilespmem:s15+$0x14A7]  }
0x1dc: {  	v4 =	vadd.f32 v7, v2;
	v5 =	vadd.s32 v28, v12;
	v1 =	vperm.xlane v0, v1;
	v2 =	vld [tilespmem:s15+$0x3618]  }
0x1dd: {  	v11 =	vshra.s32 v27, $0x1;
	v5 =	vsel vm2, $0x9, v5;
	vm2 =	veq.s32 v27, v3;
	v63 =	vld [tilespmem:s15+$0x1297]  }
0x1de: {  	v14 =	vld [tilespmem:s15+$0x1089];
	v3 =	vadd.f32 v1, v4;
	v4 =	vperm.xlane v0, v5;
	v5 =	vadd.s32 v19, v12  }
0x1df: {  	v8 =	vadd.s32 v8, v12;
	v16 =	vshra.s32 v18, $0x1;
	v1 =	vld [tilespmem:s15+$0x1298];
	v10 =	vsel vm2, $0x9, v5  }
0x1e0: {  	vm2 =	veq.s32 v27, v18;
	v5 =	vld [tilespmem:s15+$0x3617];
	v3 =	vadd.f32 v4, v3;
	v4 =	vperm.xlane v0, v10  }
0x1e1: {  	v7 =	vand.u32 $0x1, v27;
	v13 =	vld [tilespmem:s15+$0x1087];
	v8 =	vsel vm2, $0x9, v8;
	vm2 =	veq.s32 v27, v29  }
0x1e2: {  	v3 =	vadd.f32 v4, v3;
	v4 =	vperm.xlane v0, v8;
	v8 =	vadd.s32 v30, v12;
	v12 =	vld [tilespmem:s15+$0x3407]  }
0x1e3: {  	v10 =	vand.u32 $0x1, v18;
	v18 =	vld [tilespmem:s15+$0x1088];
	v17 =	vmul.u32 $0x3, v2;
	v8 =	vsel vm2, $0x9, v8  }
0x1e4: {  	v9 =	vadd.s32 v9, v16;
	v3 =	vadd.f32 v4, v3;
	v4 =	vperm.xlane v0, v8;
	v8 =	vld [tilespmem:s15+$0x3408]  }
0x1e5: {  	v16 =	vld [tilespmem:s15+$0x3828];
	v6 =	vadd.s32 v6, v10;
	vm2 =	veq.s32 v1, v63;
	v10 =	vadd.s32 v5, v17  }
0x1e6: {  	v19 =	vld [tilespmem:s15+$0x3409];
	v6 =	vadd.s32 v7, v6;
	v3 =	vadd.f32 v4, v3;
	v4 =	vsel vm2, $0x9, v10  }
0x1e7: {  	v10 =	vld [tilespmem:s15+$0x14A8];
	vm2 =	veq.s32 v1, v13;
	v4 =	vperm.xlane v0, v4;
	v12 =	vadd.s32 v12, v17  }
0x1e8: {  	v7 =	vadd.s32 v11, v9;
	v9 =	vld [tilespmem:s15+$0x3827];
	v11 =	vsel vm2, $0x9, v12;
	vm2 =	veq.s32 v1, v18  }
0x1e9: {  	v3 =	vadd.f32 v4, v3;
	v4 =	vperm.xlane v0, v11;
	v8 =	vadd.s32 v8, v17  }
0x1ea: {  	v13 =	vld [tilespmem:s15+$0x1299];
	v12 =	vmul.u32 $0x3, v16;
	v8 =	vsel vm2, $0x9, v8;
	vm2 =	veq.s32 v1, v14  }
0x1eb: {  	s14 =	simm.s32 $0x10;
	v14 =	vld [tilespmem:s15+$0x3619];
	v3 =	vadd.f32 v4, v3;
	v16 =	vperm.xlane v0, v8;
	v8 =	vadd.s32 v19, v17  }
0x1ec: {  	v4 =	vld [tilespmem:s14+$0x14A7];
	v11 =	vand.u32 $0x1, v10;
	v17 =	vsel vm2, $0x9, v8;
	vm2 =	veq.s32 v10, v15  }
0x1ed: {  	v8 =	vld [tilespmem:s14+$0x3618];
	v15 =	vadd.f32 v16, v3;
	v16 =	vperm.xlane v0, v17;
	v17 =	vadd.s32 v9, v12  }
0x1ee: {  	s15 =	simm.s32 $0x80;
	v3 =	vld [tilespmem:s14+$0x1297];
	v9 =	vshra.s32 v10, $0x1;
	v17 =	vsel vm2, $0x9, v17;
	vm2 =	veq.s32 v10, v63  }
.LBB2_10:
0x1ef: {  	p1 =	sne.s32 s15, $0x7C0;
	v18 =	vld [tilespmem:s14+$0x1298];
	v15 =	vadd.f32 v16, v15;
	v16 =	vperm.xlane v0, v17;
	v17 =	vadd.s32 v5, v12  }
0x1f0: {  	v19 =	vand.u32 $0x1, v1;
	v5 =	vld [tilespmem:s14+$0x3617];
	v17 =	vsel vm2, $0x9, v17;
	vm2 =	veq.s32 v10, v1  }
0x1f1: {  	v23 =	vadd.s32 v2, v12;
	v20 =	vld [tilespmem:s14+$0x1089];
	v15 =	vadd.f32 v16, v15;
	v16 =	vperm.xlane v0, v17  }
0x1f2: {  	v22 =	vsel vm2, $0x9, v23;
	vm2 =	veq.s32 v10, v13;
	v17 =	vld [tilespmem:s14+$0x1087];
	v21 =	vmul.u32 $0x3, v8;
	v2 =	vmovc v8  }
0x1f3: {  	v12 =	vadd.s32 v14, v12;
	v13 =	vperm.xlane v0, v22;
	v8 =	vld [tilespmem:s14+$0x3407];
	v10 =	vadd.f32 v16, v15  }
0x1f4: {  	v12 =	vsel vm2, $0x9, v12;
	v15 =	vshra.s32 v1, $0x1;
	v14 =	vld [tilespmem:s14+$0x1088];
	vm3 =	veq.s32 v18, v3;
	v1 =	vmovc v18  }
0x1f5: {  	v12 =	vperm.xlane v0, v12;
	v16 =	vld [tilespmem:s14+$0x3408];
	v18 =	vadd.s32 v5, v21;
	v10 =	vadd.f32 v13, v10  }
0x1f6: {  	v6 =	vadd.s32 v6, v19;
	v7 =	vadd.s32 v7, v15;
	v22 =	vld [tilespmem:s14+$0x3828];
	v13 =	vsel vm3, $0x9, v18  }
0x1f7: {  	v6 =	vadd.s32 v11, v6;
	v7 =	vadd.s32 v9, v7;
	v15 =	vld [tilespmem:s14+$0x3409];
	v9 =	vadd.f32 v12, v10  }
0x1f8: {  	v11 =	vperm.xlane v0, v13;
	vm2 =	veq.s32 v1, v17;
	v10 =	vld [tilespmem:s14+$0x14A8];
	v8 =	vadd.s32 v8, v21  }
0x1f9: {  	v17 =	vld [tilespmem:s14+$0x3827];
	v8 =	vsel vm2, $0x9, v8;
	vm2 =	veq.s32 v1, v14  }
0x1fa: {  	v9 =	vadd.f32 v11, v9;
	v8 =	vperm.xlane v0, v8;
	v11 =	vadd.s32 v16, v21  }
.Ltmp6:
0x1fb: {  	v13 =	vld [tilespmem:s14+$0x1299];
	v11 =	vsel vm2, $0x9, v11;
	vm2 =	veq.s32 v1, v20;
	v12 =	vmul.u32 $0x3, v22;
	(pc) =	sbr.rel @p1 .LBB2_10-.Ltmp6, $4  }
0x1fc: {  	v14 =	vld [tilespmem:s14+$0x3619];
	s14 =	sshra.s32 s15, $0x2;
	v9 =	vadd.f32 v8, v9;
	v16 =	vperm.xlane v0, v11;
	v8 =	vadd.s32 v15, v21  }
0x1fd: {  	v18 =	vsel vm2, $0x9, v8;
	v11 =	vand.u32 $0x1, v10;
	vm2 =	veq.s32 v10, v4;
	v4 =	vld [tilespmem:s14+$0x14A7]  }
0x1fe: {  	v8 =	vld [tilespmem:s14+$0x3618];
	v15 =	vadd.f32 v16, v9;
	v16 =	vperm.xlane v0, v18;
	v17 =	vadd.s32 v17, v12  }
0x1ff: {  	s15 =	sadd.s32 $0x40, s15;
	v9 =	vshra.s32 v10, $0x1;
	v17 =	vsel vm2, $0x9, v17;
	vm2 =	veq.s32 v10, v3;
	v3 =	vld [tilespmem:s14+$0x1297]  }
0x200: {  	v18 =	vld [tilespmem:s14+$0x1298]  }
0x201: {  	v19 =	vld [tilespmem:s14+$0x3617]  }
0x202: {  	v20 =	vld [tilespmem:s14+$0x1089]  }
0x203: {  	v21 =	vld [tilespmem:s14+$0x1087]  }
0x204: {  	v22 =	vld [tilespmem:s14+$0x3407]  }
0x205: {  	v23 =	vld [tilespmem:s14+$0x1088]  }
0x206: {  	v24 =	vld [tilespmem:s14+$0x3408]  }
0x207: {  	v25 =	vld [tilespmem:s14+$0x3828]  }
0x208: {  	v26 =	vld [tilespmem:s14+$0x3409]  }
0x209: {  	v27 =	vld [tilespmem:s14+$0x14A8]  }
0x20a: {  	v28 =	vld [tilespmem:s14+$0x3827]  }
0x20b: {  	v29 =	vld [tilespmem:s14+$0x1299]  }
0x20c: {  	v30 =	vld [tilespmem:s14+$0x3619];
	_ =	swait.ge [sflag:s11], $0x200  }
0x20d: {  	[sflag:s11] =	ssyncset.done $0x0  }
0x20e: {  	[sflag:s11] =	ssyncadd.s32 $0xFFFFFE00  }
0x20f: {  	_ =	swait.ge [sflag:s11], $0x200  }
0x210: {  	[sflag:s11] =	ssyncset.done $0x0  }
0x211: {  	[sflag:s11] =	ssyncadd.s32 $0xFFFFFE00  }
0x212: {  	v31 =	vld [tilespmem:$0x16B0]  }
0x213: {  	v32 =	vld [tilespmem:$0x18B0]  }
0x214: {  	v33 =	vld [tilespmem:$0x3A30]  }
0x215: {  	v34 =	vld [tilespmem:$0x3C30];
	_ =	sdelay $0x2  }
0x216: {  	v35 =	vsel vm0, v31, v32  }
0x217: {  	v31 =	vsel vm1, v32, v31;
	[tilespmem:$0x16B0] =	vst v35  }
0x218: {  	v61 =	vsel vm0, v33, v34;
	[tilespmem:$0x18B0] =	vst v31  }
0x219: {  	v62 =	vsel vm1, v34, v33;
	[tilespmem:$0x3A30] =	vst v61  }
0x21a: {  	[tilespmem:$0x3C30] =	vst v62  }
0x21b: {  	_ =	swait.ge [sflag:s11], $0x200  }
0x21c: {  	[sflag:s11] =	ssyncset.done $0x0  }
0x21d: {  	v15 =	vadd.f32 v16, v15;
	v16 =	vperm.xlane v0, v17;
	v5 =	vadd.s32 v5, v12;
	[sflag:s11] =	ssyncadd.s32 $0xFFFFFE00  }
0x21e: {  	v2 =	vadd.s32 v2, v12;
	v5 =	vsel vm2, $0x9, v5;
	_ =	swait.ge [sflag:s11], $0x200  }
0x21f: {  	vm2 =	veq.s32 v10, v1;
	v15 =	vadd.f32 v16, v15;
	v5 =	vperm.xlane v0, v5;
	[sflag:s11] =	ssyncset.done $0x0  }
0x220: {  	v2 =	vsel vm2, $0x9, v2;
	vm2 =	veq.s32 v10, v13;
	v10 =	vadd.s32 v14, v12;
	[sflag:s11] =	ssyncadd.s32 $0xFFFFFE00  }
0x221: {  	v16 =	vmul.u32 $0x3, v8;
	v2 =	vperm.xlane v0, v2;
	v5 =	vadd.f32 v5, v15;
	v12 =	vld [tilespmem:$0x18C0]  }
0x222: {  	v13 =	vand.u32 $0x1, v1;
	v10 =	vsel vm2, $0x9, v10;
	vm3 =	veq.s32 v18, v3;
	v14 =	vld [tilespmem:$0x1AC0]  }
0x223: {  	v15 =	vadd.s32 v19, v16;
	v2 =	vadd.f32 v2, v5;
	v5 =	vperm.xlane v0, v10;
	v10 =	vld [tilespmem:$0x3C40]  }
0x224: {  	v1 =	vshra.s32 v1, $0x1;
	v6 =	vadd.s32 v6, v13;
	v15 =	vsel vm3, $0x9, v15;
	v13 =	vld [tilespmem:$0x3E40]  }
0x225: {  	v1 =	vadd.s32 v7, v1;
	v2 =	vadd.f32 v5, v2;
	v5 =	vperm.xlane v0, v15  }
0x226: {  	v6 =	vadd.s32 v11, v6;
	vm2 =	veq.s32 v18, v21;
	v7 =	vadd.s32 v22, v16  }
0x227: {  	v7 =	vsel vm2, $0x9, v7;
	v2 =	vadd.f32 v5, v2;
	v5 =	vsel vm0, v12, v14  }
0x228: {  	v11 =	vadd.s32 v24, v16;
	v7 =	vperm.xlane v0, v7;
	[tilespmem:$0x18C0] =	vst v5;
	v5 =	vsel vm1, v14, v12  }
0x229: {  	vm3 =	veq.s32 v18, v23;
	vm2 =	veq.s32 v18, v20;
	[tilespmem:$0x1AC0] =	vst v5;
	v5 =	vsel vm0, v10, v13  }
0x22a: {  	v11 =	vsel vm3, $0x9, v11;
	v2 =	vadd.f32 v7, v2;
	[tilespmem:$0x3C40] =	vst v5;
	v5 =	vsel vm1, v13, v10  }
0x22b: {  	s15 =	simm.s32 $0x0;
	v7 =	vperm.xlane v0, v11;
	v12 =	vmul.u32 $0x3, v25;
	v10 =	vadd.s32 v26, v16;
	[tilespmem:$0x3E40] =	vst v5  }
0x22c: {  	v9 =	vadd.s32 v9, v1;
	v1 =	vsel vm2, $0x9, v10;
	vm2 =	veq.s32 v27, v4;
	v15 =	vld [tilespmem:s15+$0x18C7]  }
0x22d: {  	v4 =	vadd.f32 v7, v2;
	v5 =	vadd.s32 v28, v12;
	v1 =	vperm.xlane v0, v1;
	v2 =	vld [tilespmem:s15+$0x3A38]  }
0x22e: {  	v11 =	vshra.s32 v27, $0x1;
	v5 =	vsel vm2, $0x9, v5;
	vm2 =	veq.s32 v27, v3;
	v63 =	vld [tilespmem:s15+$0x16B7]  }
0x22f: {  	v14 =	vld [tilespmem:s15+$0x14A9];
	v3 =	vadd.f32 v1, v4;
	v4 =	vperm.xlane v0, v5;
	v5 =	vadd.s32 v19, v12  }
0x230: {  	v8 =	vadd.s32 v8, v12;
	v16 =	vshra.s32 v18, $0x1;
	v1 =	vld [tilespmem:s15+$0x16B8];
	v10 =	vsel vm2, $0x9, v5  }
0x231: {  	vm2 =	veq.s32 v27, v18;
	v5 =	vld [tilespmem:s15+$0x3A37];
	v3 =	vadd.f32 v4, v3;
	v4 =	vperm.xlane v0, v10  }
0x232: {  	v7 =	vand.u32 $0x1, v27;
	v13 =	vld [tilespmem:s15+$0x14A7];
	v8 =	vsel vm2, $0x9, v8;
	vm2 =	veq.s32 v27, v29  }
0x233: {  	v3 =	vadd.f32 v4, v3;
	v4 =	vperm.xlane v0, v8;
	v8 =	vadd.s32 v30, v12;
	v12 =	vld [tilespmem:s15+$0x3827]  }
0x234: {  	v10 =	vand.u32 $0x1, v18;
	v18 =	vld [tilespmem:s15+$0x14A8];
	v17 =	vmul.u32 $0x3, v2;
	v8 =	vsel vm2, $0x9, v8  }
0x235: {  	v9 =	vadd.s32 v9, v16;
	v3 =	vadd.f32 v4, v3;
	v4 =	vperm.xlane v0, v8;
	v8 =	vld [tilespmem:s15+$0x3828]  }
0x236: {  	v16 =	vld [tilespmem:s15+$0x3C48];
	v6 =	vadd.s32 v6, v10;
	vm2 =	veq.s32 v1, v63;
	v10 =	vadd.s32 v5, v17  }
0x237: {  	v19 =	vld [tilespmem:s15+$0x3829];
	v6 =	vadd.s32 v7, v6;
	v3 =	vadd.f32 v4, v3;
	v4 =	vsel vm2, $0x9, v10  }
0x238: {  	v10 =	vld [tilespmem:s15+$0x18C8];
	vm2 =	veq.s32 v1, v13;
	v4 =	vperm.xlane v0, v4;
	v12 =	vadd.s32 v12, v17  }
0x239: {  	v7 =	vadd.s32 v11, v9;
	v9 =	vld [tilespmem:s15+$0x3C47];
	v11 =	vsel vm2, $0x9, v12;
	vm2 =	veq.s32 v1, v18  }
0x23a: {  	v3 =	vadd.f32 v4, v3;
	v4 =	vperm.xlane v0, v11;
	v8 =	vadd.s32 v8, v17  }
0x23b: {  	v13 =	vld [tilespmem:s15+$0x16B9];
	v12 =	vmul.u32 $0x3, v16;
	v8 =	vsel vm2, $0x9, v8;
	vm2 =	veq.s32 v1, v14  }
0x23c: {  	s14 =	simm.s32 $0x10;
	v14 =	vld [tilespmem:s15+$0x3A39];
	v3 =	vadd.f32 v4, v3;
	v16 =	vperm.xlane v0, v8;
	v8 =	vadd.s32 v19, v17  }
0x23d: {  	v4 =	vld [tilespmem:s14+$0x18C7];
	v11 =	vand.u32 $0x1, v10;
	v17 =	vsel vm2, $0x9, v8;
	vm2 =	veq.s32 v10, v15  }
0x23e: {  	v8 =	vld [tilespmem:s14+$0x3A38];
	v15 =	vadd.f32 v16, v3;
	v16 =	vperm.xlane v0, v17;
	v17 =	vadd.s32 v9, v12  }
0x23f: {  	s15 =	simm.s32 $0x80;
	v3 =	vld [tilespmem:s14+$0x16B7];
	v9 =	vshra.s32 v10, $0x1;
	v17 =	vsel vm2, $0x9, v17;
	vm2 =	veq.s32 v10, v63  }
.LBB2_12:
0x240: {  	p1 =	sne.s32 s15, $0x7C0;
	v18 =	vld [tilespmem:s14+$0x16B8];
	v15 =	vadd.f32 v16, v15;
	v16 =	vperm.xlane v0, v17;
	v17 =	vadd.s32 v5, v12  }
0x241: {  	v19 =	vand.u32 $0x1, v1;
	v5 =	vld [tilespmem:s14+$0x3A37];
	v17 =	vsel vm2, $0x9, v17;
	vm2 =	veq.s32 v10, v1  }
0x242: {  	v23 =	vadd.s32 v2, v12;
	v20 =	vld [tilespmem:s14+$0x14A9];
	v15 =	vadd.f32 v16, v15;
	v16 =	vperm.xlane v0, v17  }
0x243: {  	v22 =	vsel vm2, $0x9, v23;
	vm2 =	veq.s32 v10, v13;
	v17 =	vld [tilespmem:s14+$0x14A7];
	v21 =	vmul.u32 $0x3, v8;
	v2 =	vmovc v8  }
0x244: {  	v12 =	vadd.s32 v14, v12;
	v13 =	vperm.xlane v0, v22;
	v8 =	vld [tilespmem:s14+$0x3827];
	v10 =	vadd.f32 v16, v15  }
0x245: {  	v12 =	vsel vm2, $0x9, v12;
	v15 =	vshra.s32 v1, $0x1;
	v14 =	vld [tilespmem:s14+$0x14A8];
	vm3 =	veq.s32 v18, v3;
	v1 =	vmovc v18  }
0x246: {  	v12 =	vperm.xlane v0, v12;
	v16 =	vld [tilespmem:s14+$0x3828];
	v18 =	vadd.s32 v5, v21;
	v10 =	vadd.f32 v13, v10  }
0x247: {  	v6 =	vadd.s32 v6, v19;
	v7 =	vadd.s32 v7, v15;
	v22 =	vld [tilespmem:s14+$0x3C48];
	v13 =	vsel vm3, $0x9, v18  }
0x248: {  	v6 =	vadd.s32 v11, v6;
	v7 =	vadd.s32 v9, v7;
	v15 =	vld [tilespmem:s14+$0x3829];
	v9 =	vadd.f32 v12, v10  }
0x249: {  	v11 =	vperm.xlane v0, v13;
	vm2 =	veq.s32 v1, v17;
	v10 =	vld [tilespmem:s14+$0x18C8];
	v8 =	vadd.s32 v8, v21  }
0x24a: {  	v17 =	vld [tilespmem:s14+$0x3C47];
	v8 =	vsel vm2, $0x9, v8;
	vm2 =	veq.s32 v1, v14  }
0x24b: {  	v9 =	vadd.f32 v11, v9;
	v8 =	vperm.xlane v0, v8;
	v11 =	vadd.s32 v16, v21  }
.Ltmp7:
0x24c: {  	v13 =	vld [tilespmem:s14+$0x16B9];
	v11 =	vsel vm2, $0x9, v11;
	vm2 =	veq.s32 v1, v20;
	v12 =	vmul.u32 $0x3, v22;
	(pc) =	sbr.rel @p1 .LBB2_12-.Ltmp7, $4  }
0x24d: {  	v14 =	vld [tilespmem:s14+$0x3A39];
	s14 =	sshra.s32 s15, $0x2;
	v9 =	vadd.f32 v8, v9;
	v16 =	vperm.xlane v0, v11;
	v8 =	vadd.s32 v15, v21  }
0x24e: {  	v18 =	vsel vm2, $0x9, v8;
	v11 =	vand.u32 $0x1, v10;
	vm2 =	veq.s32 v10, v4;
	v4 =	vld [tilespmem:s14+$0x18C7]  }
0x24f: {  	v8 =	vld [tilespmem:s14+$0x3A38];
	v15 =	vadd.f32 v16, v9;
	v16 =	vperm.xlane v0, v18;
	v17 =	vadd.s32 v17, v12  }
0x250: {  	s15 =	sadd.s32 $0x40, s15;
	v9 =	vshra.s32 v10, $0x1;
	v17 =	vsel vm2, $0x9, v17;
	vm2 =	veq.s32 v10, v3;
	v3 =	vld [tilespmem:s14+$0x16B7]  }
0x251: {  	v18 =	vld [tilespmem:s14+$0x16B8]  }
0x252: {  	v19 =	vld [tilespmem:s14+$0x3A37]  }
0x253: {  	v20 =	vld [tilespmem:s14+$0x14A9]  }
0x254: {  	v21 =	vld [tilespmem:s14+$0x14A7]  }
0x255: {  	v22 =	vld [tilespmem:s14+$0x3827]  }
0x256: {  	v23 =	vld [tilespmem:s14+$0x14A8]  }
0x257: {  	v24 =	vld [tilespmem:s14+$0x3828]  }
0x258: {  	v25 =	vld [tilespmem:s14+$0x3C48]  }
0x259: {  	v26 =	vld [tilespmem:s14+$0x3829]  }
0x25a: {  	v27 =	vld [tilespmem:s14+$0x18C8]  }
0x25b: {  	v28 =	vld [tilespmem:s14+$0x3C47]  }
0x25c: {  	v29 =	vld [tilespmem:s14+$0x16B9]  }
0x25d: {  	v30 =	vld [tilespmem:s14+$0x3A39];
	_ =	swait.ge [sflag:s11], $0x200  }
0x25e: {  	[sflag:s11] =	ssyncset.done $0x0  }
0x25f: {  	[sflag:s11] =	ssyncadd.s32 $0xFFFFFE00  }
0x260: {  	_ =	swait.ge [sflag:s11], $0x200  }
0x261: {  	[sflag:s11] =	ssyncset.done $0x0  }
0x262: {  	[sflag:s11] =	ssyncadd.s32 $0xFFFFFE00  }
0x263: {  	v31 =	vld [tilespmem:$0x1AD0]  }
0x264: {  	v32 =	vld [tilespmem:$0x1CD0]  }
0x265: {  	v33 =	vld [tilespmem:$0x3E50]  }
0x266: {  	v34 =	vld [tilespmem:$0x4050];
	_ =	sdelay $0x2  }
0x267: {  	v35 =	vsel vm0, v31, v32  }
0x268: {  	v31 =	vsel vm1, v32, v31;
	[tilespmem:$0x1AD0] =	vst v35  }
0x269: {  	v61 =	vsel vm0, v33, v34;
	[tilespmem:$0x1CD0] =	vst v31  }
0x26a: {  	v62 =	vsel vm1, v34, v33;
	[tilespmem:$0x3E50] =	vst v61  }
0x26b: {  	[tilespmem:$0x4050] =	vst v62  }
0x26c: {  	_ =	swait.ge [sflag:s11], $0x200  }
0x26d: {  	[sflag:s11] =	ssyncset.done $0x0  }
0x26e: {  	v15 =	vadd.f32 v16, v15;
	v16 =	vperm.xlane v0, v17;
	v5 =	vadd.s32 v5, v12;
	[sflag:s11] =	ssyncadd.s32 $0xFFFFFE00  }
0x26f: {  	v2 =	vadd.s32 v2, v12;
	v5 =	vsel vm2, $0x9, v5;
	_ =	swait.ge [sflag:s11], $0x200  }
0x270: {  	vm2 =	veq.s32 v10, v1;
	v15 =	vadd.f32 v16, v15;
	v5 =	vperm.xlane v0, v5;
	[sflag:s11] =	ssyncset.done $0x0  }
0x271: {  	v2 =	vsel vm2, $0x9, v2;
	vm2 =	veq.s32 v10, v13;
	v10 =	vadd.s32 v14, v12;
	[sflag:s11] =	ssyncadd.s32 $0xFFFFFE00  }
0x272: {  	v16 =	vmul.u32 $0x3, v8;
	v2 =	vperm.xlane v0, v2;
	v5 =	vadd.f32 v5, v15;
	v12 =	vld [tilespmem:$0x1CE0]  }
0x273: {  	v13 =	vand.u32 $0x1, v1;
	v10 =	vsel vm2, $0x9, v10;
	vm3 =	veq.s32 v18, v3;
	v14 =	vld [tilespmem:$0x1EE0]  }
0x274: {  	v15 =	vadd.s32 v19, v16;
	v2 =	vadd.f32 v2, v5;
	v5 =	vperm.xlane v0, v10;
	v10 =	vld [tilespmem:$0x4060]  }
0x275: {  	v1 =	vshra.s32 v1, $0x1;
	v6 =	vadd.s32 v6, v13;
	v15 =	vsel vm3, $0x9, v15;
	v13 =	vld [tilespmem:$0x4260]  }
0x276: {  	v1 =	vadd.s32 v7, v1;
	v2 =	vadd.f32 v5, v2;
	v5 =	vperm.xlane v0, v15  }
0x277: {  	v6 =	vadd.s32 v11, v6;
	vm2 =	veq.s32 v18, v21;
	v7 =	vadd.s32 v22, v16  }
0x278: {  	v7 =	vsel vm2, $0x9, v7;
	v2 =	vadd.f32 v5, v2;
	v5 =	vsel vm0, v12, v14  }
0x279: {  	v11 =	vadd.s32 v24, v16;
	v7 =	vperm.xlane v0, v7;
	[tilespmem:$0x1CE0] =	vst v5;
	v5 =	vsel vm1, v14, v12  }
0x27a: {  	vm3 =	veq.s32 v18, v23;
	vm2 =	veq.s32 v18, v20;
	[tilespmem:$0x1EE0] =	vst v5;
	v5 =	vsel vm0, v10, v13  }
0x27b: {  	v11 =	vsel vm3, $0x9, v11;
	v2 =	vadd.f32 v7, v2;
	[tilespmem:$0x4060] =	vst v5;
	v5 =	vsel vm1, v13, v10  }
0x27c: {  	s15 =	simm.s32 $0x0;
	v7 =	vperm.xlane v0, v11;
	v12 =	vmul.u32 $0x3, v25;
	v10 =	vadd.s32 v26, v16;
	[tilespmem:$0x4260] =	vst v5  }
0x27d: {  	v9 =	vadd.s32 v9, v1;
	v1 =	vsel vm2, $0x9, v10;
	vm2 =	veq.s32 v27, v4;
	v15 =	vld [tilespmem:s15+$0x1CE7]  }
0x27e: {  	v4 =	vadd.f32 v7, v2;
	v5 =	vadd.s32 v28, v12;
	v1 =	vperm.xlane v0, v1;
	v2 =	vld [tilespmem:s15+$0x3E58]  }
0x27f: {  	v11 =	vshra.s32 v27, $0x1;
	v5 =	vsel vm2, $0x9, v5;
	vm2 =	veq.s32 v27, v3;
	v63 =	vld [tilespmem:s15+$0x1AD7]  }
0x280: {  	v14 =	vld [tilespmem:s15+$0x18C9];
	v3 =	vadd.f32 v1, v4;
	v4 =	vperm.xlane v0, v5;
	v5 =	vadd.s32 v19, v12  }
0x281: {  	v8 =	vadd.s32 v8, v12;
	v16 =	vshra.s32 v18, $0x1;
	v1 =	vld [tilespmem:s15+$0x1AD8];
	v10 =	vsel vm2, $0x9, v5  }
0x282: {  	vm2 =	veq.s32 v27, v18;
	v5 =	vld [tilespmem:s15+$0x3E57];
	v3 =	vadd.f32 v4, v3;
	v4 =	vperm.xlane v0, v10  }
0x283: {  	v7 =	vand.u32 $0x1, v27;
	v13 =	vld [tilespmem:s15+$0x18C7];
	v8 =	vsel vm2, $0x9, v8;
	vm2 =	veq.s32 v27, v29  }
0x284: {  	v3 =	vadd.f32 v4, v3;
	v4 =	vperm.xlane v0, v8;
	v8 =	vadd.s32 v30, v12;
	v12 =	vld [tilespmem:s15+$0x3C47]  }
0x285: {  	v10 =	vand.u32 $0x1, v18;
	v18 =	vld [tilespmem:s15+$0x18C8];
	v17 =	vmul.u32 $0x3, v2;
	v8 =	vsel vm2, $0x9, v8  }
0x286: {  	v9 =	vadd.s32 v9, v16;
	v3 =	vadd.f32 v4, v3;
	v4 =	vperm.xlane v0, v8;
	v8 =	vld [tilespmem:s15+$0x3C48]  }
0x287: {  	v16 =	vld [tilespmem:s15+$0x4068];
	v6 =	vadd.s32 v6, v10;
	vm2 =	veq.s32 v1, v63;
	v10 =	vadd.s32 v5, v17  }
0x288: {  	v19 =	vld [tilespmem:s15+$0x3C49];
	v6 =	vadd.s32 v7, v6;
	v3 =	vadd.f32 v4, v3;
	v4 =	vsel vm2, $0x9, v10  }
0x289: {  	v10 =	vld [tilespmem:s15+$0x1CE8];
	vm2 =	veq.s32 v1, v13;
	v4 =	vperm.xlane v0, v4;
	v12 =	vadd.s32 v12, v17  }
0x28a: {  	v7 =	vadd.s32 v11, v9;
	v9 =	vld [tilespmem:s15+$0x4067];
	v11 =	vsel vm2, $0x9, v12;
	vm2 =	veq.s32 v1, v18  }
0x28b: {  	v3 =	vadd.f32 v4, v3;
	v4 =	vperm.xlane v0, v11;
	v8 =	vadd.s32 v8, v17  }
0x28c: {  	v13 =	vld [tilespmem:s15+$0x1AD9];
	v12 =	vmul.u32 $0x3, v16;
	v8 =	vsel vm2, $0x9, v8;
	vm2 =	veq.s32 v1, v14  }
0x28d: {  	s14 =	simm.s32 $0x10;
	v14 =	vld [tilespmem:s15+$0x3E59];
	v3 =	vadd.f32 v4, v3;
	v16 =	vperm.xlane v0, v8;
	v8 =	vadd.s32 v19, v17  }
0x28e: {  	v4 =	vld [tilespmem:s14+$0x1CE7];
	v11 =	vand.u32 $0x1, v10;
	v17 =	vsel vm2, $0x9, v8;
	vm2 =	veq.s32 v10, v15  }
0x28f: {  	v8 =	vld [tilespmem:s14+$0x3E58];
	v15 =	vadd.f32 v16, v3;
	v16 =	vperm.xlane v0, v17;
	v17 =	vadd.s32 v9, v12  }
0x290: {  	s15 =	simm.s32 $0x80;
	v3 =	vld [tilespmem:s14+$0x1AD7];
	v9 =	vshra.s32 v10, $0x1;
	v17 =	vsel vm2, $0x9, v17;
	vm2 =	veq.s32 v10, v63  }
.LBB2_14:
0x291: {  	p1 =	sne.s32 s15, $0x7C0;
	v18 =	vld [tilespmem:s14+$0x1AD8];
	v15 =	vadd.f32 v16, v15;
	v16 =	vperm.xlane v0, v17;
	v17 =	vadd.s32 v5, v12  }
0x292: {  	v19 =	vand.u32 $0x1, v1;
	v5 =	vld [tilespmem:s14+$0x3E57];
	v17 =	vsel vm2, $0x9, v17;
	vm2 =	veq.s32 v10, v1  }
0x293: {  	v23 =	vadd.s32 v2, v12;
	v20 =	vld [tilespmem:s14+$0x18C9];
	v15 =	vadd.f32 v16, v15;
	v16 =	vperm.xlane v0, v17  }
0x294: {  	v22 =	vsel vm2, $0x9, v23;
	vm2 =	veq.s32 v10, v13;
	v17 =	vld [tilespmem:s14+$0x18C7];
	v21 =	vmul.u32 $0x3, v8;
	v2 =	vmovc v8  }
0x295: {  	v12 =	vadd.s32 v14, v12;
	v13 =	vperm.xlane v0, v22;
	v8 =	vld [tilespmem:s14+$0x3C47];
	v10 =	vadd.f32 v16, v15  }
0x296: {  	v12 =	vsel vm2, $0x9, v12;
	v15 =	vshra.s32 v1, $0x1;
	v14 =	vld [tilespmem:s14+$0x18C8];
	vm3 =	veq.s32 v18, v3;
	v1 =	vmovc v18  }
0x297: {  	v12 =	vperm.xlane v0, v12;
	v16 =	vld [tilespmem:s14+$0x3C48];
	v18 =	vadd.s32 v5, v21;
	v10 =	vadd.f32 v13, v10  }
0x298: {  	v6 =	vadd.s32 v6, v19;
	v7 =	vadd.s32 v7, v15;
	v22 =	vld [tilespmem:s14+$0x4068];
	v13 =	vsel vm3, $0x9, v18  }
0x299: {  	v6 =	vadd.s32 v11, v6;
	v7 =	vadd.s32 v9, v7;
	v15 =	vld [tilespmem:s14+$0x3C49];
	v9 =	vadd.f32 v12, v10  }
0x29a: {  	v11 =	vperm.xlane v0, v13;
	vm2 =	veq.s32 v1, v17;
	v10 =	vld [tilespmem:s14+$0x1CE8];
	v8 =	vadd.s32 v8, v21  }
0x29b: {  	v17 =	vld [tilespmem:s14+$0x4067];
	v8 =	vsel vm2, $0x9, v8;
	vm2 =	veq.s32 v1, v14  }
0x29c: {  	v9 =	vadd.f32 v11, v9;
	v8 =	vperm.xlane v0, v8;
	v11 =	vadd.s32 v16, v21  }
.Ltmp8:
0x29d: {  	v13 =	vld [tilespmem:s14+$0x1AD9];
	v11 =	vsel vm2, $0x9, v11;
	vm2 =	veq.s32 v1, v20;
	v12 =	vmul.u32 $0x3, v22;
	(pc) =	sbr.rel @p1 .LBB2_14-.Ltmp8, $4  }
0x29e: {  	v14 =	vld [tilespmem:s14+$0x3E59];
	s14 =	sshra.s32 s15, $0x2;
	v9 =	vadd.f32 v8, v9;
	v16 =	vperm.xlane v0, v11;
	v8 =	vadd.s32 v15, v21  }
0x29f: {  	v18 =	vsel vm2, $0x9, v8;
	v11 =	vand.u32 $0x1, v10;
	vm2 =	veq.s32 v10, v4;
	v4 =	vld [tilespmem:s14+$0x1CE7]  }
0x2a0: {  	v8 =	vld [tilespmem:s14+$0x3E58];
	v15 =	vadd.f32 v16, v9;
	v16 =	vperm.xlane v0, v18;
	v17 =	vadd.s32 v17, v12  }
0x2a1: {  	s15 =	sadd.s32 $0x40, s15;
	v9 =	vshra.s32 v10, $0x1;
	v17 =	vsel vm2, $0x9, v17;
	vm2 =	veq.s32 v10, v3;
	v3 =	vld [tilespmem:s14+$0x1AD7]  }
0x2a2: {  	v18 =	vld [tilespmem:s14+$0x1AD8]  }
0x2a3: {  	v19 =	vld [tilespmem:s14+$0x3E57]  }
0x2a4: {  	v20 =	vld [tilespmem:s14+$0x18C9]  }
0x2a5: {  	v21 =	vld [tilespmem:s14+$0x18C7]  }
0x2a6: {  	v22 =	vld [tilespmem:s14+$0x3C47]  }
0x2a7: {  	v23 =	vld [tilespmem:s14+$0x18C8]  }
0x2a8: {  	v24 =	vld [tilespmem:s14+$0x3C48]  }
0x2a9: {  	v25 =	vld [tilespmem:s14+$0x4068]  }
0x2aa: {  	v26 =	vld [tilespmem:s14+$0x3C49]  }
0x2ab: {  	v27 =	vld [tilespmem:s14+$0x1CE8]  }
0x2ac: {  	v28 =	vld [tilespmem:s14+$0x4067]  }
0x2ad: {  	v29 =	vld [tilespmem:s14+$0x1AD9]  }
0x2ae: {  	v30 =	vld [tilespmem:s14+$0x3E59];
	_ =	swait.ge [sflag:s11], $0x200  }
0x2af: {  	[sflag:s11] =	ssyncset.done $0x0  }
0x2b0: {  	[sflag:s11] =	ssyncadd.s32 $0xFFFFFE00  }
0x2b1: {  	_ =	swait.ge [sflag:s11], $0x200  }
0x2b2: {  	[sflag:s11] =	ssyncset.done $0x0  }
0x2b3: {  	[sflag:s11] =	ssyncadd.s32 $0xFFFFFE00  }
0x2b4: {  	v31 =	vld [tilespmem:$0x1EF0]  }
0x2b5: {  	v32 =	vld [tilespmem:$0x20F0]  }
0x2b6: {  	v33 =	vld [tilespmem:$0x4270]  }
0x2b7: {  	v34 =	vld [tilespmem:$0x4470];
	_ =	sdelay $0x2  }
0x2b8: {  	v35 =	vsel vm0, v31, v32  }
0x2b9: {  	v31 =	vsel vm1, v32, v31;
	[tilespmem:$0x1EF0] =	vst v35  }
0x2ba: {  	v61 =	vsel vm0, v33, v34;
	[tilespmem:$0x20F0] =	vst v31  }
0x2bb: {  	v62 =	vsel vm1, v34, v33;
	[tilespmem:$0x4270] =	vst v61  }
0x2bc: {  	[tilespmem:$0x4470] =	vst v62  }
0x2bd: {  	_ =	swait.ge [sflag:s11], $0x200  }
0x2be: {  	[sflag:s11] =	ssyncset.done $0x0  }
0x2bf: {  	v15 =	vadd.f32 v16, v15;
	v16 =	vperm.xlane v0, v17;
	v5 =	vadd.s32 v5, v12;
	[sflag:s11] =	ssyncadd.s32 $0xFFFFFE00  }
0x2c0: {  	v2 =	vadd.s32 v2, v12;
	v5 =	vsel vm2, $0x9, v5;
	vm2 =	veq.s32 v10, v1;
	_ =	swait.ge [sflag:s11], $0x200  }
0x2c1: {  	v15 =	vadd.f32 v16, v15;
	v5 =	vperm.xlane v0, v5;
	v2 =	vsel vm2, $0x9, v2;
	[sflag:s11] =	ssyncset.done $0x0  }
0x2c2: {  	vm2 =	veq.s32 v10, v13;
	v10 =	vadd.s32 v14, v12;
	v13 =	vand.u32 $0x1, v1;
	[sflag:s11] =	ssyncadd.s32 $0xFFFFFE00  }
0x2c3: {  	v16 =	vmul.u32 $0x3, v8;
	v2 =	vperm.xlane v0, v2;
	v5 =	vadd.f32 v5, v15;
	v12 =	vld [tilespmem:$0x2100]  }
0x2c4: {  	v1 =	vshra.s32 v1, $0x1;
	v10 =	vsel vm2, $0x9, v10;
	vm3 =	veq.s32 v18, v3;
	v14 =	vld [tilespmem:$0x2300]  }
0x2c5: {  	v15 =	vadd.s32 v19, v16;
	v2 =	vadd.f32 v2, v5;
	v5 =	vperm.xlane v0, v10;
	v10 =	vld [tilespmem:$0x4480]  }
0x2c6: {  	v6 =	vadd.s32 v6, v13;
	v1 =	vadd.s32 v7, v1;
	v15 =	vsel vm3, $0x9, v15;
	v13 =	vld [tilespmem:$0x4680]  }
0x2c7: {  	v6 =	vadd.s32 v11, v6;
	v2 =	vadd.f32 v5, v2;
	v5 =	vperm.xlane v0, v15  }
0x2c8: {  	vm2 =	veq.s32 v18, v21;
	v7 =	vadd.s32 v22, v16;
	v11 =	vadd.s32 v24, v16  }
0x2c9: {  	v7 =	vsel vm2, $0x9, v7;
	v2 =	vadd.f32 v5, v2;
	v5 =	vsel vm0, v12, v14  }
0x2ca: {  	vm3 =	veq.s32 v18, v23;
	v7 =	vperm.xlane v0, v7;
	[tilespmem:$0x2100] =	vst v5;
	v5 =	vsel vm1, v14, v12  }
0x2cb: {  	v11 =	vsel vm3, $0x9, v11;
	[tilespmem:$0x2300] =	vst v5;
	v5 =	vsel vm0, v10, v13  }
0x2cc: {  	v2 =	vadd.f32 v7, v2;
	v7 =	vperm.xlane v0, v11;
	[tilespmem:$0x4480] =	vst v5;
	v5 =	vsel vm1, v13, v10  }
0x2cd: {  	s15 =	simm.s32 $0x0;
	vm2 =	veq.s32 v18, v20;
	v12 =	vmul.u32 $0x3, v25;
	v10 =	vadd.s32 v26, v16;
	[tilespmem:$0x4680] =	vst v5  }
0x2ce: {  	v9 =	vadd.s32 v9, v1;
	v2 =	vadd.f32 v7, v2;
	v1 =	vsel vm2, $0x9, v10;
	v10 =	vld [tilespmem:s15+$0x2107]  }
0x2cf: {  	vm2 =	veq.s32 v27, v4;
	v5 =	vadd.s32 v28, v12;
	v1 =	vperm.xlane v0, v1;
	v4 =	vld [tilespmem:s15+$0x4278]  }
0x2d0: {  	v7 =	vand.u32 $0x1, v27;
	v5 =	vsel vm2, $0x9, v5;
	vm2 =	veq.s32 v27, v3;
	v63 =	vld [tilespmem:s15+$0x1EF7]  }
0x2d1: {  	v14 =	vld [tilespmem:s15+$0x1CE9];
	v3 =	vperm.xlane v0, v5;
	v5 =	vadd.s32 v19, v12;
	v2 =	vadd.f32 v1, v2  }
0x2d2: {  	v13 =	vshra.s32 v27, $0x1;
	v8 =	vadd.s32 v8, v12;
	v1 =	vld [tilespmem:s15+$0x1EF8];
	v11 =	vsel vm2, $0x9, v5  }
0x2d3: {  	vm2 =	veq.s32 v27, v18;
	v5 =	vld [tilespmem:s15+$0x4277];
	v2 =	vadd.f32 v3, v2;
	v3 =	vperm.xlane v0, v11  }
0x2d4: {  	v16 =	vshra.s32 v18, $0x1;
	v15 =	vld [tilespmem:s15+$0x1CE7];
	v8 =	vsel vm2, $0x9, v8;
	vm2 =	veq.s32 v27, v29  }
0x2d5: {  	v2 =	vadd.f32 v3, v2;
	v3 =	vperm.xlane v0, v8;
	v8 =	vadd.s32 v30, v12;
	v12 =	vld [tilespmem:s15+$0x4067]  }
0x2d6: {  	v11 =	vand.u32 $0x1, v18;
	v18 =	vld [tilespmem:s15+$0x1CE8];
	v17 =	vmul.u32 $0x3, v4;
	v8 =	vsel vm2, $0x9, v8  }
0x2d7: {  	v3 =	vadd.f32 v3, v2;
	v8 =	vperm.xlane v0, v8;
	v2 =	vadd.s32 v6, v11;
	v6 =	vld [tilespmem:s15+$0x4068]  }
0x2d8: {  	v9 =	vadd.s32 v9, v16;
	v16 =	vld [tilespmem:s15+$0x4488];
	vm2 =	veq.s32 v1, v63;
	v11 =	vadd.s32 v5, v17  }
0x2d9: {  	v2 =	vadd.s32 v7, v2;
	v7 =	vadd.f32 v8, v3;
	v3 =	vsel vm2, $0x9, v11;
	v8 =	vld [tilespmem:s15+$0x4069]  }
0x2da: {  	v11 =	vld [tilespmem:s15+$0x2108];
	vm2 =	veq.s32 v1, v15;
	v19 =	vperm.xlane v0, v3;
	v12 =	vadd.s32 v12, v17  }
0x2db: {  	v3 =	vadd.s32 v13, v9;
	v9 =	vld [tilespmem:s15+$0x4487];
	v12 =	vsel vm2, $0x9, v12;
	vm2 =	veq.s32 v1, v18  }
0x2dc: {  	v7 =	vadd.f32 v19, v7;
	v15 =	vperm.xlane v0, v12;
	v6 =	vadd.s32 v6, v17  }
0x2dd: {  	v13 =	vld [tilespmem:s15+$0x1EF9];
	v12 =	vmul.u32 $0x3, v16;
	v6 =	vsel vm2, $0x9, v6;
	vm2 =	veq.s32 v1, v14  }
0x2de: {  	s14 =	simm.s32 $0x10;
	v14 =	vld [tilespmem:s15+$0x4279];
	v15 =	vadd.f32 v15, v7;
	v6 =	vperm.xlane v0, v6;
	v8 =	vadd.s32 v8, v17  }
0x2df: {  	v7 =	vld [tilespmem:s14+$0x2107];
	v16 =	vsel vm2, $0x9, v8;
	v8 =	vand.u32 $0x1, v11;
	vm2 =	veq.s32 v11, v10  }
0x2e0: {  	v10 =	vld [tilespmem:s14+$0x4278];
	v17 =	vadd.s32 v9, v12;
	v15 =	vadd.f32 v6, v15;
	v16 =	vperm.xlane v0, v16  }
0x2e1: {  	s15 =	simm.s32 $0x80;
	v9 =	vshra.s32 v11, $0x1;
	v6 =	vld [tilespmem:s14+$0x1EF7];
	v17 =	vsel vm2, $0x9, v17;
	vm2 =	veq.s32 v11, v63  }
.LBB2_16:
0x2e2: {  	p1 =	sne.s32 s15, $0x7C0;
	v18 =	vld [tilespmem:s14+$0x1EF8];
	v15 =	vadd.f32 v16, v15;
	v16 =	vperm.xlane v0, v17;
	v17 =	vadd.s32 v5, v12  }
0x2e3: {  	v19 =	vand.u32 $0x1, v1;
	v5 =	vld [tilespmem:s14+$0x4277];
	v17 =	vsel vm2, $0x9, v17;
	vm2 =	veq.s32 v11, v1  }
0x2e4: {  	v23 =	vadd.s32 v4, v12;
	v20 =	vld [tilespmem:s14+$0x1CE9];
	v15 =	vadd.f32 v16, v15;
	v16 =	vperm.xlane v0, v17  }
0x2e5: {  	v22 =	vsel vm2, $0x9, v23;
	vm2 =	veq.s32 v11, v13;
	v17 =	vld [tilespmem:s14+$0x1CE7];
	v21 =	vmul.u32 $0x3, v10;
	v4 =	vmovc v10  }
0x2e6: {  	v12 =	vadd.s32 v14, v12;
	v13 =	vperm.xlane v0, v22;
	v10 =	vld [tilespmem:s14+$0x4067];
	v11 =	vadd.f32 v16, v15  }
0x2e7: {  	v12 =	vsel vm2, $0x9, v12;
	v15 =	vshra.s32 v1, $0x1;
	v14 =	vld [tilespmem:s14+$0x1CE8];
	vm3 =	veq.s32 v18, v6;
	v1 =	vmovc v18  }
0x2e8: {  	v12 =	vperm.xlane v0, v12;
	v16 =	vld [tilespmem:s14+$0x4068];
	v18 =	vadd.s32 v5, v21;
	v11 =	vadd.f32 v13, v11  }
0x2e9: {  	v2 =	vadd.s32 v2, v19;
	v3 =	vadd.s32 v3, v15;
	v22 =	vld [tilespmem:s14+$0x4488];
	v13 =	vsel vm3, $0x9, v18  }
0x2ea: {  	v2 =	vadd.s32 v8, v2;
	v3 =	vadd.s32 v9, v3;
	v15 =	vld [tilespmem:s14+$0x4069];
	v8 =	vadd.f32 v12, v11  }
0x2eb: {  	v9 =	vperm.xlane v0, v13;
	vm2 =	veq.s32 v1, v17;
	v11 =	vld [tilespmem:s14+$0x2108];
	v10 =	vadd.s32 v10, v21  }
0x2ec: {  	v17 =	vld [tilespmem:s14+$0x4487];
	v10 =	vsel vm2, $0x9, v10;
	vm2 =	veq.s32 v1, v14  }
0x2ed: {  	v8 =	vadd.f32 v9, v8;
	v9 =	vperm.xlane v0, v10;
	v10 =	vadd.s32 v16, v21  }
.Ltmp9:
0x2ee: {  	v13 =	vld [tilespmem:s14+$0x1EF9];
	v10 =	vsel vm2, $0x9, v10;
	vm2 =	veq.s32 v1, v20;
	v12 =	vmul.u32 $0x3, v22;
	(pc) =	sbr.rel @p1 .LBB2_16-.Ltmp9, $4  }
0x2ef: {  	v14 =	vld [tilespmem:s14+$0x4279];
	s14 =	sshra.s32 s15, $0x2;
	v9 =	vadd.f32 v9, v8;
	v16 =	vperm.xlane v0, v10;
	v8 =	vadd.s32 v15, v21  }
0x2f0: {  	v18 =	vsel vm2, $0x9, v8;
	v8 =	vand.u32 $0x1, v11;
	vm2 =	veq.s32 v11, v7;
	v7 =	vld [tilespmem:s14+$0x2107]  }
0x2f1: {  	v10 =	vld [tilespmem:s14+$0x4278];
	v15 =	vadd.f32 v16, v9;
	v16 =	vperm.xlane v0, v18;
	v17 =	vadd.s32 v17, v12  }
0x2f2: {  	s15 =	sadd.s32 $0x40, s15;
	v9 =	vshra.s32 v11, $0x1;
	v17 =	vsel vm2, $0x9, v17;
	vm2 =	veq.s32 v11, v6;
	v6 =	vld [tilespmem:s14+$0x1EF7]  }
0x2f3: {  	v18 =	vld [tilespmem:s14+$0x1EF8];
	v15 =	vadd.f32 v16, v15  }
0x2f4: {  	v30 =	vperm.xlane v0, v17;
	v5 =	vadd.s32 v5, v12;
	v31 =	vld [tilespmem:s14+$0x4277];
	v4 =	vadd.s32 v4, v12  }
0x2f5: {  	v32 =	vld [tilespmem:s14+$0x1CE7];
	v41 =	vand.u32 $0x1, v1;
	v47 =	vshra.s32 v1, $0x1;
	v5 =	vsel vm2, $0x9, v5  }
0x2f6: {  	v33 =	vld [tilespmem:s14+$0x4067];
	vm2 =	veq.s32 v11, v1;
	v34 =	vadd.s32 v14, v12;
	v2 =	vadd.s32 v2, v41  }
0x2f7: {  	v37 =	vld [tilespmem:s14+$0x4068];
	v15 =	vadd.f32 v30, v15;
	v5 =	vperm.xlane v0, v5;
	v4 =	vsel vm2, $0x9, v4  }
0x2f8: {  	v20 =	vld [tilespmem:s14+$0x4488];
	v1 =	vadd.s32 v3, v47;
	vm2 =	veq.s32 v11, v13;
	v4 =	vperm.xlane v0, v4  }
0x2f9: {  	v21 =	vld [tilespmem:s14+$0x4069];
	v35 =	vmul.u32 $0x3, v10;
	v12 =	vsel vm2, $0x9, v34;
	v5 =	vadd.f32 v5, v15  }
0x2fa: {  	v36 =	vld [tilespmem:s14+$0x1CE8];
	v2 =	vadd.s32 v8, v2;
	v1 =	vadd.s32 v9, v1;
	v38 =	vperm.xlane v0, v12  }
0x2fb: {  	v40 =	vld [tilespmem:s14+$0x2108];
	vm2 =	veq.s32 v18, v6;
	v39 =	vadd.s32 v31, v35;
	v4 =	vadd.f32 v4, v5  }
0x2fc: {  	v19 =	vld [tilespmem:s14+$0x1CE9];
	v11 =	vadd.s32 v33, v35;
	v43 =	vadd.s32 v37, v35;
	v12 =	vsel vm2, $0x9, v39  }
0x2fd: {  	v42 =	vld [tilespmem:s14+$0x4487];
	vm2 =	veq.s32 v18, v32;
	v12 =	vperm.xlane v0, v12;
	v4 =	vadd.f32 v38, v4  }
0x2fe: {  	v44 =	vmul.u32 $0x3, v20;
	v46 =	vadd.s32 v21, v35;
	v11 =	vsel vm2, $0x9, v11  }
0x2ff: {  	vm2 =	veq.s32 v18, v36;
	v11 =	vperm.xlane v0, v11;
	v4 =	vadd.f32 v12, v4  }
0x300: {  	v58 =	vand.u32 $0x1, v40;
	v59 =	vand.u32 $0x1, v18;
	v12 =	vsel vm2, $0x9, v43  }
0x301: {  	vm2 =	veq.s32 v18, v19;
	v45 =	vperm.xlane v0, v12;
	v4 =	vadd.f32 v11, v4  }
0x302: {  	v61 =	vshra.s32 v40, $0x1;
	v50 =	vadd.s32 v42, v44;
	v12 =	vsel vm2, $0x9, v46  }
0x303: {  	v51 =	vld [tilespmem:s14+$0x4279];
	vm2 =	veq.s32 v40, v7;
	v49 =	vperm.xlane v0, v12;
	v4 =	vadd.f32 v45, v4  }
0x304: {  	v48 =	vld [tilespmem:s14+$0x1EF9];
	v62 =	vshra.s32 v18, $0x1;
	v53 =	vadd.s32 v31, v44;
	v12 =	vsel vm2, $0x9, v50  }
0x305: {  	vm2 =	veq.s32 v40, v6;
	v52 =	vperm.xlane v0, v12;
	v4 =	vadd.f32 v49, v4  }
0x306: {  	v2 =	vadd.s32 v2, v59;
	v55 =	vadd.s32 v10, v44;
	v54 =	vsel vm2, $0x9, v53  }
0x307: {  	vm2 =	veq.s32 v40, v18;
	v3 =	vperm.xlane v0, v54;
	v4 =	vadd.f32 v52, v4  }
0x308: {  	v1 =	vadd.s32 v1, v62;
	v57 =	vadd.s32 v51, v44;
	v6 =	vsel vm2, $0x9, v55  }
0x309: {  	vm2 =	veq.s32 v40, v48;
	v56 =	vperm.xlane v0, v6;
	v3 =	vadd.f32 v3, v4  }
0x30a: {  	v2 =	vadd.s32 v58, v2;
	v1 =	vadd.s32 v61, v1;
	v6 =	vsel vm2, $0x9, v57  }
0x30b: {  	v2 =	vcvt.s32.f32 v2;
	v60 =	vperm.xlane v0, v6;
	v3 =	vadd.f32 v56, v3  }
0x30c: {  	v63 =	vcvt.s32.f32 v1  }
0x30d: {  	[tilespmem:$0x4790] =	vst v2;
	v0 =	vadd.f32 v60, v3  }
0x30e: {  	[tilespmem:$0x47A0] =	vst v63  }
0x30f: {  	s15 =	simm.s32 $0x4780;
	[tilespmem:$0x4780] =	vst v0  }
0x310: {  	[spmem:s24] =	stream.linear.scatter [tilespmem:s15], [sflag:$0x2], $0x30, $0x38;
	[tilespmem:$0x4B30] =	vst v63  }
.Ltmp10:
0x311: {  	_ =	swait.ge [sflag:s12], $0x30;
	(pc) =	sbr.rel @p0 .LBB2_19-.Ltmp10, $3  }
0x312: {  	[sflag:s12] =	ssyncset.done $0x0  }
0x313: {  	[sflag:s12] =	ssyncadd.s32 $0xFFFFFFD0  }
0x314: {  	[bflag:$0x0] =	sbarrier.arrive $0xFFFF;
	_ =	sdelay $0x1  }
0x315: {  	s14 =	rddreg [dreg:$0x3];
	s15 =	simm.s32 $0x4800  }
0x316: {  	[tilespmem:s15], [sflag:$0x2] =	stream.linear.gather [spmem:s14], $0x300, $0x38;
	[tilespmem:$0x4B30] =	vst v63  }
0x317: {  	_ =	swait.ge [sflag:s12], $0x300  }
0x318: {  	[sflag:s12] =	ssyncset.done $0x0  }
0x319: {  	[sflag:s12] =	ssyncadd.s32 $0xFFFFFD00  }
0x31a: {  	v0 =	vld [tilespmem:$0x4800]  }
0x31b: {  	v1 =	vld [tilespmem:$0x4810]  }
0x31c: {  	v2 =	vld [tilespmem:$0x4820]  }
0x31d: {  	v3 =	vld [tilespmem:$0x4830]  }
0x31e: {  	v4 =	vld [tilespmem:$0x4840]  }
0x31f: {  	v5 =	vld [tilespmem:$0x4850]  }
0x320: {  	v6 =	vld [tilespmem:$0x4860]  }
0x321: {  	v7 =	vld [tilespmem:$0x4870]  }
0x322: {  	v8 =	vld [tilespmem:$0x4880]  }
0x323: {  	v9 =	vld [tilespmem:$0x4890]  }
0x324: {  	v10 =	vld [tilespmem:$0x48A0]  }
0x325: {  	v11 =	vld [tilespmem:$0x48B0]  }
0x326: {  	v12 =	vld [tilespmem:$0x48C0]  }
0x327: {  	v13 =	vld [tilespmem:$0x48D0]  }
0x328: {  	v14 =	vld [tilespmem:$0x48E0]  }
0x329: {  	v15 =	vld [tilespmem:$0x48F0]  }
0x32a: {  	v16 =	vld [tilespmem:$0x4900]  }
0x32b: {  	v17 =	vld [tilespmem:$0x4910]  }
0x32c: {  	v18 =	vld [tilespmem:$0x4920]  }
0x32d: {  	v19 =	vld [tilespmem:$0x4930]  }
0x32e: {  	v20 =	vld [tilespmem:$0x4940];
	v0 =	vadd.f32 $0.0e+00, v0  }
0x32f: {  	v21 =	vld [tilespmem:$0x4950];
	v1 =	vadd.f32 $0.0e+00, v1  }
0x330: {  	v38 =	vld [tilespmem:$0x4960];
	v2 =	vadd.f32 $0.0e+00, v2;
	v0 =	vadd.f32 v3, v0  }
0x331: {  	v39 =	vld [tilespmem:$0x4970];
	v1 =	vadd.f32 v4, v1  }
0x332: {  	v40 =	vld [tilespmem:$0x4980];
	v2 =	vadd.f32 v5, v2;
	v0 =	vadd.f32 v6, v0  }
0x333: {  	v41 =	vld [tilespmem:$0x4990];
	v1 =	vadd.f32 v7, v1  }
0x334: {  	v42 =	vld [tilespmem:$0x49A0];
	v2 =	vadd.f32 v8, v2;
	v0 =	vadd.f32 v9, v0  }
0x335: {  	v43 =	vld [tilespmem:$0x49B0];
	v1 =	vadd.f32 v10, v1  }
0x336: {  	v44 =	vld [tilespmem:$0x49C0];
	v2 =	vadd.f32 v11, v2;
	v0 =	vadd.f32 v12, v0  }
0x337: {  	v45 =	vld [tilespmem:$0x49D0];
	v1 =	vadd.f32 v13, v1  }
0x338: {  	v46 =	vld [tilespmem:$0x49E0];
	v2 =	vadd.f32 v14, v2;
	v0 =	vadd.f32 v15, v0  }
0x339: {  	v47 =	vld [tilespmem:$0x49F0];
	v1 =	vadd.f32 v16, v1  }
0x33a: {  	v48 =	vld [tilespmem:$0x4A00];
	v2 =	vadd.f32 v17, v2;
	v0 =	vadd.f32 v18, v0  }
0x33b: {  	v49 =	vld [tilespmem:$0x4A10];
	v1 =	vadd.f32 v19, v1  }
0x33c: {  	v50 =	vld [tilespmem:$0x4A20];
	v2 =	vadd.f32 v20, v2;
	v0 =	vadd.f32 v21, v0  }
0x33d: {  	v51 =	vld [tilespmem:$0x4A30];
	v1 =	vadd.f32 v38, v1  }
0x33e: {  	v52 =	vld [tilespmem:$0x4A40];
	v2 =	vadd.f32 v39, v2;
	v0 =	vadd.f32 v40, v0  }
0x33f: {  	v53 =	vld [tilespmem:$0x4A50];
	v1 =	vadd.f32 v41, v1  }
0x340: {  	v54 =	vld [tilespmem:$0x4A60];
	v2 =	vadd.f32 v42, v2;
	v0 =	vadd.f32 v43, v0  }
0x341: {  	v55 =	vld [tilespmem:$0x4A70];
	v1 =	vadd.f32 v44, v1  }
0x342: {  	v56 =	vld [tilespmem:$0x4A80];
	v2 =	vadd.f32 v45, v2;
	v0 =	vadd.f32 v46, v0  }
0x343: {  	v57 =	vld [tilespmem:$0x4A90];
	v1 =	vadd.f32 v47, v1  }
0x344: {  	v58 =	vld [tilespmem:$0x4AA0];
	v2 =	vadd.f32 v48, v2;
	v0 =	vadd.f32 v49, v0  }
0x345: {  	v59 =	vld [tilespmem:$0x4AB0];
	v1 =	vadd.f32 v50, v1  }
0x346: {  	v60 =	vld [tilespmem:$0x4AC0];
	v2 =	vadd.f32 v51, v2;
	v0 =	vadd.f32 v52, v0  }
0x347: {  	v61 =	vld [tilespmem:$0x4AD0];
	v1 =	vadd.f32 v53, v1  }
0x348: {  	v62 =	vld [tilespmem:$0x4AE0];
	v2 =	vadd.f32 v54, v2;
	v0 =	vadd.f32 v55, v0  }
0x349: {  	v63 =	vld [tilespmem:$0x4AF0];
	v1 =	vadd.f32 v56, v1  }
0x34a: {  	v2 =	vadd.f32 v57, v2;
	v0 =	vadd.f32 v58, v0  }
0x34b: {  	v1 =	vadd.f32 v59, v1  }
0x34c: {  	v2 =	vadd.f32 v60, v2;
	v0 =	vadd.f32 v61, v0  }
0x34d: {  	v1 =	vadd.f32 v62, v1  }
0x34e: {  	v2 =	vadd.f32 v63, v2;
	[tilespmem:$0x4780] =	vst v0  }
0x34f: {  	[tilespmem:$0x4790] =	vst v1  }
.Ltmp11:
0x350: {  	s15 =	simm.s32 $0x4780;
	s14 =	rddreg [dreg:$0x10];
	[tilespmem:$0x47A0] =	vst v2;
	(pc) =	sbr.rel .LBB2_19-.Ltmp11, $4  }
0x351: {  	[hbm4b:s14+s3] =	stream.linear.scatter [tilespmem:s15], [sflag:$0x2], $0x80, $0x38;
	[tilespmem:$0x4B30] =	vst v63  }
0x352: {  	_ =	swait.ge [sflag:s12], $0x80  }
0x353: {  	[sflag:s12] =	ssyncset.done $0x0  }
0x354: {  	[sflag:s12] =	ssyncadd.s32 $0xFFFFFF80  }
.LBB2_20:
0x355: {  	_ =	sfence.sel $0x180000  }
0x356: {  	[bflag:$0x0] =	sbarrier.arrive $0xFFFF  }
0x357: {  	_ =	strace $0x90000047  }
0x358: {  	[bflag:$0x2] =	sbarrier.arrive $0xFFFF  }
0x359: {  	s0 =	rddreg [dreg:$0x4]  }
0x35a: {  	s0 =	sadd.s32 @!p0 $0x100000, s0  }
0x35b: {  	[sflag:s0] =	ssyncadd.tile.s32 @!p0 $0x1;
	_ =	shalt  }
.Lfunc_end2:
_tile_overlayer_lowered:
.L_overlay_start_2:
0x35c: {  	(tag) =	ssettag $0x2  }
0x35d: {  	s0 =	rddreg [dreg:$0x0];
	s2 =	stileid.u32  }
0x35e: {  	s1 =	rddreg [dreg:$0x1];
	p0 =	sne.s32 s2, $0x0  }
0x35f: {  	s3 =	rddreg [dreg:$0x2];
	[bflag:$0x3] =	sbarrier.arrive $0xFFFF;
	s2 =	simm.s32 @!p0 $0x1C02  }
0x360: {  	[timem:s3], [sflag:s2] =	dma.local @!p0 [hbm:s0], s1  }
0x361: {  	s0 =	simm.s32 @!p0 $0x2  }
0x362: {  	_ =	swait.ge @!p0 [sflag:s0], s1  }
0x363: {  	s1 =	ssub.s32 @!p0 $0x0, s1;
	[sflag:s0] =	ssyncset.done @!p0 $0x0  }
0x364: {  	[sflag:s0] =	ssyncadd.s32 @!p0 s1  }
0x365: {  	[bflag:$0x3] =	sbarrier.arrive $0xFFFF  }
0x366: {  	_ =	shalt  }

</sc_bundles>
